<compile_context>
chip_gen: v7x
topology: tpu7x:2x2x1
jax: 0.10.2.dev20260603
libtpu: 0.0.44.dev20260713+nightly
codegen_flags: <defaults>
</compile_context>

<pallas_src>
import functools

import jax
import jax.numpy as jnp
from jax import lax
from jax.experimental import pallas as pl
from jax.experimental.pallas import tpu as pltpu
from jax.experimental.pallas import tpu_sc as plsc

NC = 2
NS = 16
NW = NC * NS

EDGE_CH = 128
CPG = 8


def _sc_mesh():
    return plsc.VectorSubcoreMesh(core_axis_name="c", subcore_axis_name="s")


def _sc_degree(dst3, zeros_rows, ones_vec, acc_rows, rows_per_tile):
    cpt = dst3.shape[1]

    @functools.partial(
        pl.kernel,
        mesh=_sc_mesh(),
        out_type=jax.ShapeDtypeStruct((NC * acc_rows,), jnp.float32),
        scratch_types=[
            pltpu.VMEM((cpt, EDGE_CH), jnp.int32),
            pltpu.VMEM((EDGE_CH,), jnp.float32),
            pltpu.VMEM((rows_per_tile,), jnp.float32),
            pltpu.VMEM_SHARED((acc_rows,), jnp.float32),
        ],
    )
    def deg_kernel(dst_hbm, z_hbm, ones_hbm, out_hbm, didx, ones_v, vbuf, acc):
        c = lax.axis_index("c")
        s = lax.axis_index("s")
        wid = c * NS + s
        base = s * rows_per_tile
        pltpu.sync_copy(z_hbm, vbuf)
        pltpu.sync_copy(vbuf, acc.at[pl.ds(base, rows_per_tile)])
        pltpu.sync_copy(ones_hbm, ones_v)
        pltpu.sync_copy(dst_hbm.at[wid], didx)
        plsc.subcore_barrier()

        @pl.loop(0, cpt)
        def _(j):
            pltpu.sync_copy(ones_v, acc.at[didx.at[j]], add=True)

        plsc.subcore_barrier()
        pltpu.sync_copy(acc.at[pl.ds(base, rows_per_tile)], vbuf)
        pltpu.sync_copy(vbuf,
                        out_hbm.at[pl.ds(c * acc_rows + base, rows_per_tile)])

    return deg_kernel(dst3, zeros_rows, ones_vec).reshape(NC, acc_rows)


def _sc_scatter_layer(g, src3, dst3, zrows, acc_rows, rows_per_tile):
    d = g.shape[1]
    cpt = src3.shape[1]
    groups = cpt // CPG
    nfull = rows_per_tile // EDGE_CH
    rem = rows_per_tile % EDGE_CH

    @functools.partial(
        pl.kernel,
        mesh=_sc_mesh(),
        out_type=jax.ShapeDtypeStruct((NC, acc_rows, d), jnp.float32),
        scratch_types=[
            pltpu.VMEM((2, CPG, EDGE_CH), jnp.int32),
            pltpu.VMEM((2, CPG, EDGE_CH), jnp.int32),
            pltpu.VMEM((2, EDGE_CH, d), jnp.float32),
            pltpu.VMEM_SHARED((acc_rows, d), jnp.float32),
            pltpu.SemaphoreType.DMA,
            pltpu.SemaphoreType.DMA,
            pltpu.SemaphoreType.DMA,
            pltpu.SemaphoreType.DMA,
        ],
    )
    def layer_kernel(g_hbm, src_hbm, dst_hbm, z_hbm, out_hbm,
                     sidx, didx, rows, acc, sem0, sem1, sem_si, sem_di):
        c = lax.axis_index("c")
        s = lax.axis_index("s")
        wid = c * NS + s
        base = s * rows_per_tile
        pltpu.sync_copy(z_hbm, rows.at[0])
        for k in range(nfull):
            pltpu.sync_copy(rows.at[0],
                            acc.at[pl.ds(base + k * EDGE_CH, EDGE_CH)])
        if rem:
            pltpu.sync_copy(rows.at[0, pl.ds(0, rem)],
                            acc.at[pl.ds(base + nfull * EDGE_CH, rem)])
        pltpu.sync_copy(src_hbm.at[wid, pl.ds(0, CPG)], sidx.at[0])
        pltpu.sync_copy(dst_hbm.at[wid, pl.ds(0, CPG)], didx.at[0])
        plsc.subcore_barrier()

        pltpu.async_copy(g_hbm.at[sidx.at[0, 0]], rows.at[0], sem0)
        sems = (sem0, sem1)

        @pl.loop(0, groups)
        def _(gi):
            gb = lax.rem(gi, 2)
            @pl.when(gi + 1 < groups)
            def _():
                pltpu.async_copy(
                    src_hbm.at[wid, pl.ds((gi + 1) * CPG, CPG)],
                    sidx.at[1 - gb], sem_si)
                pltpu.async_copy(
                    dst_hbm.at[wid, pl.ds((gi + 1) * CPG, CPG)],
                    didx.at[1 - gb], sem_di)

            for jj in range(CPG):
                p = jj % 2
                if jj + 1 < CPG:
                    pltpu.async_copy(g_hbm.at[sidx.at[gb, jj + 1]],
                                     rows.at[1 - p], sems[1 - p])
                pltpu.make_async_copy(g_hbm.at[sidx.at[gb, jj]],
                                      rows.at[p], sems[p]).wait()
                pltpu.sync_copy(rows.at[p], acc.at[didx.at[gb, jj]], add=True)
                if jj == CPG - 1:
                    @pl.when(gi + 1 < groups)
                    def _():
                        pltpu.make_async_copy(
                            src_hbm.at[wid, pl.ds((gi + 1) * CPG, CPG)],
                            sidx.at[1 - gb], sem_si).wait()
                        pltpu.make_async_copy(
                            dst_hbm.at[wid, pl.ds((gi + 1) * CPG, CPG)],
                            didx.at[1 - gb], sem_di).wait()
                        pltpu.async_copy(g_hbm.at[sidx.at[1 - gb, 0]],
                                         rows.at[0], sem0)

        plsc.subcore_barrier()
        for k in range(nfull):
            buf = rows.at[k % 2]
            pltpu.sync_copy(acc.at[pl.ds(base + k * EDGE_CH, EDGE_CH)], buf)
            pltpu.sync_copy(buf,
                            out_hbm.at[c, pl.ds(base + k * EDGE_CH, EDGE_CH)])
        if rem:
            buf = rows.at[nfull % 2, pl.ds(0, rem)]
            pltpu.sync_copy(acc.at[pl.ds(base + nfull * EDGE_CH, rem)], buf)
            pltpu.sync_copy(
                buf, out_hbm.at[c, pl.ds(base + nfull * EDGE_CH, rem)])

    return layer_kernel(g, src3, dst3, zrows)


def _tc_first(x, W, d0, d1, blk):
    n, d = x.shape
    grid = n // blk

    def body(x_ref, w_ref, d0_ref, d1_ref, g_ref, dinv_ref):
        deg = d0_ref[...] + d1_ref[...] + 1.0
        dinv = lax.rsqrt(deg)
        dinv_ref[...] = dinv
        z = jnp.dot(x_ref[...], w_ref[...], preferred_element_type=jnp.float32)
        g_ref[...] = z * dinv

    return pl.pallas_call(
        body,
        grid=(grid,),
        in_specs=[
            pl.BlockSpec((blk, d), lambda i: (i, 0)),
            pl.BlockSpec((d, d), lambda i: (0, 0)),
            pl.BlockSpec((blk, 1), lambda i: (i, 0)),
            pl.BlockSpec((blk, 1), lambda i: (i, 0)),
        ],
        out_specs=[
            pl.BlockSpec((blk, d), lambda i: (i, 0)),
            pl.BlockSpec((blk, 1), lambda i: (i, 0)),
        ],
        out_shape=[
            jax.ShapeDtypeStruct((n, d), jnp.float32),
            jax.ShapeDtypeStruct((n, 1), jnp.float32),
        ],
    )(x, W, d0, d1)


def _tc_mid(p0, p1, g1, dinv, W, b2, blk):
    n, d = g1.shape
    grid = n // blk

    def body(p0_ref, p1_ref, g_ref, dinv_ref, w_ref, b_ref, out_ref):
        dinv = dinv_ref[...]
        h = (p0_ref[...] + p1_ref[...] + g_ref[...]) * dinv + b_ref[...]
        h = jnp.maximum(h, 0.0)
        z = jnp.dot(h, w_ref[...], preferred_element_type=jnp.float32)
        out_ref[...] = z * dinv

    return pl.pallas_call(
        body,
        grid=(grid,),
        in_specs=[
            pl.BlockSpec((blk, d), lambda i: (i, 0)),
            pl.BlockSpec((blk, d), lambda i: (i, 0)),
            pl.BlockSpec((blk, d), lambda i: (i, 0)),
            pl.BlockSpec((blk, 1), lambda i: (i, 0)),
            pl.BlockSpec((d, d), lambda i: (0, 0)),
            pl.BlockSpec((1, d), lambda i: (0, 0)),
        ],
        out_specs=pl.BlockSpec((blk, d), lambda i: (i, 0)),
        out_shape=jax.ShapeDtypeStruct((n, d), jnp.float32),
    )(p0, p1, g1, dinv, W, b2)


def _tc_last(p0, p1, g2, dinv, b2, blk):
    n, d = g2.shape
    grid = n // blk

    def body(p0_ref, p1_ref, g_ref, dinv_ref, b_ref, out_ref):
        h = (p0_ref[...] + p1_ref[...] + g_ref[...]) * dinv_ref[...] + b_ref[...]
        out_ref[...] = jnp.maximum(h, 0.0)

    return pl.pallas_call(
        body,
        grid=(grid,),
        in_specs=[
            pl.BlockSpec((blk, d), lambda i: (i, 0)),
            pl.BlockSpec((blk, d), lambda i: (i, 0)),
            pl.BlockSpec((blk, d), lambda i: (i, 0)),
            pl.BlockSpec((blk, 1), lambda i: (i, 0)),
            pl.BlockSpec((1, d), lambda i: (0, 0)),
        ],
        out_specs=pl.BlockSpec((blk, d), lambda i: (i, 0)),
        out_shape=jax.ShapeDtypeStruct((n, d), jnp.float32),
    )(p0, p1, g2, dinv, b2)


def kernel(x, edge_index, batch_index, node_rankings, W, b):
    n, d = x.shape
    e = edge_index.shape[1]

    cpt = -(-e // (NW * EDGE_CH * CPG)) * CPG
    e_pad = NW * cpt * EDGE_CH
    rows_per_tile = -(-(-(-n // NS)) // 8) * 8
    acc_rows = NS * rows_per_tile
    n_dummy = acc_rows - n

    src = edge_index[0].astype(jnp.int32)
    dst = edge_index[1].astype(jnp.int32)
    npad = e_pad - e
    pad_i = jnp.arange(npad, dtype=jnp.int32)
    pad_src = (pad_i * 61) % n
    pad_dst = n + pad_i % n_dummy
    src3 = jnp.concatenate([src, pad_src]).reshape(NW, cpt, EDGE_CH)
    dst3 = jnp.concatenate([dst, pad_dst]).reshape(NW, cpt, EDGE_CH)

    zrow1 = jnp.zeros((rows_per_tile,), jnp.float32)
    zrows = jnp.zeros((EDGE_CH, d), jnp.float32)
    ones_vec = jnp.ones((EDGE_CH,), jnp.float32)

    degp = _sc_degree(dst3, zrow1, ones_vec, acc_rows, rows_per_tile)
    d0 = degp[0, :n].reshape(n, 1)
    d1 = degp[1, :n].reshape(n, 1)

    blk = 1000
    g1, dinv = _tc_first(x, W, d0, d1, blk)

    b2 = b.reshape(1, d)
    p = _sc_scatter_layer(g1, src3, dst3, zrows, acc_rows, rows_per_tile)
    g2 = _tc_mid(p[0, :n], p[1, :n], g1, dinv, W, b2, blk)
    p2 = _sc_scatter_layer(g2, src3, dst3, zrows, acc_rows, rows_per_tile)
    return _tc_last(p2[0, :n], p2[1, :n], g2, dinv, b2, blk)

# --- scband reference (transcript-rebuilt; emitter-appended) ---
"""Pipeline reference for scband-gcnblock-29635274343049 (READ-ONLY COPY).

The authoritative reference and input builder live on the scoring server;
editing this copy changes nothing except your own understanding.
"""

import jax, jax.numpy as jnp
import numpy as np

N_NODES = 10000
D = 128
N_EDGES = 320000
DEPTH = 2


def gcn_conv(x, edge_index, W, b):
    num_nodes = x.shape[0]
    src = edge_index[0]
    dst = edge_index[1]
    # add self loops (PyG GCNConv default add_self_loops=True)
    loop = jnp.arange(num_nodes, dtype=src.dtype)
    src = jnp.concatenate([src, loop])
    dst = jnp.concatenate([dst, loop])
    # symmetric normalization: D^{-1/2} (A+I) D^{-1/2}
    deg = jnp.zeros((num_nodes,), dtype=x.dtype).at[dst].add(1.0)
    dinv = jnp.where(deg > 0, jax.lax.rsqrt(deg), 0.0)
    norm = dinv[src] * dinv[dst]
    h = x @ W
    msg = h[src] * norm[:, None]
    out = jnp.zeros((num_nodes, h.shape[1]), dtype=h.dtype).at[dst].add(msg)
    return out + b


def setup_inputs(seed: int = 0) -> dict:
    key = jax.random.key(seed)
    k1, k2, k3, k4 = jax.random.split(key, 4)
    x = jax.random.normal(k1, (N_NODES, D), dtype=jnp.float32)
    edge_index = jax.random.randint(k2, (2, N_EDGES), 0, N_NODES, dtype=jnp.int64 if jax.config.jax_enable_x64 else jnp.int32)
    batch_index = jnp.zeros((N_NODES,), dtype=jnp.int32)
    node_rankings = jax.random.randint(k3, (N_NODES,), 0, N_NODES, dtype=jnp.int32)
    # single GCNConv reused (time_inv=True): glorot weight + zero bias
    limit = np.sqrt(6.0 / (D + D))
    W = jax.random.uniform(k4, (D, D), dtype=jnp.float32, minval=-limit, maxval=limit)
    b = jnp.zeros((D,), dtype=jnp.float32)
    return {"x": x, "edge_index": edge_index, "batch_index": batch_index, "node_rankings": node_rankings, "W": W, "b": b}


def reference(x, edge_index, batch_index, node_rankings, W, b):
    # GCNBlock forward: depth=2, time_inv=True (shared conv), NullControl (adds 0),
    # linear=False -> relu; dropout_rate=0.0 and eval mode -> identity.
    h = x
    for _ in range(DEPTH):
        h = gcn_conv(h, edge_index, W, b)  # + control(...) == + 0
        h = jax.nn.relu(h)
        # dropout p=0.0 -> no-op
    return h

if __name__ == "__main__":
    import jax
    _d = setup_inputs()
    print(jax.jit(kernel)(*tuple(_d.values())))

</pallas_src>

<mosaic_0001>
#map = affine_map<(d0, d1) -> (0, 0)>
#map1 = affine_map<(d0, d1) -> (0, 0, 0)>
module attributes {stable_mosaic.version = 14 : i64} {
  func.func @layer_kernel(%arg0: i32, %arg1: i32, %arg2: memref<10000x128xf32, #tpu.memory_space<hbm>>, %arg3: memref<32x80x128xi32, #tpu.memory_space<hbm>>, %arg4: memref<32x80x128xi32, #tpu.memory_space<hbm>>, %arg5: memref<128x128xf32, #tpu.memory_space<hbm>>, %arg6: memref<2x10112x128xf32, #tpu.memory_space<hbm>>, %arg7: memref<2x8x128xi32, #tpu.memory_space<vmem>>, %arg8: memref<2x8x128xi32, #tpu.memory_space<vmem>>, %arg9: memref<2x128x128xf32, #tpu.memory_space<vmem>>, %arg10: memref<10112x128xf32, #tpu.memory_space<vmem_shared>>, %arg11: memref<!tpu.dma_semaphore, #tpu.memory_space<semaphore_mem>>, %arg12: memref<!tpu.dma_semaphore, #tpu.memory_space<semaphore_mem>>, %arg13: memref<!tpu.dma_semaphore, #tpu.memory_space<semaphore_mem>>, %arg14: memref<!tpu.dma_semaphore, #tpu.memory_space<semaphore_mem>>) attributes {dimension_semantics = [#tpu.dimension_semantics<core_parallel>, #tpu.dimension_semantics<subcore_parallel>], iteration_bounds = array<i64: 2, 16>, scalar_prefetch = 0 : i64, scratch_operands = 8 : i64, tpu.core_type = #tpu.core_type<sc_vector_subcore>, window_params = [{transform_indices = #map}, {transform_indices = #map1}, {transform_indices = #map1}, {transform_indices = #map}, {transform_indices = #map1}]} {
    %mul3A = arith.constant 16 : i32
    %mul3A_0 = arith.muli %arg0, %mul3A : i32
    %add3A = arith.addi %mul3A_0, %arg1 : i32
    %mul3A_1 = arith.constant 632 : i32
    %mul3A_2 = arith.muli %arg1, %mul3A_1 : i32
    %run_scoped3A = arith.constant 0 : i32
    "tpu.region"() ({
      %run_scoped3A_67 = tpu.sem_alloc : memref<!tpu.dma_semaphore, #tpu.memory_space<semaphore_mem>>
      %dma_start3A_68 = arith.constant 0 : i32
      %dma_start3A_69 = arith.constant 0 : i32
      %dma_start3A_70 = tpu.memref_slice %arg9[%run_scoped3A, %dma_start3A_68, %dma_start3A_69] : memref<2x128x128xf32, #tpu.memory_space<vmem>> -> memref<1x128x128xf32, #tpu.memory_space<vmem>>
      %dma_start3A_71 = tpu.memref_squeeze %dma_start3A_70 : memref<1x128x128xf32, #tpu.memory_space<vmem>> -> memref<128x128xf32, #tpu.memory_space<vmem>>
      %dma_start3A_72 = arith.constant 0 : i32
      %dma_start3A_73 = arith.constant 0 : i32
      %dma_start3A_74 = tpu.memref_slice %arg9[%run_scoped3A, %dma_start3A_72, %dma_start3A_73] : memref<2x128x128xf32, #tpu.memory_space<vmem>> -> memref<1x128x128xf32, #tpu.memory_space<vmem>>
      %dma_start3A_75 = tpu.memref_squeeze %dma_start3A_74 : memref<1x128x128xf32, #tpu.memory_space<vmem>> -> memref<128x128xf32, #tpu.memory_space<vmem>>
      tpu.enqueue_dma source(%arg5 : memref<128x128xf32, #tpu.memory_space<hbm>>) target(%dma_start3A_75 : memref<128x128xf32, #tpu.memory_space<vmem>>) target_semaphore(%run_scoped3A_67 : memref<!tpu.dma_semaphore, #tpu.memory_space<semaphore_mem>>)
      %dma_wait3A = arith.constant 0 : i32
      %dma_wait3A_76 = arith.constant 0 : i32
      %dma_wait3A_77 = tpu.memref_slice %arg9[%run_scoped3A, %dma_wait3A, %dma_wait3A_76] : memref<2x128x128xf32, #tpu.memory_space<vmem>> -> memref<1x128x128xf32, #tpu.memory_space<vmem>>
      %dma_wait3A_78 = tpu.memref_squeeze %dma_wait3A_77 : memref<1x128x128xf32, #tpu.memory_space<vmem>> -> memref<128x128xf32, #tpu.memory_space<vmem>>
      %dma_wait3A_79 = arith.constant 0 : i32
      %dma_wait3A_80 = arith.constant 0 : i32
      %dma_wait3A_81 = tpu.memref_slice %arg9[%run_scoped3A, %dma_wait3A_79, %dma_wait3A_80] : memref<2x128x128xf32, #tpu.memory_space<vmem>> -> memref<1x128x128xf32, #tpu.memory_space<vmem>>
      %dma_wait3A_82 = tpu.memref_squeeze %dma_wait3A_81 : memref<1x128x128xf32, #tpu.memory_space<vmem>> -> memref<128x128xf32, #tpu.memory_space<vmem>>
      tpu.wait_dma2 semaphore(%run_scoped3A_67 : memref<!tpu.dma_semaphore, #tpu.memory_space<semaphore_mem>>) src(%arg5 : memref<128x128xf32, #tpu.memory_space<hbm>>) dst(%dma_wait3A_82 : memref<128x128xf32, #tpu.memory_space<vmem>>)
      tpu.yield
    }) : () -> ()
    %add3A_3 = arith.constant 0 : i32
    %add3A_4 = arith.addi %mul3A_2, %add3A_3 : i32
    %run_scoped3A_5 = arith.constant 0 : i32
    "tpu.region"() ({
      %run_scoped3A_67 = tpu.sem_alloc : memref<!tpu.dma_semaphore, #tpu.memory_space<semaphore_mem>>
      %dma_start3A_68 = arith.constant 0 : i32
      %dma_start3A_69 = arith.constant 0 : i32
      %dma_start3A_70 = tpu.memref_slice %arg9[%run_scoped3A_5, %dma_start3A_68, %dma_start3A_69] : memref<2x128x128xf32, #tpu.memory_space<vmem>> -> memref<1x128x128xf32, #tpu.memory_space<vmem>>
      %dma_start3A_71 = tpu.memref_squeeze %dma_start3A_70 : memref<1x128x128xf32, #tpu.memory_space<vmem>> -> memref<128x128xf32, #tpu.memory_space<vmem>>
      %dma_start3A_72 = arith.constant 0 : i32
      %dma_start3A_73 = tpu.memref_slice %arg10[%add3A_4, %dma_start3A_72] : memref<10112x128xf32, #tpu.memory_space<vmem_shared>> -> memref<128x128xf32, #tpu.memory_space<vmem_shared>>
      %dma_start3A_74 = arith.constant 0 : i32
      %dma_start3A_75 = tpu.memref_slice %arg10[%add3A_4, %dma_start3A_74] : memref<10112x128xf32, #tpu.memory_space<vmem_shared>> -> memref<128x128xf32, #tpu.memory_space<vmem_shared>>
      %dma_start3A_76 = arith.constant 0 : i32
      %dma_start3A_77 = arith.constant 0 : i32
      %dma_start3A_78 = tpu.memref_slice %arg9[%run_scoped3A_5, %dma_start3A_76, %dma_start3A_77] : memref<2x128x128xf32, #tpu.memory_space<vmem>> -> memref<1x128x128xf32, #tpu.memory_space<vmem>>
      %dma_start3A_79 = tpu.memref_squeeze %dma_start3A_78 : memref<1x128x128xf32, #tpu.memory_space<vmem>> -> memref<128x128xf32, #tpu.memory_space<vmem>>
      tpu.enqueue_dma source(%dma_start3A_79 : memref<128x128xf32, #tpu.memory_space<vmem>>) target(%dma_start3A_75 : memref<128x128xf32, #tpu.memory_space<vmem_shared>>) target_semaphore(%run_scoped3A_67 : memref<!tpu.dma_semaphore, #tpu.memory_space<semaphore_mem>>)
      %dma_wait3A = arith.constant 0 : i32
      %dma_wait3A_80 = arith.constant 0 : i32
      %dma_wait3A_81 = tpu.memref_slice %arg9[%run_scoped3A_5, %dma_wait3A, %dma_wait3A_80] : memref<2x128x128xf32, #tpu.memory_space<vmem>> -> memref<1x128x128xf32, #tpu.memory_space<vmem>>
      %dma_wait3A_82 = tpu.memref_squeeze %dma_wait3A_81 : memref<1x128x128xf32, #tpu.memory_space<vmem>> -> memref<128x128xf32, #tpu.memory_space<vmem>>
      %dma_wait3A_83 = arith.constant 0 : i32
      %dma_wait3A_84 = tpu.memref_slice %arg10[%add3A_4, %dma_wait3A_83] : memref<10112x128xf32, #tpu.memory_space<vmem_shared>> -> memref<128x128xf32, #tpu.memory_space<vmem_shared>>
      %dma_wait3A_85 = arith.constant 0 : i32
      %dma_wait3A_86 = tpu.memref_slice %arg10[%add3A_4, %dma_wait3A_85] : memref<10112x128xf32, #tpu.memory_space<vmem_shared>> -> memref<128x128xf32, #tpu.memory_space<vmem_shared>>
      %dma_wait3A_87 = arith.constant 0 : i32
      %dma_wait3A_88 = arith.constant 0 : i32
      %dma_wait3A_89 = tpu.memref_slice %arg9[%run_scoped3A_5, %dma_wait3A_87, %dma_wait3A_88] : memref<2x128x128xf32, #tpu.memory_space<vmem>> -> memref<1x128x128xf32, #tpu.memory_space<vmem>>
      %dma_wait3A_90 = tpu.memref_squeeze %dma_wait3A_89 : memref<1x128x128xf32, #tpu.memory_space<vmem>> -> memref<128x128xf32, #tpu.memory_space<vmem>>
      tpu.wait_dma2 semaphore(%run_scoped3A_67 : memref<!tpu.dma_semaphore, #tpu.memory_space<semaphore_mem>>) src(%dma_wait3A_90 : memref<128x128xf32, #tpu.memory_space<vmem>>) dst(%dma_wait3A_86 : memref<128x128xf32, #tpu.memory_space<vmem_shared>>)
      tpu.yield
    }) : () -> ()
    %add3A_6 = arith.constant 128 : i32
    %add3A_7 = arith.addi %mul3A_2, %add3A_6 : i32
    %run_scoped3A_8 = arith.constant 0 : i32
    "tpu.region"() ({
      %run_scoped3A_67 = tpu.sem_alloc : memref<!tpu.dma_semaphore, #tpu.memory_space<semaphore_mem>>
      %dma_start3A_68 = arith.constant 0 : i32
      %dma_start3A_69 = arith.constant 0 : i32
      %dma_start3A_70 = tpu.memref_slice %arg9[%run_scoped3A_8, %dma_start3A_68, %dma_start3A_69] : memref<2x128x128xf32, #tpu.memory_space<vmem>> -> memref<1x128x128xf32, #tpu.memory_space<vmem>>
      %dma_start3A_71 = tpu.memref_squeeze %dma_start3A_70 : memref<1x128x128xf32, #tpu.memory_space<vmem>> -> memref<128x128xf32, #tpu.memory_space<vmem>>
      %dma_start3A_72 = arith.constant 0 : i32
      %dma_start3A_73 = tpu.memref_slice %arg10[%add3A_7, %dma_start3A_72] : memref<10112x128xf32, #tpu.memory_space<vmem_shared>> -> memref<128x128xf32, #tpu.memory_space<vmem_shared>>
      %dma_start3A_74 = arith.constant 0 : i32
      %dma_start3A_75 = tpu.memref_slice %arg10[%add3A_7, %dma_start3A_74] : memref<10112x128xf32, #tpu.memory_space<vmem_shared>> -> memref<128x128xf32, #tpu.memory_space<vmem_shared>>
      %dma_start3A_76 = arith.constant 0 : i32
      %dma_start3A_77 = arith.constant 0 : i32
      %dma_start3A_78 = tpu.memref_slice %arg9[%run_scoped3A_8, %dma_start3A_76, %dma_start3A_77] : memref<2x128x128xf32, #tpu.memory_space<vmem>> -> memref<1x128x128xf32, #tpu.memory_space<vmem>>
      %dma_start3A_79 = tpu.memref_squeeze %dma_start3A_78 : memref<1x128x128xf32, #tpu.memory_space<vmem>> -> memref<128x128xf32, #tpu.memory_space<vmem>>
      tpu.enqueue_dma source(%dma_start3A_79 : memref<128x128xf32, #tpu.memory_space<vmem>>) target(%dma_start3A_75 : memref<128x128xf32, #tpu.memory_space<vmem_shared>>) target_semaphore(%run_scoped3A_67 : memref<!tpu.dma_semaphore, #tpu.memory_space<semaphore_mem>>)
      %dma_wait3A = arith.constant 0 : i32
      %dma_wait3A_80 = arith.constant 0 : i32
      %dma_wait3A_81 = tpu.memref_slice %arg9[%run_scoped3A_8, %dma_wait3A, %dma_wait3A_80] : memref<2x128x128xf32, #tpu.memory_space<vmem>> -> memref<1x128x128xf32, #tpu.memory_space<vmem>>
      %dma_wait3A_82 = tpu.memref_squeeze %dma_wait3A_81 : memref<1x128x128xf32, #tpu.memory_space<vmem>> -> memref<128x128xf32, #tpu.memory_space<vmem>>
      %dma_wait3A_83 = arith.constant 0 : i32
      %dma_wait3A_84 = tpu.memref_slice %arg10[%add3A_7, %dma_wait3A_83] : memref<10112x128xf32, #tpu.memory_space<vmem_shared>> -> memref<128x128xf32, #tpu.memory_space<vmem_shared>>
      %dma_wait3A_85 = arith.constant 0 : i32
      %dma_wait3A_86 = tpu.memref_slice %arg10[%add3A_7, %dma_wait3A_85] : memref<10112x128xf32, #tpu.memory_space<vmem_shared>> -> memref<128x128xf32, #tpu.memory_space<vmem_shared>>
      %dma_wait3A_87 = arith.constant 0 : i32
      %dma_wait3A_88 = arith.constant 0 : i32
      %dma_wait3A_89 = tpu.memref_slice %arg9[%run_scoped3A_8, %dma_wait3A_87, %dma_wait3A_88] : memref<2x128x128xf32, #tpu.memory_space<vmem>> -> memref<1x128x128xf32, #tpu.memory_space<vmem>>
      %dma_wait3A_90 = tpu.memref_squeeze %dma_wait3A_89 : memref<1x128x128xf32, #tpu.memory_space<vmem>> -> memref<128x128xf32, #tpu.memory_space<vmem>>
      tpu.wait_dma2 semaphore(%run_scoped3A_67 : memref<!tpu.dma_semaphore, #tpu.memory_space<semaphore_mem>>) src(%dma_wait3A_90 : memref<128x128xf32, #tpu.memory_space<vmem>>) dst(%dma_wait3A_86 : memref<128x128xf32, #tpu.memory_space<vmem_shared>>)
      tpu.yield
    }) : () -> ()
    %add3A_9 = arith.constant 256 : i32
    %add3A_10 = arith.addi %mul3A_2, %add3A_9 : i32
    %run_scoped3A_11 = arith.constant 0 : i32
    "tpu.region"() ({
      %run_scoped3A_67 = tpu.sem_alloc : memref<!tpu.dma_semaphore, #tpu.memory_space<semaphore_mem>>
      %dma_start3A_68 = arith.constant 0 : i32
      %dma_start3A_69 = arith.constant 0 : i32
      %dma_start3A_70 = tpu.memref_slice %arg9[%run_scoped3A_11, %dma_start3A_68, %dma_start3A_69] : memref<2x128x128xf32, #tpu.memory_space<vmem>> -> memref<1x128x128xf32, #tpu.memory_space<vmem>>
      %dma_start3A_71 = tpu.memref_squeeze %dma_start3A_70 : memref<1x128x128xf32, #tpu.memory_space<vmem>> -> memref<128x128xf32, #tpu.memory_space<vmem>>
      %dma_start3A_72 = arith.constant 0 : i32
      %dma_start3A_73 = tpu.memref_slice %arg10[%add3A_10, %dma_start3A_72] : memref<10112x128xf32, #tpu.memory_space<vmem_shared>> -> memref<128x128xf32, #tpu.memory_space<vmem_shared>>
      %dma_start3A_74 = arith.constant 0 : i32
      %dma_start3A_75 = tpu.memref_slice %arg10[%add3A_10, %dma_start3A_74] : memref<10112x128xf32, #tpu.memory_space<vmem_shared>> -> memref<128x128xf32, #tpu.memory_space<vmem_shared>>
      %dma_start3A_76 = arith.constant 0 : i32
      %dma_start3A_77 = arith.constant 0 : i32
      %dma_start3A_78 = tpu.memref_slice %arg9[%run_scoped3A_11, %dma_start3A_76, %dma_start3A_77] : memref<2x128x128xf32, #tpu.memory_space<vmem>> -> memref<1x128x128xf32, #tpu.memory_space<vmem>>
      %dma_start3A_79 = tpu.memref_squeeze %dma_start3A_78 : memref<1x128x128xf32, #tpu.memory_space<vmem>> -> memref<128x128xf32, #tpu.memory_space<vmem>>
      tpu.enqueue_dma source(%dma_start3A_79 : memref<128x128xf32, #tpu.memory_space<vmem>>) target(%dma_start3A_75 : memref<128x128xf32, #tpu.memory_space<vmem_shared>>) target_semaphore(%run_scoped3A_67 : memref<!tpu.dma_semaphore, #tpu.memory_space<semaphore_mem>>)
      %dma_wait3A = arith.constant 0 : i32
      %dma_wait3A_80 = arith.constant 0 : i32
      %dma_wait3A_81 = tpu.memref_slice %arg9[%run_scoped3A_11, %dma_wait3A, %dma_wait3A_80] : memref<2x128x128xf32, #tpu.memory_space<vmem>> -> memref<1x128x128xf32, #tpu.memory_space<vmem>>
      %dma_wait3A_82 = tpu.memref_squeeze %dma_wait3A_81 : memref<1x128x128xf32, #tpu.memory_space<vmem>> -> memref<128x128xf32, #tpu.memory_space<vmem>>
      %dma_wait3A_83 = arith.constant 0 : i32
      %dma_wait3A_84 = tpu.memref_slice %arg10[%add3A_10, %dma_wait3A_83] : memref<10112x128xf32, #tpu.memory_space<vmem_shared>> -> memref<128x128xf32, #tpu.memory_space<vmem_shared>>
      %dma_wait3A_85 = arith.constant 0 : i32
      %dma_wait3A_86 = tpu.memref_slice %arg10[%add3A_10, %dma_wait3A_85] : memref<10112x128xf32, #tpu.memory_space<vmem_shared>> -> memref<128x128xf32, #tpu.memory_space<vmem_shared>>
      %dma_wait3A_87 = arith.constant 0 : i32
      %dma_wait3A_88 = arith.constant 0 : i32
      %dma_wait3A_89 = tpu.memref_slice %arg9[%run_scoped3A_11, %dma_wait3A_87, %dma_wait3A_88] : memref<2x128x128xf32, #tpu.memory_space<vmem>> -> memref<1x128x128xf32, #tpu.memory_space<vmem>>
      %dma_wait3A_90 = tpu.memref_squeeze %dma_wait3A_89 : memref<1x128x128xf32, #tpu.memory_space<vmem>> -> memref<128x128xf32, #tpu.memory_space<vmem>>
      tpu.wait_dma2 semaphore(%run_scoped3A_67 : memref<!tpu.dma_semaphore, #tpu.memory_space<semaphore_mem>>) src(%dma_wait3A_90 : memref<128x128xf32, #tpu.memory_space<vmem>>) dst(%dma_wait3A_86 : memref<128x128xf32, #tpu.memory_space<vmem_shared>>)
      tpu.yield
    }) : () -> ()
    %add3A_12 = arith.constant 384 : i32
    %add3A_13 = arith.addi %mul3A_2, %add3A_12 : i32
    %run_scoped3A_14 = arith.constant 0 : i32
    "tpu.region"() ({
      %run_scoped3A_67 = tpu.sem_alloc : memref<!tpu.dma_semaphore, #tpu.memory_space<semaphore_mem>>
      %dma_start3A_68 = arith.constant 0 : i32
      %dma_start3A_69 = arith.constant 0 : i32
      %dma_start3A_70 = tpu.memref_slice %arg9[%run_scoped3A_14, %dma_start3A_68, %dma_start3A_69] : memref<2x128x128xf32, #tpu.memory_space<vmem>> -> memref<1x128x128xf32, #tpu.memory_space<vmem>>
      %dma_start3A_71 = tpu.memref_squeeze %dma_start3A_70 : memref<1x128x128xf32, #tpu.memory_space<vmem>> -> memref<128x128xf32, #tpu.memory_space<vmem>>
      %dma_start3A_72 = arith.constant 0 : i32
      %dma_start3A_73 = tpu.memref_slice %arg10[%add3A_13, %dma_start3A_72] : memref<10112x128xf32, #tpu.memory_space<vmem_shared>> -> memref<128x128xf32, #tpu.memory_space<vmem_shared>>
      %dma_start3A_74 = arith.constant 0 : i32
      %dma_start3A_75 = tpu.memref_slice %arg10[%add3A_13, %dma_start3A_74] : memref<10112x128xf32, #tpu.memory_space<vmem_shared>> -> memref<128x128xf32, #tpu.memory_space<vmem_shared>>
      %dma_start3A_76 = arith.constant 0 : i32
      %dma_start3A_77 = arith.constant 0 : i32
      %dma_start3A_78 = tpu.memref_slice %arg9[%run_scoped3A_14, %dma_start3A_76, %dma_start3A_77] : memref<2x128x128xf32, #tpu.memory_space<vmem>> -> memref<1x128x128xf32, #tpu.memory_space<vmem>>
      %dma_start3A_79 = tpu.memref_squeeze %dma_start3A_78 : memref<1x128x128xf32, #tpu.memory_space<vmem>> -> memref<128x128xf32, #tpu.memory_space<vmem>>
      tpu.enqueue_dma source(%dma_start3A_79 : memref<128x128xf32, #tpu.memory_space<vmem>>) target(%dma_start3A_75 : memref<128x128xf32, #tpu.memory_space<vmem_shared>>) target_semaphore(%run_scoped3A_67 : memref<!tpu.dma_semaphore, #tpu.memory_space<semaphore_mem>>)
      %dma_wait3A = arith.constant 0 : i32
      %dma_wait3A_80 = arith.constant 0 : i32
      %dma_wait3A_81 = tpu.memref_slice %arg9[%run_scoped3A_14, %dma_wait3A, %dma_wait3A_80] : memref<2x128x128xf32, #tpu.memory_space<vmem>> -> memref<1x128x128xf32, #tpu.memory_space<vmem>>
      %dma_wait3A_82 = tpu.memref_squeeze %dma_wait3A_81 : memref<1x128x128xf32, #tpu.memory_space<vmem>> -> memref<128x128xf32, #tpu.memory_space<vmem>>
      %dma_wait3A_83 = arith.constant 0 : i32
      %dma_wait3A_84 = tpu.memref_slice %arg10[%add3A_13, %dma_wait3A_83] : memref<10112x128xf32, #tpu.memory_space<vmem_shared>> -> memref<128x128xf32, #tpu.memory_space<vmem_shared>>
      %dma_wait3A_85 = arith.constant 0 : i32
      %dma_wait3A_86 = tpu.memref_slice %arg10[%add3A_13, %dma_wait3A_85] : memref<10112x128xf32, #tpu.memory_space<vmem_shared>> -> memref<128x128xf32, #tpu.memory_space<vmem_shared>>
      %dma_wait3A_87 = arith.constant 0 : i32
      %dma_wait3A_88 = arith.constant 0 : i32
      %dma_wait3A_89 = tpu.memref_slice %arg9[%run_scoped3A_14, %dma_wait3A_87, %dma_wait3A_88] : memref<2x128x128xf32, #tpu.memory_space<vmem>> -> memref<1x128x128xf32, #tpu.memory_space<vmem>>
      %dma_wait3A_90 = tpu.memref_squeeze %dma_wait3A_89 : memref<1x128x128xf32, #tpu.memory_space<vmem>> -> memref<128x128xf32, #tpu.memory_space<vmem>>
      tpu.wait_dma2 semaphore(%run_scoped3A_67 : memref<!tpu.dma_semaphore, #tpu.memory_space<semaphore_mem>>) src(%dma_wait3A_90 : memref<128x128xf32, #tpu.memory_space<vmem>>) dst(%dma_wait3A_86 : memref<128x128xf32, #tpu.memory_space<vmem_shared>>)
      tpu.yield
    }) : () -> ()
    %add3A_15 = arith.constant 512 : i32
    %add3A_16 = arith.addi %mul3A_2, %add3A_15 : i32
    %run_scoped3A_17 = arith.constant 0 : i32
    "tpu.region"() ({
      %run_scoped3A_67 = tpu.sem_alloc : memref<!tpu.dma_semaphore, #tpu.memory_space<semaphore_mem>>
      %dma_start3A_68 = arith.constant 0 : i32
      %dma_start3A_69 = arith.constant 0 : i32
      %dma_start3A_70 = tpu.memref_slice %arg9[%run_scoped3A_17, %dma_start3A_68, %dma_start3A_69] : memref<2x128x128xf32, #tpu.memory_space<vmem>> -> memref<1x120x128xf32, #tpu.memory_space<vmem>>
      %dma_start3A_71 = tpu.memref_squeeze %dma_start3A_70 : memref<1x120x128xf32, #tpu.memory_space<vmem>> -> memref<120x128xf32, #tpu.memory_space<vmem>>
      %dma_start3A_72 = arith.constant 0 : i32
      %dma_start3A_73 = tpu.memref_slice %arg10[%add3A_16, %dma_start3A_72] : memref<10112x128xf32, #tpu.memory_space<vmem_shared>> -> memref<120x128xf32, #tpu.memory_space<vmem_shared>>
      %dma_start3A_74 = arith.constant 0 : i32
      %dma_start3A_75 = tpu.memref_slice %arg10[%add3A_16, %dma_start3A_74] : memref<10112x128xf32, #tpu.memory_space<vmem_shared>> -> memref<120x128xf32, #tpu.memory_space<vmem_shared>>
      %dma_start3A_76 = arith.constant 0 : i32
      %dma_start3A_77 = arith.constant 0 : i32
      %dma_start3A_78 = tpu.memref_slice %arg9[%run_scoped3A_17, %dma_start3A_76, %dma_start3A_77] : memref<2x128x128xf32, #tpu.memory_space<vmem>> -> memref<1x120x128xf32, #tpu.memory_space<vmem>>
      %dma_start3A_79 = tpu.memref_squeeze %dma_start3A_78 : memref<1x120x128xf32, #tpu.memory_space<vmem>> -> memref<120x128xf32, #tpu.memory_space<vmem>>
      tpu.enqueue_dma source(%dma_start3A_79 : memref<120x128xf32, #tpu.memory_space<vmem>>) target(%dma_start3A_75 : memref<120x128xf32, #tpu.memory_space<vmem_shared>>) target_semaphore(%run_scoped3A_67 : memref<!tpu.dma_semaphore, #tpu.memory_space<semaphore_mem>>)
      %dma_wait3A = arith.constant 0 : i32
      %dma_wait3A_80 = arith.constant 0 : i32
      %dma_wait3A_81 = tpu.memref_slice %arg9[%run_scoped3A_17, %dma_wait3A, %dma_wait3A_80] : memref<2x128x128xf32, #tpu.memory_space<vmem>> -> memref<1x120x128xf32, #tpu.memory_space<vmem>>
      %dma_wait3A_82 = tpu.memref_squeeze %dma_wait3A_81 : memref<1x120x128xf32, #tpu.memory_space<vmem>> -> memref<120x128xf32, #tpu.memory_space<vmem>>
      %dma_wait3A_83 = arith.constant 0 : i32
      %dma_wait3A_84 = tpu.memref_slice %arg10[%add3A_16, %dma_wait3A_83] : memref<10112x128xf32, #tpu.memory_space<vmem_shared>> -> memref<120x128xf32, #tpu.memory_space<vmem_shared>>
      %dma_wait3A_85 = arith.constant 0 : i32
      %dma_wait3A_86 = tpu.memref_slice %arg10[%add3A_16, %dma_wait3A_85] : memref<10112x128xf32, #tpu.memory_space<vmem_shared>> -> memref<120x128xf32, #tpu.memory_space<vmem_shared>>
      %dma_wait3A_87 = arith.constant 0 : i32
      %dma_wait3A_88 = arith.constant 0 : i32
      %dma_wait3A_89 = tpu.memref_slice %arg9[%run_scoped3A_17, %dma_wait3A_87, %dma_wait3A_88] : memref<2x128x128xf32, #tpu.memory_space<vmem>> -> memref<1x120x128xf32, #tpu.memory_space<vmem>>
      %dma_wait3A_90 = tpu.memref_squeeze %dma_wait3A_89 : memref<1x120x128xf32, #tpu.memory_space<vmem>> -> memref<120x128xf32, #tpu.memory_space<vmem>>
      tpu.wait_dma2 semaphore(%run_scoped3A_67 : memref<!tpu.dma_semaphore, #tpu.memory_space<semaphore_mem>>) src(%dma_wait3A_90 : memref<120x128xf32, #tpu.memory_space<vmem>>) dst(%dma_wait3A_86 : memref<120x128xf32, #tpu.memory_space<vmem_shared>>)
      tpu.yield
    }) : () -> ()
    %run_scoped3A_18 = arith.constant 0 : i32
    "tpu.region"() ({
      %run_scoped3A_67 = tpu.sem_alloc : memref<!tpu.dma_semaphore, #tpu.memory_space<semaphore_mem>>
      %dma_start3A_68 = arith.constant 0 : i32
      %dma_start3A_69 = arith.constant 0 : i32
      %dma_start3A_70 = tpu.memref_slice %arg7[%run_scoped3A_18, %dma_start3A_68, %dma_start3A_69] : memref<2x8x128xi32, #tpu.memory_space<vmem>> -> memref<1x8x128xi32, #tpu.memory_space<vmem>>
      %dma_start3A_71 = tpu.memref_squeeze %dma_start3A_70 : memref<1x8x128xi32, #tpu.memory_space<vmem>> -> memref<8x128xi32, #tpu.memory_space<vmem>>
      %dma_start3A_72 = arith.constant 0 : i32
      %dma_start3A_73 = arith.constant 0 : i32
      %dma_start3A_74 = tpu.memref_slice %arg3[%add3A, %dma_start3A_72, %dma_start3A_73] : memref<32x80x128xi32, #tpu.memory_space<hbm>> -> memref<1x8x128xi32, #tpu.memory_space<hbm>>
      %dma_start3A_75 = tpu.memref_squeeze %dma_start3A_74 : memref<1x8x128xi32, #tpu.memory_space<hbm>> -> memref<8x128xi32, #tpu.memory_space<hbm>>
      %dma_start3A_76 = arith.constant 0 : i32
      %dma_start3A_77 = arith.constant 0 : i32
      %dma_start3A_78 = tpu.memref_slice %arg7[%run_scoped3A_18, %dma_start3A_76, %dma_start3A_77] : memref<2x8x128xi32, #tpu.memory_space<vmem>> -> memref<1x8x128xi32, #tpu.memory_space<vmem>>
      %dma_start3A_79 = tpu.memref_squeeze %dma_start3A_78 : memref<1x8x128xi32, #tpu.memory_space<vmem>> -> memref<8x128xi32, #tpu.memory_space<vmem>>
      %dma_start3A_80 = arith.constant 0 : i32
      %dma_start3A_81 = arith.constant 0 : i32
      %dma_start3A_82 = tpu.memref_slice %arg3[%add3A, %dma_start3A_80, %dma_start3A_81] : memref<32x80x128xi32, #tpu.memory_space<hbm>> -> memref<1x8x128xi32, #tpu.memory_space<hbm>>
      %dma_start3A_83 = tpu.memref_squeeze %dma_start3A_82 : memref<1x8x128xi32, #tpu.memory_space<hbm>> -> memref<8x128xi32, #tpu.memory_space<hbm>>
      tpu.enqueue_dma source(%dma_start3A_83 : memref<8x128xi32, #tpu.memory_space<hbm>>) target(%dma_start3A_79 : memref<8x128xi32, #tpu.memory_space<vmem>>) target_semaphore(%run_scoped3A_67 : memref<!tpu.dma_semaphore, #tpu.memory_space<semaphore_mem>>)
      %dma_wait3A = arith.constant 0 : i32
      %dma_wait3A_84 = arith.constant 0 : i32
      %dma_wait3A_85 = tpu.memref_slice %arg7[%run_scoped3A_18, %dma_wait3A, %dma_wait3A_84] : memref<2x8x128xi32, #tpu.memory_space<vmem>> -> memref<1x8x128xi32, #tpu.memory_space<vmem>>
      %dma_wait3A_86 = tpu.memref_squeeze %dma_wait3A_85 : memref<1x8x128xi32, #tpu.memory_space<vmem>> -> memref<8x128xi32, #tpu.memory_space<vmem>>
      %dma_wait3A_87 = arith.constant 0 : i32
      %dma_wait3A_88 = arith.constant 0 : i32
      %dma_wait3A_89 = tpu.memref_slice %arg3[%add3A, %dma_wait3A_87, %dma_wait3A_88] : memref<32x80x128xi32, #tpu.memory_space<hbm>> -> memref<1x8x128xi32, #tpu.memory_space<hbm>>
      %dma_wait3A_90 = tpu.memref_squeeze %dma_wait3A_89 : memref<1x8x128xi32, #tpu.memory_space<hbm>> -> memref<8x128xi32, #tpu.memory_space<hbm>>
      %dma_wait3A_91 = arith.constant 0 : i32
      %dma_wait3A_92 = arith.constant 0 : i32
      %dma_wait3A_93 = tpu.memref_slice %arg7[%run_scoped3A_18, %dma_wait3A_91, %dma_wait3A_92] : memref<2x8x128xi32, #tpu.memory_space<vmem>> -> memref<1x8x128xi32, #tpu.memory_space<vmem>>
      %dma_wait3A_94 = tpu.memref_squeeze %dma_wait3A_93 : memref<1x8x128xi32, #tpu.memory_space<vmem>> -> memref<8x128xi32, #tpu.memory_space<vmem>>
      %dma_wait3A_95 = arith.constant 0 : i32
      %dma_wait3A_96 = arith.constant 0 : i32
      %dma_wait3A_97 = tpu.memref_slice %arg3[%add3A, %dma_wait3A_95, %dma_wait3A_96] : memref<32x80x128xi32, #tpu.memory_space<hbm>> -> memref<1x8x128xi32, #tpu.memory_space<hbm>>
      %dma_wait3A_98 = tpu.memref_squeeze %dma_wait3A_97 : memref<1x8x128xi32, #tpu.memory_space<hbm>> -> memref<8x128xi32, #tpu.memory_space<hbm>>
      tpu.wait_dma2 semaphore(%run_scoped3A_67 : memref<!tpu.dma_semaphore, #tpu.memory_space<semaphore_mem>>) src(%dma_wait3A_98 : memref<8x128xi32, #tpu.memory_space<hbm>>) dst(%dma_wait3A_94 : memref<8x128xi32, #tpu.memory_space<vmem>>)
      tpu.yield
    }) : () -> ()
    %run_scoped3A_19 = arith.constant 0 : i32
    "tpu.region"() ({
      %run_scoped3A_67 = tpu.sem_alloc : memref<!tpu.dma_semaphore, #tpu.memory_space<semaphore_mem>>
      %dma_start3A_68 = arith.constant 0 : i32
      %dma_start3A_69 = arith.constant 0 : i32
      %dma_start3A_70 = tpu.memref_slice %arg8[%run_scoped3A_19, %dma_start3A_68, %dma_start3A_69] : memref<2x8x128xi32, #tpu.memory_space<vmem>> -> memref<1x8x128xi32, #tpu.memory_space<vmem>>
      %dma_start3A_71 = tpu.memref_squeeze %dma_start3A_70 : memref<1x8x128xi32, #tpu.memory_space<vmem>> -> memref<8x128xi32, #tpu.memory_space<vmem>>
      %dma_start3A_72 = arith.constant 0 : i32
      %dma_start3A_73 = arith.constant 0 : i32
      %dma_start3A_74 = tpu.memref_slice %arg4[%add3A, %dma_start3A_72, %dma_start3A_73] : memref<32x80x128xi32, #tpu.memory_space<hbm>> -> memref<1x8x128xi32, #tpu.memory_space<hbm>>
      %dma_start3A_75 = tpu.memref_squeeze %dma_start3A_74 : memref<1x8x128xi32, #tpu.memory_space<hbm>> -> memref<8x128xi32, #tpu.memory_space<hbm>>
      %dma_start3A_76 = arith.constant 0 : i32
      %dma_start3A_77 = arith.constant 0 : i32
      %dma_start3A_78 = tpu.memref_slice %arg8[%run_scoped3A_19, %dma_start3A_76, %dma_start3A_77] : memref<2x8x128xi32, #tpu.memory_space<vmem>> -> memref<1x8x128xi32, #tpu.memory_space<vmem>>
      %dma_start3A_79 = tpu.memref_squeeze %dma_start3A_78 : memref<1x8x128xi32, #tpu.memory_space<vmem>> -> memref<8x128xi32, #tpu.memory_space<vmem>>
      %dma_start3A_80 = arith.constant 0 : i32
      %dma_start3A_81 = arith.constant 0 : i32
      %dma_start3A_82 = tpu.memref_slice %arg4[%add3A, %dma_start3A_80, %dma_start3A_81] : memref<32x80x128xi32, #tpu.memory_space<hbm>> -> memref<1x8x128xi32, #tpu.memory_space<hbm>>
      %dma_start3A_83 = tpu.memref_squeeze %dma_start3A_82 : memref<1x8x128xi32, #tpu.memory_space<hbm>> -> memref<8x128xi32, #tpu.memory_space<hbm>>
      tpu.enqueue_dma source(%dma_start3A_83 : memref<8x128xi32, #tpu.memory_space<hbm>>) target(%dma_start3A_79 : memref<8x128xi32, #tpu.memory_space<vmem>>) target_semaphore(%run_scoped3A_67 : memref<!tpu.dma_semaphore, #tpu.memory_space<semaphore_mem>>)
      %dma_wait3A = arith.constant 0 : i32
      %dma_wait3A_84 = arith.constant 0 : i32
      %dma_wait3A_85 = tpu.memref_slice %arg8[%run_scoped3A_19, %dma_wait3A, %dma_wait3A_84] : memref<2x8x128xi32, #tpu.memory_space<vmem>> -> memref<1x8x128xi32, #tpu.memory_space<vmem>>
      %dma_wait3A_86 = tpu.memref_squeeze %dma_wait3A_85 : memref<1x8x128xi32, #tpu.memory_space<vmem>> -> memref<8x128xi32, #tpu.memory_space<vmem>>
      %dma_wait3A_87 = arith.constant 0 : i32
      %dma_wait3A_88 = arith.constant 0 : i32
      %dma_wait3A_89 = tpu.memref_slice %arg4[%add3A, %dma_wait3A_87, %dma_wait3A_88] : memref<32x80x128xi32, #tpu.memory_space<hbm>> -> memref<1x8x128xi32, #tpu.memory_space<hbm>>
      %dma_wait3A_90 = tpu.memref_squeeze %dma_wait3A_89 : memref<1x8x128xi32, #tpu.memory_space<hbm>> -> memref<8x128xi32, #tpu.memory_space<hbm>>
      %dma_wait3A_91 = arith.constant 0 : i32
      %dma_wait3A_92 = arith.constant 0 : i32
      %dma_wait3A_93 = tpu.memref_slice %arg8[%run_scoped3A_19, %dma_wait3A_91, %dma_wait3A_92] : memref<2x8x128xi32, #tpu.memory_space<vmem>> -> memref<1x8x128xi32, #tpu.memory_space<vmem>>
      %dma_wait3A_94 = tpu.memref_squeeze %dma_wait3A_93 : memref<1x8x128xi32, #tpu.memory_space<vmem>> -> memref<8x128xi32, #tpu.memory_space<vmem>>
      %dma_wait3A_95 = arith.constant 0 : i32
      %dma_wait3A_96 = arith.constant 0 : i32
      %dma_wait3A_97 = tpu.memref_slice %arg4[%add3A, %dma_wait3A_95, %dma_wait3A_96] : memref<32x80x128xi32, #tpu.memory_space<hbm>> -> memref<1x8x128xi32, #tpu.memory_space<hbm>>
      %dma_wait3A_98 = tpu.memref_squeeze %dma_wait3A_97 : memref<1x8x128xi32, #tpu.memory_space<hbm>> -> memref<8x128xi32, #tpu.memory_space<hbm>>
      tpu.wait_dma2 semaphore(%run_scoped3A_67 : memref<!tpu.dma_semaphore, #tpu.memory_space<semaphore_mem>>) src(%dma_wait3A_98 : memref<8x128xi32, #tpu.memory_space<hbm>>) dst(%dma_wait3A_94 : memref<8x128xi32, #tpu.memory_space<vmem>>)
      tpu.yield
    }) : () -> ()
    %barrier3A = arith.constant 0 : index
    tpu.barrier barrier_id(%barrier3A)
    %dma_start3A = arith.constant 0 : i32
    %dma_start3A_20 = arith.constant 0 : i32
    %dma_start3A_21 = arith.constant 0 : i32
    %dma_start3A_22 = arith.constant 0 : i32
    %dma_start3A_23 = arith.constant 0 : i32
    %dma_start3A_24 = tpu.memref_slice %arg9[%dma_start3A_21, %dma_start3A_22, %dma_start3A_23] : memref<2x128x128xf32, #tpu.memory_space<vmem>> -> memref<1x128x128xf32, #tpu.memory_space<vmem>>
    %dma_start3A_25 = tpu.memref_squeeze %dma_start3A_24 : memref<1x128x128xf32, #tpu.memory_space<vmem>> -> memref<128x128xf32, #tpu.memory_space<vmem>>
    %dma_start3A_26 = arith.constant 0 : i32
    %dma_start3A_27 = tpu.memref_slice %arg7[%dma_start3A, %dma_start3A_20, %dma_start3A_26] : memref<2x8x128xi32, #tpu.memory_space<vmem>> -> memref<1x1x128xi32, #tpu.memory_space<vmem>>
    %dma_start3A_28 = tpu.memref_squeeze %dma_start3A_27 : memref<1x1x128xi32, #tpu.memory_space<vmem>> -> memref<128xi32, #tpu.memory_space<vmem>>
    %dma_start3A_29 = arith.constant 0 : i32
    %dma_start3A_30 = arith.constant 0 : i32
    %dma_start3A_31 = tpu.memref_slice %arg2[%dma_start3A_29, %dma_start3A_30] : memref<10000x128xf32, #tpu.memory_space<hbm>> -> memref<10000x128xf32, #tpu.memory_space<hbm>>
    tpu.enqueue_indirect_dma source(%dma_start3A_31 : memref<10000x128xf32, #tpu.memory_space<hbm>>) target(%dma_start3A_25 : memref<128x128xf32, #tpu.memory_space<vmem>>) offsets(%dma_start3A_28 : memref<128xi32, #tpu.memory_space<vmem>>) semaphore(%arg11 : memref<!tpu.dma_semaphore, #tpu.memory_space<semaphore_mem>>)
    %scan3A = arith.constant 0 : i32
    %scan3A_32 = arith.constant 10 : i32
    %scan3A_33 = arith.addi %scan3A, %scan3A_32 : i32
    %scan3A_34 = arith.constant 1 : i32
    scf.for %scan3A_67 = %scan3A to %scan3A_33 step %scan3A_34  : i32 {
      %mul3A_68 = arith.constant 1 : i32
      %mul3A_69 = arith.muli %scan3A_67, %mul3A_68 : i32
      %add3A_70 = arith.constant 0 : i32
      %add3A_71 = arith.addi %add3A_70, %mul3A_69 : i32
      %rem3A = arith.constant 2 : i32
      %rem3A_72 = arith.remsi %add3A_71, %rem3A : i32
      %add3A_73 = arith.constant 1 : i32
      %add3A_74 = arith.addi %add3A_71, %add3A_73 : i32
      %lt3A = arith.constant 10 : i32
      %lt3A_75 = arith.cmpi slt, %add3A_74, %lt3A : i32
      %convert_element_type3A = arith.extui %lt3A_75 : i1 to i32
      %cond3A = arith.constant 0 : i32
      %cond3A_76 = arith.cmpi ne, %convert_element_type3A, %cond3A : i32
      scf.if %cond3A_76 {
        %add3A_279 = arith.constant 1 : i32
        %add3A_280 = arith.addi %add3A_71, %add3A_279 : i32
        %mul3A_281 = arith.constant 8 : i32
        %mul3A_282 = arith.muli %add3A_280, %mul3A_281 : i32
        %sub3A = arith.constant 1 : i32
        %sub3A_283 = arith.subi %sub3A, %rem3A_72 : i32
        %dma_start3A_284 = arith.constant 0 : i32
        %dma_start3A_285 = arith.constant 0 : i32
        %dma_start3A_286 = tpu.memref_slice %arg7[%sub3A_283, %dma_start3A_284, %dma_start3A_285] : memref<2x8x128xi32, #tpu.memory_space<vmem>> -> memref<1x8x128xi32, #tpu.memory_space<vmem>>
        %dma_start3A_287 = tpu.memref_squeeze %dma_start3A_286 : memref<1x8x128xi32, #tpu.memory_space<vmem>> -> memref<8x128xi32, #tpu.memory_space<vmem>>
        %dma_start3A_288 = arith.constant 0 : i32
        %dma_start3A_289 = tpu.memref_slice %arg3[%add3A, %mul3A_282, %dma_start3A_288] : memref<32x80x128xi32, #tpu.memory_space<hbm>> -> memref<1x8x128xi32, #tpu.memory_space<hbm>>
        %dma_start3A_290 = tpu.memref_squeeze %dma_start3A_289 : memref<1x8x128xi32, #tpu.memory_space<hbm>> -> memref<8x128xi32, #tpu.memory_space<hbm>>
        %dma_start3A_291 = arith.constant 0 : i32
        %dma_start3A_292 = arith.constant 0 : i32
        %dma_start3A_293 = tpu.memref_slice %arg7[%sub3A_283, %dma_start3A_291, %dma_start3A_292] : memref<2x8x128xi32, #tpu.memory_space<vmem>> -> memref<1x8x128xi32, #tpu.memory_space<vmem>>
        %dma_start3A_294 = tpu.memref_squeeze %dma_start3A_293 : memref<1x8x128xi32, #tpu.memory_space<vmem>> -> memref<8x128xi32, #tpu.memory_space<vmem>>
        %dma_start3A_295 = arith.constant 0 : i32
        %dma_start3A_296 = tpu.memref_slice %arg3[%add3A, %mul3A_282, %dma_start3A_295] : memref<32x80x128xi32, #tpu.memory_space<hbm>> -> memref<1x8x128xi32, #tpu.memory_space<hbm>>
        %dma_start3A_297 = tpu.memref_squeeze %dma_start3A_296 : memref<1x8x128xi32, #tpu.memory_space<hbm>> -> memref<8x128xi32, #tpu.memory_space<hbm>>
        tpu.enqueue_dma source(%dma_start3A_297 : memref<8x128xi32, #tpu.memory_space<hbm>>) target(%dma_start3A_294 : memref<8x128xi32, #tpu.memory_space<vmem>>) target_semaphore(%arg13 : memref<!tpu.dma_semaphore, #tpu.memory_space<semaphore_mem>>)
        %add3A_298 = arith.constant 1 : i32
        %add3A_299 = arith.addi %add3A_71, %add3A_298 : i32
        %mul3A_300 = arith.constant 8 : i32
        %mul3A_301 = arith.muli %add3A_299, %mul3A_300 : i32
        %sub3A_302 = arith.constant 1 : i32
        %sub3A_303 = arith.subi %sub3A_302, %rem3A_72 : i32
        %dma_start3A_304 = arith.constant 0 : i32
        %dma_start3A_305 = arith.constant 0 : i32
        %dma_start3A_306 = tpu.memref_slice %arg8[%sub3A_303, %dma_start3A_304, %dma_start3A_305] : memref<2x8x128xi32, #tpu.memory_space<vmem>> -> memref<1x8x128xi32, #tpu.memory_space<vmem>>
        %dma_start3A_307 = tpu.memref_squeeze %dma_start3A_306 : memref<1x8x128xi32, #tpu.memory_space<vmem>> -> memref<8x128xi32, #tpu.memory_space<vmem>>
        %dma_start3A_308 = arith.constant 0 : i32
        %dma_start3A_309 = tpu.memref_slice %arg4[%add3A, %mul3A_301, %dma_start3A_308] : memref<32x80x128xi32, #tpu.memory_space<hbm>> -> memref<1x8x128xi32, #tpu.memory_space<hbm>>
        %dma_start3A_310 = tpu.memref_squeeze %dma_start3A_309 : memref<1x8x128xi32, #tpu.memory_space<hbm>> -> memref<8x128xi32, #tpu.memory_space<hbm>>
        %dma_start3A_311 = arith.constant 0 : i32
        %dma_start3A_312 = arith.constant 0 : i32
        %dma_start3A_313 = tpu.memref_slice %arg8[%sub3A_303, %dma_start3A_311, %dma_start3A_312] : memref<2x8x128xi32, #tpu.memory_space<vmem>> -> memref<1x8x128xi32, #tpu.memory_space<vmem>>
        %dma_start3A_314 = tpu.memref_squeeze %dma_start3A_313 : memref<1x8x128xi32, #tpu.memory_space<vmem>> -> memref<8x128xi32, #tpu.memory_space<vmem>>
        %dma_start3A_315 = arith.constant 0 : i32
        %dma_start3A_316 = tpu.memref_slice %arg4[%add3A, %mul3A_301, %dma_start3A_315] : memref<32x80x128xi32, #tpu.memory_space<hbm>> -> memref<1x8x128xi32, #tpu.memory_space<hbm>>
        %dma_start3A_317 = tpu.memref_squeeze %dma_start3A_316 : memref<1x8x128xi32, #tpu.memory_space<hbm>> -> memref<8x128xi32, #tpu.memory_space<hbm>>
        tpu.enqueue_dma source(%dma_start3A_317 : memref<8x128xi32, #tpu.memory_space<hbm>>) target(%dma_start3A_314 : memref<8x128xi32, #tpu.memory_space<vmem>>) target_semaphore(%arg14 : memref<!tpu.dma_semaphore, #tpu.memory_space<semaphore_mem>>)
      } else {
      }
      %dma_start3A_77 = arith.constant 1 : i32
      %dma_start3A_78 = arith.constant 1 : i32
      %dma_start3A_79 = arith.constant 0 : i32
      %dma_start3A_80 = arith.constant 0 : i32
      %dma_start3A_81 = tpu.memref_slice %arg9[%dma_start3A_78, %dma_start3A_79, %dma_start3A_80] : memref<2x128x128xf32, #tpu.memory_space<vmem>> -> memref<1x128x128xf32, #tpu.memory_space<vmem>>
      %dma_start3A_82 = tpu.memref_squeeze %dma_start3A_81 : memref<1x128x128xf32, #tpu.memory_space<vmem>> -> memref<128x128xf32, #tpu.memory_space<vmem>>
      %dma_start3A_83 = arith.constant 0 : i32
      %dma_start3A_84 = tpu.memref_slice %arg7[%rem3A_72, %dma_start3A_77, %dma_start3A_83] : memref<2x8x128xi32, #tpu.memory_space<vmem>> -> memref<1x1x128xi32, #tpu.memory_space<vmem>>
      %dma_start3A_85 = tpu.memref_squeeze %dma_start3A_84 : memref<1x1x128xi32, #tpu.memory_space<vmem>> -> memref<128xi32, #tpu.memory_space<vmem>>
      %dma_start3A_86 = arith.constant 0 : i32
      %dma_start3A_87 = arith.constant 0 : i32
      %dma_start3A_88 = tpu.memref_slice %arg2[%dma_start3A_86, %dma_start3A_87] : memref<10000x128xf32, #tpu.memory_space<hbm>> -> memref<10000x128xf32, #tpu.memory_space<hbm>>
      tpu.enqueue_indirect_dma source(%dma_start3A_88 : memref<10000x128xf32, #tpu.memory_space<hbm>>) target(%dma_start3A_82 : memref<128x128xf32, #tpu.memory_space<vmem>>) offsets(%dma_start3A_85 : memref<128xi32, #tpu.memory_space<vmem>>) semaphore(%arg12 : memref<!tpu.dma_semaphore, #tpu.memory_space<semaphore_mem>>)
      %dma_wait3A = arith.constant 0 : i32
      %dma_wait3A_89 = arith.constant 0 : i32
      %dma_wait3A_90 = arith.constant 0 : i32
      %dma_wait3A_91 = arith.constant 0 : i32
      %dma_wait3A_92 = tpu.memref_slice %arg9[%dma_wait3A_89, %dma_wait3A_90, %dma_wait3A_91] : memref<2x128x128xf32, #tpu.memory_space<vmem>> -> memref<1x128x128xf32, #tpu.memory_space<vmem>>
      %dma_wait3A_93 = tpu.memref_squeeze %dma_wait3A_92 : memref<1x128x128xf32, #tpu.memory_space<vmem>> -> memref<128x128xf32, #tpu.memory_space<vmem>>
      %dma_wait3A_94 = arith.constant 0 : i32
      %dma_wait3A_95 = tpu.memref_slice %arg7[%rem3A_72, %dma_wait3A, %dma_wait3A_94] : memref<2x8x128xi32, #tpu.memory_space<vmem>> -> memref<1x1x128xi32, #tpu.memory_space<vmem>>
      %dma_wait3A_96 = tpu.memref_squeeze %dma_wait3A_95 : memref<1x1x128xi32, #tpu.memory_space<vmem>> -> memref<128xi32, #tpu.memory_space<vmem>>
      %dma_wait3A_97 = arith.constant 0 : i32
      %dma_wait3A_98 = arith.constant 0 : i32
      %dma_wait3A_99 = tpu.memref_slice %arg2[%dma_wait3A_97, %dma_wait3A_98] : memref<10000x128xf32, #tpu.memory_space<hbm>> -> memref<10000x128xf32, #tpu.memory_space<hbm>>
      tpu.wait_indirect_dma semaphore(%arg11 : memref<!tpu.dma_semaphore, #tpu.memory_space<semaphore_mem>>) src(%dma_wait3A_99 : memref<10000x128xf32, #tpu.memory_space<hbm>>) dst(%dma_wait3A_93 : memref<128x128xf32, #tpu.memory_space<vmem>>)
      %run_scoped3A_100 = arith.constant 0 : i32
      %run_scoped3A_101 = arith.constant 0 : i32
      "tpu.region"() ({
        %run_scoped3A_279 = tpu.sem_alloc : memref<!tpu.dma_semaphore, #tpu.memory_space<semaphore_mem>>
        %dma_start3A_280 = arith.constant 0 : i32
        %dma_start3A_281 = arith.constant 0 : i32
        %dma_start3A_282 = tpu.memref_slice %arg9[%run_scoped3A_100, %dma_start3A_280, %dma_start3A_281] : memref<2x128x128xf32, #tpu.memory_space<vmem>> -> memref<1x128x128xf32, #tpu.memory_space<vmem>>
        %dma_start3A_283 = tpu.memref_squeeze %dma_start3A_282 : memref<1x128x128xf32, #tpu.memory_space<vmem>> -> memref<128x128xf32, #tpu.memory_space<vmem>>
        %dma_start3A_284 = arith.constant 0 : i32
        %dma_start3A_285 = tpu.memref_slice %arg8[%rem3A_72, %run_scoped3A_101, %dma_start3A_284] : memref<2x8x128xi32, #tpu.memory_space<vmem>> -> memref<1x1x128xi32, #tpu.memory_space<vmem>>
        %dma_start3A_286 = tpu.memref_squeeze %dma_start3A_285 : memref<1x1x128xi32, #tpu.memory_space<vmem>> -> memref<128xi32, #tpu.memory_space<vmem>>
        %dma_start3A_287 = arith.constant 0 : i32
        %dma_start3A_288 = arith.constant 0 : i32
        %dma_start3A_289 = tpu.memref_slice %arg10[%dma_start3A_287, %dma_start3A_288] : memref<10112x128xf32, #tpu.memory_space<vmem_shared>> -> memref<10112x128xf32, #tpu.memory_space<vmem_shared>>
        tpu.enqueue_indirect_dma source(%dma_start3A_283 : memref<128x128xf32, #tpu.memory_space<vmem>>) target(%dma_start3A_289 : memref<10112x128xf32, #tpu.memory_space<vmem_shared>>) offsets(%dma_start3A_286 : memref<128xi32, #tpu.memory_space<vmem>>) semaphore(%run_scoped3A_279 : memref<!tpu.dma_semaphore, #tpu.memory_space<semaphore_mem>>) {add = true}
        %dma_wait3A_290 = arith.constant 0 : i32
        %dma_wait3A_291 = arith.constant 0 : i32
        %dma_wait3A_292 = tpu.memref_slice %arg9[%run_scoped3A_100, %dma_wait3A_290, %dma_wait3A_291] : memref<2x128x128xf32, #tpu.memory_space<vmem>> -> memref<1x128x128xf32, #tpu.memory_space<vmem>>
        %dma_wait3A_293 = tpu.memref_squeeze %dma_wait3A_292 : memref<1x128x128xf32, #tpu.memory_space<vmem>> -> memref<128x128xf32, #tpu.memory_space<vmem>>
        %dma_wait3A_294 = arith.constant 0 : i32
        %dma_wait3A_295 = tpu.memref_slice %arg8[%rem3A_72, %run_scoped3A_101, %dma_wait3A_294] : memref<2x8x128xi32, #tpu.memory_space<vmem>> -> memref<1x1x128xi32, #tpu.memory_space<vmem>>
        %dma_wait3A_296 = tpu.memref_squeeze %dma_wait3A_295 : memref<1x1x128xi32, #tpu.memory_space<vmem>> -> memref<128xi32, #tpu.memory_space<vmem>>
        %dma_wait3A_297 = arith.constant 0 : i32
        %dma_wait3A_298 = arith.constant 0 : i32
        %dma_wait3A_299 = tpu.memref_slice %arg10[%dma_wait3A_297, %dma_wait3A_298] : memref<10112x128xf32, #tpu.memory_space<vmem_shared>> -> memref<10112x128xf32, #tpu.memory_space<vmem_shared>>
        tpu.wait_indirect_dma semaphore(%run_scoped3A_279 : memref<!tpu.dma_semaphore, #tpu.memory_space<semaphore_mem>>) src(%dma_wait3A_293 : memref<128x128xf32, #tpu.memory_space<vmem>>) dst(%dma_wait3A_299 : memref<10112x128xf32, #tpu.memory_space<vmem_shared>>)
        tpu.yield
      }) : () -> ()
      %dma_start3A_102 = arith.constant 2 : i32
      %dma_start3A_103 = arith.constant 0 : i32
      %dma_start3A_104 = arith.constant 0 : i32
      %dma_start3A_105 = arith.constant 0 : i32
      %dma_start3A_106 = tpu.memref_slice %arg9[%dma_start3A_103, %dma_start3A_104, %dma_start3A_105] : memref<2x128x128xf32, #tpu.memory_space<vmem>> -> memref<1x128x128xf32, #tpu.memory_space<vmem>>
      %dma_start3A_107 = tpu.memref_squeeze %dma_start3A_106 : memref<1x128x128xf32, #tpu.memory_space<vmem>> -> memref<128x128xf32, #tpu.memory_space<vmem>>
      %dma_start3A_108 = arith.constant 0 : i32
      %dma_start3A_109 = tpu.memref_slice %arg7[%rem3A_72, %dma_start3A_102, %dma_start3A_108] : memref<2x8x128xi32, #tpu.memory_space<vmem>> -> memref<1x1x128xi32, #tpu.memory_space<vmem>>
      %dma_start3A_110 = tpu.memref_squeeze %dma_start3A_109 : memref<1x1x128xi32, #tpu.memory_space<vmem>> -> memref<128xi32, #tpu.memory_space<vmem>>
      %dma_start3A_111 = arith.constant 0 : i32
      %dma_start3A_112 = arith.constant 0 : i32
      %dma_start3A_113 = tpu.memref_slice %arg2[%dma_start3A_111, %dma_start3A_112] : memref<10000x128xf32, #tpu.memory_space<hbm>> -> memref<10000x128xf32, #tpu.memory_space<hbm>>
      tpu.enqueue_indirect_dma source(%dma_start3A_113 : memref<10000x128xf32, #tpu.memory_space<hbm>>) target(%dma_start3A_107 : memref<128x128xf32, #tpu.memory_space<vmem>>) offsets(%dma_start3A_110 : memref<128xi32, #tpu.memory_space<vmem>>) semaphore(%arg11 : memref<!tpu.dma_semaphore, #tpu.memory_space<semaphore_mem>>)
      %dma_wait3A_114 = arith.constant 1 : i32
      %dma_wait3A_115 = arith.constant 1 : i32
      %dma_wait3A_116 = arith.constant 0 : i32
      %dma_wait3A_117 = arith.constant 0 : i32
      %dma_wait3A_118 = tpu.memref_slice %arg9[%dma_wait3A_115, %dma_wait3A_116, %dma_wait3A_117] : memref<2x128x128xf32, #tpu.memory_space<vmem>> -> memref<1x128x128xf32, #tpu.memory_space<vmem>>
      %dma_wait3A_119 = tpu.memref_squeeze %dma_wait3A_118 : memref<1x128x128xf32, #tpu.memory_space<vmem>> -> memref<128x128xf32, #tpu.memory_space<vmem>>
      %dma_wait3A_120 = arith.constant 0 : i32
      %dma_wait3A_121 = tpu.memref_slice %arg7[%rem3A_72, %dma_wait3A_114, %dma_wait3A_120] : memref<2x8x128xi32, #tpu.memory_space<vmem>> -> memref<1x1x128xi32, #tpu.memory_space<vmem>>
      %dma_wait3A_122 = tpu.memref_squeeze %dma_wait3A_121 : memref<1x1x128xi32, #tpu.memory_space<vmem>> -> memref<128xi32, #tpu.memory_space<vmem>>
      %dma_wait3A_123 = arith.constant 0 : i32
      %dma_wait3A_124 = arith.constant 0 : i32
      %dma_wait3A_125 = tpu.memref_slice %arg2[%dma_wait3A_123, %dma_wait3A_124] : memref<10000x128xf32, #tpu.memory_space<hbm>> -> memref<10000x128xf32, #tpu.memory_space<hbm>>
      tpu.wait_indirect_dma semaphore(%arg12 : memref<!tpu.dma_semaphore, #tpu.memory_space<semaphore_mem>>) src(%dma_wait3A_125 : memref<10000x128xf32, #tpu.memory_space<hbm>>) dst(%dma_wait3A_119 : memref<128x128xf32, #tpu.memory_space<vmem>>)
      %run_scoped3A_126 = arith.constant 1 : i32
      %run_scoped3A_127 = arith.constant 1 : i32
      "tpu.region"() ({
        %run_scoped3A_279 = tpu.sem_alloc : memref<!tpu.dma_semaphore, #tpu.memory_space<semaphore_mem>>
        %dma_start3A_280 = arith.constant 0 : i32
        %dma_start3A_281 = arith.constant 0 : i32
        %dma_start3A_282 = tpu.memref_slice %arg9[%run_scoped3A_126, %dma_start3A_280, %dma_start3A_281] : memref<2x128x128xf32, #tpu.memory_space<vmem>> -> memref<1x128x128xf32, #tpu.memory_space<vmem>>
        %dma_start3A_283 = tpu.memref_squeeze %dma_start3A_282 : memref<1x128x128xf32, #tpu.memory_space<vmem>> -> memref<128x128xf32, #tpu.memory_space<vmem>>
        %dma_start3A_284 = arith.constant 0 : i32
        %dma_start3A_285 = tpu.memref_slice %arg8[%rem3A_72, %run_scoped3A_127, %dma_start3A_284] : memref<2x8x128xi32, #tpu.memory_space<vmem>> -> memref<1x1x128xi32, #tpu.memory_space<vmem>>
        %dma_start3A_286 = tpu.memref_squeeze %dma_start3A_285 : memref<1x1x128xi32, #tpu.memory_space<vmem>> -> memref<128xi32, #tpu.memory_space<vmem>>
        %dma_start3A_287 = arith.constant 0 : i32
        %dma_start3A_288 = arith.constant 0 : i32
        %dma_start3A_289 = tpu.memref_slice %arg10[%dma_start3A_287, %dma_start3A_288] : memref<10112x128xf32, #tpu.memory_space<vmem_shared>> -> memref<10112x128xf32, #tpu.memory_space<vmem_shared>>
        tpu.enqueue_indirect_dma source(%dma_start3A_283 : memref<128x128xf32, #tpu.memory_space<vmem>>) target(%dma_start3A_289 : memref<10112x128xf32, #tpu.memory_space<vmem_shared>>) offsets(%dma_start3A_286 : memref<128xi32, #tpu.memory_space<vmem>>) semaphore(%run_scoped3A_279 : memref<!tpu.dma_semaphore, #tpu.memory_space<semaphore_mem>>) {add = true}
        %dma_wait3A_290 = arith.constant 0 : i32
        %dma_wait3A_291 = arith.constant 0 : i32
        %dma_wait3A_292 = tpu.memref_slice %arg9[%run_scoped3A_126, %dma_wait3A_290, %dma_wait3A_291] : memref<2x128x128xf32, #tpu.memory_space<vmem>> -> memref<1x128x128xf32, #tpu.memory_space<vmem>>
        %dma_wait3A_293 = tpu.memref_squeeze %dma_wait3A_292 : memref<1x128x128xf32, #tpu.memory_space<vmem>> -> memref<128x128xf32, #tpu.memory_space<vmem>>
        %dma_wait3A_294 = arith.constant 0 : i32
        %dma_wait3A_295 = tpu.memref_slice %arg8[%rem3A_72, %run_scoped3A_127, %dma_wait3A_294] : memref<2x8x128xi32, #tpu.memory_space<vmem>> -> memref<1x1x128xi32, #tpu.memory_space<vmem>>
        %dma_wait3A_296 = tpu.memref_squeeze %dma_wait3A_295 : memref<1x1x128xi32, #tpu.memory_space<vmem>> -> memref<128xi32, #tpu.memory_space<vmem>>
        %dma_wait3A_297 = arith.constant 0 : i32
        %dma_wait3A_298 = arith.constant 0 : i32
        %dma_wait3A_299 = tpu.memref_slice %arg10[%dma_wait3A_297, %dma_wait3A_298] : memref<10112x128xf32, #tpu.memory_space<vmem_shared>> -> memref<10112x128xf32, #tpu.memory_space<vmem_shared>>
        tpu.wait_indirect_dma semaphore(%run_scoped3A_279 : memref<!tpu.dma_semaphore, #tpu.memory_space<semaphore_mem>>) src(%dma_wait3A_293 : memref<128x128xf32, #tpu.memory_space<vmem>>) dst(%dma_wait3A_299 : memref<10112x128xf32, #tpu.memory_space<vmem_shared>>)
        tpu.yield
      }) : () -> ()
      %dma_start3A_128 = arith.constant 3 : i32
      %dma_start3A_129 = arith.constant 1 : i32
      %dma_start3A_130 = arith.constant 0 : i32
      %dma_start3A_131 = arith.constant 0 : i32
      %dma_start3A_132 = tpu.memref_slice %arg9[%dma_start3A_129, %dma_start3A_130, %dma_start3A_131] : memref<2x128x128xf32, #tpu.memory_space<vmem>> -> memref<1x128x128xf32, #tpu.memory_space<vmem>>
      %dma_start3A_133 = tpu.memref_squeeze %dma_start3A_132 : memref<1x128x128xf32, #tpu.memory_space<vmem>> -> memref<128x128xf32, #tpu.memory_space<vmem>>
      %dma_start3A_134 = arith.constant 0 : i32
      %dma_start3A_135 = tpu.memref_slice %arg7[%rem3A_72, %dma_start3A_128, %dma_start3A_134] : memref<2x8x128xi32, #tpu.memory_space<vmem>> -> memref<1x1x128xi32, #tpu.memory_space<vmem>>
      %dma_start3A_136 = tpu.memref_squeeze %dma_start3A_135 : memref<1x1x128xi32, #tpu.memory_space<vmem>> -> memref<128xi32, #tpu.memory_space<vmem>>
      %dma_start3A_137 = arith.constant 0 : i32
      %dma_start3A_138 = arith.constant 0 : i32
      %dma_start3A_139 = tpu.memref_slice %arg2[%dma_start3A_137, %dma_start3A_138] : memref<10000x128xf32, #tpu.memory_space<hbm>> -> memref<10000x128xf32, #tpu.memory_space<hbm>>
      tpu.enqueue_indirect_dma source(%dma_start3A_139 : memref<10000x128xf32, #tpu.memory_space<hbm>>) target(%dma_start3A_133 : memref<128x128xf32, #tpu.memory_space<vmem>>) offsets(%dma_start3A_136 : memref<128xi32, #tpu.memory_space<vmem>>) semaphore(%arg12 : memref<!tpu.dma_semaphore, #tpu.memory_space<semaphore_mem>>)
      %dma_wait3A_140 = arith.constant 2 : i32
      %dma_wait3A_141 = arith.constant 0 : i32
      %dma_wait3A_142 = arith.constant 0 : i32
      %dma_wait3A_143 = arith.constant 0 : i32
      %dma_wait3A_144 = tpu.memref_slice %arg9[%dma_wait3A_141, %dma_wait3A_142, %dma_wait3A_143] : memref<2x128x128xf32, #tpu.memory_space<vmem>> -> memref<1x128x128xf32, #tpu.memory_space<vmem>>
      %dma_wait3A_145 = tpu.memref_squeeze %dma_wait3A_144 : memref<1x128x128xf32, #tpu.memory_space<vmem>> -> memref<128x128xf32, #tpu.memory_space<vmem>>
      %dma_wait3A_146 = arith.constant 0 : i32
      %dma_wait3A_147 = tpu.memref_slice %arg7[%rem3A_72, %dma_wait3A_140, %dma_wait3A_146] : memref<2x8x128xi32, #tpu.memory_space<vmem>> -> memref<1x1x128xi32, #tpu.memory_space<vmem>>
      %dma_wait3A_148 = tpu.memref_squeeze %dma_wait3A_147 : memref<1x1x128xi32, #tpu.memory_space<vmem>> -> memref<128xi32, #tpu.memory_space<vmem>>
      %dma_wait3A_149 = arith.constant 0 : i32
      %dma_wait3A_150 = arith.constant 0 : i32
      %dma_wait3A_151 = tpu.memref_slice %arg2[%dma_wait3A_149, %dma_wait3A_150] : memref<10000x128xf32, #tpu.memory_space<hbm>> -> memref<10000x128xf32, #tpu.memory_space<hbm>>
      tpu.wait_indirect_dma semaphore(%arg11 : memref<!tpu.dma_semaphore, #tpu.memory_space<semaphore_mem>>) src(%dma_wait3A_151 : memref<10000x128xf32, #tpu.memory_space<hbm>>) dst(%dma_wait3A_145 : memref<128x128xf32, #tpu.memory_space<vmem>>)
      %run_scoped3A_152 = arith.constant 0 : i32
      %run_scoped3A_153 = arith.constant 2 : i32
      "tpu.region"() ({
        %run_scoped3A_279 = tpu.sem_alloc : memref<!tpu.dma_semaphore, #tpu.memory_space<semaphore_mem>>
        %dma_start3A_280 = arith.constant 0 : i32
        %dma_start3A_281 = arith.constant 0 : i32
        %dma_start3A_282 = tpu.memref_slice %arg9[%run_scoped3A_152, %dma_start3A_280, %dma_start3A_281] : memref<2x128x128xf32, #tpu.memory_space<vmem>> -> memref<1x128x128xf32, #tpu.memory_space<vmem>>
        %dma_start3A_283 = tpu.memref_squeeze %dma_start3A_282 : memref<1x128x128xf32, #tpu.memory_space<vmem>> -> memref<128x128xf32, #tpu.memory_space<vmem>>
        %dma_start3A_284 = arith.constant 0 : i32
        %dma_start3A_285 = tpu.memref_slice %arg8[%rem3A_72, %run_scoped3A_153, %dma_start3A_284] : memref<2x8x128xi32, #tpu.memory_space<vmem>> -> memref<1x1x128xi32, #tpu.memory_space<vmem>>
        %dma_start3A_286 = tpu.memref_squeeze %dma_start3A_285 : memref<1x1x128xi32, #tpu.memory_space<vmem>> -> memref<128xi32, #tpu.memory_space<vmem>>
        %dma_start3A_287 = arith.constant 0 : i32
        %dma_start3A_288 = arith.constant 0 : i32
        %dma_start3A_289 = tpu.memref_slice %arg10[%dma_start3A_287, %dma_start3A_288] : memref<10112x128xf32, #tpu.memory_space<vmem_shared>> -> memref<10112x128xf32, #tpu.memory_space<vmem_shared>>
        tpu.enqueue_indirect_dma source(%dma_start3A_283 : memref<128x128xf32, #tpu.memory_space<vmem>>) target(%dma_start3A_289 : memref<10112x128xf32, #tpu.memory_space<vmem_shared>>) offsets(%dma_start3A_286 : memref<128xi32, #tpu.memory_space<vmem>>) semaphore(%run_scoped3A_279 : memref<!tpu.dma_semaphore, #tpu.memory_space<semaphore_mem>>) {add = true}
        %dma_wait3A_290 = arith.constant 0 : i32
        %dma_wait3A_291 = arith.constant 0 : i32
        %dma_wait3A_292 = tpu.memref_slice %arg9[%run_scoped3A_152, %dma_wait3A_290, %dma_wait3A_291] : memref<2x128x128xf32, #tpu.memory_space<vmem>> -> memref<1x128x128xf32, #tpu.memory_space<vmem>>
        %dma_wait3A_293 = tpu.memref_squeeze %dma_wait3A_292 : memref<1x128x128xf32, #tpu.memory_space<vmem>> -> memref<128x128xf32, #tpu.memory_space<vmem>>
        %dma_wait3A_294 = arith.constant 0 : i32
        %dma_wait3A_295 = tpu.memref_slice %arg8[%rem3A_72, %run_scoped3A_153, %dma_wait3A_294] : memref<2x8x128xi32, #tpu.memory_space<vmem>> -> memref<1x1x128xi32, #tpu.memory_space<vmem>>
        %dma_wait3A_296 = tpu.memref_squeeze %dma_wait3A_295 : memref<1x1x128xi32, #tpu.memory_space<vmem>> -> memref<128xi32, #tpu.memory_space<vmem>>
        %dma_wait3A_297 = arith.constant 0 : i32
        %dma_wait3A_298 = arith.constant 0 : i32
        %dma_wait3A_299 = tpu.memref_slice %arg10[%dma_wait3A_297, %dma_wait3A_298] : memref<10112x128xf32, #tpu.memory_space<vmem_shared>> -> memref<10112x128xf32, #tpu.memory_space<vmem_shared>>
        tpu.wait_indirect_dma semaphore(%run_scoped3A_279 : memref<!tpu.dma_semaphore, #tpu.memory_space<semaphore_mem>>) src(%dma_wait3A_293 : memref<128x128xf32, #tpu.memory_space<vmem>>) dst(%dma_wait3A_299 : memref<10112x128xf32, #tpu.memory_space<vmem_shared>>)
        tpu.yield
      }) : () -> ()
      %dma_start3A_154 = arith.constant 4 : i32
      %dma_start3A_155 = arith.constant 0 : i32
      %dma_start3A_156 = arith.constant 0 : i32
      %dma_start3A_157 = arith.constant 0 : i32
      %dma_start3A_158 = tpu.memref_slice %arg9[%dma_start3A_155, %dma_start3A_156, %dma_start3A_157] : memref<2x128x128xf32, #tpu.memory_space<vmem>> -> memref<1x128x128xf32, #tpu.memory_space<vmem>>
      %dma_start3A_159 = tpu.memref_squeeze %dma_start3A_158 : memref<1x128x128xf32, #tpu.memory_space<vmem>> -> memref<128x128xf32, #tpu.memory_space<vmem>>
      %dma_start3A_160 = arith.constant 0 : i32
      %dma_start3A_161 = tpu.memref_slice %arg7[%rem3A_72, %dma_start3A_154, %dma_start3A_160] : memref<2x8x128xi32, #tpu.memory_space<vmem>> -> memref<1x1x128xi32, #tpu.memory_space<vmem>>
      %dma_start3A_162 = tpu.memref_squeeze %dma_start3A_161 : memref<1x1x128xi32, #tpu.memory_space<vmem>> -> memref<128xi32, #tpu.memory_space<vmem>>
      %dma_start3A_163 = arith.constant 0 : i32
      %dma_start3A_164 = arith.constant 0 : i32
      %dma_start3A_165 = tpu.memref_slice %arg2[%dma_start3A_163, %dma_start3A_164] : memref<10000x128xf32, #tpu.memory_space<hbm>> -> memref<10000x128xf32, #tpu.memory_space<hbm>>
      tpu.enqueue_indirect_dma source(%dma_start3A_165 : memref<10000x128xf32, #tpu.memory_space<hbm>>) target(%dma_start3A_159 : memref<128x128xf32, #tpu.memory_space<vmem>>) offsets(%dma_start3A_162 : memref<128xi32, #tpu.memory_space<vmem>>) semaphore(%arg11 : memref<!tpu.dma_semaphore, #tpu.memory_space<semaphore_mem>>)
      %dma_wait3A_166 = arith.constant 3 : i32
      %dma_wait3A_167 = arith.constant 1 : i32
      %dma_wait3A_168 = arith.constant 0 : i32
      %dma_wait3A_169 = arith.constant 0 : i32
      %dma_wait3A_170 = tpu.memref_slice %arg9[%dma_wait3A_167, %dma_wait3A_168, %dma_wait3A_169] : memref<2x128x128xf32, #tpu.memory_space<vmem>> -> memref<1x128x128xf32, #tpu.memory_space<vmem>>
      %dma_wait3A_171 = tpu.memref_squeeze %dma_wait3A_170 : memref<1x128x128xf32, #tpu.memory_space<vmem>> -> memref<128x128xf32, #tpu.memory_space<vmem>>
      %dma_wait3A_172 = arith.constant 0 : i32
      %dma_wait3A_173 = tpu.memref_slice %arg7[%rem3A_72, %dma_wait3A_166, %dma_wait3A_172] : memref<2x8x128xi32, #tpu.memory_space<vmem>> -> memref<1x1x128xi32, #tpu.memory_space<vmem>>
      %dma_wait3A_174 = tpu.memref_squeeze %dma_wait3A_173 : memref<1x1x128xi32, #tpu.memory_space<vmem>> -> memref<128xi32, #tpu.memory_space<vmem>>
      %dma_wait3A_175 = arith.constant 0 : i32
      %dma_wait3A_176 = arith.constant 0 : i32
      %dma_wait3A_177 = tpu.memref_slice %arg2[%dma_wait3A_175, %dma_wait3A_176] : memref<10000x128xf32, #tpu.memory_space<hbm>> -> memref<10000x128xf32, #tpu.memory_space<hbm>>
      tpu.wait_indirect_dma semaphore(%arg12 : memref<!tpu.dma_semaphore, #tpu.memory_space<semaphore_mem>>) src(%dma_wait3A_177 : memref<10000x128xf32, #tpu.memory_space<hbm>>) dst(%dma_wait3A_171 : memref<128x128xf32, #tpu.memory_space<vmem>>)
      %run_scoped3A_178 = arith.constant 1 : i32
      %run_scoped3A_179 = arith.constant 3 : i32
      "tpu.region"() ({
        %run_scoped3A_279 = tpu.sem_alloc : memref<!tpu.dma_semaphore, #tpu.memory_space<semaphore_mem>>
        %dma_start3A_280 = arith.constant 0 : i32
        %dma_start3A_281 = arith.constant 0 : i32
        %dma_start3A_282 = tpu.memref_slice %arg9[%run_scoped3A_178, %dma_start3A_280, %dma_start3A_281] : memref<2x128x128xf32, #tpu.memory_space<vmem>> -> memref<1x128x128xf32, #tpu.memory_space<vmem>>
        %dma_start3A_283 = tpu.memref_squeeze %dma_start3A_282 : memref<1x128x128xf32, #tpu.memory_space<vmem>> -> memref<128x128xf32, #tpu.memory_space<vmem>>
        %dma_start3A_284 = arith.constant 0 : i32
        %dma_start3A_285 = tpu.memref_slice %arg8[%rem3A_72, %run_scoped3A_179, %dma_start3A_284] : memref<2x8x128xi32, #tpu.memory_space<vmem>> -> memref<1x1x128xi32, #tpu.memory_space<vmem>>
        %dma_start3A_286 = tpu.memref_squeeze %dma_start3A_285 : memref<1x1x128xi32, #tpu.memory_space<vmem>> -> memref<128xi32, #tpu.memory_space<vmem>>
        %dma_start3A_287 = arith.constant 0 : i32
        %dma_start3A_288 = arith.constant 0 : i32
        %dma_start3A_289 = tpu.memref_slice %arg10[%dma_start3A_287, %dma_start3A_288] : memref<10112x128xf32, #tpu.memory_space<vmem_shared>> -> memref<10112x128xf32, #tpu.memory_space<vmem_shared>>
        tpu.enqueue_indirect_dma source(%dma_start3A_283 : memref<128x128xf32, #tpu.memory_space<vmem>>) target(%dma_start3A_289 : memref<10112x128xf32, #tpu.memory_space<vmem_shared>>) offsets(%dma_start3A_286 : memref<128xi32, #tpu.memory_space<vmem>>) semaphore(%run_scoped3A_279 : memref<!tpu.dma_semaphore, #tpu.memory_space<semaphore_mem>>) {add = true}
        %dma_wait3A_290 = arith.constant 0 : i32
        %dma_wait3A_291 = arith.constant 0 : i32
        %dma_wait3A_292 = tpu.memref_slice %arg9[%run_scoped3A_178, %dma_wait3A_290, %dma_wait3A_291] : memref<2x128x128xf32, #tpu.memory_space<vmem>> -> memref<1x128x128xf32, #tpu.memory_space<vmem>>
        %dma_wait3A_293 = tpu.memref_squeeze %dma_wait3A_292 : memref<1x128x128xf32, #tpu.memory_space<vmem>> -> memref<128x128xf32, #tpu.memory_space<vmem>>
        %dma_wait3A_294 = arith.constant 0 : i32
        %dma_wait3A_295 = tpu.memref_slice %arg8[%rem3A_72, %run_scoped3A_179, %dma_wait3A_294] : memref<2x8x128xi32, #tpu.memory_space<vmem>> -> memref<1x1x128xi32, #tpu.memory_space<vmem>>
        %dma_wait3A_296 = tpu.memref_squeeze %dma_wait3A_295 : memref<1x1x128xi32, #tpu.memory_space<vmem>> -> memref<128xi32, #tpu.memory_space<vmem>>
        %dma_wait3A_297 = arith.constant 0 : i32
        %dma_wait3A_298 = arith.constant 0 : i32
        %dma_wait3A_299 = tpu.memref_slice %arg10[%dma_wait3A_297, %dma_wait3A_298] : memref<10112x128xf32, #tpu.memory_space<vmem_shared>> -> memref<10112x128xf32, #tpu.memory_space<vmem_shared>>
        tpu.wait_indirect_dma semaphore(%run_scoped3A_279 : memref<!tpu.dma_semaphore, #tpu.memory_space<semaphore_mem>>) src(%dma_wait3A_293 : memref<128x128xf32, #tpu.memory_space<vmem>>) dst(%dma_wait3A_299 : memref<10112x128xf32, #tpu.memory_space<vmem_shared>>)
        tpu.yield
      }) : () -> ()
      %dma_start3A_180 = arith.constant 5 : i32
      %dma_start3A_181 = arith.constant 1 : i32
      %dma_start3A_182 = arith.constant 0 : i32
      %dma_start3A_183 = arith.constant 0 : i32
      %dma_start3A_184 = tpu.memref_slice %arg9[%dma_start3A_181, %dma_start3A_182, %dma_start3A_183] : memref<2x128x128xf32, #tpu.memory_space<vmem>> -> memref<1x128x128xf32, #tpu.memory_space<vmem>>
      %dma_start3A_185 = tpu.memref_squeeze %dma_start3A_184 : memref<1x128x128xf32, #tpu.memory_space<vmem>> -> memref<128x128xf32, #tpu.memory_space<vmem>>
      %dma_start3A_186 = arith.constant 0 : i32
      %dma_start3A_187 = tpu.memref_slice %arg7[%rem3A_72, %dma_start3A_180, %dma_start3A_186] : memref<2x8x128xi32, #tpu.memory_space<vmem>> -> memref<1x1x128xi32, #tpu.memory_space<vmem>>
      %dma_start3A_188 = tpu.memref_squeeze %dma_start3A_187 : memref<1x1x128xi32, #tpu.memory_space<vmem>> -> memref<128xi32, #tpu.memory_space<vmem>>
      %dma_start3A_189 = arith.constant 0 : i32
      %dma_start3A_190 = arith.constant 0 : i32
      %dma_start3A_191 = tpu.memref_slice %arg2[%dma_start3A_189, %dma_start3A_190] : memref<10000x128xf32, #tpu.memory_space<hbm>> -> memref<10000x128xf32, #tpu.memory_space<hbm>>
      tpu.enqueue_indirect_dma source(%dma_start3A_191 : memref<10000x128xf32, #tpu.memory_space<hbm>>) target(%dma_start3A_185 : memref<128x128xf32, #tpu.memory_space<vmem>>) offsets(%dma_start3A_188 : memref<128xi32, #tpu.memory_space<vmem>>) semaphore(%arg12 : memref<!tpu.dma_semaphore, #tpu.memory_space<semaphore_mem>>)
      %dma_wait3A_192 = arith.constant 4 : i32
      %dma_wait3A_193 = arith.constant 0 : i32
      %dma_wait3A_194 = arith.constant 0 : i32
      %dma_wait3A_195 = arith.constant 0 : i32
      %dma_wait3A_196 = tpu.memref_slice %arg9[%dma_wait3A_193, %dma_wait3A_194, %dma_wait3A_195] : memref<2x128x128xf32, #tpu.memory_space<vmem>> -> memref<1x128x128xf32, #tpu.memory_space<vmem>>
      %dma_wait3A_197 = tpu.memref_squeeze %dma_wait3A_196 : memref<1x128x128xf32, #tpu.memory_space<vmem>> -> memref<128x128xf32, #tpu.memory_space<vmem>>
      %dma_wait3A_198 = arith.constant 0 : i32
      %dma_wait3A_199 = tpu.memref_slice %arg7[%rem3A_72, %dma_wait3A_192, %dma_wait3A_198] : memref<2x8x128xi32, #tpu.memory_space<vmem>> -> memref<1x1x128xi32, #tpu.memory_space<vmem>>
      %dma_wait3A_200 = tpu.memref_squeeze %dma_wait3A_199 : memref<1x1x128xi32, #tpu.memory_space<vmem>> -> memref<128xi32, #tpu.memory_space<vmem>>
      %dma_wait3A_201 = arith.constant 0 : i32
      %dma_wait3A_202 = arith.constant 0 : i32
      %dma_wait3A_203 = tpu.memref_slice %arg2[%dma_wait3A_201, %dma_wait3A_202] : memref<10000x128xf32, #tpu.memory_space<hbm>> -> memref<10000x128xf32, #tpu.memory_space<hbm>>
      tpu.wait_indirect_dma semaphore(%arg11 : memref<!tpu.dma_semaphore, #tpu.memory_space<semaphore_mem>>) src(%dma_wait3A_203 : memref<10000x128xf32, #tpu.memory_space<hbm>>) dst(%dma_wait3A_197 : memref<128x128xf32, #tpu.memory_space<vmem>>)
      %run_scoped3A_204 = arith.constant 0 : i32
      %run_scoped3A_205 = arith.constant 4 : i32
      "tpu.region"() ({
        %run_scoped3A_279 = tpu.sem_alloc : memref<!tpu.dma_semaphore, #tpu.memory_space<semaphore_mem>>
        %dma_start3A_280 = arith.constant 0 : i32
        %dma_start3A_281 = arith.constant 0 : i32
        %dma_start3A_282 = tpu.memref_slice %arg9[%run_scoped3A_204, %dma_start3A_280, %dma_start3A_281] : memref<2x128x128xf32, #tpu.memory_space<vmem>> -> memref<1x128x128xf32, #tpu.memory_space<vmem>>
        %dma_start3A_283 = tpu.memref_squeeze %dma_start3A_282 : memref<1x128x128xf32, #tpu.memory_space<vmem>> -> memref<128x128xf32, #tpu.memory_space<vmem>>
        %dma_start3A_284 = arith.constant 0 : i32
        %dma_start3A_285 = tpu.memref_slice %arg8[%rem3A_72, %run_scoped3A_205, %dma_start3A_284] : memref<2x8x128xi32, #tpu.memory_space<vmem>> -> memref<1x1x128xi32, #tpu.memory_space<vmem>>
        %dma_start3A_286 = tpu.memref_squeeze %dma_start3A_285 : memref<1x1x128xi32, #tpu.memory_space<vmem>> -> memref<128xi32, #tpu.memory_space<vmem>>
        %dma_start3A_287 = arith.constant 0 : i32
        %dma_start3A_288 = arith.constant 0 : i32
        %dma_start3A_289 = tpu.memref_slice %arg10[%dma_start3A_287, %dma_start3A_288] : memref<10112x128xf32, #tpu.memory_space<vmem_shared>> -> memref<10112x128xf32, #tpu.memory_space<vmem_shared>>
        tpu.enqueue_indirect_dma source(%dma_start3A_283 : memref<128x128xf32, #tpu.memory_space<vmem>>) target(%dma_start3A_289 : memref<10112x128xf32, #tpu.memory_space<vmem_shared>>) offsets(%dma_start3A_286 : memref<128xi32, #tpu.memory_space<vmem>>) semaphore(%run_scoped3A_279 : memref<!tpu.dma_semaphore, #tpu.memory_space<semaphore_mem>>) {add = true}
        %dma_wait3A_290 = arith.constant 0 : i32
        %dma_wait3A_291 = arith.constant 0 : i32
        %dma_wait3A_292 = tpu.memref_slice %arg9[%run_scoped3A_204, %dma_wait3A_290, %dma_wait3A_291] : memref<2x128x128xf32, #tpu.memory_space<vmem>> -> memref<1x128x128xf32, #tpu.memory_space<vmem>>
        %dma_wait3A_293 = tpu.memref_squeeze %dma_wait3A_292 : memref<1x128x128xf32, #tpu.memory_space<vmem>> -> memref<128x128xf32, #tpu.memory_space<vmem>>
        %dma_wait3A_294 = arith.constant 0 : i32
        %dma_wait3A_295 = tpu.memref_slice %arg8[%rem3A_72, %run_scoped3A_205, %dma_wait3A_294] : memref<2x8x128xi32, #tpu.memory_space<vmem>> -> memref<1x1x128xi32, #tpu.memory_space<vmem>>
        %dma_wait3A_296 = tpu.memref_squeeze %dma_wait3A_295 : memref<1x1x128xi32, #tpu.memory_space<vmem>> -> memref<128xi32, #tpu.memory_space<vmem>>
        %dma_wait3A_297 = arith.constant 0 : i32
        %dma_wait3A_298 = arith.constant 0 : i32
        %dma_wait3A_299 = tpu.memref_slice %arg10[%dma_wait3A_297, %dma_wait3A_298] : memref<10112x128xf32, #tpu.memory_space<vmem_shared>> -> memref<10112x128xf32, #tpu.memory_space<vmem_shared>>
        tpu.wait_indirect_dma semaphore(%run_scoped3A_279 : memref<!tpu.dma_semaphore, #tpu.memory_space<semaphore_mem>>) src(%dma_wait3A_293 : memref<128x128xf32, #tpu.memory_space<vmem>>) dst(%dma_wait3A_299 : memref<10112x128xf32, #tpu.memory_space<vmem_shared>>)
        tpu.yield
      }) : () -> ()
      %dma_start3A_206 = arith.constant 6 : i32
      %dma_start3A_207 = arith.constant 0 : i32
      %dma_start3A_208 = arith.constant 0 : i32
      %dma_start3A_209 = arith.constant 0 : i32
      %dma_start3A_210 = tpu.memref_slice %arg9[%dma_start3A_207, %dma_start3A_208, %dma_start3A_209] : memref<2x128x128xf32, #tpu.memory_space<vmem>> -> memref<1x128x128xf32, #tpu.memory_space<vmem>>
      %dma_start3A_211 = tpu.memref_squeeze %dma_start3A_210 : memref<1x128x128xf32, #tpu.memory_space<vmem>> -> memref<128x128xf32, #tpu.memory_space<vmem>>
      %dma_start3A_212 = arith.constant 0 : i32
      %dma_start3A_213 = tpu.memref_slice %arg7[%rem3A_72, %dma_start3A_206, %dma_start3A_212] : memref<2x8x128xi32, #tpu.memory_space<vmem>> -> memref<1x1x128xi32, #tpu.memory_space<vmem>>
      %dma_start3A_214 = tpu.memref_squeeze %dma_start3A_213 : memref<1x1x128xi32, #tpu.memory_space<vmem>> -> memref<128xi32, #tpu.memory_space<vmem>>
      %dma_start3A_215 = arith.constant 0 : i32
      %dma_start3A_216 = arith.constant 0 : i32
      %dma_start3A_217 = tpu.memref_slice %arg2[%dma_start3A_215, %dma_start3A_216] : memref<10000x128xf32, #tpu.memory_space<hbm>> -> memref<10000x128xf32, #tpu.memory_space<hbm>>
      tpu.enqueue_indirect_dma source(%dma_start3A_217 : memref<10000x128xf32, #tpu.memory_space<hbm>>) target(%dma_start3A_211 : memref<128x128xf32, #tpu.memory_space<vmem>>) offsets(%dma_start3A_214 : memref<128xi32, #tpu.memory_space<vmem>>) semaphore(%arg11 : memref<!tpu.dma_semaphore, #tpu.memory_space<semaphore_mem>>)
      %dma_wait3A_218 = arith.constant 5 : i32
      %dma_wait3A_219 = arith.constant 1 : i32
      %dma_wait3A_220 = arith.constant 0 : i32
      %dma_wait3A_221 = arith.constant 0 : i32
      %dma_wait3A_222 = tpu.memref_slice %arg9[%dma_wait3A_219, %dma_wait3A_220, %dma_wait3A_221] : memref<2x128x128xf32, #tpu.memory_space<vmem>> -> memref<1x128x128xf32, #tpu.memory_space<vmem>>
      %dma_wait3A_223 = tpu.memref_squeeze %dma_wait3A_222 : memref<1x128x128xf32, #tpu.memory_space<vmem>> -> memref<128x128xf32, #tpu.memory_space<vmem>>
      %dma_wait3A_224 = arith.constant 0 : i32
      %dma_wait3A_225 = tpu.memref_slice %arg7[%rem3A_72, %dma_wait3A_218, %dma_wait3A_224] : memref<2x8x128xi32, #tpu.memory_space<vmem>> -> memref<1x1x128xi32, #tpu.memory_space<vmem>>
      %dma_wait3A_226 = tpu.memref_squeeze %dma_wait3A_225 : memref<1x1x128xi32, #tpu.memory_space<vmem>> -> memref<128xi32, #tpu.memory_space<vmem>>
      %dma_wait3A_227 = arith.constant 0 : i32
      %dma_wait3A_228 = arith.constant 0 : i32
      %dma_wait3A_229 = tpu.memref_slice %arg2[%dma_wait3A_227, %dma_wait3A_228] : memref<10000x128xf32, #tpu.memory_space<hbm>> -> memref<10000x128xf32, #tpu.memory_space<hbm>>
      tpu.wait_indirect_dma semaphore(%arg12 : memref<!tpu.dma_semaphore, #tpu.memory_space<semaphore_mem>>) src(%dma_wait3A_229 : memref<10000x128xf32, #tpu.memory_space<hbm>>) dst(%dma_wait3A_223 : memref<128x128xf32, #tpu.memory_space<vmem>>)
      %run_scoped3A_230 = arith.constant 1 : i32
      %run_scoped3A_231 = arith.constant 5 : i32
      "tpu.region"() ({
        %run_scoped3A_279 = tpu.sem_alloc : memref<!tpu.dma_semaphore, #tpu.memory_space<semaphore_mem>>
        %dma_start3A_280 = arith.constant 0 : i32
        %dma_start3A_281 = arith.constant 0 : i32
        %dma_start3A_282 = tpu.memref_slice %arg9[%run_scoped3A_230, %dma_start3A_280, %dma_start3A_281] : memref<2x128x128xf32, #tpu.memory_space<vmem>> -> memref<1x128x128xf32, #tpu.memory_space<vmem>>
        %dma_start3A_283 = tpu.memref_squeeze %dma_start3A_282 : memref<1x128x128xf32, #tpu.memory_space<vmem>> -> memref<128x128xf32, #tpu.memory_space<vmem>>
        %dma_start3A_284 = arith.constant 0 : i32
        %dma_start3A_285 = tpu.memref_slice %arg8[%rem3A_72, %run_scoped3A_231, %dma_start3A_284] : memref<2x8x128xi32, #tpu.memory_space<vmem>> -> memref<1x1x128xi32, #tpu.memory_space<vmem>>
        %dma_start3A_286 = tpu.memref_squeeze %dma_start3A_285 : memref<1x1x128xi32, #tpu.memory_space<vmem>> -> memref<128xi32, #tpu.memory_space<vmem>>
        %dma_start3A_287 = arith.constant 0 : i32
        %dma_start3A_288 = arith.constant 0 : i32
        %dma_start3A_289 = tpu.memref_slice %arg10[%dma_start3A_287, %dma_start3A_288] : memref<10112x128xf32, #tpu.memory_space<vmem_shared>> -> memref<10112x128xf32, #tpu.memory_space<vmem_shared>>
        tpu.enqueue_indirect_dma source(%dma_start3A_283 : memref<128x128xf32, #tpu.memory_space<vmem>>) target(%dma_start3A_289 : memref<10112x128xf32, #tpu.memory_space<vmem_shared>>) offsets(%dma_start3A_286 : memref<128xi32, #tpu.memory_space<vmem>>) semaphore(%run_scoped3A_279 : memref<!tpu.dma_semaphore, #tpu.memory_space<semaphore_mem>>) {add = true}
        %dma_wait3A_290 = arith.constant 0 : i32
        %dma_wait3A_291 = arith.constant 0 : i32
        %dma_wait3A_292 = tpu.memref_slice %arg9[%run_scoped3A_230, %dma_wait3A_290, %dma_wait3A_291] : memref<2x128x128xf32, #tpu.memory_space<vmem>> -> memref<1x128x128xf32, #tpu.memory_space<vmem>>
        %dma_wait3A_293 = tpu.memref_squeeze %dma_wait3A_292 : memref<1x128x128xf32, #tpu.memory_space<vmem>> -> memref<128x128xf32, #tpu.memory_space<vmem>>
        %dma_wait3A_294 = arith.constant 0 : i32
        %dma_wait3A_295 = tpu.memref_slice %arg8[%rem3A_72, %run_scoped3A_231, %dma_wait3A_294] : memref<2x8x128xi32, #tpu.memory_space<vmem>> -> memref<1x1x128xi32, #tpu.memory_space<vmem>>
        %dma_wait3A_296 = tpu.memref_squeeze %dma_wait3A_295 : memref<1x1x128xi32, #tpu.memory_space<vmem>> -> memref<128xi32, #tpu.memory_space<vmem>>
        %dma_wait3A_297 = arith.constant 0 : i32
        %dma_wait3A_298 = arith.constant 0 : i32
        %dma_wait3A_299 = tpu.memref_slice %arg10[%dma_wait3A_297, %dma_wait3A_298] : memref<10112x128xf32, #tpu.memory_space<vmem_shared>> -> memref<10112x128xf32, #tpu.memory_space<vmem_shared>>
        tpu.wait_indirect_dma semaphore(%run_scoped3A_279 : memref<!tpu.dma_semaphore, #tpu.memory_space<semaphore_mem>>) src(%dma_wait3A_293 : memref<128x128xf32, #tpu.memory_space<vmem>>) dst(%dma_wait3A_299 : memref<10112x128xf32, #tpu.memory_space<vmem_shared>>)
        tpu.yield
      }) : () -> ()
      %dma_start3A_232 = arith.constant 7 : i32
      %dma_start3A_233 = arith.constant 1 : i32
      %dma_start3A_234 = arith.constant 0 : i32
      %dma_start3A_235 = arith.constant 0 : i32
      %dma_start3A_236 = tpu.memref_slice %arg9[%dma_start3A_233, %dma_start3A_234, %dma_start3A_235] : memref<2x128x128xf32, #tpu.memory_space<vmem>> -> memref<1x128x128xf32, #tpu.memory_space<vmem>>
      %dma_start3A_237 = tpu.memref_squeeze %dma_start3A_236 : memref<1x128x128xf32, #tpu.memory_space<vmem>> -> memref<128x128xf32, #tpu.memory_space<vmem>>
      %dma_start3A_238 = arith.constant 0 : i32
      %dma_start3A_239 = tpu.memref_slice %arg7[%rem3A_72, %dma_start3A_232, %dma_start3A_238] : memref<2x8x128xi32, #tpu.memory_space<vmem>> -> memref<1x1x128xi32, #tpu.memory_space<vmem>>
      %dma_start3A_240 = tpu.memref_squeeze %dma_start3A_239 : memref<1x1x128xi32, #tpu.memory_space<vmem>> -> memref<128xi32, #tpu.memory_space<vmem>>
      %dma_start3A_241 = arith.constant 0 : i32
      %dma_start3A_242 = arith.constant 0 : i32
      %dma_start3A_243 = tpu.memref_slice %arg2[%dma_start3A_241, %dma_start3A_242] : memref<10000x128xf32, #tpu.memory_space<hbm>> -> memref<10000x128xf32, #tpu.memory_space<hbm>>
      tpu.enqueue_indirect_dma source(%dma_start3A_243 : memref<10000x128xf32, #tpu.memory_space<hbm>>) target(%dma_start3A_237 : memref<128x128xf32, #tpu.memory_space<vmem>>) offsets(%dma_start3A_240 : memref<128xi32, #tpu.memory_space<vmem>>) semaphore(%arg12 : memref<!tpu.dma_semaphore, #tpu.memory_space<semaphore_mem>>)
      %dma_wait3A_244 = arith.constant 6 : i32
      %dma_wait3A_245 = arith.constant 0 : i32
      %dma_wait3A_246 = arith.constant 0 : i32
      %dma_wait3A_247 = arith.constant 0 : i32
      %dma_wait3A_248 = tpu.memref_slice %arg9[%dma_wait3A_245, %dma_wait3A_246, %dma_wait3A_247] : memref<2x128x128xf32, #tpu.memory_space<vmem>> -> memref<1x128x128xf32, #tpu.memory_space<vmem>>
      %dma_wait3A_249 = tpu.memref_squeeze %dma_wait3A_248 : memref<1x128x128xf32, #tpu.memory_space<vmem>> -> memref<128x128xf32, #tpu.memory_space<vmem>>
      %dma_wait3A_250 = arith.constant 0 : i32
      %dma_wait3A_251 = tpu.memref_slice %arg7[%rem3A_72, %dma_wait3A_244, %dma_wait3A_250] : memref<2x8x128xi32, #tpu.memory_space<vmem>> -> memref<1x1x128xi32, #tpu.memory_space<vmem>>
      %dma_wait3A_252 = tpu.memref_squeeze %dma_wait3A_251 : memref<1x1x128xi32, #tpu.memory_space<vmem>> -> memref<128xi32, #tpu.memory_space<vmem>>
      %dma_wait3A_253 = arith.constant 0 : i32
      %dma_wait3A_254 = arith.constant 0 : i32
      %dma_wait3A_255 = tpu.memref_slice %arg2[%dma_wait3A_253, %dma_wait3A_254] : memref<10000x128xf32, #tpu.memory_space<hbm>> -> memref<10000x128xf32, #tpu.memory_space<hbm>>
      tpu.wait_indirect_dma semaphore(%arg11 : memref<!tpu.dma_semaphore, #tpu.memory_space<semaphore_mem>>) src(%dma_wait3A_255 : memref<10000x128xf32, #tpu.memory_space<hbm>>) dst(%dma_wait3A_249 : memref<128x128xf32, #tpu.memory_space<vmem>>)
      %run_scoped3A_256 = arith.constant 0 : i32
      %run_scoped3A_257 = arith.constant 6 : i32
      "tpu.region"() ({
        %run_scoped3A_279 = tpu.sem_alloc : memref<!tpu.dma_semaphore, #tpu.memory_space<semaphore_mem>>
        %dma_start3A_280 = arith.constant 0 : i32
        %dma_start3A_281 = arith.constant 0 : i32
        %dma_start3A_282 = tpu.memref_slice %arg9[%run_scoped3A_256, %dma_start3A_280, %dma_start3A_281] : memref<2x128x128xf32, #tpu.memory_space<vmem>> -> memref<1x128x128xf32, #tpu.memory_space<vmem>>
        %dma_start3A_283 = tpu.memref_squeeze %dma_start3A_282 : memref<1x128x128xf32, #tpu.memory_space<vmem>> -> memref<128x128xf32, #tpu.memory_space<vmem>>
        %dma_start3A_284 = arith.constant 0 : i32
        %dma_start3A_285 = tpu.memref_slice %arg8[%rem3A_72, %run_scoped3A_257, %dma_start3A_284] : memref<2x8x128xi32, #tpu.memory_space<vmem>> -> memref<1x1x128xi32, #tpu.memory_space<vmem>>
        %dma_start3A_286 = tpu.memref_squeeze %dma_start3A_285 : memref<1x1x128xi32, #tpu.memory_space<vmem>> -> memref<128xi32, #tpu.memory_space<vmem>>
        %dma_start3A_287 = arith.constant 0 : i32
        %dma_start3A_288 = arith.constant 0 : i32
        %dma_start3A_289 = tpu.memref_slice %arg10[%dma_start3A_287, %dma_start3A_288] : memref<10112x128xf32, #tpu.memory_space<vmem_shared>> -> memref<10112x128xf32, #tpu.memory_space<vmem_shared>>
        tpu.enqueue_indirect_dma source(%dma_start3A_283 : memref<128x128xf32, #tpu.memory_space<vmem>>) target(%dma_start3A_289 : memref<10112x128xf32, #tpu.memory_space<vmem_shared>>) offsets(%dma_start3A_286 : memref<128xi32, #tpu.memory_space<vmem>>) semaphore(%run_scoped3A_279 : memref<!tpu.dma_semaphore, #tpu.memory_space<semaphore_mem>>) {add = true}
        %dma_wait3A_290 = arith.constant 0 : i32
        %dma_wait3A_291 = arith.constant 0 : i32
        %dma_wait3A_292 = tpu.memref_slice %arg9[%run_scoped3A_256, %dma_wait3A_290, %dma_wait3A_291] : memref<2x128x128xf32, #tpu.memory_space<vmem>> -> memref<1x128x128xf32, #tpu.memory_space<vmem>>
        %dma_wait3A_293 = tpu.memref_squeeze %dma_wait3A_292 : memref<1x128x128xf32, #tpu.memory_space<vmem>> -> memref<128x128xf32, #tpu.memory_space<vmem>>
        %dma_wait3A_294 = arith.constant 0 : i32
        %dma_wait3A_295 = tpu.memref_slice %arg8[%rem3A_72, %run_scoped3A_257, %dma_wait3A_294] : memref<2x8x128xi32, #tpu.memory_space<vmem>> -> memref<1x1x128xi32, #tpu.memory_space<vmem>>
        %dma_wait3A_296 = tpu.memref_squeeze %dma_wait3A_295 : memref<1x1x128xi32, #tpu.memory_space<vmem>> -> memref<128xi32, #tpu.memory_space<vmem>>
        %dma_wait3A_297 = arith.constant 0 : i32
        %dma_wait3A_298 = arith.constant 0 : i32
        %dma_wait3A_299 = tpu.memref_slice %arg10[%dma_wait3A_297, %dma_wait3A_298] : memref<10112x128xf32, #tpu.memory_space<vmem_shared>> -> memref<10112x128xf32, #tpu.memory_space<vmem_shared>>
        tpu.wait_indirect_dma semaphore(%run_scoped3A_279 : memref<!tpu.dma_semaphore, #tpu.memory_space<semaphore_mem>>) src(%dma_wait3A_293 : memref<128x128xf32, #tpu.memory_space<vmem>>) dst(%dma_wait3A_299 : memref<10112x128xf32, #tpu.memory_space<vmem_shared>>)
        tpu.yield
      }) : () -> ()
      %dma_wait3A_258 = arith.constant 7 : i32
      %dma_wait3A_259 = arith.constant 1 : i32
      %dma_wait3A_260 = arith.constant 0 : i32
      %dma_wait3A_261 = arith.constant 0 : i32
      %dma_wait3A_262 = tpu.memref_slice %arg9[%dma_wait3A_259, %dma_wait3A_260, %dma_wait3A_261] : memref<2x128x128xf32, #tpu.memory_space<vmem>> -> memref<1x128x128xf32, #tpu.memory_space<vmem>>
      %dma_wait3A_263 = tpu.memref_squeeze %dma_wait3A_262 : memref<1x128x128xf32, #tpu.memory_space<vmem>> -> memref<128x128xf32, #tpu.memory_space<vmem>>
      %dma_wait3A_264 = arith.constant 0 : i32
      %dma_wait3A_265 = tpu.memref_slice %arg7[%rem3A_72, %dma_wait3A_258, %dma_wait3A_264] : memref<2x8x128xi32, #tpu.memory_space<vmem>> -> memref<1x1x128xi32, #tpu.memory_space<vmem>>
      %dma_wait3A_266 = tpu.memref_squeeze %dma_wait3A_265 : memref<1x1x128xi32, #tpu.memory_space<vmem>> -> memref<128xi32, #tpu.memory_space<vmem>>
      %dma_wait3A_267 = arith.constant 0 : i32
      %dma_wait3A_268 = arith.constant 0 : i32
      %dma_wait3A_269 = tpu.memref_slice %arg2[%dma_wait3A_267, %dma_wait3A_268] : memref<10000x128xf32, #tpu.memory_space<hbm>> -> memref<10000x128xf32, #tpu.memory_space<hbm>>
      tpu.wait_indirect_dma semaphore(%arg12 : memref<!tpu.dma_semaphore, #tpu.memory_space<semaphore_mem>>) src(%dma_wait3A_269 : memref<10000x128xf32, #tpu.memory_space<hbm>>) dst(%dma_wait3A_263 : memref<128x128xf32, #tpu.memory_space<vmem>>)
      %run_scoped3A_270 = arith.constant 1 : i32
      %run_scoped3A_271 = arith.constant 7 : i32
      "tpu.region"() ({
        %run_scoped3A_279 = tpu.sem_alloc : memref<!tpu.dma_semaphore, #tpu.memory_space<semaphore_mem>>
        %dma_start3A_280 = arith.constant 0 : i32
        %dma_start3A_281 = arith.constant 0 : i32
        %dma_start3A_282 = tpu.memref_slice %arg9[%run_scoped3A_270, %dma_start3A_280, %dma_start3A_281] : memref<2x128x128xf32, #tpu.memory_space<vmem>> -> memref<1x128x128xf32, #tpu.memory_space<vmem>>
        %dma_start3A_283 = tpu.memref_squeeze %dma_start3A_282 : memref<1x128x128xf32, #tpu.memory_space<vmem>> -> memref<128x128xf32, #tpu.memory_space<vmem>>
        %dma_start3A_284 = arith.constant 0 : i32
        %dma_start3A_285 = tpu.memref_slice %arg8[%rem3A_72, %run_scoped3A_271, %dma_start3A_284] : memref<2x8x128xi32, #tpu.memory_space<vmem>> -> memref<1x1x128xi32, #tpu.memory_space<vmem>>
        %dma_start3A_286 = tpu.memref_squeeze %dma_start3A_285 : memref<1x1x128xi32, #tpu.memory_space<vmem>> -> memref<128xi32, #tpu.memory_space<vmem>>
        %dma_start3A_287 = arith.constant 0 : i32
        %dma_start3A_288 = arith.constant 0 : i32
        %dma_start3A_289 = tpu.memref_slice %arg10[%dma_start3A_287, %dma_start3A_288] : memref<10112x128xf32, #tpu.memory_space<vmem_shared>> -> memref<10112x128xf32, #tpu.memory_space<vmem_shared>>
        tpu.enqueue_indirect_dma source(%dma_start3A_283 : memref<128x128xf32, #tpu.memory_space<vmem>>) target(%dma_start3A_289 : memref<10112x128xf32, #tpu.memory_space<vmem_shared>>) offsets(%dma_start3A_286 : memref<128xi32, #tpu.memory_space<vmem>>) semaphore(%run_scoped3A_279 : memref<!tpu.dma_semaphore, #tpu.memory_space<semaphore_mem>>) {add = true}
        %dma_wait3A_290 = arith.constant 0 : i32
        %dma_wait3A_291 = arith.constant 0 : i32
        %dma_wait3A_292 = tpu.memref_slice %arg9[%run_scoped3A_270, %dma_wait3A_290, %dma_wait3A_291] : memref<2x128x128xf32, #tpu.memory_space<vmem>> -> memref<1x128x128xf32, #tpu.memory_space<vmem>>
        %dma_wait3A_293 = tpu.memref_squeeze %dma_wait3A_292 : memref<1x128x128xf32, #tpu.memory_space<vmem>> -> memref<128x128xf32, #tpu.memory_space<vmem>>
        %dma_wait3A_294 = arith.constant 0 : i32
        %dma_wait3A_295 = tpu.memref_slice %arg8[%rem3A_72, %run_scoped3A_271, %dma_wait3A_294] : memref<2x8x128xi32, #tpu.memory_space<vmem>> -> memref<1x1x128xi32, #tpu.memory_space<vmem>>
        %dma_wait3A_296 = tpu.memref_squeeze %dma_wait3A_295 : memref<1x1x128xi32, #tpu.memory_space<vmem>> -> memref<128xi32, #tpu.memory_space<vmem>>
        %dma_wait3A_297 = arith.constant 0 : i32
        %dma_wait3A_298 = arith.constant 0 : i32
        %dma_wait3A_299 = tpu.memref_slice %arg10[%dma_wait3A_297, %dma_wait3A_298] : memref<10112x128xf32, #tpu.memory_space<vmem_shared>> -> memref<10112x128xf32, #tpu.memory_space<vmem_shared>>
        tpu.wait_indirect_dma semaphore(%run_scoped3A_279 : memref<!tpu.dma_semaphore, #tpu.memory_space<semaphore_mem>>) src(%dma_wait3A_293 : memref<128x128xf32, #tpu.memory_space<vmem>>) dst(%dma_wait3A_299 : memref<10112x128xf32, #tpu.memory_space<vmem_shared>>)
        tpu.yield
      }) : () -> ()
      %add3A_272 = arith.constant 1 : i32
      %add3A_273 = arith.addi %add3A_71, %add3A_272 : i32
      %lt3A_274 = arith.constant 10 : i32
      %lt3A_275 = arith.cmpi slt, %add3A_273, %lt3A_274 : i32
      %convert_element_type3A_276 = arith.extui %lt3A_275 : i1 to i32
      %cond3A_277 = arith.constant 0 : i32
      %cond3A_278 = arith.cmpi ne, %convert_element_type3A_276, %cond3A_277 : i32
      scf.if %cond3A_278 {
        %add3A_279 = arith.constant 1 : i32
        %add3A_280 = arith.addi %add3A_71, %add3A_279 : i32
        %mul3A_281 = arith.constant 8 : i32
        %mul3A_282 = arith.muli %add3A_280, %mul3A_281 : i32
        %sub3A = arith.constant 1 : i32
        %sub3A_283 = arith.subi %sub3A, %rem3A_72 : i32
        %dma_wait3A_284 = arith.constant 0 : i32
        %dma_wait3A_285 = arith.constant 0 : i32
        %dma_wait3A_286 = tpu.memref_slice %arg7[%sub3A_283, %dma_wait3A_284, %dma_wait3A_285] : memref<2x8x128xi32, #tpu.memory_space<vmem>> -> memref<1x8x128xi32, #tpu.memory_space<vmem>>
        %dma_wait3A_287 = tpu.memref_squeeze %dma_wait3A_286 : memref<1x8x128xi32, #tpu.memory_space<vmem>> -> memref<8x128xi32, #tpu.memory_space<vmem>>
        %dma_wait3A_288 = arith.constant 0 : i32
        %dma_wait3A_289 = tpu.memref_slice %arg3[%add3A, %mul3A_282, %dma_wait3A_288] : memref<32x80x128xi32, #tpu.memory_space<hbm>> -> memref<1x8x128xi32, #tpu.memory_space<hbm>>
        %dma_wait3A_290 = tpu.memref_squeeze %dma_wait3A_289 : memref<1x8x128xi32, #tpu.memory_space<hbm>> -> memref<8x128xi32, #tpu.memory_space<hbm>>
        %dma_wait3A_291 = arith.constant 0 : i32
        %dma_wait3A_292 = arith.constant 0 : i32
        %dma_wait3A_293 = tpu.memref_slice %arg7[%sub3A_283, %dma_wait3A_291, %dma_wait3A_292] : memref<2x8x128xi32, #tpu.memory_space<vmem>> -> memref<1x8x128xi32, #tpu.memory_space<vmem>>
        %dma_wait3A_294 = tpu.memref_squeeze %dma_wait3A_293 : memref<1x8x128xi32, #tpu.memory_space<vmem>> -> memref<8x128xi32, #tpu.memory_space<vmem>>
        %dma_wait3A_295 = arith.constant 0 : i32
        %dma_wait3A_296 = tpu.memref_slice %arg3[%add3A, %mul3A_282, %dma_wait3A_295] : memref<32x80x128xi32, #tpu.memory_space<hbm>> -> memref<1x8x128xi32, #tpu.memory_space<hbm>>
        %dma_wait3A_297 = tpu.memref_squeeze %dma_wait3A_296 : memref<1x8x128xi32, #tpu.memory_space<hbm>> -> memref<8x128xi32, #tpu.memory_space<hbm>>
        tpu.wait_dma2 semaphore(%arg13 : memref<!tpu.dma_semaphore, #tpu.memory_space<semaphore_mem>>) src(%dma_wait3A_297 : memref<8x128xi32, #tpu.memory_space<hbm>>) dst(%dma_wait3A_294 : memref<8x128xi32, #tpu.memory_space<vmem>>)
        %add3A_298 = arith.constant 1 : i32
        %add3A_299 = arith.addi %add3A_71, %add3A_298 : i32
        %mul3A_300 = arith.constant 8 : i32
        %mul3A_301 = arith.muli %add3A_299, %mul3A_300 : i32
        %sub3A_302 = arith.constant 1 : i32
        %sub3A_303 = arith.subi %sub3A_302, %rem3A_72 : i32
        %dma_wait3A_304 = arith.constant 0 : i32
        %dma_wait3A_305 = arith.constant 0 : i32
        %dma_wait3A_306 = tpu.memref_slice %arg8[%sub3A_303, %dma_wait3A_304, %dma_wait3A_305] : memref<2x8x128xi32, #tpu.memory_space<vmem>> -> memref<1x8x128xi32, #tpu.memory_space<vmem>>
        %dma_wait3A_307 = tpu.memref_squeeze %dma_wait3A_306 : memref<1x8x128xi32, #tpu.memory_space<vmem>> -> memref<8x128xi32, #tpu.memory_space<vmem>>
        %dma_wait3A_308 = arith.constant 0 : i32
        %dma_wait3A_309 = tpu.memref_slice %arg4[%add3A, %mul3A_301, %dma_wait3A_308] : memref<32x80x128xi32, #tpu.memory_space<hbm>> -> memref<1x8x128xi32, #tpu.memory_space<hbm>>
        %dma_wait3A_310 = tpu.memref_squeeze %dma_wait3A_309 : memref<1x8x128xi32, #tpu.memory_space<hbm>> -> memref<8x128xi32, #tpu.memory_space<hbm>>
        %dma_wait3A_311 = arith.constant 0 : i32
        %dma_wait3A_312 = arith.constant 0 : i32
        %dma_wait3A_313 = tpu.memref_slice %arg8[%sub3A_303, %dma_wait3A_311, %dma_wait3A_312] : memref<2x8x128xi32, #tpu.memory_space<vmem>> -> memref<1x8x128xi32, #tpu.memory_space<vmem>>
        %dma_wait3A_314 = tpu.memref_squeeze %dma_wait3A_313 : memref<1x8x128xi32, #tpu.memory_space<vmem>> -> memref<8x128xi32, #tpu.memory_space<vmem>>
        %dma_wait3A_315 = arith.constant 0 : i32
        %dma_wait3A_316 = tpu.memref_slice %arg4[%add3A, %mul3A_301, %dma_wait3A_315] : memref<32x80x128xi32, #tpu.memory_space<hbm>> -> memref<1x8x128xi32, #tpu.memory_space<hbm>>
        %dma_wait3A_317 = tpu.memref_squeeze %dma_wait3A_316 : memref<1x8x128xi32, #tpu.memory_space<hbm>> -> memref<8x128xi32, #tpu.memory_space<hbm>>
        tpu.wait_dma2 semaphore(%arg14 : memref<!tpu.dma_semaphore, #tpu.memory_space<semaphore_mem>>) src(%dma_wait3A_317 : memref<8x128xi32, #tpu.memory_space<hbm>>) dst(%dma_wait3A_314 : memref<8x128xi32, #tpu.memory_space<vmem>>)
        %sub3A_318 = arith.constant 1 : i32
        %sub3A_319 = arith.subi %sub3A_318, %rem3A_72 : i32
        %dma_start3A_320 = arith.constant 0 : i32
        %dma_start3A_321 = arith.constant 0 : i32
        %dma_start3A_322 = arith.constant 0 : i32
        %dma_start3A_323 = arith.constant 0 : i32
        %dma_start3A_324 = tpu.memref_slice %arg9[%dma_start3A_321, %dma_start3A_322, %dma_start3A_323] : memref<2x128x128xf32, #tpu.memory_space<vmem>> -> memref<1x128x128xf32, #tpu.memory_space<vmem>>
        %dma_start3A_325 = tpu.memref_squeeze %dma_start3A_324 : memref<1x128x128xf32, #tpu.memory_space<vmem>> -> memref<128x128xf32, #tpu.memory_space<vmem>>
        %dma_start3A_326 = arith.constant 0 : i32
        %dma_start3A_327 = tpu.memref_slice %arg7[%sub3A_319, %dma_start3A_320, %dma_start3A_326] : memref<2x8x128xi32, #tpu.memory_space<vmem>> -> memref<1x1x128xi32, #tpu.memory_space<vmem>>
        %dma_start3A_328 = tpu.memref_squeeze %dma_start3A_327 : memref<1x1x128xi32, #tpu.memory_space<vmem>> -> memref<128xi32, #tpu.memory_space<vmem>>
        %dma_start3A_329 = arith.constant 0 : i32
        %dma_start3A_330 = arith.constant 0 : i32
        %dma_start3A_331 = tpu.memref_slice %arg2[%dma_start3A_329, %dma_start3A_330] : memref<10000x128xf32, #tpu.memory_space<hbm>> -> memref<10000x128xf32, #tpu.memory_space<hbm>>
        tpu.enqueue_indirect_dma source(%dma_start3A_331 : memref<10000x128xf32, #tpu.memory_space<hbm>>) target(%dma_start3A_325 : memref<128x128xf32, #tpu.memory_space<vmem>>) offsets(%dma_start3A_328 : memref<128xi32, #tpu.memory_space<vmem>>) semaphore(%arg11 : memref<!tpu.dma_semaphore, #tpu.memory_space<semaphore_mem>>)
      } else {
      }
    }
    %scan3A_35 = arith.constant 10 : i32
    %barrier3A_36 = arith.constant 0 : index
    tpu.barrier barrier_id(%barrier3A_36)
    %add3A_37 = arith.constant 0 : i32
    %add3A_38 = arith.addi %mul3A_2, %add3A_37 : i32
    %run_scoped3A_39 = arith.constant 0 : i32
    "tpu.region"() ({
      %run_scoped3A_67 = tpu.sem_alloc : memref<!tpu.dma_semaphore, #tpu.memory_space<semaphore_mem>>
      %dma_start3A_68 = arith.constant 0 : i32
      %dma_start3A_69 = arith.constant 0 : i32
      %dma_start3A_70 = tpu.memref_slice %arg9[%run_scoped3A_39, %dma_start3A_68, %dma_start3A_69] : memref<2x128x128xf32, #tpu.memory_space<vmem>> -> memref<1x128x128xf32, #tpu.memory_space<vmem>>
      %dma_start3A_71 = tpu.memref_squeeze %dma_start3A_70 : memref<1x128x128xf32, #tpu.memory_space<vmem>> -> memref<128x128xf32, #tpu.memory_space<vmem>>
      %dma_start3A_72 = arith.constant 0 : i32
      %dma_start3A_73 = tpu.memref_slice %arg10[%add3A_38, %dma_start3A_72] : memref<10112x128xf32, #tpu.memory_space<vmem_shared>> -> memref<128x128xf32, #tpu.memory_space<vmem_shared>>
      %dma_start3A_74 = arith.constant 0 : i32
      %dma_start3A_75 = arith.constant 0 : i32
      %dma_start3A_76 = tpu.memref_slice %arg9[%run_scoped3A_39, %dma_start3A_74, %dma_start3A_75] : memref<2x128x128xf32, #tpu.memory_space<vmem>> -> memref<1x128x128xf32, #tpu.memory_space<vmem>>
      %dma_start3A_77 = tpu.memref_squeeze %dma_start3A_76 : memref<1x128x128xf32, #tpu.memory_space<vmem>> -> memref<128x128xf32, #tpu.memory_space<vmem>>
      %dma_start3A_78 = arith.constant 0 : i32
      %dma_start3A_79 = tpu.memref_slice %arg10[%add3A_38, %dma_start3A_78] : memref<10112x128xf32, #tpu.memory_space<vmem_shared>> -> memref<128x128xf32, #tpu.memory_space<vmem_shared>>
      tpu.enqueue_dma source(%dma_start3A_79 : memref<128x128xf32, #tpu.memory_space<vmem_shared>>) target(%dma_start3A_77 : memref<128x128xf32, #tpu.memory_space<vmem>>) target_semaphore(%run_scoped3A_67 : memref<!tpu.dma_semaphore, #tpu.memory_space<semaphore_mem>>)
      %dma_wait3A = arith.constant 0 : i32
      %dma_wait3A_80 = arith.constant 0 : i32
      %dma_wait3A_81 = tpu.memref_slice %arg9[%run_scoped3A_39, %dma_wait3A, %dma_wait3A_80] : memref<2x128x128xf32, #tpu.memory_space<vmem>> -> memref<1x128x128xf32, #tpu.memory_space<vmem>>
      %dma_wait3A_82 = tpu.memref_squeeze %dma_wait3A_81 : memref<1x128x128xf32, #tpu.memory_space<vmem>> -> memref<128x128xf32, #tpu.memory_space<vmem>>
      %dma_wait3A_83 = arith.constant 0 : i32
      %dma_wait3A_84 = tpu.memref_slice %arg10[%add3A_38, %dma_wait3A_83] : memref<10112x128xf32, #tpu.memory_space<vmem_shared>> -> memref<128x128xf32, #tpu.memory_space<vmem_shared>>
      %dma_wait3A_85 = arith.constant 0 : i32
      %dma_wait3A_86 = arith.constant 0 : i32
      %dma_wait3A_87 = tpu.memref_slice %arg9[%run_scoped3A_39, %dma_wait3A_85, %dma_wait3A_86] : memref<2x128x128xf32, #tpu.memory_space<vmem>> -> memref<1x128x128xf32, #tpu.memory_space<vmem>>
      %dma_wait3A_88 = tpu.memref_squeeze %dma_wait3A_87 : memref<1x128x128xf32, #tpu.memory_space<vmem>> -> memref<128x128xf32, #tpu.memory_space<vmem>>
      %dma_wait3A_89 = arith.constant 0 : i32
      %dma_wait3A_90 = tpu.memref_slice %arg10[%add3A_38, %dma_wait3A_89] : memref<10112x128xf32, #tpu.memory_space<vmem_shared>> -> memref<128x128xf32, #tpu.memory_space<vmem_shared>>
      tpu.wait_dma2 semaphore(%run_scoped3A_67 : memref<!tpu.dma_semaphore, #tpu.memory_space<semaphore_mem>>) src(%dma_wait3A_90 : memref<128x128xf32, #tpu.memory_space<vmem_shared>>) dst(%dma_wait3A_88 : memref<128x128xf32, #tpu.memory_space<vmem>>)
      tpu.yield
    }) : () -> ()
    %add3A_40 = arith.constant 0 : i32
    %add3A_41 = arith.addi %mul3A_2, %add3A_40 : i32
    %run_scoped3A_42 = arith.constant 0 : i32
    "tpu.region"() ({
      %run_scoped3A_67 = tpu.sem_alloc : memref<!tpu.dma_semaphore, #tpu.memory_space<semaphore_mem>>
      %dma_start3A_68 = arith.constant 0 : i32
      %dma_start3A_69 = arith.constant 0 : i32
      %dma_start3A_70 = tpu.memref_slice %arg9[%run_scoped3A_42, %dma_start3A_68, %dma_start3A_69] : memref<2x128x128xf32, #tpu.memory_space<vmem>> -> memref<1x128x128xf32, #tpu.memory_space<vmem>>
      %dma_start3A_71 = tpu.memref_squeeze %dma_start3A_70 : memref<1x128x128xf32, #tpu.memory_space<vmem>> -> memref<128x128xf32, #tpu.memory_space<vmem>>
      %dma_start3A_72 = arith.constant 0 : i32
      %dma_start3A_73 = tpu.memref_slice %arg6[%arg0, %add3A_41, %dma_start3A_72] : memref<2x10112x128xf32, #tpu.memory_space<hbm>> -> memref<1x128x128xf32, #tpu.memory_space<hbm>>
      %dma_start3A_74 = tpu.memref_squeeze %dma_start3A_73 : memref<1x128x128xf32, #tpu.memory_space<hbm>> -> memref<128x128xf32, #tpu.memory_space<hbm>>
      %dma_start3A_75 = arith.constant 0 : i32
      %dma_start3A_76 = tpu.memref_slice %arg6[%arg0, %add3A_41, %dma_start3A_75] : memref<2x10112x128xf32, #tpu.memory_space<hbm>> -> memref<1x128x128xf32, #tpu.memory_space<hbm>>
      %dma_start3A_77 = tpu.memref_squeeze %dma_start3A_76 : memref<1x128x128xf32, #tpu.memory_space<hbm>> -> memref<128x128xf32, #tpu.memory_space<hbm>>
      %dma_start3A_78 = arith.constant 0 : i32
      %dma_start3A_79 = arith.constant 0 : i32
      %dma_start3A_80 = tpu.memref_slice %arg9[%run_scoped3A_42, %dma_start3A_78, %dma_start3A_79] : memref<2x128x128xf32, #tpu.memory_space<vmem>> -> memref<1x128x128xf32, #tpu.memory_space<vmem>>
      %dma_start3A_81 = tpu.memref_squeeze %dma_start3A_80 : memref<1x128x128xf32, #tpu.memory_space<vmem>> -> memref<128x128xf32, #tpu.memory_space<vmem>>
      tpu.enqueue_dma source(%dma_start3A_81 : memref<128x128xf32, #tpu.memory_space<vmem>>) target(%dma_start3A_77 : memref<128x128xf32, #tpu.memory_space<hbm>>) target_semaphore(%run_scoped3A_67 : memref<!tpu.dma_semaphore, #tpu.memory_space<semaphore_mem>>)
      %dma_wait3A = arith.constant 0 : i32
      %dma_wait3A_82 = arith.constant 0 : i32
      %dma_wait3A_83 = tpu.memref_slice %arg9[%run_scoped3A_42, %dma_wait3A, %dma_wait3A_82] : memref<2x128x128xf32, #tpu.memory_space<vmem>> -> memref<1x128x128xf32, #tpu.memory_space<vmem>>
      %dma_wait3A_84 = tpu.memref_squeeze %dma_wait3A_83 : memref<1x128x128xf32, #tpu.memory_space<vmem>> -> memref<128x128xf32, #tpu.memory_space<vmem>>
      %dma_wait3A_85 = arith.constant 0 : i32
      %dma_wait3A_86 = tpu.memref_slice %arg6[%arg0, %add3A_41, %dma_wait3A_85] : memref<2x10112x128xf32, #tpu.memory_space<hbm>> -> memref<1x128x128xf32, #tpu.memory_space<hbm>>
      %dma_wait3A_87 = tpu.memref_squeeze %dma_wait3A_86 : memref<1x128x128xf32, #tpu.memory_space<hbm>> -> memref<128x128xf32, #tpu.memory_space<hbm>>
      %dma_wait3A_88 = arith.constant 0 : i32
      %dma_wait3A_89 = tpu.memref_slice %arg6[%arg0, %add3A_41, %dma_wait3A_88] : memref<2x10112x128xf32, #tpu.memory_space<hbm>> -> memref<1x128x128xf32, #tpu.memory_space<hbm>>
      %dma_wait3A_90 = tpu.memref_squeeze %dma_wait3A_89 : memref<1x128x128xf32, #tpu.memory_space<hbm>> -> memref<128x128xf32, #tpu.memory_space<hbm>>
      %dma_wait3A_91 = arith.constant 0 : i32
      %dma_wait3A_92 = arith.constant 0 : i32
      %dma_wait3A_93 = tpu.memref_slice %arg9[%run_scoped3A_42, %dma_wait3A_91, %dma_wait3A_92] : memref<2x128x128xf32, #tpu.memory_space<vmem>> -> memref<1x128x128xf32, #tpu.memory_space<vmem>>
      %dma_wait3A_94 = tpu.memref_squeeze %dma_wait3A_93 : memref<1x128x128xf32, #tpu.memory_space<vmem>> -> memref<128x128xf32, #tpu.memory_space<vmem>>
      tpu.wait_dma2 semaphore(%run_scoped3A_67 : memref<!tpu.dma_semaphore, #tpu.memory_space<semaphore_mem>>) src(%dma_wait3A_94 : memref<128x128xf32, #tpu.memory_space<vmem>>) dst(%dma_wait3A_90 : memref<128x128xf32, #tpu.memory_space<hbm>>)
      tpu.yield
    }) : () -> ()
    %add3A_43 = arith.constant 128 : i32
    %add3A_44 = arith.addi %mul3A_2, %add3A_43 : i32
    %run_scoped3A_45 = arith.constant 1 : i32
    "tpu.region"() ({
      %run_scoped3A_67 = tpu.sem_alloc : memref<!tpu.dma_semaphore, #tpu.memory_space<semaphore_mem>>
      %dma_start3A_68 = arith.constant 0 : i32
      %dma_start3A_69 = arith.constant 0 : i32
      %dma_start3A_70 = tpu.memref_slice %arg9[%run_scoped3A_45, %dma_start3A_68, %dma_start3A_69] : memref<2x128x128xf32, #tpu.memory_space<vmem>> -> memref<1x128x128xf32, #tpu.memory_space<vmem>>
      %dma_start3A_71 = tpu.memref_squeeze %dma_start3A_70 : memref<1x128x128xf32, #tpu.memory_space<vmem>> -> memref<128x128xf32, #tpu.memory_space<vmem>>
      %dma_start3A_72 = arith.constant 0 : i32
      %dma_start3A_73 = tpu.memref_slice %arg10[%add3A_44, %dma_start3A_72] : memref<10112x128xf32, #tpu.memory_space<vmem_shared>> -> memref<128x128xf32, #tpu.memory_space<vmem_shared>>
      %dma_start3A_74 = arith.constant 0 : i32
      %dma_start3A_75 = arith.constant 0 : i32
      %dma_start3A_76 = tpu.memref_slice %arg9[%run_scoped3A_45, %dma_start3A_74, %dma_start3A_75] : memref<2x128x128xf32, #tpu.memory_space<vmem>> -> memref<1x128x128xf32, #tpu.memory_space<vmem>>
      %dma_start3A_77 = tpu.memref_squeeze %dma_start3A_76 : memref<1x128x128xf32, #tpu.memory_space<vmem>> -> memref<128x128xf32, #tpu.memory_space<vmem>>
      %dma_start3A_78 = arith.constant 0 : i32
      %dma_start3A_79 = tpu.memref_slice %arg10[%add3A_44, %dma_start3A_78] : memref<10112x128xf32, #tpu.memory_space<vmem_shared>> -> memref<128x128xf32, #tpu.memory_space<vmem_shared>>
      tpu.enqueue_dma source(%dma_start3A_79 : memref<128x128xf32, #tpu.memory_space<vmem_shared>>) target(%dma_start3A_77 : memref<128x128xf32, #tpu.memory_space<vmem>>) target_semaphore(%run_scoped3A_67 : memref<!tpu.dma_semaphore, #tpu.memory_space<semaphore_mem>>)
      %dma_wait3A = arith.constant 0 : i32
      %dma_wait3A_80 = arith.constant 0 : i32
      %dma_wait3A_81 = tpu.memref_slice %arg9[%run_scoped3A_45, %dma_wait3A, %dma_wait3A_80] : memref<2x128x128xf32, #tpu.memory_space<vmem>> -> memref<1x128x128xf32, #tpu.memory_space<vmem>>
      %dma_wait3A_82 = tpu.memref_squeeze %dma_wait3A_81 : memref<1x128x128xf32, #tpu.memory_space<vmem>> -> memref<128x128xf32, #tpu.memory_space<vmem>>
      %dma_wait3A_83 = arith.constant 0 : i32
      %dma_wait3A_84 = tpu.memref_slice %arg10[%add3A_44, %dma_wait3A_83] : memref<10112x128xf32, #tpu.memory_space<vmem_shared>> -> memref<128x128xf32, #tpu.memory_space<vmem_shared>>
      %dma_wait3A_85 = arith.constant 0 : i32
      %dma_wait3A_86 = arith.constant 0 : i32
      %dma_wait3A_87 = tpu.memref_slice %arg9[%run_scoped3A_45, %dma_wait3A_85, %dma_wait3A_86] : memref<2x128x128xf32, #tpu.memory_space<vmem>> -> memref<1x128x128xf32, #tpu.memory_space<vmem>>
      %dma_wait3A_88 = tpu.memref_squeeze %dma_wait3A_87 : memref<1x128x128xf32, #tpu.memory_space<vmem>> -> memref<128x128xf32, #tpu.memory_space<vmem>>
      %dma_wait3A_89 = arith.constant 0 : i32
      %dma_wait3A_90 = tpu.memref_slice %arg10[%add3A_44, %dma_wait3A_89] : memref<10112x128xf32, #tpu.memory_space<vmem_shared>> -> memref<128x128xf32, #tpu.memory_space<vmem_shared>>
      tpu.wait_dma2 semaphore(%run_scoped3A_67 : memref<!tpu.dma_semaphore, #tpu.memory_space<semaphore_mem>>) src(%dma_wait3A_90 : memref<128x128xf32, #tpu.memory_space<vmem_shared>>) dst(%dma_wait3A_88 : memref<128x128xf32, #tpu.memory_space<vmem>>)
      tpu.yield
    }) : () -> ()
    %add3A_46 = arith.constant 128 : i32
    %add3A_47 = arith.addi %mul3A_2, %add3A_46 : i32
    %run_scoped3A_48 = arith.constant 1 : i32
    "tpu.region"() ({
      %run_scoped3A_67 = tpu.sem_alloc : memref<!tpu.dma_semaphore, #tpu.memory_space<semaphore_mem>>
      %dma_start3A_68 = arith.constant 0 : i32
      %dma_start3A_69 = arith.constant 0 : i32
      %dma_start3A_70 = tpu.memref_slice %arg9[%run_scoped3A_48, %dma_start3A_68, %dma_start3A_69] : memref<2x128x128xf32, #tpu.memory_space<vmem>> -> memref<1x128x128xf32, #tpu.memory_space<vmem>>
      %dma_start3A_71 = tpu.memref_squeeze %dma_start3A_70 : memref<1x128x128xf32, #tpu.memory_space<vmem>> -> memref<128x128xf32, #tpu.memory_space<vmem>>
      %dma_start3A_72 = arith.constant 0 : i32
      %dma_start3A_73 = tpu.memref_slice %arg6[%arg0, %add3A_47, %dma_start3A_72] : memref<2x10112x128xf32, #tpu.memory_space<hbm>> -> memref<1x128x128xf32, #tpu.memory_space<hbm>>
      %dma_start3A_74 = tpu.memref_squeeze %dma_start3A_73 : memref<1x128x128xf32, #tpu.memory_space<hbm>> -> memref<128x128xf32, #tpu.memory_space<hbm>>
      %dma_start3A_75 = arith.constant 0 : i32
      %dma_start3A_76 = tpu.memref_slice %arg6[%arg0, %add3A_47, %dma_start3A_75] : memref<2x10112x128xf32, #tpu.memory_space<hbm>> -> memref<1x128x128xf32, #tpu.memory_space<hbm>>
      %dma_start3A_77 = tpu.memref_squeeze %dma_start3A_76 : memref<1x128x128xf32, #tpu.memory_space<hbm>> -> memref<128x128xf32, #tpu.memory_space<hbm>>
      %dma_start3A_78 = arith.constant 0 : i32
      %dma_start3A_79 = arith.constant 0 : i32
      %dma_start3A_80 = tpu.memref_slice %arg9[%run_scoped3A_48, %dma_start3A_78, %dma_start3A_79] : memref<2x128x128xf32, #tpu.memory_space<vmem>> -> memref<1x128x128xf32, #tpu.memory_space<vmem>>
      %dma_start3A_81 = tpu.memref_squeeze %dma_start3A_80 : memref<1x128x128xf32, #tpu.memory_space<vmem>> -> memref<128x128xf32, #tpu.memory_space<vmem>>
      tpu.enqueue_dma source(%dma_start3A_81 : memref<128x128xf32, #tpu.memory_space<vmem>>) target(%dma_start3A_77 : memref<128x128xf32, #tpu.memory_space<hbm>>) target_semaphore(%run_scoped3A_67 : memref<!tpu.dma_semaphore, #tpu.memory_space<semaphore_mem>>)
      %dma_wait3A = arith.constant 0 : i32
      %dma_wait3A_82 = arith.constant 0 : i32
      %dma_wait3A_83 = tpu.memref_slice %arg9[%run_scoped3A_48, %dma_wait3A, %dma_wait3A_82] : memref<2x128x128xf32, #tpu.memory_space<vmem>> -> memref<1x128x128xf32, #tpu.memory_space<vmem>>
      %dma_wait3A_84 = tpu.memref_squeeze %dma_wait3A_83 : memref<1x128x128xf32, #tpu.memory_space<vmem>> -> memref<128x128xf32, #tpu.memory_space<vmem>>
      %dma_wait3A_85 = arith.constant 0 : i32
      %dma_wait3A_86 = tpu.memref_slice %arg6[%arg0, %add3A_47, %dma_wait3A_85] : memref<2x10112x128xf32, #tpu.memory_space<hbm>> -> memref<1x128x128xf32, #tpu.memory_space<hbm>>
      %dma_wait3A_87 = tpu.memref_squeeze %dma_wait3A_86 : memref<1x128x128xf32, #tpu.memory_space<hbm>> -> memref<128x128xf32, #tpu.memory_space<hbm>>
      %dma_wait3A_88 = arith.constant 0 : i32
      %dma_wait3A_89 = tpu.memref_slice %arg6[%arg0, %add3A_47, %dma_wait3A_88] : memref<2x10112x128xf32, #tpu.memory_space<hbm>> -> memref<1x128x128xf32, #tpu.memory_space<hbm>>
      %dma_wait3A_90 = tpu.memref_squeeze %dma_wait3A_89 : memref<1x128x128xf32, #tpu.memory_space<hbm>> -> memref<128x128xf32, #tpu.memory_space<hbm>>
      %dma_wait3A_91 = arith.constant 0 : i32
      %dma_wait3A_92 = arith.constant 0 : i32
      %dma_wait3A_93 = tpu.memref_slice %arg9[%run_scoped3A_48, %dma_wait3A_91, %dma_wait3A_92] : memref<2x128x128xf32, #tpu.memory_space<vmem>> -> memref<1x128x128xf32, #tpu.memory_space<vmem>>
      %dma_wait3A_94 = tpu.memref_squeeze %dma_wait3A_93 : memref<1x128x128xf32, #tpu.memory_space<vmem>> -> memref<128x128xf32, #tpu.memory_space<vmem>>
      tpu.wait_dma2 semaphore(%run_scoped3A_67 : memref<!tpu.dma_semaphore, #tpu.memory_space<semaphore_mem>>) src(%dma_wait3A_94 : memref<128x128xf32, #tpu.memory_space<vmem>>) dst(%dma_wait3A_90 : memref<128x128xf32, #tpu.memory_space<hbm>>)
      tpu.yield
    }) : () -> ()
    %add3A_49 = arith.constant 256 : i32
    %add3A_50 = arith.addi %mul3A_2, %add3A_49 : i32
    %run_scoped3A_51 = arith.constant 0 : i32
    "tpu.region"() ({
      %run_scoped3A_67 = tpu.sem_alloc : memref<!tpu.dma_semaphore, #tpu.memory_space<semaphore_mem>>
      %dma_start3A_68 = arith.constant 0 : i32
      %dma_start3A_69 = arith.constant 0 : i32
      %dma_start3A_70 = tpu.memref_slice %arg9[%run_scoped3A_51, %dma_start3A_68, %dma_start3A_69] : memref<2x128x128xf32, #tpu.memory_space<vmem>> -> memref<1x128x128xf32, #tpu.memory_space<vmem>>
      %dma_start3A_71 = tpu.memref_squeeze %dma_start3A_70 : memref<1x128x128xf32, #tpu.memory_space<vmem>> -> memref<128x128xf32, #tpu.memory_space<vmem>>
      %dma_start3A_72 = arith.constant 0 : i32
      %dma_start3A_73 = tpu.memref_slice %arg10[%add3A_50, %dma_start3A_72] : memref<10112x128xf32, #tpu.memory_space<vmem_shared>> -> memref<128x128xf32, #tpu.memory_space<vmem_shared>>
      %dma_start3A_74 = arith.constant 0 : i32
      %dma_start3A_75 = arith.constant 0 : i32
      %dma_start3A_76 = tpu.memref_slice %arg9[%run_scoped3A_51, %dma_start3A_74, %dma_start3A_75] : memref<2x128x128xf32, #tpu.memory_space<vmem>> -> memref<1x128x128xf32, #tpu.memory_space<vmem>>
      %dma_start3A_77 = tpu.memref_squeeze %dma_start3A_76 : memref<1x128x128xf32, #tpu.memory_space<vmem>> -> memref<128x128xf32, #tpu.memory_space<vmem>>
      %dma_start3A_78 = arith.constant 0 : i32
      %dma_start3A_79 = tpu.memref_slice %arg10[%add3A_50, %dma_start3A_78] : memref<10112x128xf32, #tpu.memory_space<vmem_shared>> -> memref<128x128xf32, #tpu.memory_space<vmem_shared>>
      tpu.enqueue_dma source(%dma_start3A_79 : memref<128x128xf32, #tpu.memory_space<vmem_shared>>) target(%dma_start3A_77 : memref<128x128xf32, #tpu.memory_space<vmem>>) target_semaphore(%run_scoped3A_67 : memref<!tpu.dma_semaphore, #tpu.memory_space<semaphore_mem>>)
      %dma_wait3A = arith.constant 0 : i32
      %dma_wait3A_80 = arith.constant 0 : i32
      %dma_wait3A_81 = tpu.memref_slice %arg9[%run_scoped3A_51, %dma_wait3A, %dma_wait3A_80] : memref<2x128x128xf32, #tpu.memory_space<vmem>> -> memref<1x128x128xf32, #tpu.memory_space<vmem>>
      %dma_wait3A_82 = tpu.memref_squeeze %dma_wait3A_81 : memref<1x128x128xf32, #tpu.memory_space<vmem>> -> memref<128x128xf32, #tpu.memory_space<vmem>>
      %dma_wait3A_83 = arith.constant 0 : i32
      %dma_wait3A_84 = tpu.memref_slice %arg10[%add3A_50, %dma_wait3A_83] : memref<10112x128xf32, #tpu.memory_space<vmem_shared>> -> memref<128x128xf32, #tpu.memory_space<vmem_shared>>
      %dma_wait3A_85 = arith.constant 0 : i32
      %dma_wait3A_86 = arith.constant 0 : i32
      %dma_wait3A_87 = tpu.memref_slice %arg9[%run_scoped3A_51, %dma_wait3A_85, %dma_wait3A_86] : memref<2x128x128xf32, #tpu.memory_space<vmem>> -> memref<1x128x128xf32, #tpu.memory_space<vmem>>
      %dma_wait3A_88 = tpu.memref_squeeze %dma_wait3A_87 : memref<1x128x128xf32, #tpu.memory_space<vmem>> -> memref<128x128xf32, #tpu.memory_space<vmem>>
      %dma_wait3A_89 = arith.constant 0 : i32
      %dma_wait3A_90 = tpu.memref_slice %arg10[%add3A_50, %dma_wait3A_89] : memref<10112x128xf32, #tpu.memory_space<vmem_shared>> -> memref<128x128xf32, #tpu.memory_space<vmem_shared>>
      tpu.wait_dma2 semaphore(%run_scoped3A_67 : memref<!tpu.dma_semaphore, #tpu.memory_space<semaphore_mem>>) src(%dma_wait3A_90 : memref<128x128xf32, #tpu.memory_space<vmem_shared>>) dst(%dma_wait3A_88 : memref<128x128xf32, #tpu.memory_space<vmem>>)
      tpu.yield
    }) : () -> ()
    %add3A_52 = arith.constant 256 : i32
    %add3A_53 = arith.addi %mul3A_2, %add3A_52 : i32
    %run_scoped3A_54 = arith.constant 0 : i32
    "tpu.region"() ({
      %run_scoped3A_67 = tpu.sem_alloc : memref<!tpu.dma_semaphore, #tpu.memory_space<semaphore_mem>>
      %dma_start3A_68 = arith.constant 0 : i32
      %dma_start3A_69 = arith.constant 0 : i32
      %dma_start3A_70 = tpu.memref_slice %arg9[%run_scoped3A_54, %dma_start3A_68, %dma_start3A_69] : memref<2x128x128xf32, #tpu.memory_space<vmem>> -> memref<1x128x128xf32, #tpu.memory_space<vmem>>
      %dma_start3A_71 = tpu.memref_squeeze %dma_start3A_70 : memref<1x128x128xf32, #tpu.memory_space<vmem>> -> memref<128x128xf32, #tpu.memory_space<vmem>>
      %dma_start3A_72 = arith.constant 0 : i32
      %dma_start3A_73 = tpu.memref_slice %arg6[%arg0, %add3A_53, %dma_start3A_72] : memref<2x10112x128xf32, #tpu.memory_space<hbm>> -> memref<1x128x128xf32, #tpu.memory_space<hbm>>
      %dma_start3A_74 = tpu.memref_squeeze %dma_start3A_73 : memref<1x128x128xf32, #tpu.memory_space<hbm>> -> memref<128x128xf32, #tpu.memory_space<hbm>>
      %dma_start3A_75 = arith.constant 0 : i32
      %dma_start3A_76 = tpu.memref_slice %arg6[%arg0, %add3A_53, %dma_start3A_75] : memref<2x10112x128xf32, #tpu.memory_space<hbm>> -> memref<1x128x128xf32, #tpu.memory_space<hbm>>
      %dma_start3A_77 = tpu.memref_squeeze %dma_start3A_76 : memref<1x128x128xf32, #tpu.memory_space<hbm>> -> memref<128x128xf32, #tpu.memory_space<hbm>>
      %dma_start3A_78 = arith.constant 0 : i32
      %dma_start3A_79 = arith.constant 0 : i32
      %dma_start3A_80 = tpu.memref_slice %arg9[%run_scoped3A_54, %dma_start3A_78, %dma_start3A_79] : memref<2x128x128xf32, #tpu.memory_space<vmem>> -> memref<1x128x128xf32, #tpu.memory_space<vmem>>
      %dma_start3A_81 = tpu.memref_squeeze %dma_start3A_80 : memref<1x128x128xf32, #tpu.memory_space<vmem>> -> memref<128x128xf32, #tpu.memory_space<vmem>>
      tpu.enqueue_dma source(%dma_start3A_81 : memref<128x128xf32, #tpu.memory_space<vmem>>) target(%dma_start3A_77 : memref<128x128xf32, #tpu.memory_space<hbm>>) target_semaphore(%run_scoped3A_67 : memref<!tpu.dma_semaphore, #tpu.memory_space<semaphore_mem>>)
      %dma_wait3A = arith.constant 0 : i32
      %dma_wait3A_82 = arith.constant 0 : i32
      %dma_wait3A_83 = tpu.memref_slice %arg9[%run_scoped3A_54, %dma_wait3A, %dma_wait3A_82] : memref<2x128x128xf32, #tpu.memory_space<vmem>> -> memref<1x128x128xf32, #tpu.memory_space<vmem>>
      %dma_wait3A_84 = tpu.memref_squeeze %dma_wait3A_83 : memref<1x128x128xf32, #tpu.memory_space<vmem>> -> memref<128x128xf32, #tpu.memory_space<vmem>>
      %dma_wait3A_85 = arith.constant 0 : i32
      %dma_wait3A_86 = tpu.memref_slice %arg6[%arg0, %add3A_53, %dma_wait3A_85] : memref<2x10112x128xf32, #tpu.memory_space<hbm>> -> memref<1x128x128xf32, #tpu.memory_space<hbm>>
      %dma_wait3A_87 = tpu.memref_squeeze %dma_wait3A_86 : memref<1x128x128xf32, #tpu.memory_space<hbm>> -> memref<128x128xf32, #tpu.memory_space<hbm>>
      %dma_wait3A_88 = arith.constant 0 : i32
      %dma_wait3A_89 = tpu.memref_slice %arg6[%arg0, %add3A_53, %dma_wait3A_88] : memref<2x10112x128xf32, #tpu.memory_space<hbm>> -> memref<1x128x128xf32, #tpu.memory_space<hbm>>
      %dma_wait3A_90 = tpu.memref_squeeze %dma_wait3A_89 : memref<1x128x128xf32, #tpu.memory_space<hbm>> -> memref<128x128xf32, #tpu.memory_space<hbm>>
      %dma_wait3A_91 = arith.constant 0 : i32
      %dma_wait3A_92 = arith.constant 0 : i32
      %dma_wait3A_93 = tpu.memref_slice %arg9[%run_scoped3A_54, %dma_wait3A_91, %dma_wait3A_92] : memref<2x128x128xf32, #tpu.memory_space<vmem>> -> memref<1x128x128xf32, #tpu.memory_space<vmem>>
      %dma_wait3A_94 = tpu.memref_squeeze %dma_wait3A_93 : memref<1x128x128xf32, #tpu.memory_space<vmem>> -> memref<128x128xf32, #tpu.memory_space<vmem>>
      tpu.wait_dma2 semaphore(%run_scoped3A_67 : memref<!tpu.dma_semaphore, #tpu.memory_space<semaphore_mem>>) src(%dma_wait3A_94 : memref<128x128xf32, #tpu.memory_space<vmem>>) dst(%dma_wait3A_90 : memref<128x128xf32, #tpu.memory_space<hbm>>)
      tpu.yield
    }) : () -> ()
    %add3A_55 = arith.constant 384 : i32
    %add3A_56 = arith.addi %mul3A_2, %add3A_55 : i32
    %run_scoped3A_57 = arith.constant 1 : i32
    "tpu.region"() ({
      %run_scoped3A_67 = tpu.sem_alloc : memref<!tpu.dma_semaphore, #tpu.memory_space<semaphore_mem>>
      %dma_start3A_68 = arith.constant 0 : i32
      %dma_start3A_69 = arith.constant 0 : i32
      %dma_start3A_70 = tpu.memref_slice %arg9[%run_scoped3A_57, %dma_start3A_68, %dma_start3A_69] : memref<2x128x128xf32, #tpu.memory_space<vmem>> -> memref<1x128x128xf32, #tpu.memory_space<vmem>>
      %dma_start3A_71 = tpu.memref_squeeze %dma_start3A_70 : memref<1x128x128xf32, #tpu.memory_space<vmem>> -> memref<128x128xf32, #tpu.memory_space<vmem>>
      %dma_start3A_72 = arith.constant 0 : i32
      %dma_start3A_73 = tpu.memref_slice %arg10[%add3A_56, %dma_start3A_72] : memref<10112x128xf32, #tpu.memory_space<vmem_shared>> -> memref<128x128xf32, #tpu.memory_space<vmem_shared>>
      %dma_start3A_74 = arith.constant 0 : i32
      %dma_start3A_75 = arith.constant 0 : i32
      %dma_start3A_76 = tpu.memref_slice %arg9[%run_scoped3A_57, %dma_start3A_74, %dma_start3A_75] : memref<2x128x128xf32, #tpu.memory_space<vmem>> -> memref<1x128x128xf32, #tpu.memory_space<vmem>>
      %dma_start3A_77 = tpu.memref_squeeze %dma_start3A_76 : memref<1x128x128xf32, #tpu.memory_space<vmem>> -> memref<128x128xf32, #tpu.memory_space<vmem>>
      %dma_start3A_78 = arith.constant 0 : i32
      %dma_start3A_79 = tpu.memref_slice %arg10[%add3A_56, %dma_start3A_78] : memref<10112x128xf32, #tpu.memory_space<vmem_shared>> -> memref<128x128xf32, #tpu.memory_space<vmem_shared>>
      tpu.enqueue_dma source(%dma_start3A_79 : memref<128x128xf32, #tpu.memory_space<vmem_shared>>) target(%dma_start3A_77 : memref<128x128xf32, #tpu.memory_space<vmem>>) target_semaphore(%run_scoped3A_67 : memref<!tpu.dma_semaphore, #tpu.memory_space<semaphore_mem>>)
      %dma_wait3A = arith.constant 0 : i32
      %dma_wait3A_80 = arith.constant 0 : i32
      %dma_wait3A_81 = tpu.memref_slice %arg9[%run_scoped3A_57, %dma_wait3A, %dma_wait3A_80] : memref<2x128x128xf32, #tpu.memory_space<vmem>> -> memref<1x128x128xf32, #tpu.memory_space<vmem>>
      %dma_wait3A_82 = tpu.memref_squeeze %dma_wait3A_81 : memref<1x128x128xf32, #tpu.memory_space<vmem>> -> memref<128x128xf32, #tpu.memory_space<vmem>>
      %dma_wait3A_83 = arith.constant 0 : i32
      %dma_wait3A_84 = tpu.memref_slice %arg10[%add3A_56, %dma_wait3A_83] : memref<10112x128xf32, #tpu.memory_space<vmem_shared>> -> memref<128x128xf32, #tpu.memory_space<vmem_shared>>
      %dma_wait3A_85 = arith.constant 0 : i32
      %dma_wait3A_86 = arith.constant 0 : i32
      %dma_wait3A_87 = tpu.memref_slice %arg9[%run_scoped3A_57, %dma_wait3A_85, %dma_wait3A_86] : memref<2x128x128xf32, #tpu.memory_space<vmem>> -> memref<1x128x128xf32, #tpu.memory_space<vmem>>
      %dma_wait3A_88 = tpu.memref_squeeze %dma_wait3A_87 : memref<1x128x128xf32, #tpu.memory_space<vmem>> -> memref<128x128xf32, #tpu.memory_space<vmem>>
      %dma_wait3A_89 = arith.constant 0 : i32
      %dma_wait3A_90 = tpu.memref_slice %arg10[%add3A_56, %dma_wait3A_89] : memref<10112x128xf32, #tpu.memory_space<vmem_shared>> -> memref<128x128xf32, #tpu.memory_space<vmem_shared>>
      tpu.wait_dma2 semaphore(%run_scoped3A_67 : memref<!tpu.dma_semaphore, #tpu.memory_space<semaphore_mem>>) src(%dma_wait3A_90 : memref<128x128xf32, #tpu.memory_space<vmem_shared>>) dst(%dma_wait3A_88 : memref<128x128xf32, #tpu.memory_space<vmem>>)
      tpu.yield
    }) : () -> ()
    %add3A_58 = arith.constant 384 : i32
    %add3A_59 = arith.addi %mul3A_2, %add3A_58 : i32
    %run_scoped3A_60 = arith.constant 1 : i32
    "tpu.region"() ({
      %run_scoped3A_67 = tpu.sem_alloc : memref<!tpu.dma_semaphore, #tpu.memory_space<semaphore_mem>>
      %dma_start3A_68 = arith.constant 0 : i32
      %dma_start3A_69 = arith.constant 0 : i32
      %dma_start3A_70 = tpu.memref_slice %arg9[%run_scoped3A_60, %dma_start3A_68, %dma_start3A_69] : memref<2x128x128xf32, #tpu.memory_space<vmem>> -> memref<1x128x128xf32, #tpu.memory_space<vmem>>
      %dma_start3A_71 = tpu.memref_squeeze %dma_start3A_70 : memref<1x128x128xf32, #tpu.memory_space<vmem>> -> memref<128x128xf32, #tpu.memory_space<vmem>>
      %dma_start3A_72 = arith.constant 0 : i32
      %dma_start3A_73 = tpu.memref_slice %arg6[%arg0, %add3A_59, %dma_start3A_72] : memref<2x10112x128xf32, #tpu.memory_space<hbm>> -> memref<1x128x128xf32, #tpu.memory_space<hbm>>
      %dma_start3A_74 = tpu.memref_squeeze %dma_start3A_73 : memref<1x128x128xf32, #tpu.memory_space<hbm>> -> memref<128x128xf32, #tpu.memory_space<hbm>>
      %dma_start3A_75 = arith.constant 0 : i32
      %dma_start3A_76 = tpu.memref_slice %arg6[%arg0, %add3A_59, %dma_start3A_75] : memref<2x10112x128xf32, #tpu.memory_space<hbm>> -> memref<1x128x128xf32, #tpu.memory_space<hbm>>
      %dma_start3A_77 = tpu.memref_squeeze %dma_start3A_76 : memref<1x128x128xf32, #tpu.memory_space<hbm>> -> memref<128x128xf32, #tpu.memory_space<hbm>>
      %dma_start3A_78 = arith.constant 0 : i32
      %dma_start3A_79 = arith.constant 0 : i32
      %dma_start3A_80 = tpu.memref_slice %arg9[%run_scoped3A_60, %dma_start3A_78, %dma_start3A_79] : memref<2x128x128xf32, #tpu.memory_space<vmem>> -> memref<1x128x128xf32, #tpu.memory_space<vmem>>
      %dma_start3A_81 = tpu.memref_squeeze %dma_start3A_80 : memref<1x128x128xf32, #tpu.memory_space<vmem>> -> memref<128x128xf32, #tpu.memory_space<vmem>>
      tpu.enqueue_dma source(%dma_start3A_81 : memref<128x128xf32, #tpu.memory_space<vmem>>) target(%dma_start3A_77 : memref<128x128xf32, #tpu.memory_space<hbm>>) target_semaphore(%run_scoped3A_67 : memref<!tpu.dma_semaphore, #tpu.memory_space<semaphore_mem>>)
      %dma_wait3A = arith.constant 0 : i32
      %dma_wait3A_82 = arith.constant 0 : i32
      %dma_wait3A_83 = tpu.memref_slice %arg9[%run_scoped3A_60, %dma_wait3A, %dma_wait3A_82] : memref<2x128x128xf32, #tpu.memory_space<vmem>> -> memref<1x128x128xf32, #tpu.memory_space<vmem>>
      %dma_wait3A_84 = tpu.memref_squeeze %dma_wait3A_83 : memref<1x128x128xf32, #tpu.memory_space<vmem>> -> memref<128x128xf32, #tpu.memory_space<vmem>>
      %dma_wait3A_85 = arith.constant 0 : i32
      %dma_wait3A_86 = tpu.memref_slice %arg6[%arg0, %add3A_59, %dma_wait3A_85] : memref<2x10112x128xf32, #tpu.memory_space<hbm>> -> memref<1x128x128xf32, #tpu.memory_space<hbm>>
      %dma_wait3A_87 = tpu.memref_squeeze %dma_wait3A_86 : memref<1x128x128xf32, #tpu.memory_space<hbm>> -> memref<128x128xf32, #tpu.memory_space<hbm>>
      %dma_wait3A_88 = arith.constant 0 : i32
      %dma_wait3A_89 = tpu.memref_slice %arg6[%arg0, %add3A_59, %dma_wait3A_88] : memref<2x10112x128xf32, #tpu.memory_space<hbm>> -> memref<1x128x128xf32, #tpu.memory_space<hbm>>
      %dma_wait3A_90 = tpu.memref_squeeze %dma_wait3A_89 : memref<1x128x128xf32, #tpu.memory_space<hbm>> -> memref<128x128xf32, #tpu.memory_space<hbm>>
      %dma_wait3A_91 = arith.constant 0 : i32
      %dma_wait3A_92 = arith.constant 0 : i32
      %dma_wait3A_93 = tpu.memref_slice %arg9[%run_scoped3A_60, %dma_wait3A_91, %dma_wait3A_92] : memref<2x128x128xf32, #tpu.memory_space<vmem>> -> memref<1x128x128xf32, #tpu.memory_space<vmem>>
      %dma_wait3A_94 = tpu.memref_squeeze %dma_wait3A_93 : memref<1x128x128xf32, #tpu.memory_space<vmem>> -> memref<128x128xf32, #tpu.memory_space<vmem>>
      tpu.wait_dma2 semaphore(%run_scoped3A_67 : memref<!tpu.dma_semaphore, #tpu.memory_space<semaphore_mem>>) src(%dma_wait3A_94 : memref<128x128xf32, #tpu.memory_space<vmem>>) dst(%dma_wait3A_90 : memref<128x128xf32, #tpu.memory_space<hbm>>)
      tpu.yield
    }) : () -> ()
    %add3A_61 = arith.constant 512 : i32
    %add3A_62 = arith.addi %mul3A_2, %add3A_61 : i32
    %run_scoped3A_63 = arith.constant 0 : i32
    "tpu.region"() ({
      %run_scoped3A_67 = tpu.sem_alloc : memref<!tpu.dma_semaphore, #tpu.memory_space<semaphore_mem>>
      %dma_start3A_68 = arith.constant 0 : i32
      %dma_start3A_69 = arith.constant 0 : i32
      %dma_start3A_70 = tpu.memref_slice %arg9[%run_scoped3A_63, %dma_start3A_68, %dma_start3A_69] : memref<2x128x128xf32, #tpu.memory_space<vmem>> -> memref<1x120x128xf32, #tpu.memory_space<vmem>>
      %dma_start3A_71 = tpu.memref_squeeze %dma_start3A_70 : memref<1x120x128xf32, #tpu.memory_space<vmem>> -> memref<120x128xf32, #tpu.memory_space<vmem>>
      %dma_start3A_72 = arith.constant 0 : i32
      %dma_start3A_73 = tpu.memref_slice %arg10[%add3A_62, %dma_start3A_72] : memref<10112x128xf32, #tpu.memory_space<vmem_shared>> -> memref<120x128xf32, #tpu.memory_space<vmem_shared>>
      %dma_start3A_74 = arith.constant 0 : i32
      %dma_start3A_75 = arith.constant 0 : i32
      %dma_start3A_76 = tpu.memref_slice %arg9[%run_scoped3A_63, %dma_start3A_74, %dma_start3A_75] : memref<2x128x128xf32, #tpu.memory_space<vmem>> -> memref<1x120x128xf32, #tpu.memory_space<vmem>>
      %dma_start3A_77 = tpu.memref_squeeze %dma_start3A_76 : memref<1x120x128xf32, #tpu.memory_space<vmem>> -> memref<120x128xf32, #tpu.memory_space<vmem>>
      %dma_start3A_78 = arith.constant 0 : i32
      %dma_start3A_79 = tpu.memref_slice %arg10[%add3A_62, %dma_start3A_78] : memref<10112x128xf32, #tpu.memory_space<vmem_shared>> -> memref<120x128xf32, #tpu.memory_space<vmem_shared>>
      tpu.enqueue_dma source(%dma_start3A_79 : memref<120x128xf32, #tpu.memory_space<vmem_shared>>) target(%dma_start3A_77 : memref<120x128xf32, #tpu.memory_space<vmem>>) target_semaphore(%run_scoped3A_67 : memref<!tpu.dma_semaphore, #tpu.memory_space<semaphore_mem>>)
      %dma_wait3A = arith.constant 0 : i32
      %dma_wait3A_80 = arith.constant 0 : i32
      %dma_wait3A_81 = tpu.memref_slice %arg9[%run_scoped3A_63, %dma_wait3A, %dma_wait3A_80] : memref<2x128x128xf32, #tpu.memory_space<vmem>> -> memref<1x120x128xf32, #tpu.memory_space<vmem>>
      %dma_wait3A_82 = tpu.memref_squeeze %dma_wait3A_81 : memref<1x120x128xf32, #tpu.memory_space<vmem>> -> memref<120x128xf32, #tpu.memory_space<vmem>>
      %dma_wait3A_83 = arith.constant 0 : i32
      %dma_wait3A_84 = tpu.memref_slice %arg10[%add3A_62, %dma_wait3A_83] : memref<10112x128xf32, #tpu.memory_space<vmem_shared>> -> memref<120x128xf32, #tpu.memory_space<vmem_shared>>
      %dma_wait3A_85 = arith.constant 0 : i32
      %dma_wait3A_86 = arith.constant 0 : i32
      %dma_wait3A_87 = tpu.memref_slice %arg9[%run_scoped3A_63, %dma_wait3A_85, %dma_wait3A_86] : memref<2x128x128xf32, #tpu.memory_space<vmem>> -> memref<1x120x128xf32, #tpu.memory_space<vmem>>
      %dma_wait3A_88 = tpu.memref_squeeze %dma_wait3A_87 : memref<1x120x128xf32, #tpu.memory_space<vmem>> -> memref<120x128xf32, #tpu.memory_space<vmem>>
      %dma_wait3A_89 = arith.constant 0 : i32
      %dma_wait3A_90 = tpu.memref_slice %arg10[%add3A_62, %dma_wait3A_89] : memref<10112x128xf32, #tpu.memory_space<vmem_shared>> -> memref<120x128xf32, #tpu.memory_space<vmem_shared>>
      tpu.wait_dma2 semaphore(%run_scoped3A_67 : memref<!tpu.dma_semaphore, #tpu.memory_space<semaphore_mem>>) src(%dma_wait3A_90 : memref<120x128xf32, #tpu.memory_space<vmem_shared>>) dst(%dma_wait3A_88 : memref<120x128xf32, #tpu.memory_space<vmem>>)
      tpu.yield
    }) : () -> ()
    %add3A_64 = arith.constant 512 : i32
    %add3A_65 = arith.addi %mul3A_2, %add3A_64 : i32
    %run_scoped3A_66 = arith.constant 0 : i32
    "tpu.region"() ({
      %run_scoped3A_67 = tpu.sem_alloc : memref<!tpu.dma_semaphore, #tpu.memory_space<semaphore_mem>>
      %dma_start3A_68 = arith.constant 0 : i32
      %dma_start3A_69 = arith.constant 0 : i32
      %dma_start3A_70 = tpu.memref_slice %arg9[%run_scoped3A_66, %dma_start3A_68, %dma_start3A_69] : memref<2x128x128xf32, #tpu.memory_space<vmem>> -> memref<1x120x128xf32, #tpu.memory_space<vmem>>
      %dma_start3A_71 = tpu.memref_squeeze %dma_start3A_70 : memref<1x120x128xf32, #tpu.memory_space<vmem>> -> memref<120x128xf32, #tpu.memory_space<vmem>>
      %dma_start3A_72 = arith.constant 0 : i32
      %dma_start3A_73 = tpu.memref_slice %arg6[%arg0, %add3A_65, %dma_start3A_72] : memref<2x10112x128xf32, #tpu.memory_space<hbm>> -> memref<1x120x128xf32, #tpu.memory_space<hbm>>
      %dma_start3A_74 = tpu.memref_squeeze %dma_start3A_73 : memref<1x120x128xf32, #tpu.memory_space<hbm>> -> memref<120x128xf32, #tpu.memory_space<hbm>>
      %dma_start3A_75 = arith.constant 0 : i32
      %dma_start3A_76 = tpu.memref_slice %arg6[%arg0, %add3A_65, %dma_start3A_75] : memref<2x10112x128xf32, #tpu.memory_space<hbm>> -> memref<1x120x128xf32, #tpu.memory_space<hbm>>
      %dma_start3A_77 = tpu.memref_squeeze %dma_start3A_76 : memref<1x120x128xf32, #tpu.memory_space<hbm>> -> memref<120x128xf32, #tpu.memory_space<hbm>>
      %dma_start3A_78 = arith.constant 0 : i32
      %dma_start3A_79 = arith.constant 0 : i32
      %dma_start3A_80 = tpu.memref_slice %arg9[%run_scoped3A_66, %dma_start3A_78, %dma_start3A_79] : memref<2x128x128xf32, #tpu.memory_space<vmem>> -> memref<1x120x128xf32, #tpu.memory_space<vmem>>
      %dma_start3A_81 = tpu.memref_squeeze %dma_start3A_80 : memref<1x120x128xf32, #tpu.memory_space<vmem>> -> memref<120x128xf32, #tpu.memory_space<vmem>>
      tpu.enqueue_dma source(%dma_start3A_81 : memref<120x128xf32, #tpu.memory_space<vmem>>) target(%dma_start3A_77 : memref<120x128xf32, #tpu.memory_space<hbm>>) target_semaphore(%run_scoped3A_67 : memref<!tpu.dma_semaphore, #tpu.memory_space<semaphore_mem>>)
      %dma_wait3A = arith.constant 0 : i32
      %dma_wait3A_82 = arith.constant 0 : i32
      %dma_wait3A_83 = tpu.memref_slice %arg9[%run_scoped3A_66, %dma_wait3A, %dma_wait3A_82] : memref<2x128x128xf32, #tpu.memory_space<vmem>> -> memref<1x120x128xf32, #tpu.memory_space<vmem>>
      %dma_wait3A_84 = tpu.memref_squeeze %dma_wait3A_83 : memref<1x120x128xf32, #tpu.memory_space<vmem>> -> memref<120x128xf32, #tpu.memory_space<vmem>>
      %dma_wait3A_85 = arith.constant 0 : i32
      %dma_wait3A_86 = tpu.memref_slice %arg6[%arg0, %add3A_65, %dma_wait3A_85] : memref<2x10112x128xf32, #tpu.memory_space<hbm>> -> memref<1x120x128xf32, #tpu.memory_space<hbm>>
      %dma_wait3A_87 = tpu.memref_squeeze %dma_wait3A_86 : memref<1x120x128xf32, #tpu.memory_space<hbm>> -> memref<120x128xf32, #tpu.memory_space<hbm>>
      %dma_wait3A_88 = arith.constant 0 : i32
      %dma_wait3A_89 = tpu.memref_slice %arg6[%arg0, %add3A_65, %dma_wait3A_88] : memref<2x10112x128xf32, #tpu.memory_space<hbm>> -> memref<1x120x128xf32, #tpu.memory_space<hbm>>
      %dma_wait3A_90 = tpu.memref_squeeze %dma_wait3A_89 : memref<1x120x128xf32, #tpu.memory_space<hbm>> -> memref<120x128xf32, #tpu.memory_space<hbm>>
      %dma_wait3A_91 = arith.constant 0 : i32
      %dma_wait3A_92 = arith.constant 0 : i32
      %dma_wait3A_93 = tpu.memref_slice %arg9[%run_scoped3A_66, %dma_wait3A_91, %dma_wait3A_92] : memref<2x128x128xf32, #tpu.memory_space<vmem>> -> memref<1x120x128xf32, #tpu.memory_space<vmem>>
      %dma_wait3A_94 = tpu.memref_squeeze %dma_wait3A_93 : memref<1x120x128xf32, #tpu.memory_space<vmem>> -> memref<120x128xf32, #tpu.memory_space<vmem>>
      tpu.wait_dma2 semaphore(%run_scoped3A_67 : memref<!tpu.dma_semaphore, #tpu.memory_space<semaphore_mem>>) src(%dma_wait3A_94 : memref<120x128xf32, #tpu.memory_space<vmem>>) dst(%dma_wait3A_90 : memref<120x128xf32, #tpu.memory_space<hbm>>)
      tpu.yield
    }) : () -> ()
    return
  }
}

#map = affine_map<(d0, d1) -> (0, 0, 0)>
#map1 = affine_map<(d0, d1) -> (0)>
module attributes {stable_mosaic.version = 14 : i64} {
  func.func @deg_kernel(%arg0: i32, %arg1: i32, %arg2: memref<32x80x128xi32, #tpu.memory_space<hbm>>, %arg3: memref<632xf32, #tpu.memory_space<hbm>>, %arg4: memref<128xf32, #tpu.memory_space<hbm>>, %arg5: memref<20224xf32, #tpu.memory_space<hbm>>, %arg6: memref<80x128xi32, #tpu.memory_space<vmem>>, %arg7: memref<128xf32, #tpu.memory_space<vmem>>, %arg8: memref<632xf32, #tpu.memory_space<vmem>>, %arg9: memref<10112xf32, #tpu.memory_space<vmem_shared>>) attributes {dimension_semantics = [#tpu.dimension_semantics<core_parallel>, #tpu.dimension_semantics<subcore_parallel>], iteration_bounds = array<i64: 2, 16>, scalar_prefetch = 0 : i64, scratch_operands = 4 : i64, tpu.core_type = #tpu.core_type<sc_vector_subcore>, window_params = [{transform_indices = #map}, {transform_indices = #map1}, {transform_indices = #map1}, {transform_indices = #map1}]} {
    %mul3A = arith.constant 16 : i32
    %mul3A_0 = arith.muli %arg0, %mul3A : i32
    %add3A = arith.addi %mul3A_0, %arg1 : i32
    %mul3A_1 = arith.constant 632 : i32
    %mul3A_2 = arith.muli %arg1, %mul3A_1 : i32
    "tpu.region"() ({
      %run_scoped3A = tpu.sem_alloc : memref<!tpu.dma_semaphore, #tpu.memory_space<semaphore_mem>>
      tpu.enqueue_dma source(%arg3 : memref<632xf32, #tpu.memory_space<hbm>>) target(%arg8 : memref<632xf32, #tpu.memory_space<vmem>>) target_semaphore(%run_scoped3A : memref<!tpu.dma_semaphore, #tpu.memory_space<semaphore_mem>>)
      tpu.wait_dma2 semaphore(%run_scoped3A : memref<!tpu.dma_semaphore, #tpu.memory_space<semaphore_mem>>) src(%arg3 : memref<632xf32, #tpu.memory_space<hbm>>) dst(%arg8 : memref<632xf32, #tpu.memory_space<vmem>>)
      tpu.yield
    }) : () -> ()
    "tpu.region"() ({
      %run_scoped3A = tpu.sem_alloc : memref<!tpu.dma_semaphore, #tpu.memory_space<semaphore_mem>>
      %dma_start3A = tpu.memref_slice %arg9[%mul3A_2] : memref<10112xf32, #tpu.memory_space<vmem_shared>> -> memref<632xf32, #tpu.memory_space<vmem_shared>>
      %dma_start3A_11 = tpu.memref_slice %arg9[%mul3A_2] : memref<10112xf32, #tpu.memory_space<vmem_shared>> -> memref<632xf32, #tpu.memory_space<vmem_shared>>
      tpu.enqueue_dma source(%arg8 : memref<632xf32, #tpu.memory_space<vmem>>) target(%dma_start3A_11 : memref<632xf32, #tpu.memory_space<vmem_shared>>) target_semaphore(%run_scoped3A : memref<!tpu.dma_semaphore, #tpu.memory_space<semaphore_mem>>)
      %dma_wait3A = tpu.memref_slice %arg9[%mul3A_2] : memref<10112xf32, #tpu.memory_space<vmem_shared>> -> memref<632xf32, #tpu.memory_space<vmem_shared>>
      %dma_wait3A_12 = tpu.memref_slice %arg9[%mul3A_2] : memref<10112xf32, #tpu.memory_space<vmem_shared>> -> memref<632xf32, #tpu.memory_space<vmem_shared>>
      tpu.wait_dma2 semaphore(%run_scoped3A : memref<!tpu.dma_semaphore, #tpu.memory_space<semaphore_mem>>) src(%arg8 : memref<632xf32, #tpu.memory_space<vmem>>) dst(%dma_wait3A_12 : memref<632xf32, #tpu.memory_space<vmem_shared>>)
      tpu.yield
    }) : () -> ()
    "tpu.region"() ({
      %run_scoped3A = tpu.sem_alloc : memref<!tpu.dma_semaphore, #tpu.memory_space<semaphore_mem>>
      tpu.enqueue_dma source(%arg4 : memref<128xf32, #tpu.memory_space<hbm>>) target(%arg7 : memref<128xf32, #tpu.memory_space<vmem>>) target_semaphore(%run_scoped3A : memref<!tpu.dma_semaphore, #tpu.memory_space<semaphore_mem>>)
      tpu.wait_dma2 semaphore(%run_scoped3A : memref<!tpu.dma_semaphore, #tpu.memory_space<semaphore_mem>>) src(%arg4 : memref<128xf32, #tpu.memory_space<hbm>>) dst(%arg7 : memref<128xf32, #tpu.memory_space<vmem>>)
      tpu.yield
    }) : () -> ()
    "tpu.region"() ({
      %run_scoped3A = tpu.sem_alloc : memref<!tpu.dma_semaphore, #tpu.memory_space<semaphore_mem>>
      %dma_start3A = arith.constant 0 : i32
      %dma_start3A_11 = arith.constant 0 : i32
      %dma_start3A_12 = tpu.memref_slice %arg2[%add3A, %dma_start3A, %dma_start3A_11] : memref<32x80x128xi32, #tpu.memory_space<hbm>> -> memref<1x80x128xi32, #tpu.memory_space<hbm>>
      %dma_start3A_13 = tpu.memref_squeeze %dma_start3A_12 : memref<1x80x128xi32, #tpu.memory_space<hbm>> -> memref<80x128xi32, #tpu.memory_space<hbm>>
      %dma_start3A_14 = arith.constant 0 : i32
      %dma_start3A_15 = arith.constant 0 : i32
      %dma_start3A_16 = tpu.memref_slice %arg2[%add3A, %dma_start3A_14, %dma_start3A_15] : memref<32x80x128xi32, #tpu.memory_space<hbm>> -> memref<1x80x128xi32, #tpu.memory_space<hbm>>
      %dma_start3A_17 = tpu.memref_squeeze %dma_start3A_16 : memref<1x80x128xi32, #tpu.memory_space<hbm>> -> memref<80x128xi32, #tpu.memory_space<hbm>>
      tpu.enqueue_dma source(%dma_start3A_17 : memref<80x128xi32, #tpu.memory_space<hbm>>) target(%arg6 : memref<80x128xi32, #tpu.memory_space<vmem>>) target_semaphore(%run_scoped3A : memref<!tpu.dma_semaphore, #tpu.memory_space<semaphore_mem>>)
      %dma_wait3A = arith.constant 0 : i32
      %dma_wait3A_18 = arith.constant 0 : i32
      %dma_wait3A_19 = tpu.memref_slice %arg2[%add3A, %dma_wait3A, %dma_wait3A_18] : memref<32x80x128xi32, #tpu.memory_space<hbm>> -> memref<1x80x128xi32, #tpu.memory_space<hbm>>
      %dma_wait3A_20 = tpu.memref_squeeze %dma_wait3A_19 : memref<1x80x128xi32, #tpu.memory_space<hbm>> -> memref<80x128xi32, #tpu.memory_space<hbm>>
      %dma_wait3A_21 = arith.constant 0 : i32
      %dma_wait3A_22 = arith.constant 0 : i32
      %dma_wait3A_23 = tpu.memref_slice %arg2[%add3A, %dma_wait3A_21, %dma_wait3A_22] : memref<32x80x128xi32, #tpu.memory_space<hbm>> -> memref<1x80x128xi32, #tpu.memory_space<hbm>>
      %dma_wait3A_24 = tpu.memref_squeeze %dma_wait3A_23 : memref<1x80x128xi32, #tpu.memory_space<hbm>> -> memref<80x128xi32, #tpu.memory_space<hbm>>
      tpu.wait_dma2 semaphore(%run_scoped3A : memref<!tpu.dma_semaphore, #tpu.memory_space<semaphore_mem>>) src(%dma_wait3A_24 : memref<80x128xi32, #tpu.memory_space<hbm>>) dst(%arg6 : memref<80x128xi32, #tpu.memory_space<vmem>>)
      tpu.yield
    }) : () -> ()
    %barrier3A = arith.constant 0 : index
    tpu.barrier barrier_id(%barrier3A)
    %scan3A = arith.constant 0 : i32
    %scan3A_3 = arith.constant 80 : i32
    %scan3A_4 = arith.addi %scan3A, %scan3A_3 : i32
    %scan3A_5 = arith.constant 1 : i32
    scf.for %scan3A_11 = %scan3A to %scan3A_4 step %scan3A_5  : i32 {
      %mul3A_12 = arith.constant 1 : i32
      %mul3A_13 = arith.muli %scan3A_11, %mul3A_12 : i32
      %add3A_14 = arith.constant 0 : i32
      %add3A_15 = arith.addi %add3A_14, %mul3A_13 : i32
      "tpu.region"() ({
        %run_scoped3A = tpu.sem_alloc : memref<!tpu.dma_semaphore, #tpu.memory_space<semaphore_mem>>
        %dma_start3A = arith.constant 0 : i32
        %dma_start3A_16 = tpu.memref_slice %arg6[%add3A_15, %dma_start3A] : memref<80x128xi32, #tpu.memory_space<vmem>> -> memref<1x128xi32, #tpu.memory_space<vmem>>
        %dma_start3A_17 = tpu.memref_squeeze %dma_start3A_16 : memref<1x128xi32, #tpu.memory_space<vmem>> -> memref<128xi32, #tpu.memory_space<vmem>>
        %dma_start3A_18 = arith.constant 0 : i32
        %dma_start3A_19 = tpu.memref_slice %arg9[%dma_start3A_18] : memref<10112xf32, #tpu.memory_space<vmem_shared>> -> memref<10112xf32, #tpu.memory_space<vmem_shared>>
        tpu.enqueue_indirect_dma source(%arg7 : memref<128xf32, #tpu.memory_space<vmem>>) target(%dma_start3A_19 : memref<10112xf32, #tpu.memory_space<vmem_shared>>) offsets(%dma_start3A_17 : memref<128xi32, #tpu.memory_space<vmem>>) semaphore(%run_scoped3A : memref<!tpu.dma_semaphore, #tpu.memory_space<semaphore_mem>>) {add = true}
        %dma_wait3A = arith.constant 0 : i32
        %dma_wait3A_20 = tpu.memref_slice %arg6[%add3A_15, %dma_wait3A] : memref<80x128xi32, #tpu.memory_space<vmem>> -> memref<1x128xi32, #tpu.memory_space<vmem>>
        %dma_wait3A_21 = tpu.memref_squeeze %dma_wait3A_20 : memref<1x128xi32, #tpu.memory_space<vmem>> -> memref<128xi32, #tpu.memory_space<vmem>>
        %dma_wait3A_22 = arith.constant 0 : i32
        %dma_wait3A_23 = tpu.memref_slice %arg9[%dma_wait3A_22] : memref<10112xf32, #tpu.memory_space<vmem_shared>> -> memref<10112xf32, #tpu.memory_space<vmem_shared>>
        tpu.wait_indirect_dma semaphore(%run_scoped3A : memref<!tpu.dma_semaphore, #tpu.memory_space<semaphore_mem>>) src(%arg7 : memref<128xf32, #tpu.memory_space<vmem>>) dst(%dma_wait3A_23 : memref<10112xf32, #tpu.memory_space<vmem_shared>>)
        tpu.yield
      }) : () -> ()
    }
    %scan3A_6 = arith.constant 80 : i32
    %barrier3A_7 = arith.constant 0 : index
    tpu.barrier barrier_id(%barrier3A_7)
    "tpu.region"() ({
      %run_scoped3A = tpu.sem_alloc : memref<!tpu.dma_semaphore, #tpu.memory_space<semaphore_mem>>
      %dma_start3A = tpu.memref_slice %arg9[%mul3A_2] : memref<10112xf32, #tpu.memory_space<vmem_shared>> -> memref<632xf32, #tpu.memory_space<vmem_shared>>
      %dma_start3A_11 = tpu.memref_slice %arg9[%mul3A_2] : memref<10112xf32, #tpu.memory_space<vmem_shared>> -> memref<632xf32, #tpu.memory_space<vmem_shared>>
      tpu.enqueue_dma source(%dma_start3A_11 : memref<632xf32, #tpu.memory_space<vmem_shared>>) target(%arg8 : memref<632xf32, #tpu.memory_space<vmem>>) target_semaphore(%run_scoped3A : memref<!tpu.dma_semaphore, #tpu.memory_space<semaphore_mem>>)
      %dma_wait3A = tpu.memref_slice %arg9[%mul3A_2] : memref<10112xf32, #tpu.memory_space<vmem_shared>> -> memref<632xf32, #tpu.memory_space<vmem_shared>>
      %dma_wait3A_12 = tpu.memref_slice %arg9[%mul3A_2] : memref<10112xf32, #tpu.memory_space<vmem_shared>> -> memref<632xf32, #tpu.memory_space<vmem_shared>>
      tpu.wait_dma2 semaphore(%run_scoped3A : memref<!tpu.dma_semaphore, #tpu.memory_space<semaphore_mem>>) src(%dma_wait3A_12 : memref<632xf32, #tpu.memory_space<vmem_shared>>) dst(%arg8 : memref<632xf32, #tpu.memory_space<vmem>>)
      tpu.yield
    }) : () -> ()
    %mul3A_8 = arith.constant 10112 : i32
    %mul3A_9 = arith.muli %arg0, %mul3A_8 : i32
    %add3A_10 = arith.addi %mul3A_9, %mul3A_2 : i32
    "tpu.region"() ({
      %run_scoped3A = tpu.sem_alloc : memref<!tpu.dma_semaphore, #tpu.memory_space<semaphore_mem>>
      %dma_start3A = tpu.memref_slice %arg5[%add3A_10] : memref<20224xf32, #tpu.memory_space<hbm>> -> memref<632xf32, #tpu.memory_space<hbm>>
      %dma_start3A_11 = tpu.memref_slice %arg5[%add3A_10] : memref<20224xf32, #tpu.memory_space<hbm>> -> memref<632xf32, #tpu.memory_space<hbm>>
      tpu.enqueue_dma source(%arg8 : memref<632xf32, #tpu.memory_space<vmem>>) target(%dma_start3A_11 : memref<632xf32, #tpu.memory_space<hbm>>) target_semaphore(%run_scoped3A : memref<!tpu.dma_semaphore, #tpu.memory_space<semaphore_mem>>)
      %dma_wait3A = tpu.memref_slice %arg5[%add3A_10] : memref<20224xf32, #tpu.memory_space<hbm>> -> memref<632xf32, #tpu.memory_space<hbm>>
      %dma_wait3A_12 = tpu.memref_slice %arg5[%add3A_10] : memref<20224xf32, #tpu.memory_space<hbm>> -> memref<632xf32, #tpu.memory_space<hbm>>
      tpu.wait_dma2 semaphore(%run_scoped3A : memref<!tpu.dma_semaphore, #tpu.memory_space<semaphore_mem>>) src(%arg8 : memref<632xf32, #tpu.memory_space<vmem>>) dst(%dma_wait3A_12 : memref<632xf32, #tpu.memory_space<hbm>>)
      tpu.yield
    }) : () -> ()
    return
  }
}

#map = affine_map<(d0, d1) -> (0, 0)>
#map1 = affine_map<(d0, d1) -> (0, 0, 0)>
module attributes {stable_mosaic.version = 14 : i64} {
  func.func @layer_kernel(%arg0: i32, %arg1: i32, %arg2: memref<10000x128xf32, #tpu.memory_space<hbm>>, %arg3: memref<32x80x128xi32, #tpu.memory_space<hbm>>, %arg4: memref<32x80x128xi32, #tpu.memory_space<hbm>>, %arg5: memref<128x128xf32, #tpu.memory_space<hbm>>, %arg6: memref<2x10112x128xf32, #tpu.memory_space<hbm>>, %arg7: memref<2x8x128xi32, #tpu.memory_space<vmem>>, %arg8: memref<2x8x128xi32, #tpu.memory_space<vmem>>, %arg9: memref<2x128x128xf32, #tpu.memory_space<vmem>>, %arg10: memref<10112x128xf32, #tpu.memory_space<vmem_shared>>, %arg11: memref<!tpu.dma_semaphore, #tpu.memory_space<semaphore_mem>>, %arg12: memref<!tpu.dma_semaphore, #tpu.memory_space<semaphore_mem>>, %arg13: memref<!tpu.dma_semaphore, #tpu.memory_space<semaphore_mem>>, %arg14: memref<!tpu.dma_semaphore, #tpu.memory_space<semaphore_mem>>) attributes {dimension_semantics = [#tpu.dimension_semantics<core_parallel>, #tpu.dimension_semantics<subcore_parallel>], iteration_bounds = array<i64: 2, 16>, scalar_prefetch = 0 : i64, scratch_operands = 8 : i64, tpu.core_type = #tpu.core_type<sc_vector_subcore>, window_params = [{transform_indices = #map}, {transform_indices = #map1}, {transform_indices = #map1}, {transform_indices = #map}, {transform_indices = #map1}]} {
    %mul3A = arith.constant 16 : i32
    %mul3A_0 = arith.muli %arg0, %mul3A : i32
    %add3A = arith.addi %mul3A_0, %arg1 : i32
    %mul3A_1 = arith.constant 632 : i32
    %mul3A_2 = arith.muli %arg1, %mul3A_1 : i32
    %run_scoped3A = arith.constant 0 : i32
    "tpu.region"() ({
      %run_scoped3A_67 = tpu.sem_alloc : memref<!tpu.dma_semaphore, #tpu.memory_space<semaphore_mem>>
      %dma_start3A_68 = arith.constant 0 : i32
      %dma_start3A_69 = arith.constant 0 : i32
      %dma_start3A_70 = tpu.memref_slice %arg9[%run_scoped3A, %dma_start3A_68, %dma_start3A_69] : memref<2x128x128xf32, #tpu.memory_space<vmem>> -> memref<1x128x128xf32, #tpu.memory_space<vmem>>
      %dma_start3A_71 = tpu.memref_squeeze %dma_start3A_70 : memref<1x128x128xf32, #tpu.memory_space<vmem>> -> memref<128x128xf32, #tpu.memory_space<vmem>>
      %dma_start3A_72 = arith.constant 0 : i32
      %dma_start3A_73 = arith.constant 0 : i32
      %dma_start3A_74 = tpu.memref_slice %arg9[%run_scoped3A, %dma_start3A_72, %dma_start3A_73] : memref<2x128x128xf32, #tpu.memory_space<vmem>> -> memref<1x128x128xf32, #tpu.memory_space<vmem>>
      %dma_start3A_75 = tpu.memref_squeeze %dma_start3A_74 : memref<1x128x128xf32, #tpu.memory_space<vmem>> -> memref<128x128xf32, #tpu.memory_space<vmem>>
      tpu.enqueue_dma source(%arg5 : memref<128x128xf32, #tpu.memory_space<hbm>>) target(%dma_start3A_75 : memref<128x128xf32, #tpu.memory_space<vmem>>) target_semaphore(%run_scoped3A_67 : memref<!tpu.dma_semaphore, #tpu.memory_space<semaphore_mem>>)
      %dma_wait3A = arith.constant 0 : i32
      %dma_wait3A_76 = arith.constant 0 : i32
      %dma_wait3A_77 = tpu.memref_slice %arg9[%run_scoped3A, %dma_wait3A, %dma_wait3A_76] : memref<2x128x128xf32, #tpu.memory_space<vmem>> -> memref<1x128x128xf32, #tpu.memory_space<vmem>>
      %dma_wait3A_78 = tpu.memref_squeeze %dma_wait3A_77 : memref<1x128x128xf32, #tpu.memory_space<vmem>> -> memref<128x128xf32, #tpu.memory_space<vmem>>
      %dma_wait3A_79 = arith.constant 0 : i32
      %dma_wait3A_80 = arith.constant 0 : i32
      %dma_wait3A_81 = tpu.memref_slice %arg9[%run_scoped3A, %dma_wait3A_79, %dma_wait3A_80] : memref<2x128x128xf32, #tpu.memory_space<vmem>> -> memref<1x128x128xf32, #tpu.memory_space<vmem>>
      %dma_wait3A_82 = tpu.memref_squeeze %dma_wait3A_81 : memref<1x128x128xf32, #tpu.memory_space<vmem>> -> memref<128x128xf32, #tpu.memory_space<vmem>>
      tpu.wait_dma2 semaphore(%run_scoped3A_67 : memref<!tpu.dma_semaphore, #tpu.memory_space<semaphore_mem>>) src(%arg5 : memref<128x128xf32, #tpu.memory_space<hbm>>) dst(%dma_wait3A_82 : memref<128x128xf32, #tpu.memory_space<vmem>>)
      tpu.yield
    }) : () -> ()
    %add3A_3 = arith.constant 0 : i32
    %add3A_4 = arith.addi %mul3A_2, %add3A_3 : i32
    %run_scoped3A_5 = arith.constant 0 : i32
    "tpu.region"() ({
      %run_scoped3A_67 = tpu.sem_alloc : memref<!tpu.dma_semaphore, #tpu.memory_space<semaphore_mem>>
      %dma_start3A_68 = arith.constant 0 : i32
      %dma_start3A_69 = arith.constant 0 : i32
      %dma_start3A_70 = tpu.memref_slice %arg9[%run_scoped3A_5, %dma_start3A_68, %dma_start3A_69] : memref<2x128x128xf32, #tpu.memory_space<vmem>> -> memref<1x128x128xf32, #tpu.memory_space<vmem>>
      %dma_start3A_71 = tpu.memref_squeeze %dma_start3A_70 : memref<1x128x128xf32, #tpu.memory_space<vmem>> -> memref<128x128xf32, #tpu.memory_space<vmem>>
      %dma_start3A_72 = arith.constant 0 : i32
      %dma_start3A_73 = tpu.memref_slice %arg10[%add3A_4, %dma_start3A_72] : memref<10112x128xf32, #tpu.memory_space<vmem_shared>> -> memref<128x128xf32, #tpu.memory_space<vmem_shared>>
      %dma_start3A_74 = arith.constant 0 : i32
      %dma_start3A_75 = tpu.memref_slice %arg10[%add3A_4, %dma_start3A_74] : memref<10112x128xf32, #tpu.memory_space<vmem_shared>> -> memref<128x128xf32, #tpu.memory_space<vmem_shared>>
      %dma_start3A_76 = arith.constant 0 : i32
      %dma_start3A_77 = arith.constant 0 : i32
      %dma_start3A_78 = tpu.memref_slice %arg9[%run_scoped3A_5, %dma_start3A_76, %dma_start3A_77] : memref<2x128x128xf32, #tpu.memory_space<vmem>> -> memref<1x128x128xf32, #tpu.memory_space<vmem>>
      %dma_start3A_79 = tpu.memref_squeeze %dma_start3A_78 : memref<1x128x128xf32, #tpu.memory_space<vmem>> -> memref<128x128xf32, #tpu.memory_space<vmem>>
      tpu.enqueue_dma source(%dma_start3A_79 : memref<128x128xf32, #tpu.memory_space<vmem>>) target(%dma_start3A_75 : memref<128x128xf32, #tpu.memory_space<vmem_shared>>) target_semaphore(%run_scoped3A_67 : memref<!tpu.dma_semaphore, #tpu.memory_space<semaphore_mem>>)
      %dma_wait3A = arith.constant 0 : i32
      %dma_wait3A_80 = arith.constant 0 : i32
      %dma_wait3A_81 = tpu.memref_slice %arg9[%run_scoped3A_5, %dma_wait3A, %dma_wait3A_80] : memref<2x128x128xf32, #tpu.memory_space<vmem>> -> memref<1x128x128xf32, #tpu.memory_space<vmem>>
      %dma_wait3A_82 = tpu.memref_squeeze %dma_wait3A_81 : memref<1x128x128xf32, #tpu.memory_space<vmem>> -> memref<128x128xf32, #tpu.memory_space<vmem>>
      %dma_wait3A_83 = arith.constant 0 : i32
      %dma_wait3A_84 = tpu.memref_slice %arg10[%add3A_4, %dma_wait3A_83] : memref<10112x128xf32, #tpu.memory_space<vmem_shared>> -> memref<128x128xf32, #tpu.memory_space<vmem_shared>>
      %dma_wait3A_85 = arith.constant 0 : i32
      %dma_wait3A_86 = tpu.memref_slice %arg10[%add3A_4, %dma_wait3A_85] : memref<10112x128xf32, #tpu.memory_space<vmem_shared>> -> memref<128x128xf32, #tpu.memory_space<vmem_shared>>
      %dma_wait3A_87 = arith.constant 0 : i32
      %dma_wait3A_88 = arith.constant 0 : i32
      %dma_wait3A_89 = tpu.memref_slice %arg9[%run_scoped3A_5, %dma_wait3A_87, %dma_wait3A_88] : memref<2x128x128xf32, #tpu.memory_space<vmem>> -> memref<1x128x128xf32, #tpu.memory_space<vmem>>
      %dma_wait3A_90 = tpu.memref_squeeze %dma_wait3A_89 : memref<1x128x128xf32, #tpu.memory_space<vmem>> -> memref<128x128xf32, #tpu.memory_space<vmem>>
      tpu.wait_dma2 semaphore(%run_scoped3A_67 : memref<!tpu.dma_semaphore, #tpu.memory_space<semaphore_mem>>) src(%dma_wait3A_90 : memref<128x128xf32, #tpu.memory_space<vmem>>) dst(%dma_wait3A_86 : memref<128x128xf32, #tpu.memory_space<vmem_shared>>)
      tpu.yield
    }) : () -> ()
    %add3A_6 = arith.constant 128 : i32
    %add3A_7 = arith.addi %mul3A_2, %add3A_6 : i32
    %run_scoped3A_8 = arith.constant 0 : i32
    "tpu.region"() ({
      %run_scoped3A_67 = tpu.sem_alloc : memref<!tpu.dma_semaphore, #tpu.memory_space<semaphore_mem>>
      %dma_start3A_68 = arith.constant 0 : i32
      %dma_start3A_69 = arith.constant 0 : i32
      %dma_start3A_70 = tpu.memref_slice %arg9[%run_scoped3A_8, %dma_start3A_68, %dma_start3A_69] : memref<2x128x128xf32, #tpu.memory_space<vmem>> -> memref<1x128x128xf32, #tpu.memory_space<vmem>>
      %dma_start3A_71 = tpu.memref_squeeze %dma_start3A_70 : memref<1x128x128xf32, #tpu.memory_space<vmem>> -> memref<128x128xf32, #tpu.memory_space<vmem>>
      %dma_start3A_72 = arith.constant 0 : i32
      %dma_start3A_73 = tpu.memref_slice %arg10[%add3A_7, %dma_start3A_72] : memref<10112x128xf32, #tpu.memory_space<vmem_shared>> -> memref<128x128xf32, #tpu.memory_space<vmem_shared>>
      %dma_start3A_74 = arith.constant 0 : i32
      %dma_start3A_75 = tpu.memref_slice %arg10[%add3A_7, %dma_start3A_74] : memref<10112x128xf32, #tpu.memory_space<vmem_shared>> -> memref<128x128xf32, #tpu.memory_space<vmem_shared>>
      %dma_start3A_76 = arith.constant 0 : i32
      %dma_start3A_77 = arith.constant 0 : i32
      %dma_start3A_78 = tpu.memref_slice %arg9[%run_scoped3A_8, %dma_start3A_76, %dma_start3A_77] : memref<2x128x128xf32, #tpu.memory_space<vmem>> -> memref<1x128x128xf32, #tpu.memory_space<vmem>>
      %dma_start3A_79 = tpu.memref_squeeze %dma_start3A_78 : memref<1x128x128xf32, #tpu.memory_space<vmem>> -> memref<128x128xf32, #tpu.memory_space<vmem>>
      tpu.enqueue_dma source(%dma_start3A_79 : memref<128x128xf32, #tpu.memory_space<vmem>>) target(%dma_start3A_75 : memref<128x128xf32, #tpu.memory_space<vmem_shared>>) target_semaphore(%run_scoped3A_67 : memref<!tpu.dma_semaphore, #tpu.memory_space<semaphore_mem>>)
      %dma_wait3A = arith.constant 0 : i32
      %dma_wait3A_80 = arith.constant 0 : i32
      %dma_wait3A_81 = tpu.memref_slice %arg9[%run_scoped3A_8, %dma_wait3A, %dma_wait3A_80] : memref<2x128x128xf32, #tpu.memory_space<vmem>> -> memref<1x128x128xf32, #tpu.memory_space<vmem>>
      %dma_wait3A_82 = tpu.memref_squeeze %dma_wait3A_81 : memref<1x128x128xf32, #tpu.memory_space<vmem>> -> memref<128x128xf32, #tpu.memory_space<vmem>>
      %dma_wait3A_83 = arith.constant 0 : i32
      %dma_wait3A_84 = tpu.memref_slice %arg10[%add3A_7, %dma_wait3A_83] : memref<10112x128xf32, #tpu.memory_space<vmem_shared>> -> memref<128x128xf32, #tpu.memory_space<vmem_shared>>
      %dma_wait3A_85 = arith.constant 0 : i32
      %dma_wait3A_86 = tpu.memref_slice %arg10[%add3A_7, %dma_wait3A_85] : memref<10112x128xf32, #tpu.memory_space<vmem_shared>> -> memref<128x128xf32, #tpu.memory_space<vmem_shared>>
      %dma_wait3A_87 = arith.constant 0 : i32
      %dma_wait3A_88 = arith.constant 0 : i32
      %dma_wait3A_89 = tpu.memref_slice %arg9[%run_scoped3A_8, %dma_wait3A_87, %dma_wait3A_88] : memref<2x128x128xf32, #tpu.memory_space<vmem>> -> memref<1x128x128xf32, #tpu.memory_space<vmem>>
      %dma_wait3A_90 = tpu.memref_squeeze %dma_wait3A_89 : memref<1x128x128xf32, #tpu.memory_space<vmem>> -> memref<128x128xf32, #tpu.memory_space<vmem>>
      tpu.wait_dma2 semaphore(%run_scoped3A_67 : memref<!tpu.dma_semaphore, #tpu.memory_space<semaphore_mem>>) src(%dma_wait3A_90 : memref<128x128xf32, #tpu.memory_space<vmem>>) dst(%dma_wait3A_86 : memref<128x128xf32, #tpu.memory_space<vmem_shared>>)
      tpu.yield
    }) : () -> ()
    %add3A_9 = arith.constant 256 : i32
    %add3A_10 = arith.addi %mul3A_2, %add3A_9 : i32
    %run_scoped3A_11 = arith.constant 0 : i32
    "tpu.region"() ({
      %run_scoped3A_67 = tpu.sem_alloc : memref<!tpu.dma_semaphore, #tpu.memory_space<semaphore_mem>>
      %dma_start3A_68 = arith.constant 0 : i32
      %dma_start3A_69 = arith.constant 0 : i32
      %dma_start3A_70 = tpu.memref_slice %arg9[%run_scoped3A_11, %dma_start3A_68, %dma_start3A_69] : memref<2x128x128xf32, #tpu.memory_space<vmem>> -> memref<1x128x128xf32, #tpu.memory_space<vmem>>
      %dma_start3A_71 = tpu.memref_squeeze %dma_start3A_70 : memref<1x128x128xf32, #tpu.memory_space<vmem>> -> memref<128x128xf32, #tpu.memory_space<vmem>>
      %dma_start3A_72 = arith.constant 0 : i32
      %dma_start3A_73 = tpu.memref_slice %arg10[%add3A_10, %dma_start3A_72] : memref<10112x128xf32, #tpu.memory_space<vmem_shared>> -> memref<128x128xf32, #tpu.memory_space<vmem_shared>>
      %dma_start3A_74 = arith.constant 0 : i32
      %dma_start3A_75 = tpu.memref_slice %arg10[%add3A_10, %dma_start3A_74] : memref<10112x128xf32, #tpu.memory_space<vmem_shared>> -> memref<128x128xf32, #tpu.memory_space<vmem_shared>>
      %dma_start3A_76 = arith.constant 0 : i32
      %dma_start3A_77 = arith.constant 0 : i32
      %dma_start3A_78 = tpu.memref_slice %arg9[%run_scoped3A_11, %dma_start3A_76, %dma_start3A_77] : memref<2x128x128xf32, #tpu.memory_space<vmem>> -> memref<1x128x128xf32, #tpu.memory_space<vmem>>
      %dma_start3A_79 = tpu.memref_squeeze %dma_start3A_78 : memref<1x128x128xf32, #tpu.memory_space<vmem>> -> memref<128x128xf32, #tpu.memory_space<vmem>>
      tpu.enqueue_dma source(%dma_start3A_79 : memref<128x128xf32, #tpu.memory_space<vmem>>) target(%dma_start3A_75 : memref<128x128xf32, #tpu.memory_space<vmem_shared>>) target_semaphore(%run_scoped3A_67 : memref<!tpu.dma_semaphore, #tpu.memory_space<semaphore_mem>>)
      %dma_wait3A = arith.constant 0 : i32
      %dma_wait3A_80 = arith.constant 0 : i32
      %dma_wait3A_81 = tpu.memref_slice %arg9[%run_scoped3A_11, %dma_wait3A, %dma_wait3A_80] : memref<2x128x128xf32, #tpu.memory_space<vmem>> -> memref<1x128x128xf32, #tpu.memory_space<vmem>>
      %dma_wait3A_82 = tpu.memref_squeeze %dma_wait3A_81 : memref<1x128x128xf32, #tpu.memory_space<vmem>> -> memref<128x128xf32, #tpu.memory_space<vmem>>
      %dma_wait3A_83 = arith.constant 0 : i32
      %dma_wait3A_84 = tpu.memref_slice %arg10[%add3A_10, %dma_wait3A_83] : memref<10112x128xf32, #tpu.memory_space<vmem_shared>> -> memref<128x128xf32, #tpu.memory_space<vmem_shared>>
      %dma_wait3A_85 = arith.constant 0 : i32
      %dma_wait3A_86 = tpu.memref_slice %arg10[%add3A_10, %dma_wait3A_85] : memref<10112x128xf32, #tpu.memory_space<vmem_shared>> -> memref<128x128xf32, #tpu.memory_space<vmem_shared>>
      %dma_wait3A_87 = arith.constant 0 : i32
      %dma_wait3A_88 = arith.constant 0 : i32
      %dma_wait3A_89 = tpu.memref_slice %arg9[%run_scoped3A_11, %dma_wait3A_87, %dma_wait3A_88] : memref<2x128x128xf32, #tpu.memory_space<vmem>> -> memref<1x128x128xf32, #tpu.memory_space<vmem>>
      %dma_wait3A_90 = tpu.memref_squeeze %dma_wait3A_89 : memref<1x128x128xf32, #tpu.memory_space<vmem>> -> memref<128x128xf32, #tpu.memory_space<vmem>>
      tpu.wait_dma2 semaphore(%run_scoped3A_67 : memref<!tpu.dma_semaphore, #tpu.memory_space<semaphore_mem>>) src(%dma_wait3A_90 : memref<128x128xf32, #tpu.memory_space<vmem>>) dst(%dma_wait3A_86 : memref<128x128xf32, #tpu.memory_space<vmem_shared>>)
      tpu.yield
    }) : () -> ()
    %add3A_12 = arith.constant 384 : i32
    %add3A_13 = arith.addi %mul3A_2, %add3A_12 : i32
    %run_scoped3A_14 = arith.constant 0 : i32
    "tpu.region"() ({
      %run_scoped3A_67 = tpu.sem_alloc : memref<!tpu.dma_semaphore, #tpu.memory_space<semaphore_mem>>
      %dma_start3A_68 = arith.constant 0 : i32
      %dma_start3A_69 = arith.constant 0 : i32
      %dma_start3A_70 = tpu.memref_slice %arg9[%run_scoped3A_14, %dma_start3A_68, %dma_start3A_69] : memref<2x128x128xf32, #tpu.memory_space<vmem>> -> memref<1x128x128xf32, #tpu.memory_space<vmem>>
      %dma_start3A_71 = tpu.memref_squeeze %dma_start3A_70 : memref<1x128x128xf32, #tpu.memory_space<vmem>> -> memref<128x128xf32, #tpu.memory_space<vmem>>
      %dma_start3A_72 = arith.constant 0 : i32
      %dma_start3A_73 = tpu.memref_slice %arg10[%add3A_13, %dma_start3A_72] : memref<10112x128xf32, #tpu.memory_space<vmem_shared>> -> memref<128x128xf32, #tpu.memory_space<vmem_shared>>
      %dma_start3A_74 = arith.constant 0 : i32
      %dma_start3A_75 = tpu.memref_slice %arg10[%add3A_13, %dma_start3A_74] : memref<10112x128xf32, #tpu.memory_space<vmem_shared>> -> memref<128x128xf32, #tpu.memory_space<vmem_shared>>
      %dma_start3A_76 = arith.constant 0 : i32
      %dma_start3A_77 = arith.constant 0 : i32
      %dma_start3A_78 = tpu.memref_slice %arg9[%run_scoped3A_14, %dma_start3A_76, %dma_start3A_77] : memref<2x128x128xf32, #tpu.memory_space<vmem>> -> memref<1x128x128xf32, #tpu.memory_space<vmem>>
      %dma_start3A_79 = tpu.memref_squeeze %dma_start3A_78 : memref<1x128x128xf32, #tpu.memory_space<vmem>> -> memref<128x128xf32, #tpu.memory_space<vmem>>
      tpu.enqueue_dma source(%dma_start3A_79 : memref<128x128xf32, #tpu.memory_space<vmem>>) target(%dma_start3A_75 : memref<128x128xf32, #tpu.memory_space<vmem_shared>>) target_semaphore(%run_scoped3A_67 : memref<!tpu.dma_semaphore, #tpu.memory_space<semaphore_mem>>)
      %dma_wait3A = arith.constant 0 : i32
      %dma_wait3A_80 = arith.constant 0 : i32
      %dma_wait3A_81 = tpu.memref_slice %arg9[%run_scoped3A_14, %dma_wait3A, %dma_wait3A_80] : memref<2x128x128xf32, #tpu.memory_space<vmem>> -> memref<1x128x128xf32, #tpu.memory_space<vmem>>
      %dma_wait3A_82 = tpu.memref_squeeze %dma_wait3A_81 : memref<1x128x128xf32, #tpu.memory_space<vmem>> -> memref<128x128xf32, #tpu.memory_space<vmem>>
      %dma_wait3A_83 = arith.constant 0 : i32
      %dma_wait3A_84 = tpu.memref_slice %arg10[%add3A_13, %dma_wait3A_83] : memref<10112x128xf32, #tpu.memory_space<vmem_shared>> -> memref<128x128xf32, #tpu.memory_space<vmem_shared>>
      %dma_wait3A_85 = arith.constant 0 : i32
      %dma_wait3A_86 = tpu.memref_slice %arg10[%add3A_13, %dma_wait3A_85] : memref<10112x128xf32, #tpu.memory_space<vmem_shared>> -> memref<128x128xf32, #tpu.memory_space<vmem_shared>>
      %dma_wait3A_87 = arith.constant 0 : i32
      %dma_wait3A_88 = arith.constant 0 : i32
      %dma_wait3A_89 = tpu.memref_slice %arg9[%run_scoped3A_14, %dma_wait3A_87, %dma_wait3A_88] : memref<2x128x128xf32, #tpu.memory_space<vmem>> -> memref<1x128x128xf32, #tpu.memory_space<vmem>>
      %dma_wait3A_90 = tpu.memref_squeeze %dma_wait3A_89 : memref<1x128x128xf32, #tpu.memory_space<vmem>> -> memref<128x128xf32, #tpu.memory_space<vmem>>
      tpu.wait_dma2 semaphore(%run_scoped3A_67 : memref<!tpu.dma_semaphore, #tpu.memory_space<semaphore_mem>>) src(%dma_wait3A_90 : memref<128x128xf32, #tpu.memory_space<vmem>>) dst(%dma_wait3A_86 : memref<128x128xf32, #tpu.memory_space<vmem_shared>>)
      tpu.yield
    }) : () -> ()
    %add3A_15 = arith.constant 512 : i32
    %add3A_16 = arith.addi %mul3A_2, %add3A_15 : i32
    %run_scoped3A_17 = arith.constant 0 : i32
    "tpu.region"() ({
      %run_scoped3A_67 = tpu.sem_alloc : memref<!tpu.dma_semaphore, #tpu.memory_space<semaphore_mem>>
      %dma_start3A_68 = arith.constant 0 : i32
      %dma_start3A_69 = arith.constant 0 : i32
      %dma_start3A_70 = tpu.memref_slice %arg9[%run_scoped3A_17, %dma_start3A_68, %dma_start3A_69] : memref<2x128x128xf32, #tpu.memory_space<vmem>> -> memref<1x120x128xf32, #tpu.memory_space<vmem>>
      %dma_start3A_71 = tpu.memref_squeeze %dma_start3A_70 : memref<1x120x128xf32, #tpu.memory_space<vmem>> -> memref<120x128xf32, #tpu.memory_space<vmem>>
      %dma_start3A_72 = arith.constant 0 : i32
      %dma_start3A_73 = tpu.memref_slice %arg10[%add3A_16, %dma_start3A_72] : memref<10112x128xf32, #tpu.memory_space<vmem_shared>> -> memref<120x128xf32, #tpu.memory_space<vmem_shared>>
      %dma_start3A_74 = arith.constant 0 : i32
      %dma_start3A_75 = tpu.memref_slice %arg10[%add3A_16, %dma_start3A_74] : memref<10112x128xf32, #tpu.memory_space<vmem_shared>> -> memref<120x128xf32, #tpu.memory_space<vmem_shared>>
      %dma_start3A_76 = arith.constant 0 : i32
      %dma_start3A_77 = arith.constant 0 : i32
      %dma_start3A_78 = tpu.memref_slice %arg9[%run_scoped3A_17, %dma_start3A_76, %dma_start3A_77] : memref<2x128x128xf32, #tpu.memory_space<vmem>> -> memref<1x120x128xf32, #tpu.memory_space<vmem>>
      %dma_start3A_79 = tpu.memref_squeeze %dma_start3A_78 : memref<1x120x128xf32, #tpu.memory_space<vmem>> -> memref<120x128xf32, #tpu.memory_space<vmem>>
      tpu.enqueue_dma source(%dma_start3A_79 : memref<120x128xf32, #tpu.memory_space<vmem>>) target(%dma_start3A_75 : memref<120x128xf32, #tpu.memory_space<vmem_shared>>) target_semaphore(%run_scoped3A_67 : memref<!tpu.dma_semaphore, #tpu.memory_space<semaphore_mem>>)
      %dma_wait3A = arith.constant 0 : i32
      %dma_wait3A_80 = arith.constant 0 : i32
      %dma_wait3A_81 = tpu.memref_slice %arg9[%run_scoped3A_17, %dma_wait3A, %dma_wait3A_80] : memref<2x128x128xf32, #tpu.memory_space<vmem>> -> memref<1x120x128xf32, #tpu.memory_space<vmem>>
      %dma_wait3A_82 = tpu.memref_squeeze %dma_wait3A_81 : memref<1x120x128xf32, #tpu.memory_space<vmem>> -> memref<120x128xf32, #tpu.memory_space<vmem>>
      %dma_wait3A_83 = arith.constant 0 : i32
      %dma_wait3A_84 = tpu.memref_slice %arg10[%add3A_16, %dma_wait3A_83] : memref<10112x128xf32, #tpu.memory_space<vmem_shared>> -> memref<120x128xf32, #tpu.memory_space<vmem_shared>>
      %dma_wait3A_85 = arith.constant 0 : i32
      %dma_wait3A_86 = tpu.memref_slice %arg10[%add3A_16, %dma_wait3A_85] : memref<10112x128xf32, #tpu.memory_space<vmem_shared>> -> memref<120x128xf32, #tpu.memory_space<vmem_shared>>
      %dma_wait3A_87 = arith.constant 0 : i32
      %dma_wait3A_88 = arith.constant 0 : i32
      %dma_wait3A_89 = tpu.memref_slice %arg9[%run_scoped3A_17, %dma_wait3A_87, %dma_wait3A_88] : memref<2x128x128xf32, #tpu.memory_space<vmem>> -> memref<1x120x128xf32, #tpu.memory_space<vmem>>
      %dma_wait3A_90 = tpu.memref_squeeze %dma_wait3A_89 : memref<1x120x128xf32, #tpu.memory_space<vmem>> -> memref<120x128xf32, #tpu.memory_space<vmem>>
      tpu.wait_dma2 semaphore(%run_scoped3A_67 : memref<!tpu.dma_semaphore, #tpu.memory_space<semaphore_mem>>) src(%dma_wait3A_90 : memref<120x128xf32, #tpu.memory_space<vmem>>) dst(%dma_wait3A_86 : memref<120x128xf32, #tpu.memory_space<vmem_shared>>)
      tpu.yield
    }) : () -> ()
    %run_scoped3A_18 = arith.constant 0 : i32
    "tpu.region"() ({
      %run_scoped3A_67 = tpu.sem_alloc : memref<!tpu.dma_semaphore, #tpu.memory_space<semaphore_mem>>
      %dma_start3A_68 = arith.constant 0 : i32
      %dma_start3A_69 = arith.constant 0 : i32
      %dma_start3A_70 = tpu.memref_slice %arg7[%run_scoped3A_18, %dma_start3A_68, %dma_start3A_69] : memref<2x8x128xi32, #tpu.memory_space<vmem>> -> memref<1x8x128xi32, #tpu.memory_space<vmem>>
      %dma_start3A_71 = tpu.memref_squeeze %dma_start3A_70 : memref<1x8x128xi32, #tpu.memory_space<vmem>> -> memref<8x128xi32, #tpu.memory_space<vmem>>
      %dma_start3A_72 = arith.constant 0 : i32
      %dma_start3A_73 = arith.constant 0 : i32
      %dma_start3A_74 = tpu.memref_slice %arg3[%add3A, %dma_start3A_72, %dma_start3A_73] : memref<32x80x128xi32, #tpu.memory_space<hbm>> -> memref<1x8x128xi32, #tpu.memory_space<hbm>>
      %dma_start3A_75 = tpu.memref_squeeze %dma_start3A_74 : memref<1x8x128xi32, #tpu.memory_space<hbm>> -> memref<8x128xi32, #tpu.memory_space<hbm>>
      %dma_start3A_76 = arith.constant 0 : i32
      %dma_start3A_77 = arith.constant 0 : i32
      %dma_start3A_78 = tpu.memref_slice %arg7[%run_scoped3A_18, %dma_start3A_76, %dma_start3A_77] : memref<2x8x128xi32, #tpu.memory_space<vmem>> -> memref<1x8x128xi32, #tpu.memory_space<vmem>>
      %dma_start3A_79 = tpu.memref_squeeze %dma_start3A_78 : memref<1x8x128xi32, #tpu.memory_space<vmem>> -> memref<8x128xi32, #tpu.memory_space<vmem>>
      %dma_start3A_80 = arith.constant 0 : i32
      %dma_start3A_81 = arith.constant 0 : i32
      %dma_start3A_82 = tpu.memref_slice %arg3[%add3A, %dma_start3A_80, %dma_start3A_81] : memref<32x80x128xi32, #tpu.memory_space<hbm>> -> memref<1x8x128xi32, #tpu.memory_space<hbm>>
      %dma_start3A_83 = tpu.memref_squeeze %dma_start3A_82 : memref<1x8x128xi32, #tpu.memory_space<hbm>> -> memref<8x128xi32, #tpu.memory_space<hbm>>
      tpu.enqueue_dma source(%dma_start3A_83 : memref<8x128xi32, #tpu.memory_space<hbm>>) target(%dma_start3A_79 : memref<8x128xi32, #tpu.memory_space<vmem>>) target_semaphore(%run_scoped3A_67 : memref<!tpu.dma_semaphore, #tpu.memory_space<semaphore_mem>>)
      %dma_wait3A = arith.constant 0 : i32
      %dma_wait3A_84 = arith.constant 0 : i32
      %dma_wait3A_85 = tpu.memref_slice %arg7[%run_scoped3A_18, %dma_wait3A, %dma_wait3A_84] : memref<2x8x128xi32, #tpu.memory_space<vmem>> -> memref<1x8x128xi32, #tpu.memory_space<vmem>>
      %dma_wait3A_86 = tpu.memref_squeeze %dma_wait3A_85 : memref<1x8x128xi32, #tpu.memory_space<vmem>> -> memref<8x128xi32, #tpu.memory_space<vmem>>
      %dma_wait3A_87 = arith.constant 0 : i32
      %dma_wait3A_88 = arith.constant 0 : i32
      %dma_wait3A_89 = tpu.memref_slice %arg3[%add3A, %dma_wait3A_87, %dma_wait3A_88] : memref<32x80x128xi32, #tpu.memory_space<hbm>> -> memref<1x8x128xi32, #tpu.memory_space<hbm>>
      %dma_wait3A_90 = tpu.memref_squeeze %dma_wait3A_89 : memref<1x8x128xi32, #tpu.memory_space<hbm>> -> memref<8x128xi32, #tpu.memory_space<hbm>>
      %dma_wait3A_91 = arith.constant 0 : i32
      %dma_wait3A_92 = arith.constant 0 : i32
      %dma_wait3A_93 = tpu.memref_slice %arg7[%run_scoped3A_18, %dma_wait3A_91, %dma_wait3A_92] : memref<2x8x128xi32, #tpu.memory_space<vmem>> -> memref<1x8x128xi32, #tpu.memory_space<vmem>>
      %dma_wait3A_94 = tpu.memref_squeeze %dma_wait3A_93 : memref<1x8x128xi32, #tpu.memory_space<vmem>> -> memref<8x128xi32, #tpu.memory_space<vmem>>
      %dma_wait3A_95 = arith.constant 0 : i32
      %dma_wait3A_96 = arith.constant 0 : i32
      %dma_wait3A_97 = tpu.memref_slice %arg3[%add3A, %dma_wait3A_95, %dma_wait3A_96] : memref<32x80x128xi32, #tpu.memory_space<hbm>> -> memref<1x8x128xi32, #tpu.memory_space<hbm>>
      %dma_wait3A_98 = tpu.memref_squeeze %dma_wait3A_97 : memref<1x8x128xi32, #tpu.memory_space<hbm>> -> memref<8x128xi32, #tpu.memory_space<hbm>>
      tpu.wait_dma2 semaphore(%run_scoped3A_67 : memref<!tpu.dma_semaphore, #tpu.memory_space<semaphore_mem>>) src(%dma_wait3A_98 : memref<8x128xi32, #tpu.memory_space<hbm>>) dst(%dma_wait3A_94 : memref<8x128xi32, #tpu.memory_space<vmem>>)
      tpu.yield
    }) : () -> ()
    %run_scoped3A_19 = arith.constant 0 : i32
    "tpu.region"() ({
      %run_scoped3A_67 = tpu.sem_alloc : memref<!tpu.dma_semaphore, #tpu.memory_space<semaphore_mem>>
      %dma_start3A_68 = arith.constant 0 : i32
      %dma_start3A_69 = arith.constant 0 : i32
      %dma_start3A_70 = tpu.memref_slice %arg8[%run_scoped3A_19, %dma_start3A_68, %dma_start3A_69] : memref<2x8x128xi32, #tpu.memory_space<vmem>> -> memref<1x8x128xi32, #tpu.memory_space<vmem>>
      %dma_start3A_71 = tpu.memref_squeeze %dma_start3A_70 : memref<1x8x128xi32, #tpu.memory_space<vmem>> -> memref<8x128xi32, #tpu.memory_space<vmem>>
      %dma_start3A_72 = arith.constant 0 : i32
      %dma_start3A_73 = arith.constant 0 : i32
      %dma_start3A_74 = tpu.memref_slice %arg4[%add3A, %dma_start3A_72, %dma_start3A_73] : memref<32x80x128xi32, #tpu.memory_space<hbm>> -> memref<1x8x128xi32, #tpu.memory_space<hbm>>
      %dma_start3A_75 = tpu.memref_squeeze %dma_start3A_74 : memref<1x8x128xi32, #tpu.memory_space<hbm>> -> memref<8x128xi32, #tpu.memory_space<hbm>>
      %dma_start3A_76 = arith.constant 0 : i32
      %dma_start3A_77 = arith.constant 0 : i32
      %dma_start3A_78 = tpu.memref_slice %arg8[%run_scoped3A_19, %dma_start3A_76, %dma_start3A_77] : memref<2x8x128xi32, #tpu.memory_space<vmem>> -> memref<1x8x128xi32, #tpu.memory_space<vmem>>
      %dma_start3A_79 = tpu.memref_squeeze %dma_start3A_78 : memref<1x8x128xi32, #tpu.memory_space<vmem>> -> memref<8x128xi32, #tpu.memory_space<vmem>>
      %dma_start3A_80 = arith.constant 0 : i32
      %dma_start3A_81 = arith.constant 0 : i32
      %dma_start3A_82 = tpu.memref_slice %arg4[%add3A, %dma_start3A_80, %dma_start3A_81] : memref<32x80x128xi32, #tpu.memory_space<hbm>> -> memref<1x8x128xi32, #tpu.memory_space<hbm>>
      %dma_start3A_83 = tpu.memref_squeeze %dma_start3A_82 : memref<1x8x128xi32, #tpu.memory_space<hbm>> -> memref<8x128xi32, #tpu.memory_space<hbm>>
      tpu.enqueue_dma source(%dma_start3A_83 : memref<8x128xi32, #tpu.memory_space<hbm>>) target(%dma_start3A_79 : memref<8x128xi32, #tpu.memory_space<vmem>>) target_semaphore(%run_scoped3A_67 : memref<!tpu.dma_semaphore, #tpu.memory_space<semaphore_mem>>)
      %dma_wait3A = arith.constant 0 : i32
      %dma_wait3A_84 = arith.constant 0 : i32
      %dma_wait3A_85 = tpu.memref_slice %arg8[%run_scoped3A_19, %dma_wait3A, %dma_wait3A_84] : memref<2x8x128xi32, #tpu.memory_space<vmem>> -> memref<1x8x128xi32, #tpu.memory_space<vmem>>
      %dma_wait3A_86 = tpu.memref_squeeze %dma_wait3A_85 : memref<1x8x128xi32, #tpu.memory_space<vmem>> -> memref<8x128xi32, #tpu.memory_space<vmem>>
      %dma_wait3A_87 = arith.constant 0 : i32
      %dma_wait3A_88 = arith.constant 0 : i32
      %dma_wait3A_89 = tpu.memref_slice %arg4[%add3A, %dma_wait3A_87, %dma_wait3A_88] : memref<32x80x128xi32, #tpu.memory_space<hbm>> -> memref<1x8x128xi32, #tpu.memory_space<hbm>>
      %dma_wait3A_90 = tpu.memref_squeeze %dma_wait3A_89 : memref<1x8x128xi32, #tpu.memory_space<hbm>> -> memref<8x128xi32, #tpu.memory_space<hbm>>
      %dma_wait3A_91 = arith.constant 0 : i32
      %dma_wait3A_92 = arith.constant 0 : i32
      %dma_wait3A_93 = tpu.memref_slice %arg8[%run_scoped3A_19, %dma_wait3A_91, %dma_wait3A_92] : memref<2x8x128xi32, #tpu.memory_space<vmem>> -> memref<1x8x128xi32, #tpu.memory_space<vmem>>
      %dma_wait3A_94 = tpu.memref_squeeze %dma_wait3A_93 : memref<1x8x128xi32, #tpu.memory_space<vmem>> -> memref<8x128xi32, #tpu.memory_space<vmem>>
      %dma_wait3A_95 = arith.constant 0 : i32
      %dma_wait3A_96 = arith.constant 0 : i32
      %dma_wait3A_97 = tpu.memref_slice %arg4[%add3A, %dma_wait3A_95, %dma_wait3A_96] : memref<32x80x128xi32, #tpu.memory_space<hbm>> -> memref<1x8x128xi32, #tpu.memory_space<hbm>>
      %dma_wait3A_98 = tpu.memref_squeeze %dma_wait3A_97 : memref<1x8x128xi32, #tpu.memory_space<hbm>> -> memref<8x128xi32, #tpu.memory_space<hbm>>
      tpu.wait_dma2 semaphore(%run_scoped3A_67 : memref<!tpu.dma_semaphore, #tpu.memory_space<semaphore_mem>>) src(%dma_wait3A_98 : memref<8x128xi32, #tpu.memory_space<hbm>>) dst(%dma_wait3A_94 : memref<8x128xi32, #tpu.memory_space<vmem>>)
      tpu.yield
    }) : () -> ()
    %barrier3A = arith.constant 0 : index
    tpu.barrier barrier_id(%barrier3A)
    %dma_start3A = arith.constant 0 : i32
    %dma_start3A_20 = arith.constant 0 : i32
    %dma_start3A_21 = arith.constant 0 : i32
    %dma_start3A_22 = arith.constant 0 : i32
    %dma_start3A_23 = arith.constant 0 : i32
    %dma_start3A_24 = tpu.memref_slice %arg9[%dma_start3A_21, %dma_start3A_22, %dma_start3A_23] : memref<2x128x128xf32, #tpu.memory_space<vmem>> -> memref<1x128x128xf32, #tpu.memory_space<vmem>>
    %dma_start3A_25 = tpu.memref_squeeze %dma_start3A_24 : memref<1x128x128xf32, #tpu.memory_space<vmem>> -> memref<128x128xf32, #tpu.memory_space<vmem>>
    %dma_start3A_26 = arith.constant 0 : i32
    %dma_start3A_27 = tpu.memref_slice %arg7[%dma_start3A, %dma_start3A_20, %dma_start3A_26] : memref<2x8x128xi32, #tpu.memory_space<vmem>> -> memref<1x1x128xi32, #tpu.memory_space<vmem>>
    %dma_start3A_28 = tpu.memref_squeeze %dma_start3A_27 : memref<1x1x128xi32, #tpu.memory_space<vmem>> -> memref<128xi32, #tpu.memory_space<vmem>>
    %dma_start3A_29 = arith.constant 0 : i32
    %dma_start3A_30 = arith.constant 0 : i32
    %dma_start3A_31 = tpu.memref_slice %arg2[%dma_start3A_29, %dma_start3A_30] : memref<10000x128xf32, #tpu.memory_space<hbm>> -> memref<10000x128xf32, #tpu.memory_space<hbm>>
    tpu.enqueue_indirect_dma source(%dma_start3A_31 : memref<10000x128xf32, #tpu.memory_space<hbm>>) target(%dma_start3A_25 : memref<128x128xf32, #tpu.memory_space<vmem>>) offsets(%dma_start3A_28 : memref<128xi32, #tpu.memory_space<vmem>>) semaphore(%arg11 : memref<!tpu.dma_semaphore, #tpu.memory_space<semaphore_mem>>)
    %scan3A = arith.constant 0 : i32
    %scan3A_32 = arith.constant 10 : i32
    %scan3A_33 = arith.addi %scan3A, %scan3A_32 : i32
    %scan3A_34 = arith.constant 1 : i32
    scf.for %scan3A_67 = %scan3A to %scan3A_33 step %scan3A_34  : i32 {
      %mul3A_68 = arith.constant 1 : i32
      %mul3A_69 = arith.muli %scan3A_67, %mul3A_68 : i32
      %add3A_70 = arith.constant 0 : i32
      %add3A_71 = arith.addi %add3A_70, %mul3A_69 : i32
      %rem3A = arith.constant 2 : i32
      %rem3A_72 = arith.remsi %add3A_71, %rem3A : i32
      %add3A_73 = arith.constant 1 : i32
      %add3A_74 = arith.addi %add3A_71, %add3A_73 : i32
      %lt3A = arith.constant 10 : i32
      %lt3A_75 = arith.cmpi slt, %add3A_74, %lt3A : i32
      %convert_element_type3A = arith.extui %lt3A_75 : i1 to i32
      %cond3A = arith.constant 0 : i32
      %cond3A_76 = arith.cmpi ne, %convert_element_type3A, %cond3A : i32
      scf.if %cond3A_76 {
        %add3A_279 = arith.constant 1 : i32
        %add3A_280 = arith.addi %add3A_71, %add3A_279 : i32
        %mul3A_281 = arith.constant 8 : i32
        %mul3A_282 = arith.muli %add3A_280, %mul3A_281 : i32
        %sub3A = arith.constant 1 : i32
        %sub3A_283 = arith.subi %sub3A, %rem3A_72 : i32
        %dma_start3A_284 = arith.constant 0 : i32
        %dma_start3A_285 = arith.constant 0 : i32
        %dma_start3A_286 = tpu.memref_slice %arg7[%sub3A_283, %dma_start3A_284, %dma_start3A_285] : memref<2x8x128xi32, #tpu.memory_space<vmem>> -> memref<1x8x128xi32, #tpu.memory_space<vmem>>
        %dma_start3A_287 = tpu.memref_squeeze %dma_start3A_286 : memref<1x8x128xi32, #tpu.memory_space<vmem>> -> memref<8x128xi32, #tpu.memory_space<vmem>>
        %dma_start3A_288 = arith.constant 0 : i32
        %dma_start3A_289 = tpu.memref_slice %arg3[%add3A, %mul3A_282, %dma_start3A_288] : memref<32x80x128xi32, #tpu.memory_space<hbm>> -> memref<1x8x128xi32, #tpu.memory_space<hbm>>
        %dma_start3A_290 = tpu.memref_squeeze %dma_start3A_289 : memref<1x8x128xi32, #tpu.memory_space<hbm>> -> memref<8x128xi32, #tpu.memory_space<hbm>>
        %dma_start3A_291 = arith.constant 0 : i32
        %dma_start3A_292 = arith.constant 0 : i32
        %dma_start3A_293 = tpu.memref_slice %arg7[%sub3A_283, %dma_start3A_291, %dma_start3A_292] : memref<2x8x128xi32, #tpu.memory_space<vmem>> -> memref<1x8x128xi32, #tpu.memory_space<vmem>>
        %dma_start3A_294 = tpu.memref_squeeze %dma_start3A_293 : memref<1x8x128xi32, #tpu.memory_space<vmem>> -> memref<8x128xi32, #tpu.memory_space<vmem>>
        %dma_start3A_295 = arith.constant 0 : i32
        %dma_start3A_296 = tpu.memref_slice %arg3[%add3A, %mul3A_282, %dma_start3A_295] : memref<32x80x128xi32, #tpu.memory_space<hbm>> -> memref<1x8x128xi32, #tpu.memory_space<hbm>>
        %dma_start3A_297 = tpu.memref_squeeze %dma_start3A_296 : memref<1x8x128xi32, #tpu.memory_space<hbm>> -> memref<8x128xi32, #tpu.memory_space<hbm>>
        tpu.enqueue_dma source(%dma_start3A_297 : memref<8x128xi32, #tpu.memory_space<hbm>>) target(%dma_start3A_294 : memref<8x128xi32, #tpu.memory_space<vmem>>) target_semaphore(%arg13 : memref<!tpu.dma_semaphore, #tpu.memory_space<semaphore_mem>>)
        %add3A_298 = arith.constant 1 : i32
        %add3A_299 = arith.addi %add3A_71, %add3A_298 : i32
        %mul3A_300 = arith.constant 8 : i32
        %mul3A_301 = arith.muli %add3A_299, %mul3A_300 : i32
        %sub3A_302 = arith.constant 1 : i32
        %sub3A_303 = arith.subi %sub3A_302, %rem3A_72 : i32
        %dma_start3A_304 = arith.constant 0 : i32
        %dma_start3A_305 = arith.constant 0 : i32
        %dma_start3A_306 = tpu.memref_slice %arg8[%sub3A_303, %dma_start3A_304, %dma_start3A_305] : memref<2x8x128xi32, #tpu.memory_space<vmem>> -> memref<1x8x128xi32, #tpu.memory_space<vmem>>
        %dma_start3A_307 = tpu.memref_squeeze %dma_start3A_306 : memref<1x8x128xi32, #tpu.memory_space<vmem>> -> memref<8x128xi32, #tpu.memory_space<vmem>>
        %dma_start3A_308 = arith.constant 0 : i32
        %dma_start3A_309 = tpu.memref_slice %arg4[%add3A, %mul3A_301, %dma_start3A_308] : memref<32x80x128xi32, #tpu.memory_space<hbm>> -> memref<1x8x128xi32, #tpu.memory_space<hbm>>
        %dma_start3A_310 = tpu.memref_squeeze %dma_start3A_309 : memref<1x8x128xi32, #tpu.memory_space<hbm>> -> memref<8x128xi32, #tpu.memory_space<hbm>>
        %dma_start3A_311 = arith.constant 0 : i32
        %dma_start3A_312 = arith.constant 0 : i32
        %dma_start3A_313 = tpu.memref_slice %arg8[%sub3A_303, %dma_start3A_311, %dma_start3A_312] : memref<2x8x128xi32, #tpu.memory_space<vmem>> -> memref<1x8x128xi32, #tpu.memory_space<vmem>>
        %dma_start3A_314 = tpu.memref_squeeze %dma_start3A_313 : memref<1x8x128xi32, #tpu.memory_space<vmem>> -> memref<8x128xi32, #tpu.memory_space<vmem>>
        %dma_start3A_315 = arith.constant 0 : i32
        %dma_start3A_316 = tpu.memref_slice %arg4[%add3A, %mul3A_301, %dma_start3A_315] : memref<32x80x128xi32, #tpu.memory_space<hbm>> -> memref<1x8x128xi32, #tpu.memory_space<hbm>>
        %dma_start3A_317 = tpu.memref_squeeze %dma_start3A_316 : memref<1x8x128xi32, #tpu.memory_space<hbm>> -> memref<8x128xi32, #tpu.memory_space<hbm>>
        tpu.enqueue_dma source(%dma_start3A_317 : memref<8x128xi32, #tpu.memory_space<hbm>>) target(%dma_start3A_314 : memref<8x128xi32, #tpu.memory_space<vmem>>) target_semaphore(%arg14 : memref<!tpu.dma_semaphore, #tpu.memory_space<semaphore_mem>>)
      } else {
      }
      %dma_start3A_77 = arith.constant 1 : i32
      %dma_start3A_78 = arith.constant 1 : i32
      %dma_start3A_79 = arith.constant 0 : i32
      %dma_start3A_80 = arith.constant 0 : i32
      %dma_start3A_81 = tpu.memref_slice %arg9[%dma_start3A_78, %dma_start3A_79, %dma_start3A_80] : memref<2x128x128xf32, #tpu.memory_space<vmem>> -> memref<1x128x128xf32, #tpu.memory_space<vmem>>
      %dma_start3A_82 = tpu.memref_squeeze %dma_start3A_81 : memref<1x128x128xf32, #tpu.memory_space<vmem>> -> memref<128x128xf32, #tpu.memory_space<vmem>>
      %dma_start3A_83 = arith.constant 0 : i32
      %dma_start3A_84 = tpu.memref_slice %arg7[%rem3A_72, %dma_start3A_77, %dma_start3A_83] : memref<2x8x128xi32, #tpu.memory_space<vmem>> -> memref<1x1x128xi32, #tpu.memory_space<vmem>>
      %dma_start3A_85 = tpu.memref_squeeze %dma_start3A_84 : memref<1x1x128xi32, #tpu.memory_space<vmem>> -> memref<128xi32, #tpu.memory_space<vmem>>
      %dma_start3A_86 = arith.constant 0 : i32
      %dma_start3A_87 = arith.constant 0 : i32
      %dma_start3A_88 = tpu.memref_slice %arg2[%dma_start3A_86, %dma_start3A_87] : memref<10000x128xf32, #tpu.memory_space<hbm>> -> memref<10000x128xf32, #tpu.memory_space<hbm>>
      tpu.enqueue_indirect_dma source(%dma_start3A_88 : memref<10000x128xf32, #tpu.memory_space<hbm>>) target(%dma_start3A_82 : memref<128x128xf32, #tpu.memory_space<vmem>>) offsets(%dma_start3A_85 : memref<128xi32, #tpu.memory_space<vmem>>) semaphore(%arg12 : memref<!tpu.dma_semaphore, #tpu.memory_space<semaphore_mem>>)
      %dma_wait3A = arith.constant 0 : i32
      %dma_wait3A_89 = arith.constant 0 : i32
      %dma_wait3A_90 = arith.constant 0 : i32
      %dma_wait3A_91 = arith.constant 0 : i32
      %dma_wait3A_92 = tpu.memref_slice %arg9[%dma_wait3A_89, %dma_wait3A_90, %dma_wait3A_91] : memref<2x128x128xf32, #tpu.memory_space<vmem>> -> memref<1x128x128xf32, #tpu.memory_space<vmem>>
      %dma_wait3A_93 = tpu.memref_squeeze %dma_wait3A_92 : memref<1x128x128xf32, #tpu.memory_space<vmem>> -> memref<128x128xf32, #tpu.memory_space<vmem>>
      %dma_wait3A_94 = arith.constant 0 : i32
      %dma_wait3A_95 = tpu.memref_slice %arg7[%rem3A_72, %dma_wait3A, %dma_wait3A_94] : memref<2x8x128xi32, #tpu.memory_space<vmem>> -> memref<1x1x128xi32, #tpu.memory_space<vmem>>
      %dma_wait3A_96 = tpu.memref_squeeze %dma_wait3A_95 : memref<1x1x128xi32, #tpu.memory_space<vmem>> -> memref<128xi32, #tpu.memory_space<vmem>>
      %dma_wait3A_97 = arith.constant 0 : i32
      %dma_wait3A_98 = arith.constant 0 : i32
      %dma_wait3A_99 = tpu.memref_slice %arg2[%dma_wait3A_97, %dma_wait3A_98] : memref<10000x128xf32, #tpu.memory_space<hbm>> -> memref<10000x128xf32, #tpu.memory_space<hbm>>
      tpu.wait_indirect_dma semaphore(%arg11 : memref<!tpu.dma_semaphore, #tpu.memory_space<semaphore_mem>>) src(%dma_wait3A_99 : memref<10000x128xf32, #tpu.memory_space<hbm>>) dst(%dma_wait3A_93 : memref<128x128xf32, #tpu.memory_space<vmem>>)
      %run_scoped3A_100 = arith.constant 0 : i32
      %run_scoped3A_101 = arith.constant 0 : i32
      "tpu.region"() ({
        %run_scoped3A_279 = tpu.sem_alloc : memref<!tpu.dma_semaphore, #tpu.memory_space<semaphore_mem>>
        %dma_start3A_280 = arith.constant 0 : i32
        %dma_start3A_281 = arith.constant 0 : i32
        %dma_start3A_282 = tpu.memref_slice %arg9[%run_scoped3A_100, %dma_start3A_280, %dma_start3A_281] : memref<2x128x128xf32, #tpu.memory_space<vmem>> -> memref<1x128x128xf32, #tpu.memory_space<vmem>>
        %dma_start3A_283 = tpu.memref_squeeze %dma_start3A_282 : memref<1x128x128xf32, #tpu.memory_space<vmem>> -> memref<128x128xf32, #tpu.memory_space<vmem>>
        %dma_start3A_284 = arith.constant 0 : i32
        %dma_start3A_285 = tpu.memref_slice %arg8[%rem3A_72, %run_scoped3A_101, %dma_start3A_284] : memref<2x8x128xi32, #tpu.memory_space<vmem>> -> memref<1x1x128xi32, #tpu.memory_space<vmem>>
        %dma_start3A_286 = tpu.memref_squeeze %dma_start3A_285 : memref<1x1x128xi32, #tpu.memory_space<vmem>> -> memref<128xi32, #tpu.memory_space<vmem>>
        %dma_start3A_287 = arith.constant 0 : i32
        %dma_start3A_288 = arith.constant 0 : i32
        %dma_start3A_289 = tpu.memref_slice %arg10[%dma_start3A_287, %dma_start3A_288] : memref<10112x128xf32, #tpu.memory_space<vmem_shared>> -> memref<10112x128xf32, #tpu.memory_space<vmem_shared>>
        tpu.enqueue_indirect_dma source(%dma_start3A_283 : memref<128x128xf32, #tpu.memory_space<vmem>>) target(%dma_start3A_289 : memref<10112x128xf32, #tpu.memory_space<vmem_shared>>) offsets(%dma_start3A_286 : memref<128xi32, #tpu.memory_space<vmem>>) semaphore(%run_scoped3A_279 : memref<!tpu.dma_semaphore, #tpu.memory_space<semaphore_mem>>) {add = true}
        %dma_wait3A_290 = arith.constant 0 : i32
        %dma_wait3A_291 = arith.constant 0 : i32
        %dma_wait3A_292 = tpu.memref_slice %arg9[%run_scoped3A_100, %dma_wait3A_290, %dma_wait3A_291] : memref<2x128x128xf32, #tpu.memory_space<vmem>> -> memref<1x128x128xf32, #tpu.memory_space<vmem>>
        %dma_wait3A_293 = tpu.memref_squeeze %dma_wait3A_292 : memref<1x128x128xf32, #tpu.memory_space<vmem>> -> memref<128x128xf32, #tpu.memory_space<vmem>>
        %dma_wait3A_294 = arith.constant 0 : i32
        %dma_wait3A_295 = tpu.memref_slice %arg8[%rem3A_72, %run_scoped3A_101, %dma_wait3A_294] : memref<2x8x128xi32, #tpu.memory_space<vmem>> -> memref<1x1x128xi32, #tpu.memory_space<vmem>>
        %dma_wait3A_296 = tpu.memref_squeeze %dma_wait3A_295 : memref<1x1x128xi32, #tpu.memory_space<vmem>> -> memref<128xi32, #tpu.memory_space<vmem>>
        %dma_wait3A_297 = arith.constant 0 : i32
        %dma_wait3A_298 = arith.constant 0 : i32
        %dma_wait3A_299 = tpu.memref_slice %arg10[%dma_wait3A_297, %dma_wait3A_298] : memref<10112x128xf32, #tpu.memory_space<vmem_shared>> -> memref<10112x128xf32, #tpu.memory_space<vmem_shared>>
        tpu.wait_indirect_dma semaphore(%run_scoped3A_279 : memref<!tpu.dma_semaphore, #tpu.memory_space<semaphore_mem>>) src(%dma_wait3A_293 : memref<128x128xf32, #tpu.memory_space<vmem>>) dst(%dma_wait3A_299 : memref<10112x128xf32, #tpu.memory_space<vmem_shared>>)
        tpu.yield
      }) : () -> ()
      %dma_start3A_102 = arith.constant 2 : i32
      %dma_start3A_103 = arith.constant 0 : i32
      %dma_start3A_104 = arith.constant 0 : i32
      %dma_start3A_105 = arith.constant 0 : i32
      %dma_start3A_106 = tpu.memref_slice %arg9[%dma_start3A_103, %dma_start3A_104, %dma_start3A_105] : memref<2x128x128xf32, #tpu.memory_space<vmem>> -> memref<1x128x128xf32, #tpu.memory_space<vmem>>
      %dma_start3A_107 = tpu.memref_squeeze %dma_start3A_106 : memref<1x128x128xf32, #tpu.memory_space<vmem>> -> memref<128x128xf32, #tpu.memory_space<vmem>>
      %dma_start3A_108 = arith.constant 0 : i32
      %dma_start3A_109 = tpu.memref_slice %arg7[%rem3A_72, %dma_start3A_102, %dma_start3A_108] : memref<2x8x128xi32, #tpu.memory_space<vmem>> -> memref<1x1x128xi32, #tpu.memory_space<vmem>>
      %dma_start3A_110 = tpu.memref_squeeze %dma_start3A_109 : memref<1x1x128xi32, #tpu.memory_space<vmem>> -> memref<128xi32, #tpu.memory_space<vmem>>
      %dma_start3A_111 = arith.constant 0 : i32
      %dma_start3A_112 = arith.constant 0 : i32
      %dma_start3A_113 = tpu.memref_slice %arg2[%dma_start3A_111, %dma_start3A_112] : memref<10000x128xf32, #tpu.memory_space<hbm>> -> memref<10000x128xf32, #tpu.memory_space<hbm>>
      tpu.enqueue_indirect_dma source(%dma_start3A_113 : memref<10000x128xf32, #tpu.memory_space<hbm>>) target(%dma_start3A_107 : memref<128x128xf32, #tpu.memory_space<vmem>>) offsets(%dma_start3A_110 : memref<128xi32, #tpu.memory_space<vmem>>) semaphore(%arg11 : memref<!tpu.dma_semaphore, #tpu.memory_space<semaphore_mem>>)
      %dma_wait3A_114 = arith.constant 1 : i32
      %dma_wait3A_115 = arith.constant 1 : i32
      %dma_wait3A_116 = arith.constant 0 : i32
      %dma_wait3A_117 = arith.constant 0 : i32
      %dma_wait3A_118 = tpu.memref_slice %arg9[%dma_wait3A_115, %dma_wait3A_116, %dma_wait3A_117] : memref<2x128x128xf32, #tpu.memory_space<vmem>> -> memref<1x128x128xf32, #tpu.memory_space<vmem>>
      %dma_wait3A_119 = tpu.memref_squeeze %dma_wait3A_118 : memref<1x128x128xf32, #tpu.memory_space<vmem>> -> memref<128x128xf32, #tpu.memory_space<vmem>>
      %dma_wait3A_120 = arith.constant 0 : i32
      %dma_wait3A_121 = tpu.memref_slice %arg7[%rem3A_72, %dma_wait3A_114, %dma_wait3A_120] : memref<2x8x128xi32, #tpu.memory_space<vmem>> -> memref<1x1x128xi32, #tpu.memory_space<vmem>>
      %dma_wait3A_122 = tpu.memref_squeeze %dma_wait3A_121 : memref<1x1x128xi32, #tpu.memory_space<vmem>> -> memref<128xi32, #tpu.memory_space<vmem>>
      %dma_wait3A_123 = arith.constant 0 : i32
      %dma_wait3A_124 = arith.constant 0 : i32
      %dma_wait3A_125 = tpu.memref_slice %arg2[%dma_wait3A_123, %dma_wait3A_124] : memref<10000x128xf32, #tpu.memory_space<hbm>> -> memref<10000x128xf32, #tpu.memory_space<hbm>>
      tpu.wait_indirect_dma semaphore(%arg12 : memref<!tpu.dma_semaphore, #tpu.memory_space<semaphore_mem>>) src(%dma_wait3A_125 : memref<10000x128xf32, #tpu.memory_space<hbm>>) dst(%dma_wait3A_119 : memref<128x128xf32, #tpu.memory_space<vmem>>)
      %run_scoped3A_126 = arith.constant 1 : i32
      %run_scoped3A_127 = arith.constant 1 : i32
      "tpu.region"() ({
        %run_scoped3A_279 = tpu.sem_alloc : memref<!tpu.dma_semaphore, #tpu.memory_space<semaphore_mem>>
        %dma_start3A_280 = arith.constant 0 : i32
        %dma_start3A_281 = arith.constant 0 : i32
        %dma_start3A_282 = tpu.memref_slice %arg9[%run_scoped3A_126, %dma_start3A_280, %dma_start3A_281] : memref<2x128x128xf32, #tpu.memory_space<vmem>> -> memref<1x128x128xf32, #tpu.memory_space<vmem>>
        %dma_start3A_283 = tpu.memref_squeeze %dma_start3A_282 : memref<1x128x128xf32, #tpu.memory_space<vmem>> -> memref<128x128xf32, #tpu.memory_space<vmem>>
        %dma_start3A_284 = arith.constant 0 : i32
        %dma_start3A_285 = tpu.memref_slice %arg8[%rem3A_72, %run_scoped3A_127, %dma_start3A_284] : memref<2x8x128xi32, #tpu.memory_space<vmem>> -> memref<1x1x128xi32, #tpu.memory_space<vmem>>
        %dma_start3A_286 = tpu.memref_squeeze %dma_start3A_285 : memref<1x1x128xi32, #tpu.memory_space<vmem>> -> memref<128xi32, #tpu.memory_space<vmem>>
        %dma_start3A_287 = arith.constant 0 : i32
        %dma_start3A_288 = arith.constant 0 : i32
        %dma_start3A_289 = tpu.memref_slice %arg10[%dma_start3A_287, %dma_start3A_288] : memref<10112x128xf32, #tpu.memory_space<vmem_shared>> -> memref<10112x128xf32, #tpu.memory_space<vmem_shared>>
        tpu.enqueue_indirect_dma source(%dma_start3A_283 : memref<128x128xf32, #tpu.memory_space<vmem>>) target(%dma_start3A_289 : memref<10112x128xf32, #tpu.memory_space<vmem_shared>>) offsets(%dma_start3A_286 : memref<128xi32, #tpu.memory_space<vmem>>) semaphore(%run_scoped3A_279 : memref<!tpu.dma_semaphore, #tpu.memory_space<semaphore_mem>>) {add = true}
        %dma_wait3A_290 = arith.constant 0 : i32
        %dma_wait3A_291 = arith.constant 0 : i32
        %dma_wait3A_292 = tpu.memref_slice %arg9[%run_scoped3A_126, %dma_wait3A_290, %dma_wait3A_291] : memref<2x128x128xf32, #tpu.memory_space<vmem>> -> memref<1x128x128xf32, #tpu.memory_space<vmem>>
        %dma_wait3A_293 = tpu.memref_squeeze %dma_wait3A_292 : memref<1x128x128xf32, #tpu.memory_space<vmem>> -> memref<128x128xf32, #tpu.memory_space<vmem>>
        %dma_wait3A_294 = arith.constant 0 : i32
        %dma_wait3A_295 = tpu.memref_slice %arg8[%rem3A_72, %run_scoped3A_127, %dma_wait3A_294] : memref<2x8x128xi32, #tpu.memory_space<vmem>> -> memref<1x1x128xi32, #tpu.memory_space<vmem>>
        %dma_wait3A_296 = tpu.memref_squeeze %dma_wait3A_295 : memref<1x1x128xi32, #tpu.memory_space<vmem>> -> memref<128xi32, #tpu.memory_space<vmem>>
        %dma_wait3A_297 = arith.constant 0 : i32
        %dma_wait3A_298 = arith.constant 0 : i32
        %dma_wait3A_299 = tpu.memref_slice %arg10[%dma_wait3A_297, %dma_wait3A_298] : memref<10112x128xf32, #tpu.memory_space<vmem_shared>> -> memref<10112x128xf32, #tpu.memory_space<vmem_shared>>
        tpu.wait_indirect_dma semaphore(%run_scoped3A_279 : memref<!tpu.dma_semaphore, #tpu.memory_space<semaphore_mem>>) src(%dma_wait3A_293 : memref<128x128xf32, #tpu.memory_space<vmem>>) dst(%dma_wait3A_299 : memref<10112x128xf32, #tpu.memory_space<vmem_shared>>)
        tpu.yield
      }) : () -> ()
      %dma_start3A_128 = arith.constant 3 : i32
      %dma_start3A_129 = arith.constant 1 : i32
      %dma_start3A_130 = arith.constant 0 : i32
      %dma_start3A_131 = arith.constant 0 : i32
      %dma_start3A_132 = tpu.memref_slice %arg9[%dma_start3A_129, %dma_start3A_130, %dma_start3A_131] : memref<2x128x128xf32, #tpu.memory_space<vmem>> -> memref<1x128x128xf32, #tpu.memory_space<vmem>>
      %dma_start3A_133 = tpu.memref_squeeze %dma_start3A_132 : memref<1x128x128xf32, #tpu.memory_space<vmem>> -> memref<128x128xf32, #tpu.memory_space<vmem>>
      %dma_start3A_134 = arith.constant 0 : i32
      %dma_start3A_135 = tpu.memref_slice %arg7[%rem3A_72, %dma_start3A_128, %dma_start3A_134] : memref<2x8x128xi32, #tpu.memory_space<vmem>> -> memref<1x1x128xi32, #tpu.memory_space<vmem>>
      %dma_start3A_136 = tpu.memref_squeeze %dma_start3A_135 : memref<1x1x128xi32, #tpu.memory_space<vmem>> -> memref<128xi32, #tpu.memory_space<vmem>>
      %dma_start3A_137 = arith.constant 0 : i32
      %dma_start3A_138 = arith.constant 0 : i32
      %dma_start3A_139 = tpu.memref_slice %arg2[%dma_start3A_137, %dma_start3A_138] : memref<10000x128xf32, #tpu.memory_space<hbm>> -> memref<10000x128xf32, #tpu.memory_space<hbm>>
      tpu.enqueue_indirect_dma source(%dma_start3A_139 : memref<10000x128xf32, #tpu.memory_space<hbm>>) target(%dma_start3A_133 : memref<128x128xf32, #tpu.memory_space<vmem>>) offsets(%dma_start3A_136 : memref<128xi32, #tpu.memory_space<vmem>>) semaphore(%arg12 : memref<!tpu.dma_semaphore, #tpu.memory_space<semaphore_mem>>)
      %dma_wait3A_140 = arith.constant 2 : i32
      %dma_wait3A_141 = arith.constant 0 : i32
      %dma_wait3A_142 = arith.constant 0 : i32
      %dma_wait3A_143 = arith.constant 0 : i32
      %dma_wait3A_144 = tpu.memref_slice %arg9[%dma_wait3A_141, %dma_wait3A_142, %dma_wait3A_143] : memref<2x128x128xf32, #tpu.memory_space<vmem>> -> memref<1x128x128xf32, #tpu.memory_space<vmem>>
      %dma_wait3A_145 = tpu.memref_squeeze %dma_wait3A_144 : memref<1x128x128xf32, #tpu.memory_space<vmem>> -> memref<128x128xf32, #tpu.memory_space<vmem>>
      %dma_wait3A_146 = arith.constant 0 : i32
      %dma_wait3A_147 = tpu.memref_slice %arg7[%rem3A_72, %dma_wait3A_140, %dma_wait3A_146] : memref<2x8x128xi32, #tpu.memory_space<vmem>> -> memref<1x1x128xi32, #tpu.memory_space<vmem>>
      %dma_wait3A_148 = tpu.memref_squeeze %dma_wait3A_147 : memref<1x1x128xi32, #tpu.memory_space<vmem>> -> memref<128xi32, #tpu.memory_space<vmem>>
      %dma_wait3A_149 = arith.constant 0 : i32
      %dma_wait3A_150 = arith.constant 0 : i32
      %dma_wait3A_151 = tpu.memref_slice %arg2[%dma_wait3A_149, %dma_wait3A_150] : memref<10000x128xf32, #tpu.memory_space<hbm>> -> memref<10000x128xf32, #tpu.memory_space<hbm>>
      tpu.wait_indirect_dma semaphore(%arg11 : memref<!tpu.dma_semaphore, #tpu.memory_space<semaphore_mem>>) src(%dma_wait3A_151 : memref<10000x128xf32, #tpu.memory_space<hbm>>) dst(%dma_wait3A_145 : memref<128x128xf32, #tpu.memory_space<vmem>>)
      %run_scoped3A_152 = arith.constant 0 : i32
      %run_scoped3A_153 = arith.constant 2 : i32
      "tpu.region"() ({
        %run_scoped3A_279 = tpu.sem_alloc : memref<!tpu.dma_semaphore, #tpu.memory_space<semaphore_mem>>
        %dma_start3A_280 = arith.constant 0 : i32
        %dma_start3A_281 = arith.constant 0 : i32
        %dma_start3A_282 = tpu.memref_slice %arg9[%run_scoped3A_152, %dma_start3A_280, %dma_start3A_281] : memref<2x128x128xf32, #tpu.memory_space<vmem>> -> memref<1x128x128xf32, #tpu.memory_space<vmem>>
        %dma_start3A_283 = tpu.memref_squeeze %dma_start3A_282 : memref<1x128x128xf32, #tpu.memory_space<vmem>> -> memref<128x128xf32, #tpu.memory_space<vmem>>
        %dma_start3A_284 = arith.constant 0 : i32
        %dma_start3A_285 = tpu.memref_slice %arg8[%rem3A_72, %run_scoped3A_153, %dma_start3A_284] : memref<2x8x128xi32, #tpu.memory_space<vmem>> -> memref<1x1x128xi32, #tpu.memory_space<vmem>>
        %dma_start3A_286 = tpu.memref_squeeze %dma_start3A_285 : memref<1x1x128xi32, #tpu.memory_space<vmem>> -> memref<128xi32, #tpu.memory_space<vmem>>
        %dma_start3A_287 = arith.constant 0 : i32
        %dma_start3A_288 = arith.constant 0 : i32
        %dma_start3A_289 = tpu.memref_slice %arg10[%dma_start3A_287, %dma_start3A_288] : memref<10112x128xf32, #tpu.memory_space<vmem_shared>> -> memref<10112x128xf32, #tpu.memory_space<vmem_shared>>
        tpu.enqueue_indirect_dma source(%dma_start3A_283 : memref<128x128xf32, #tpu.memory_space<vmem>>) target(%dma_start3A_289 : memref<10112x128xf32, #tpu.memory_space<vmem_shared>>) offsets(%dma_start3A_286 : memref<128xi32, #tpu.memory_space<vmem>>) semaphore(%run_scoped3A_279 : memref<!tpu.dma_semaphore, #tpu.memory_space<semaphore_mem>>) {add = true}
        %dma_wait3A_290 = arith.constant 0 : i32
        %dma_wait3A_291 = arith.constant 0 : i32
        %dma_wait3A_292 = tpu.memref_slice %arg9[%run_scoped3A_152, %dma_wait3A_290, %dma_wait3A_291] : memref<2x128x128xf32, #tpu.memory_space<vmem>> -> memref<1x128x128xf32, #tpu.memory_space<vmem>>
        %dma_wait3A_293 = tpu.memref_squeeze %dma_wait3A_292 : memref<1x128x128xf32, #tpu.memory_space<vmem>> -> memref<128x128xf32, #tpu.memory_space<vmem>>
        %dma_wait3A_294 = arith.constant 0 : i32
        %dma_wait3A_295 = tpu.memref_slice %arg8[%rem3A_72, %run_scoped3A_153, %dma_wait3A_294] : memref<2x8x128xi32, #tpu.memory_space<vmem>> -> memref<1x1x128xi32, #tpu.memory_space<vmem>>
        %dma_wait3A_296 = tpu.memref_squeeze %dma_wait3A_295 : memref<1x1x128xi32, #tpu.memory_space<vmem>> -> memref<128xi32, #tpu.memory_space<vmem>>
        %dma_wait3A_297 = arith.constant 0 : i32
        %dma_wait3A_298 = arith.constant 0 : i32
        %dma_wait3A_299 = tpu.memref_slice %arg10[%dma_wait3A_297, %dma_wait3A_298] : memref<10112x128xf32, #tpu.memory_space<vmem_shared>> -> memref<10112x128xf32, #tpu.memory_space<vmem_shared>>
        tpu.wait_indirect_dma semaphore(%run_scoped3A_279 : memref<!tpu.dma_semaphore, #tpu.memory_space<semaphore_mem>>) src(%dma_wait3A_293 : memref<128x128xf32, #tpu.memory_space<vmem>>) dst(%dma_wait3A_299 : memref<10112x128xf32, #tpu.memory_space<vmem_shared>>)
        tpu.yield
      }) : () -> ()
      %dma_start3A_154 = arith.constant 4 : i32
      %dma_start3A_155 = arith.constant 0 : i32
      %dma_start3A_156 = arith.constant 0 : i32
      %dma_start3A_157 = arith.constant 0 : i32
      %dma_start3A_158 = tpu.memref_slice %arg9[%dma_start3A_155, %dma_start3A_156, %dma_start3A_157] : memref<2x128x128xf32, #tpu.memory_space<vmem>> -> memref<1x128x128xf32, #tpu.memory_space<vmem>>
      %dma_start3A_159 = tpu.memref_squeeze %dma_start3A_158 : memref<1x128x128xf32, #tpu.memory_space<vmem>> -> memref<128x128xf32, #tpu.memory_space<vmem>>
      %dma_start3A_160 = arith.constant 0 : i32
      %dma_start3A_161 = tpu.memref_slice %arg7[%rem3A_72, %dma_start3A_154, %dma_start3A_160] : memref<2x8x128xi32, #tpu.memory_space<vmem>> -> memref<1x1x128xi32, #tpu.memory_space<vmem>>
      %dma_start3A_162 = tpu.memref_squeeze %dma_start3A_161 : memref<1x1x128xi32, #tpu.memory_space<vmem>> -> memref<128xi32, #tpu.memory_space<vmem>>
      %dma_start3A_163 = arith.constant 0 : i32
      %dma_start3A_164 = arith.constant 0 : i32
      %dma_start3A_165 = tpu.memref_slice %arg2[%dma_start3A_163, %dma_start3A_164] : memref<10000x128xf32, #tpu.memory_space<hbm>> -> memref<10000x128xf32, #tpu.memory_space<hbm>>
      tpu.enqueue_indirect_dma source(%dma_start3A_165 : memref<10000x128xf32, #tpu.memory_space<hbm>>) target(%dma_start3A_159 : memref<128x128xf32, #tpu.memory_space<vmem>>) offsets(%dma_start3A_162 : memref<128xi32, #tpu.memory_space<vmem>>) semaphore(%arg11 : memref<!tpu.dma_semaphore, #tpu.memory_space<semaphore_mem>>)
      %dma_wait3A_166 = arith.constant 3 : i32
      %dma_wait3A_167 = arith.constant 1 : i32
      %dma_wait3A_168 = arith.constant 0 : i32
      %dma_wait3A_169 = arith.constant 0 : i32
      %dma_wait3A_170 = tpu.memref_slice %arg9[%dma_wait3A_167, %dma_wait3A_168, %dma_wait3A_169] : memref<2x128x128xf32, #tpu.memory_space<vmem>> -> memref<1x128x128xf32, #tpu.memory_space<vmem>>
      %dma_wait3A_171 = tpu.memref_squeeze %dma_wait3A_170 : memref<1x128x128xf32, #tpu.memory_space<vmem>> -> memref<128x128xf32, #tpu.memory_space<vmem>>
      %dma_wait3A_172 = arith.constant 0 : i32
      %dma_wait3A_173 = tpu.memref_slice %arg7[%rem3A_72, %dma_wait3A_166, %dma_wait3A_172] : memref<2x8x128xi32, #tpu.memory_space<vmem>> -> memref<1x1x128xi32, #tpu.memory_space<vmem>>
      %dma_wait3A_174 = tpu.memref_squeeze %dma_wait3A_173 : memref<1x1x128xi32, #tpu.memory_space<vmem>> -> memref<128xi32, #tpu.memory_space<vmem>>
      %dma_wait3A_175 = arith.constant 0 : i32
      %dma_wait3A_176 = arith.constant 0 : i32
      %dma_wait3A_177 = tpu.memref_slice %arg2[%dma_wait3A_175, %dma_wait3A_176] : memref<10000x128xf32, #tpu.memory_space<hbm>> -> memref<10000x128xf32, #tpu.memory_space<hbm>>
      tpu.wait_indirect_dma semaphore(%arg12 : memref<!tpu.dma_semaphore, #tpu.memory_space<semaphore_mem>>) src(%dma_wait3A_177 : memref<10000x128xf32, #tpu.memory_space<hbm>>) dst(%dma_wait3A_171 : memref<128x128xf32, #tpu.memory_space<vmem>>)
      %run_scoped3A_178 = arith.constant 1 : i32
      %run_scoped3A_179 = arith.constant 3 : i32
      "tpu.region"() ({
        %run_scoped3A_279 = tpu.sem_alloc : memref<!tpu.dma_semaphore, #tpu.memory_space<semaphore_mem>>
        %dma_start3A_280 = arith.constant 0 : i32
        %dma_start3A_281 = arith.constant 0 : i32
        %dma_start3A_282 = tpu.memref_slice %arg9[%run_scoped3A_178, %dma_start3A_280, %dma_start3A_281] : memref<2x128x128xf32, #tpu.memory_space<vmem>> -> memref<1x128x128xf32, #tpu.memory_space<vmem>>
        %dma_start3A_283 = tpu.memref_squeeze %dma_start3A_282 : memref<1x128x128xf32, #tpu.memory_space<vmem>> -> memref<128x128xf32, #tpu.memory_space<vmem>>
        %dma_start3A_284 = arith.constant 0 : i32
        %dma_start3A_285 = tpu.memref_slice %arg8[%rem3A_72, %run_scoped3A_179, %dma_start3A_284] : memref<2x8x128xi32, #tpu.memory_space<vmem>> -> memref<1x1x128xi32, #tpu.memory_space<vmem>>
        %dma_start3A_286 = tpu.memref_squeeze %dma_start3A_285 : memref<1x1x128xi32, #tpu.memory_space<vmem>> -> memref<128xi32, #tpu.memory_space<vmem>>
        %dma_start3A_287 = arith.constant 0 : i32
        %dma_start3A_288 = arith.constant 0 : i32
        %dma_start3A_289 = tpu.memref_slice %arg10[%dma_start3A_287, %dma_start3A_288] : memref<10112x128xf32, #tpu.memory_space<vmem_shared>> -> memref<10112x128xf32, #tpu.memory_space<vmem_shared>>
        tpu.enqueue_indirect_dma source(%dma_start3A_283 : memref<128x128xf32, #tpu.memory_space<vmem>>) target(%dma_start3A_289 : memref<10112x128xf32, #tpu.memory_space<vmem_shared>>) offsets(%dma_start3A_286 : memref<128xi32, #tpu.memory_space<vmem>>) semaphore(%run_scoped3A_279 : memref<!tpu.dma_semaphore, #tpu.memory_space<semaphore_mem>>) {add = true}
        %dma_wait3A_290 = arith.constant 0 : i32
        %dma_wait3A_291 = arith.constant 0 : i32
        %dma_wait3A_292 = tpu.memref_slice %arg9[%run_scoped3A_178, %dma_wait3A_290, %dma_wait3A_291] : memref<2x128x128xf32, #tpu.memory_space<vmem>> -> memref<1x128x128xf32, #tpu.memory_space<vmem>>
        %dma_wait3A_293 = tpu.memref_squeeze %dma_wait3A_292 : memref<1x128x128xf32, #tpu.memory_space<vmem>> -> memref<128x128xf32, #tpu.memory_space<vmem>>
        %dma_wait3A_294 = arith.constant 0 : i32
        %dma_wait3A_295 = tpu.memref_slice %arg8[%rem3A_72, %run_scoped3A_179, %dma_wait3A_294] : memref<2x8x128xi32, #tpu.memory_space<vmem>> -> memref<1x1x128xi32, #tpu.memory_space<vmem>>
        %dma_wait3A_296 = tpu.memref_squeeze %dma_wait3A_295 : memref<1x1x128xi32, #tpu.memory_space<vmem>> -> memref<128xi32, #tpu.memory_space<vmem>>
        %dma_wait3A_297 = arith.constant 0 : i32
        %dma_wait3A_298 = arith.constant 0 : i32
        %dma_wait3A_299 = tpu.memref_slice %arg10[%dma_wait3A_297, %dma_wait3A_298] : memref<10112x128xf32, #tpu.memory_space<vmem_shared>> -> memref<10112x128xf32, #tpu.memory_space<vmem_shared>>
        tpu.wait_indirect_dma semaphore(%run_scoped3A_279 : memref<!tpu.dma_semaphore, #tpu.memory_space<semaphore_mem>>) src(%dma_wait3A_293 : memref<128x128xf32, #tpu.memory_space<vmem>>) dst(%dma_wait3A_299 : memref<10112x128xf32, #tpu.memory_space<vmem_shared>>)
        tpu.yield
      }) : () -> ()
      %dma_start3A_180 = arith.constant 5 : i32
      %dma_start3A_181 = arith.constant 1 : i32
      %dma_start3A_182 = arith.constant 0 : i32
      %dma_start3A_183 = arith.constant 0 : i32
      %dma_start3A_184 = tpu.memref_slice %arg9[%dma_start3A_181, %dma_start3A_182, %dma_start3A_183] : memref<2x128x128xf32, #tpu.memory_space<vmem>> -> memref<1x128x128xf32, #tpu.memory_space<vmem>>
      %dma_start3A_185 = tpu.memref_squeeze %dma_start3A_184 : memref<1x128x128xf32, #tpu.memory_space<vmem>> -> memref<128x128xf32, #tpu.memory_space<vmem>>
      %dma_start3A_186 = arith.constant 0 : i32
      %dma_start3A_187 = tpu.memref_slice %arg7[%rem3A_72, %dma_start3A_180, %dma_start3A_186] : memref<2x8x128xi32, #tpu.memory_space<vmem>> -> memref<1x1x128xi32, #tpu.memory_space<vmem>>
      %dma_start3A_188 = tpu.memref_squeeze %dma_start3A_187 : memref<1x1x128xi32, #tpu.memory_space<vmem>> -> memref<128xi32, #tpu.memory_space<vmem>>
      %dma_start3A_189 = arith.constant 0 : i32
      %dma_start3A_190 = arith.constant 0 : i32
      %dma_start3A_191 = tpu.memref_slice %arg2[%dma_start3A_189, %dma_start3A_190] : memref<10000x128xf32, #tpu.memory_space<hbm>> -> memref<10000x128xf32, #tpu.memory_space<hbm>>
      tpu.enqueue_indirect_dma source(%dma_start3A_191 : memref<10000x128xf32, #tpu.memory_space<hbm>>) target(%dma_start3A_185 : memref<128x128xf32, #tpu.memory_space<vmem>>) offsets(%dma_start3A_188 : memref<128xi32, #tpu.memory_space<vmem>>) semaphore(%arg12 : memref<!tpu.dma_semaphore, #tpu.memory_space<semaphore_mem>>)
      %dma_wait3A_192 = arith.constant 4 : i32
      %dma_wait3A_193 = arith.constant 0 : i32
      %dma_wait3A_194 = arith.constant 0 : i32
      %dma_wait3A_195 = arith.constant 0 : i32
      %dma_wait3A_196 = tpu.memref_slice %arg9[%dma_wait3A_193, %dma_wait3A_194, %dma_wait3A_195] : memref<2x128x128xf32, #tpu.memory_space<vmem>> -> memref<1x128x128xf32, #tpu.memory_space<vmem>>
      %dma_wait3A_197 = tpu.memref_squeeze %dma_wait3A_196 : memref<1x128x128xf32, #tpu.memory_space<vmem>> -> memref<128x128xf32, #tpu.memory_space<vmem>>
      %dma_wait3A_198 = arith.constant 0 : i32
      %dma_wait3A_199 = tpu.memref_slice %arg7[%rem3A_72, %dma_wait3A_192, %dma_wait3A_198] : memref<2x8x128xi32, #tpu.memory_space<vmem>> -> memref<1x1x128xi32, #tpu.memory_space<vmem>>
      %dma_wait3A_200 = tpu.memref_squeeze %dma_wait3A_199 : memref<1x1x128xi32, #tpu.memory_space<vmem>> -> memref<128xi32, #tpu.memory_space<vmem>>
      %dma_wait3A_201 = arith.constant 0 : i32
      %dma_wait3A_202 = arith.constant 0 : i32
      %dma_wait3A_203 = tpu.memref_slice %arg2[%dma_wait3A_201, %dma_wait3A_202] : memref<10000x128xf32, #tpu.memory_space<hbm>> -> memref<10000x128xf32, #tpu.memory_space<hbm>>
      tpu.wait_indirect_dma semaphore(%arg11 : memref<!tpu.dma_semaphore, #tpu.memory_space<semaphore_mem>>) src(%dma_wait3A_203 : memref<10000x128xf32, #tpu.memory_space<hbm>>) dst(%dma_wait3A_197 : memref<128x128xf32, #tpu.memory_space<vmem>>)
      %run_scoped3A_204 = arith.constant 0 : i32
      %run_scoped3A_205 = arith.constant 4 : i32
      "tpu.region"() ({
        %run_scoped3A_279 = tpu.sem_alloc : memref<!tpu.dma_semaphore, #tpu.memory_space<semaphore_mem>>
        %dma_start3A_280 = arith.constant 0 : i32
        %dma_start3A_281 = arith.constant 0 : i32
        %dma_start3A_282 = tpu.memref_slice %arg9[%run_scoped3A_204, %dma_start3A_280, %dma_start3A_281] : memref<2x128x128xf32, #tpu.memory_space<vmem>> -> memref<1x128x128xf32, #tpu.memory_space<vmem>>
        %dma_start3A_283 = tpu.memref_squeeze %dma_start3A_282 : memref<1x128x128xf32, #tpu.memory_space<vmem>> -> memref<128x128xf32, #tpu.memory_space<vmem>>
        %dma_start3A_284 = arith.constant 0 : i32
        %dma_start3A_285 = tpu.memref_slice %arg8[%rem3A_72, %run_scoped3A_205, %dma_start3A_284] : memref<2x8x128xi32, #tpu.memory_space<vmem>> -> memref<1x1x128xi32, #tpu.memory_space<vmem>>
        %dma_start3A_286 = tpu.memref_squeeze %dma_start3A_285 : memref<1x1x128xi32, #tpu.memory_space<vmem>> -> memref<128xi32, #tpu.memory_space<vmem>>
        %dma_start3A_287 = arith.constant 0 : i32
        %dma_start3A_288 = arith.constant 0 : i32
        %dma_start3A_289 = tpu.memref_slice %arg10[%dma_start3A_287, %dma_start3A_288] : memref<10112x128xf32, #tpu.memory_space<vmem_shared>> -> memref<10112x128xf32, #tpu.memory_space<vmem_shared>>
        tpu.enqueue_indirect_dma source(%dma_start3A_283 : memref<128x128xf32, #tpu.memory_space<vmem>>) target(%dma_start3A_289 : memref<10112x128xf32, #tpu.memory_space<vmem_shared>>) offsets(%dma_start3A_286 : memref<128xi32, #tpu.memory_space<vmem>>) semaphore(%run_scoped3A_279 : memref<!tpu.dma_semaphore, #tpu.memory_space<semaphore_mem>>) {add = true}
        %dma_wait3A_290 = arith.constant 0 : i32
        %dma_wait3A_291 = arith.constant 0 : i32
        %dma_wait3A_292 = tpu.memref_slice %arg9[%run_scoped3A_204, %dma_wait3A_290, %dma_wait3A_291] : memref<2x128x128xf32, #tpu.memory_space<vmem>> -> memref<1x128x128xf32, #tpu.memory_space<vmem>>
        %dma_wait3A_293 = tpu.memref_squeeze %dma_wait3A_292 : memref<1x128x128xf32, #tpu.memory_space<vmem>> -> memref<128x128xf32, #tpu.memory_space<vmem>>
        %dma_wait3A_294 = arith.constant 0 : i32
        %dma_wait3A_295 = tpu.memref_slice %arg8[%rem3A_72, %run_scoped3A_205, %dma_wait3A_294] : memref<2x8x128xi32, #tpu.memory_space<vmem>> -> memref<1x1x128xi32, #tpu.memory_space<vmem>>
        %dma_wait3A_296 = tpu.memref_squeeze %dma_wait3A_295 : memref<1x1x128xi32, #tpu.memory_space<vmem>> -> memref<128xi32, #tpu.memory_space<vmem>>
        %dma_wait3A_297 = arith.constant 0 : i32
        %dma_wait3A_298 = arith.constant 0 : i32
        %dma_wait3A_299 = tpu.memref_slice %arg10[%dma_wait3A_297, %dma_wait3A_298] : memref<10112x128xf32, #tpu.memory_space<vmem_shared>> -> memref<10112x128xf32, #tpu.memory_space<vmem_shared>>
        tpu.wait_indirect_dma semaphore(%run_scoped3A_279 : memref<!tpu.dma_semaphore, #tpu.memory_space<semaphore_mem>>) src(%dma_wait3A_293 : memref<128x128xf32, #tpu.memory_space<vmem>>) dst(%dma_wait3A_299 : memref<10112x128xf32, #tpu.memory_space<vmem_shared>>)
        tpu.yield
      }) : () -> ()
      %dma_start3A_206 = arith.constant 6 : i32
      %dma_start3A_207 = arith.constant 0 : i32
      %dma_start3A_208 = arith.constant 0 : i32
      %dma_start3A_209 = arith.constant 0 : i32
      %dma_start3A_210 = tpu.memref_slice %arg9[%dma_start3A_207, %dma_start3A_208, %dma_start3A_209] : memref<2x128x128xf32, #tpu.memory_space<vmem>> -> memref<1x128x128xf32, #tpu.memory_space<vmem>>
      %dma_start3A_211 = tpu.memref_squeeze %dma_start3A_210 : memref<1x128x128xf32, #tpu.memory_space<vmem>> -> memref<128x128xf32, #tpu.memory_space<vmem>>
      %dma_start3A_212 = arith.constant 0 : i32
      %dma_start3A_213 = tpu.memref_slice %arg7[%rem3A_72, %dma_start3A_206, %dma_start3A_212] : memref<2x8x128xi32, #tpu.memory_space<vmem>> -> memref<1x1x128xi32, #tpu.memory_space<vmem>>
      %dma_start3A_214 = tpu.memref_squeeze %dma_start3A_213 : memref<1x1x128xi32, #tpu.memory_space<vmem>> -> memref<128xi32, #tpu.memory_space<vmem>>
      %dma_start3A_215 = arith.constant 0 : i32
      %dma_start3A_216 = arith.constant 0 : i32
      %dma_start3A_217 = tpu.memref_slice %arg2[%dma_start3A_215, %dma_start3A_216] : memref<10000x128xf32, #tpu.memory_space<hbm>> -> memref<10000x128xf32, #tpu.memory_space<hbm>>
      tpu.enqueue_indirect_dma source(%dma_start3A_217 : memref<10000x128xf32, #tpu.memory_space<hbm>>) target(%dma_start3A_211 : memref<128x128xf32, #tpu.memory_space<vmem>>) offsets(%dma_start3A_214 : memref<128xi32, #tpu.memory_space<vmem>>) semaphore(%arg11 : memref<!tpu.dma_semaphore, #tpu.memory_space<semaphore_mem>>)
      %dma_wait3A_218 = arith.constant 5 : i32
      %dma_wait3A_219 = arith.constant 1 : i32
      %dma_wait3A_220 = arith.constant 0 : i32
      %dma_wait3A_221 = arith.constant 0 : i32
      %dma_wait3A_222 = tpu.memref_slice %arg9[%dma_wait3A_219, %dma_wait3A_220, %dma_wait3A_221] : memref<2x128x128xf32, #tpu.memory_space<vmem>> -> memref<1x128x128xf32, #tpu.memory_space<vmem>>
      %dma_wait3A_223 = tpu.memref_squeeze %dma_wait3A_222 : memref<1x128x128xf32, #tpu.memory_space<vmem>> -> memref<128x128xf32, #tpu.memory_space<vmem>>
      %dma_wait3A_224 = arith.constant 0 : i32
      %dma_wait3A_225 = tpu.memref_slice %arg7[%rem3A_72, %dma_wait3A_218, %dma_wait3A_224] : memref<2x8x128xi32, #tpu.memory_space<vmem>> -> memref<1x1x128xi32, #tpu.memory_space<vmem>>
      %dma_wait3A_226 = tpu.memref_squeeze %dma_wait3A_225 : memref<1x1x128xi32, #tpu.memory_space<vmem>> -> memref<128xi32, #tpu.memory_space<vmem>>
      %dma_wait3A_227 = arith.constant 0 : i32
      %dma_wait3A_228 = arith.constant 0 : i32
      %dma_wait3A_229 = tpu.memref_slice %arg2[%dma_wait3A_227, %dma_wait3A_228] : memref<10000x128xf32, #tpu.memory_space<hbm>> -> memref<10000x128xf32, #tpu.memory_space<hbm>>
      tpu.wait_indirect_dma semaphore(%arg12 : memref<!tpu.dma_semaphore, #tpu.memory_space<semaphore_mem>>) src(%dma_wait3A_229 : memref<10000x128xf32, #tpu.memory_space<hbm>>) dst(%dma_wait3A_223 : memref<128x128xf32, #tpu.memory_space<vmem>>)
      %run_scoped3A_230 = arith.constant 1 : i32
      %run_scoped3A_231 = arith.constant 5 : i32
      "tpu.region"() ({
        %run_scoped3A_279 = tpu.sem_alloc : memref<!tpu.dma_semaphore, #tpu.memory_space<semaphore_mem>>
        %dma_start3A_280 = arith.constant 0 : i32
        %dma_start3A_281 = arith.constant 0 : i32
        %dma_start3A_282 = tpu.memref_slice %arg9[%run_scoped3A_230, %dma_start3A_280, %dma_start3A_281] : memref<2x128x128xf32, #tpu.memory_space<vmem>> -> memref<1x128x128xf32, #tpu.memory_space<vmem>>
        %dma_start3A_283 = tpu.memref_squeeze %dma_start3A_282 : memref<1x128x128xf32, #tpu.memory_space<vmem>> -> memref<128x128xf32, #tpu.memory_space<vmem>>
        %dma_start3A_284 = arith.constant 0 : i32
        %dma_start3A_285 = tpu.memref_slice %arg8[%rem3A_72, %run_scoped3A_231, %dma_start3A_284] : memref<2x8x128xi32, #tpu.memory_space<vmem>> -> memref<1x1x128xi32, #tpu.memory_space<vmem>>
        %dma_start3A_286 = tpu.memref_squeeze %dma_start3A_285 : memref<1x1x128xi32, #tpu.memory_space<vmem>> -> memref<128xi32, #tpu.memory_space<vmem>>
        %dma_start3A_287 = arith.constant 0 : i32
        %dma_start3A_288 = arith.constant 0 : i32
        %dma_start3A_289 = tpu.memref_slice %arg10[%dma_start3A_287, %dma_start3A_288] : memref<10112x128xf32, #tpu.memory_space<vmem_shared>> -> memref<10112x128xf32, #tpu.memory_space<vmem_shared>>
        tpu.enqueue_indirect_dma source(%dma_start3A_283 : memref<128x128xf32, #tpu.memory_space<vmem>>) target(%dma_start3A_289 : memref<10112x128xf32, #tpu.memory_space<vmem_shared>>) offsets(%dma_start3A_286 : memref<128xi32, #tpu.memory_space<vmem>>) semaphore(%run_scoped3A_279 : memref<!tpu.dma_semaphore, #tpu.memory_space<semaphore_mem>>) {add = true}
        %dma_wait3A_290 = arith.constant 0 : i32
        %dma_wait3A_291 = arith.constant 0 : i32
        %dma_wait3A_292 = tpu.memref_slice %arg9[%run_scoped3A_230, %dma_wait3A_290, %dma_wait3A_291] : memref<2x128x128xf32, #tpu.memory_space<vmem>> -> memref<1x128x128xf32, #tpu.memory_space<vmem>>
        %dma_wait3A_293 = tpu.memref_squeeze %dma_wait3A_292 : memref<1x128x128xf32, #tpu.memory_space<vmem>> -> memref<128x128xf32, #tpu.memory_space<vmem>>
        %dma_wait3A_294 = arith.constant 0 : i32
        %dma_wait3A_295 = tpu.memref_slice %arg8[%rem3A_72, %run_scoped3A_231, %dma_wait3A_294] : memref<2x8x128xi32, #tpu.memory_space<vmem>> -> memref<1x1x128xi32, #tpu.memory_space<vmem>>
        %dma_wait3A_296 = tpu.memref_squeeze %dma_wait3A_295 : memref<1x1x128xi32, #tpu.memory_space<vmem>> -> memref<128xi32, #tpu.memory_space<vmem>>
        %dma_wait3A_297 = arith.constant 0 : i32
        %dma_wait3A_298 = arith.constant 0 : i32
        %dma_wait3A_299 = tpu.memref_slice %arg10[%dma_wait3A_297, %dma_wait3A_298] : memref<10112x128xf32, #tpu.memory_space<vmem_shared>> -> memref<10112x128xf32, #tpu.memory_space<vmem_shared>>
        tpu.wait_indirect_dma semaphore(%run_scoped3A_279 : memref<!tpu.dma_semaphore, #tpu.memory_space<semaphore_mem>>) src(%dma_wait3A_293 : memref<128x128xf32, #tpu.memory_space<vmem>>) dst(%dma_wait3A_299 : memref<10112x128xf32, #tpu.memory_space<vmem_shared>>)
        tpu.yield
      }) : () -> ()
      %dma_start3A_232 = arith.constant 7 : i32
      %dma_start3A_233 = arith.constant 1 : i32
      %dma_start3A_234 = arith.constant 0 : i32
      %dma_start3A_235 = arith.constant 0 : i32
      %dma_start3A_236 = tpu.memref_slice %arg9[%dma_start3A_233, %dma_start3A_234, %dma_start3A_235] : memref<2x128x128xf32, #tpu.memory_space<vmem>> -> memref<1x128x128xf32, #tpu.memory_space<vmem>>
      %dma_start3A_237 = tpu.memref_squeeze %dma_start3A_236 : memref<1x128x128xf32, #tpu.memory_space<vmem>> -> memref<128x128xf32, #tpu.memory_space<vmem>>
      %dma_start3A_238 = arith.constant 0 : i32
      %dma_start3A_239 = tpu.memref_slice %arg7[%rem3A_72, %dma_start3A_232, %dma_start3A_238] : memref<2x8x128xi32, #tpu.memory_space<vmem>> -> memref<1x1x128xi32, #tpu.memory_space<vmem>>
      %dma_start3A_240 = tpu.memref_squeeze %dma_start3A_239 : memref<1x1x128xi32, #tpu.memory_space<vmem>> -> memref<128xi32, #tpu.memory_space<vmem>>
      %dma_start3A_241 = arith.constant 0 : i32
      %dma_start3A_242 = arith.constant 0 : i32
      %dma_start3A_243 = tpu.memref_slice %arg2[%dma_start3A_241, %dma_start3A_242] : memref<10000x128xf32, #tpu.memory_space<hbm>> -> memref<10000x128xf32, #tpu.memory_space<hbm>>
      tpu.enqueue_indirect_dma source(%dma_start3A_243 : memref<10000x128xf32, #tpu.memory_space<hbm>>) target(%dma_start3A_237 : memref<128x128xf32, #tpu.memory_space<vmem>>) offsets(%dma_start3A_240 : memref<128xi32, #tpu.memory_space<vmem>>) semaphore(%arg12 : memref<!tpu.dma_semaphore, #tpu.memory_space<semaphore_mem>>)
      %dma_wait3A_244 = arith.constant 6 : i32
      %dma_wait3A_245 = arith.constant 0 : i32
      %dma_wait3A_246 = arith.constant 0 : i32
      %dma_wait3A_247 = arith.constant 0 : i32
      %dma_wait3A_248 = tpu.memref_slice %arg9[%dma_wait3A_245, %dma_wait3A_246, %dma_wait3A_247] : memref<2x128x128xf32, #tpu.memory_space<vmem>> -> memref<1x128x128xf32, #tpu.memory_space<vmem>>
      %dma_wait3A_249 = tpu.memref_squeeze %dma_wait3A_248 : memref<1x128x128xf32, #tpu.memory_space<vmem>> -> memref<128x128xf32, #tpu.memory_space<vmem>>
      %dma_wait3A_250 = arith.constant 0 : i32
      %dma_wait3A_251 = tpu.memref_slice %arg7[%rem3A_72, %dma_wait3A_244, %dma_wait3A_250] : memref<2x8x128xi32, #tpu.memory_space<vmem>> -> memref<1x1x128xi32, #tpu.memory_space<vmem>>
      %dma_wait3A_252 = tpu.memref_squeeze %dma_wait3A_251 : memref<1x1x128xi32, #tpu.memory_space<vmem>> -> memref<128xi32, #tpu.memory_space<vmem>>
      %dma_wait3A_253 = arith.constant 0 : i32
      %dma_wait3A_254 = arith.constant 0 : i32
      %dma_wait3A_255 = tpu.memref_slice %arg2[%dma_wait3A_253, %dma_wait3A_254] : memref<10000x128xf32, #tpu.memory_space<hbm>> -> memref<10000x128xf32, #tpu.memory_space<hbm>>
      tpu.wait_indirect_dma semaphore(%arg11 : memref<!tpu.dma_semaphore, #tpu.memory_space<semaphore_mem>>) src(%dma_wait3A_255 : memref<10000x128xf32, #tpu.memory_space<hbm>>) dst(%dma_wait3A_249 : memref<128x128xf32, #tpu.memory_space<vmem>>)
      %run_scoped3A_256 = arith.constant 0 : i32
      %run_scoped3A_257 = arith.constant 6 : i32
      "tpu.region"() ({
        %run_scoped3A_279 = tpu.sem_alloc : memref<!tpu.dma_semaphore, #tpu.memory_space<semaphore_mem>>
        %dma_start3A_280 = arith.constant 0 : i32
        %dma_start3A_281 = arith.constant 0 : i32
        %dma_start3A_282 = tpu.memref_slice %arg9[%run_scoped3A_256, %dma_start3A_280, %dma_start3A_281] : memref<2x128x128xf32, #tpu.memory_space<vmem>> -> memref<1x128x128xf32, #tpu.memory_space<vmem>>
        %dma_start3A_283 = tpu.memref_squeeze %dma_start3A_282 : memref<1x128x128xf32, #tpu.memory_space<vmem>> -> memref<128x128xf32, #tpu.memory_space<vmem>>
        %dma_start3A_284 = arith.constant 0 : i32
        %dma_start3A_285 = tpu.memref_slice %arg8[%rem3A_72, %run_scoped3A_257, %dma_start3A_284] : memref<2x8x128xi32, #tpu.memory_space<vmem>> -> memref<1x1x128xi32, #tpu.memory_space<vmem>>
        %dma_start3A_286 = tpu.memref_squeeze %dma_start3A_285 : memref<1x1x128xi32, #tpu.memory_space<vmem>> -> memref<128xi32, #tpu.memory_space<vmem>>
        %dma_start3A_287 = arith.constant 0 : i32
        %dma_start3A_288 = arith.constant 0 : i32
        %dma_start3A_289 = tpu.memref_slice %arg10[%dma_start3A_287, %dma_start3A_288] : memref<10112x128xf32, #tpu.memory_space<vmem_shared>> -> memref<10112x128xf32, #tpu.memory_space<vmem_shared>>
        tpu.enqueue_indirect_dma source(%dma_start3A_283 : memref<128x128xf32, #tpu.memory_space<vmem>>) target(%dma_start3A_289 : memref<10112x128xf32, #tpu.memory_space<vmem_shared>>) offsets(%dma_start3A_286 : memref<128xi32, #tpu.memory_space<vmem>>) semaphore(%run_scoped3A_279 : memref<!tpu.dma_semaphore, #tpu.memory_space<semaphore_mem>>) {add = true}
        %dma_wait3A_290 = arith.constant 0 : i32
        %dma_wait3A_291 = arith.constant 0 : i32
        %dma_wait3A_292 = tpu.memref_slice %arg9[%run_scoped3A_256, %dma_wait3A_290, %dma_wait3A_291] : memref<2x128x128xf32, #tpu.memory_space<vmem>> -> memref<1x128x128xf32, #tpu.memory_space<vmem>>
        %dma_wait3A_293 = tpu.memref_squeeze %dma_wait3A_292 : memref<1x128x128xf32, #tpu.memory_space<vmem>> -> memref<128x128xf32, #tpu.memory_space<vmem>>
        %dma_wait3A_294 = arith.constant 0 : i32
        %dma_wait3A_295 = tpu.memref_slice %arg8[%rem3A_72, %run_scoped3A_257, %dma_wait3A_294] : memref<2x8x128xi32, #tpu.memory_space<vmem>> -> memref<1x1x128xi32, #tpu.memory_space<vmem>>
        %dma_wait3A_296 = tpu.memref_squeeze %dma_wait3A_295 : memref<1x1x128xi32, #tpu.memory_space<vmem>> -> memref<128xi32, #tpu.memory_space<vmem>>
        %dma_wait3A_297 = arith.constant 0 : i32
        %dma_wait3A_298 = arith.constant 0 : i32
        %dma_wait3A_299 = tpu.memref_slice %arg10[%dma_wait3A_297, %dma_wait3A_298] : memref<10112x128xf32, #tpu.memory_space<vmem_shared>> -> memref<10112x128xf32, #tpu.memory_space<vmem_shared>>
        tpu.wait_indirect_dma semaphore(%run_scoped3A_279 : memref<!tpu.dma_semaphore, #tpu.memory_space<semaphore_mem>>) src(%dma_wait3A_293 : memref<128x128xf32, #tpu.memory_space<vmem>>) dst(%dma_wait3A_299 : memref<10112x128xf32, #tpu.memory_space<vmem_shared>>)
        tpu.yield
      }) : () -> ()
      %dma_wait3A_258 = arith.constant 7 : i32
      %dma_wait3A_259 = arith.constant 1 : i32
      %dma_wait3A_260 = arith.constant 0 : i32
      %dma_wait3A_261 = arith.constant 0 : i32
      %dma_wait3A_262 = tpu.memref_slice %arg9[%dma_wait3A_259, %dma_wait3A_260, %dma_wait3A_261] : memref<2x128x128xf32, #tpu.memory_space<vmem>> -> memref<1x128x128xf32, #tpu.memory_space<vmem>>
      %dma_wait3A_263 = tpu.memref_squeeze %dma_wait3A_262 : memref<1x128x128xf32, #tpu.memory_space<vmem>> -> memref<128x128xf32, #tpu.memory_space<vmem>>
      %dma_wait3A_264 = arith.constant 0 : i32
      %dma_wait3A_265 = tpu.memref_slice %arg7[%rem3A_72, %dma_wait3A_258, %dma_wait3A_264] : memref<2x8x128xi32, #tpu.memory_space<vmem>> -> memref<1x1x128xi32, #tpu.memory_space<vmem>>
      %dma_wait3A_266 = tpu.memref_squeeze %dma_wait3A_265 : memref<1x1x128xi32, #tpu.memory_space<vmem>> -> memref<128xi32, #tpu.memory_space<vmem>>
      %dma_wait3A_267 = arith.constant 0 : i32
      %dma_wait3A_268 = arith.constant 0 : i32
      %dma_wait3A_269 = tpu.memref_slice %arg2[%dma_wait3A_267, %dma_wait3A_268] : memref<10000x128xf32, #tpu.memory_space<hbm>> -> memref<10000x128xf32, #tpu.memory_space<hbm>>
      tpu.wait_indirect_dma semaphore(%arg12 : memref<!tpu.dma_semaphore, #tpu.memory_space<semaphore_mem>>) src(%dma_wait3A_269 : memref<10000x128xf32, #tpu.memory_space<hbm>>) dst(%dma_wait3A_263 : memref<128x128xf32, #tpu.memory_space<vmem>>)
      %run_scoped3A_270 = arith.constant 1 : i32
      %run_scoped3A_271 = arith.constant 7 : i32
      "tpu.region"() ({
        %run_scoped3A_279 = tpu.sem_alloc : memref<!tpu.dma_semaphore, #tpu.memory_space<semaphore_mem>>
        %dma_start3A_280 = arith.constant 0 : i32
        %dma_start3A_281 = arith.constant 0 : i32
        %dma_start3A_282 = tpu.memref_slice %arg9[%run_scoped3A_270, %dma_start3A_280, %dma_start3A_281] : memref<2x128x128xf32, #tpu.memory_space<vmem>> -> memref<1x128x128xf32, #tpu.memory_space<vmem>>
        %dma_start3A_283 = tpu.memref_squeeze %dma_start3A_282 : memref<1x128x128xf32, #tpu.memory_space<vmem>> -> memref<128x128xf32, #tpu.memory_space<vmem>>
        %dma_start3A_284 = arith.constant 0 : i32
        %dma_start3A_285 = tpu.memref_slice %arg8[%rem3A_72, %run_scoped3A_271, %dma_start3A_284] : memref<2x8x128xi32, #tpu.memory_space<vmem>> -> memref<1x1x128xi32, #tpu.memory_space<vmem>>
        %dma_start3A_286 = tpu.memref_squeeze %dma_start3A_285 : memref<1x1x128xi32, #tpu.memory_space<vmem>> -> memref<128xi32, #tpu.memory_space<vmem>>
        %dma_start3A_287 = arith.constant 0 : i32
        %dma_start3A_288 = arith.constant 0 : i32
        %dma_start3A_289 = tpu.memref_slice %arg10[%dma_start3A_287, %dma_start3A_288] : memref<10112x128xf32, #tpu.memory_space<vmem_shared>> -> memref<10112x128xf32, #tpu.memory_space<vmem_shared>>
        tpu.enqueue_indirect_dma source(%dma_start3A_283 : memref<128x128xf32, #tpu.memory_space<vmem>>) target(%dma_start3A_289 : memref<10112x128xf32, #tpu.memory_space<vmem_shared>>) offsets(%dma_start3A_286 : memref<128xi32, #tpu.memory_space<vmem>>) semaphore(%run_scoped3A_279 : memref<!tpu.dma_semaphore, #tpu.memory_space<semaphore_mem>>) {add = true}
        %dma_wait3A_290 = arith.constant 0 : i32
        %dma_wait3A_291 = arith.constant 0 : i32
        %dma_wait3A_292 = tpu.memref_slice %arg9[%run_scoped3A_270, %dma_wait3A_290, %dma_wait3A_291] : memref<2x128x128xf32, #tpu.memory_space<vmem>> -> memref<1x128x128xf32, #tpu.memory_space<vmem>>
        %dma_wait3A_293 = tpu.memref_squeeze %dma_wait3A_292 : memref<1x128x128xf32, #tpu.memory_space<vmem>> -> memref<128x128xf32, #tpu.memory_space<vmem>>
        %dma_wait3A_294 = arith.constant 0 : i32
        %dma_wait3A_295 = tpu.memref_slice %arg8[%rem3A_72, %run_scoped3A_271, %dma_wait3A_294] : memref<2x8x128xi32, #tpu.memory_space<vmem>> -> memref<1x1x128xi32, #tpu.memory_space<vmem>>
        %dma_wait3A_296 = tpu.memref_squeeze %dma_wait3A_295 : memref<1x1x128xi32, #tpu.memory_space<vmem>> -> memref<128xi32, #tpu.memory_space<vmem>>
        %dma_wait3A_297 = arith.constant 0 : i32
        %dma_wait3A_298 = arith.constant 0 : i32
        %dma_wait3A_299 = tpu.memref_slice %arg10[%dma_wait3A_297, %dma_wait3A_298] : memref<10112x128xf32, #tpu.memory_space<vmem_shared>> -> memref<10112x128xf32, #tpu.memory_space<vmem_shared>>
        tpu.wait_indirect_dma semaphore(%run_scoped3A_279 : memref<!tpu.dma_semaphore, #tpu.memory_space<semaphore_mem>>) src(%dma_wait3A_293 : memref<128x128xf32, #tpu.memory_space<vmem>>) dst(%dma_wait3A_299 : memref<10112x128xf32, #tpu.memory_space<vmem_shared>>)
        tpu.yield
      }) : () -> ()
      %add3A_272 = arith.constant 1 : i32
      %add3A_273 = arith.addi %add3A_71, %add3A_272 : i32
      %lt3A_274 = arith.constant 10 : i32
      %lt3A_275 = arith.cmpi slt, %add3A_273, %lt3A_274 : i32
      %convert_element_type3A_276 = arith.extui %lt3A_275 : i1 to i32
      %cond3A_277 = arith.constant 0 : i32
      %cond3A_278 = arith.cmpi ne, %convert_element_type3A_276, %cond3A_277 : i32
      scf.if %cond3A_278 {
        %add3A_279 = arith.constant 1 : i32
        %add3A_280 = arith.addi %add3A_71, %add3A_279 : i32
        %mul3A_281 = arith.constant 8 : i32
        %mul3A_282 = arith.muli %add3A_280, %mul3A_281 : i32
        %sub3A = arith.constant 1 : i32
        %sub3A_283 = arith.subi %sub3A, %rem3A_72 : i32
        %dma_wait3A_284 = arith.constant 0 : i32
        %dma_wait3A_285 = arith.constant 0 : i32
        %dma_wait3A_286 = tpu.memref_slice %arg7[%sub3A_283, %dma_wait3A_284, %dma_wait3A_285] : memref<2x8x128xi32, #tpu.memory_space<vmem>> -> memref<1x8x128xi32, #tpu.memory_space<vmem>>
        %dma_wait3A_287 = tpu.memref_squeeze %dma_wait3A_286 : memref<1x8x128xi32, #tpu.memory_space<vmem>> -> memref<8x128xi32, #tpu.memory_space<vmem>>
        %dma_wait3A_288 = arith.constant 0 : i32
        %dma_wait3A_289 = tpu.memref_slice %arg3[%add3A, %mul3A_282, %dma_wait3A_288] : memref<32x80x128xi32, #tpu.memory_space<hbm>> -> memref<1x8x128xi32, #tpu.memory_space<hbm>>
        %dma_wait3A_290 = tpu.memref_squeeze %dma_wait3A_289 : memref<1x8x128xi32, #tpu.memory_space<hbm>> -> memref<8x128xi32, #tpu.memory_space<hbm>>
        %dma_wait3A_291 = arith.constant 0 : i32
        %dma_wait3A_292 = arith.constant 0 : i32
        %dma_wait3A_293 = tpu.memref_slice %arg7[%sub3A_283, %dma_wait3A_291, %dma_wait3A_292] : memref<2x8x128xi32, #tpu.memory_space<vmem>> -> memref<1x8x128xi32, #tpu.memory_space<vmem>>
        %dma_wait3A_294 = tpu.memref_squeeze %dma_wait3A_293 : memref<1x8x128xi32, #tpu.memory_space<vmem>> -> memref<8x128xi32, #tpu.memory_space<vmem>>
        %dma_wait3A_295 = arith.constant 0 : i32
        %dma_wait3A_296 = tpu.memref_slice %arg3[%add3A, %mul3A_282, %dma_wait3A_295] : memref<32x80x128xi32, #tpu.memory_space<hbm>> -> memref<1x8x128xi32, #tpu.memory_space<hbm>>
        %dma_wait3A_297 = tpu.memref_squeeze %dma_wait3A_296 : memref<1x8x128xi32, #tpu.memory_space<hbm>> -> memref<8x128xi32, #tpu.memory_space<hbm>>
        tpu.wait_dma2 semaphore(%arg13 : memref<!tpu.dma_semaphore, #tpu.memory_space<semaphore_mem>>) src(%dma_wait3A_297 : memref<8x128xi32, #tpu.memory_space<hbm>>) dst(%dma_wait3A_294 : memref<8x128xi32, #tpu.memory_space<vmem>>)
        %add3A_298 = arith.constant 1 : i32
        %add3A_299 = arith.addi %add3A_71, %add3A_298 : i32
        %mul3A_300 = arith.constant 8 : i32
        %mul3A_301 = arith.muli %add3A_299, %mul3A_300 : i32
        %sub3A_302 = arith.constant 1 : i32
        %sub3A_303 = arith.subi %sub3A_302, %rem3A_72 : i32
        %dma_wait3A_304 = arith.constant 0 : i32
        %dma_wait3A_305 = arith.constant 0 : i32
        %dma_wait3A_306 = tpu.memref_slice %arg8[%sub3A_303, %dma_wait3A_304, %dma_wait3A_305] : memref<2x8x128xi32, #tpu.memory_space<vmem>> -> memref<1x8x128xi32, #tpu.memory_space<vmem>>
        %dma_wait3A_307 = tpu.memref_squeeze %dma_wait3A_306 : memref<1x8x128xi32, #tpu.memory_space<vmem>> -> memref<8x128xi32, #tpu.memory_space<vmem>>
        %dma_wait3A_308 = arith.constant 0 : i32
        %dma_wait3A_309 = tpu.memref_slice %arg4[%add3A, %mul3A_301, %dma_wait3A_308] : memref<32x80x128xi32, #tpu.memory_space<hbm>> -> memref<1x8x128xi32, #tpu.memory_space<hbm>>
        %dma_wait3A_310 = tpu.memref_squeeze %dma_wait3A_309 : memref<1x8x128xi32, #tpu.memory_space<hbm>> -> memref<8x128xi32, #tpu.memory_space<hbm>>
        %dma_wait3A_311 = arith.constant 0 : i32
        %dma_wait3A_312 = arith.constant 0 : i32
        %dma_wait3A_313 = tpu.memref_slice %arg8[%sub3A_303, %dma_wait3A_311, %dma_wait3A_312] : memref<2x8x128xi32, #tpu.memory_space<vmem>> -> memref<1x8x128xi32, #tpu.memory_space<vmem>>
        %dma_wait3A_314 = tpu.memref_squeeze %dma_wait3A_313 : memref<1x8x128xi32, #tpu.memory_space<vmem>> -> memref<8x128xi32, #tpu.memory_space<vmem>>
        %dma_wait3A_315 = arith.constant 0 : i32
        %dma_wait3A_316 = tpu.memref_slice %arg4[%add3A, %mul3A_301, %dma_wait3A_315] : memref<32x80x128xi32, #tpu.memory_space<hbm>> -> memref<1x8x128xi32, #tpu.memory_space<hbm>>
        %dma_wait3A_317 = tpu.memref_squeeze %dma_wait3A_316 : memref<1x8x128xi32, #tpu.memory_space<hbm>> -> memref<8x128xi32, #tpu.memory_space<hbm>>
        tpu.wait_dma2 semaphore(%arg14 : memref<!tpu.dma_semaphore, #tpu.memory_space<semaphore_mem>>) src(%dma_wait3A_317 : memref<8x128xi32, #tpu.memory_space<hbm>>) dst(%dma_wait3A_314 : memref<8x128xi32, #tpu.memory_space<vmem>>)
        %sub3A_318 = arith.constant 1 : i32
        %sub3A_319 = arith.subi %sub3A_318, %rem3A_72 : i32
        %dma_start3A_320 = arith.constant 0 : i32
        %dma_start3A_321 = arith.constant 0 : i32
        %dma_start3A_322 = arith.constant 0 : i32
        %dma_start3A_323 = arith.constant 0 : i32
        %dma_start3A_324 = tpu.memref_slice %arg9[%dma_start3A_321, %dma_start3A_322, %dma_start3A_323] : memref<2x128x128xf32, #tpu.memory_space<vmem>> -> memref<1x128x128xf32, #tpu.memory_space<vmem>>
        %dma_start3A_325 = tpu.memref_squeeze %dma_start3A_324 : memref<1x128x128xf32, #tpu.memory_space<vmem>> -> memref<128x128xf32, #tpu.memory_space<vmem>>
        %dma_start3A_326 = arith.constant 0 : i32
        %dma_start3A_327 = tpu.memref_slice %arg7[%sub3A_319, %dma_start3A_320, %dma_start3A_326] : memref<2x8x128xi32, #tpu.memory_space<vmem>> -> memref<1x1x128xi32, #tpu.memory_space<vmem>>
        %dma_start3A_328 = tpu.memref_squeeze %dma_start3A_327 : memref<1x1x128xi32, #tpu.memory_space<vmem>> -> memref<128xi32, #tpu.memory_space<vmem>>
        %dma_start3A_329 = arith.constant 0 : i32
        %dma_start3A_330 = arith.constant 0 : i32
        %dma_start3A_331 = tpu.memref_slice %arg2[%dma_start3A_329, %dma_start3A_330] : memref<10000x128xf32, #tpu.memory_space<hbm>> -> memref<10000x128xf32, #tpu.memory_space<hbm>>
        tpu.enqueue_indirect_dma source(%dma_start3A_331 : memref<10000x128xf32, #tpu.memory_space<hbm>>) target(%dma_start3A_325 : memref<128x128xf32, #tpu.memory_space<vmem>>) offsets(%dma_start3A_328 : memref<128xi32, #tpu.memory_space<vmem>>) semaphore(%arg11 : memref<!tpu.dma_semaphore, #tpu.memory_space<semaphore_mem>>)
      } else {
      }
    }
    %scan3A_35 = arith.constant 10 : i32
    %barrier3A_36 = arith.constant 0 : index
    tpu.barrier barrier_id(%barrier3A_36)
    %add3A_37 = arith.constant 0 : i32
    %add3A_38 = arith.addi %mul3A_2, %add3A_37 : i32
    %run_scoped3A_39 = arith.constant 0 : i32
    "tpu.region"() ({
      %run_scoped3A_67 = tpu.sem_alloc : memref<!tpu.dma_semaphore, #tpu.memory_space<semaphore_mem>>
      %dma_start3A_68 = arith.constant 0 : i32
      %dma_start3A_69 = arith.constant 0 : i32
      %dma_start3A_70 = tpu.memref_slice %arg9[%run_scoped3A_39, %dma_start3A_68, %dma_start3A_69] : memref<2x128x128xf32, #tpu.memory_space<vmem>> -> memref<1x128x128xf32, #tpu.memory_space<vmem>>
      %dma_start3A_71 = tpu.memref_squeeze %dma_start3A_70 : memref<1x128x128xf32, #tpu.memory_space<vmem>> -> memref<128x128xf32, #tpu.memory_space<vmem>>
      %dma_start3A_72 = arith.constant 0 : i32
      %dma_start3A_73 = tpu.memref_slice %arg10[%add3A_38, %dma_start3A_72] : memref<10112x128xf32, #tpu.memory_space<vmem_shared>> -> memref<128x128xf32, #tpu.memory_space<vmem_shared>>
      %dma_start3A_74 = arith.constant 0 : i32
      %dma_start3A_75 = arith.constant 0 : i32
      %dma_start3A_76 = tpu.memref_slice %arg9[%run_scoped3A_39, %dma_start3A_74, %dma_start3A_75] : memref<2x128x128xf32, #tpu.memory_space<vmem>> -> memref<1x128x128xf32, #tpu.memory_space<vmem>>
      %dma_start3A_77 = tpu.memref_squeeze %dma_start3A_76 : memref<1x128x128xf32, #tpu.memory_space<vmem>> -> memref<128x128xf32, #tpu.memory_space<vmem>>
      %dma_start3A_78 = arith.constant 0 : i32
      %dma_start3A_79 = tpu.memref_slice %arg10[%add3A_38, %dma_start3A_78] : memref<10112x128xf32, #tpu.memory_space<vmem_shared>> -> memref<128x128xf32, #tpu.memory_space<vmem_shared>>
      tpu.enqueue_dma source(%dma_start3A_79 : memref<128x128xf32, #tpu.memory_space<vmem_shared>>) target(%dma_start3A_77 : memref<128x128xf32, #tpu.memory_space<vmem>>) target_semaphore(%run_scoped3A_67 : memref<!tpu.dma_semaphore, #tpu.memory_space<semaphore_mem>>)
      %dma_wait3A = arith.constant 0 : i32
      %dma_wait3A_80 = arith.constant 0 : i32
      %dma_wait3A_81 = tpu.memref_slice %arg9[%run_scoped3A_39, %dma_wait3A, %dma_wait3A_80] : memref<2x128x128xf32, #tpu.memory_space<vmem>> -> memref<1x128x128xf32, #tpu.memory_space<vmem>>
      %dma_wait3A_82 = tpu.memref_squeeze %dma_wait3A_81 : memref<1x128x128xf32, #tpu.memory_space<vmem>> -> memref<128x128xf32, #tpu.memory_space<vmem>>
      %dma_wait3A_83 = arith.constant 0 : i32
      %dma_wait3A_84 = tpu.memref_slice %arg10[%add3A_38, %dma_wait3A_83] : memref<10112x128xf32, #tpu.memory_space<vmem_shared>> -> memref<128x128xf32, #tpu.memory_space<vmem_shared>>
      %dma_wait3A_85 = arith.constant 0 : i32
      %dma_wait3A_86 = arith.constant 0 : i32
      %dma_wait3A_87 = tpu.memref_slice %arg9[%run_scoped3A_39, %dma_wait3A_85, %dma_wait3A_86] : memref<2x128x128xf32, #tpu.memory_space<vmem>> -> memref<1x128x128xf32, #tpu.memory_space<vmem>>
      %dma_wait3A_88 = tpu.memref_squeeze %dma_wait3A_87 : memref<1x128x128xf32, #tpu.memory_space<vmem>> -> memref<128x128xf32, #tpu.memory_space<vmem>>
      %dma_wait3A_89 = arith.constant 0 : i32
      %dma_wait3A_90 = tpu.memref_slice %arg10[%add3A_38, %dma_wait3A_89] : memref<10112x128xf32, #tpu.memory_space<vmem_shared>> -> memref<128x128xf32, #tpu.memory_space<vmem_shared>>
      tpu.wait_dma2 semaphore(%run_scoped3A_67 : memref<!tpu.dma_semaphore, #tpu.memory_space<semaphore_mem>>) src(%dma_wait3A_90 : memref<128x128xf32, #tpu.memory_space<vmem_shared>>) dst(%dma_wait3A_88 : memref<128x128xf32, #tpu.memory_space<vmem>>)
      tpu.yield
    }) : () -> ()
    %add3A_40 = arith.constant 0 : i32
    %add3A_41 = arith.addi %mul3A_2, %add3A_40 : i32
    %run_scoped3A_42 = arith.constant 0 : i32
    "tpu.region"() ({
      %run_scoped3A_67 = tpu.sem_alloc : memref<!tpu.dma_semaphore, #tpu.memory_space<semaphore_mem>>
      %dma_start3A_68 = arith.constant 0 : i32
      %dma_start3A_69 = arith.constant 0 : i32
      %dma_start3A_70 = tpu.memref_slice %arg9[%run_scoped3A_42, %dma_start3A_68, %dma_start3A_69] : memref<2x128x128xf32, #tpu.memory_space<vmem>> -> memref<1x128x128xf32, #tpu.memory_space<vmem>>
      %dma_start3A_71 = tpu.memref_squeeze %dma_start3A_70 : memref<1x128x128xf32, #tpu.memory_space<vmem>> -> memref<128x128xf32, #tpu.memory_space<vmem>>
      %dma_start3A_72 = arith.constant 0 : i32
      %dma_start3A_73 = tpu.memref_slice %arg6[%arg0, %add3A_41, %dma_start3A_72] : memref<2x10112x128xf32, #tpu.memory_space<hbm>> -> memref<1x128x128xf32, #tpu.memory_space<hbm>>
      %dma_start3A_74 = tpu.memref_squeeze %dma_start3A_73 : memref<1x128x128xf32, #tpu.memory_space<hbm>> -> memref<128x128xf32, #tpu.memory_space<hbm>>
      %dma_start3A_75 = arith.constant 0 : i32
      %dma_start3A_76 = tpu.memref_slice %arg6[%arg0, %add3A_41, %dma_start3A_75] : memref<2x10112x128xf32, #tpu.memory_space<hbm>> -> memref<1x128x128xf32, #tpu.memory_space<hbm>>
      %dma_start3A_77 = tpu.memref_squeeze %dma_start3A_76 : memref<1x128x128xf32, #tpu.memory_space<hbm>> -> memref<128x128xf32, #tpu.memory_space<hbm>>
      %dma_start3A_78 = arith.constant 0 : i32
      %dma_start3A_79 = arith.constant 0 : i32
      %dma_start3A_80 = tpu.memref_slice %arg9[%run_scoped3A_42, %dma_start3A_78, %dma_start3A_79] : memref<2x128x128xf32, #tpu.memory_space<vmem>> -> memref<1x128x128xf32, #tpu.memory_space<vmem>>
      %dma_start3A_81 = tpu.memref_squeeze %dma_start3A_80 : memref<1x128x128xf32, #tpu.memory_space<vmem>> -> memref<128x128xf32, #tpu.memory_space<vmem>>
      tpu.enqueue_dma source(%dma_start3A_81 : memref<128x128xf32, #tpu.memory_space<vmem>>) target(%dma_start3A_77 : memref<128x128xf32, #tpu.memory_space<hbm>>) target_semaphore(%run_scoped3A_67 : memref<!tpu.dma_semaphore, #tpu.memory_space<semaphore_mem>>)
      %dma_wait3A = arith.constant 0 : i32
      %dma_wait3A_82 = arith.constant 0 : i32
      %dma_wait3A_83 = tpu.memref_slice %arg9[%run_scoped3A_42, %dma_wait3A, %dma_wait3A_82] : memref<2x128x128xf32, #tpu.memory_space<vmem>> -> memref<1x128x128xf32, #tpu.memory_space<vmem>>
      %dma_wait3A_84 = tpu.memref_squeeze %dma_wait3A_83 : memref<1x128x128xf32, #tpu.memory_space<vmem>> -> memref<128x128xf32, #tpu.memory_space<vmem>>
      %dma_wait3A_85 = arith.constant 0 : i32
      %dma_wait3A_86 = tpu.memref_slice %arg6[%arg0, %add3A_41, %dma_wait3A_85] : memref<2x10112x128xf32, #tpu.memory_space<hbm>> -> memref<1x128x128xf32, #tpu.memory_space<hbm>>
      %dma_wait3A_87 = tpu.memref_squeeze %dma_wait3A_86 : memref<1x128x128xf32, #tpu.memory_space<hbm>> -> memref<128x128xf32, #tpu.memory_space<hbm>>
      %dma_wait3A_88 = arith.constant 0 : i32
      %dma_wait3A_89 = tpu.memref_slice %arg6[%arg0, %add3A_41, %dma_wait3A_88] : memref<2x10112x128xf32, #tpu.memory_space<hbm>> -> memref<1x128x128xf32, #tpu.memory_space<hbm>>
      %dma_wait3A_90 = tpu.memref_squeeze %dma_wait3A_89 : memref<1x128x128xf32, #tpu.memory_space<hbm>> -> memref<128x128xf32, #tpu.memory_space<hbm>>
      %dma_wait3A_91 = arith.constant 0 : i32
      %dma_wait3A_92 = arith.constant 0 : i32
      %dma_wait3A_93 = tpu.memref_slice %arg9[%run_scoped3A_42, %dma_wait3A_91, %dma_wait3A_92] : memref<2x128x128xf32, #tpu.memory_space<vmem>> -> memref<1x128x128xf32, #tpu.memory_space<vmem>>
      %dma_wait3A_94 = tpu.memref_squeeze %dma_wait3A_93 : memref<1x128x128xf32, #tpu.memory_space<vmem>> -> memref<128x128xf32, #tpu.memory_space<vmem>>
      tpu.wait_dma2 semaphore(%run_scoped3A_67 : memref<!tpu.dma_semaphore, #tpu.memory_space<semaphore_mem>>) src(%dma_wait3A_94 : memref<128x128xf32, #tpu.memory_space<vmem>>) dst(%dma_wait3A_90 : memref<128x128xf32, #tpu.memory_space<hbm>>)
      tpu.yield
    }) : () -> ()
    %add3A_43 = arith.constant 128 : i32
    %add3A_44 = arith.addi %mul3A_2, %add3A_43 : i32
    %run_scoped3A_45 = arith.constant 1 : i32
    "tpu.region"() ({
      %run_scoped3A_67 = tpu.sem_alloc : memref<!tpu.dma_semaphore, #tpu.memory_space<semaphore_mem>>
      %dma_start3A_68 = arith.constant 0 : i32
      %dma_start3A_69 = arith.constant 0 : i32
      %dma_start3A_70 = tpu.memref_slice %arg9[%run_scoped3A_45, %dma_start3A_68, %dma_start3A_69] : memref<2x128x128xf32, #tpu.memory_space<vmem>> -> memref<1x128x128xf32, #tpu.memory_space<vmem>>
      %dma_start3A_71 = tpu.memref_squeeze %dma_start3A_70 : memref<1x128x128xf32, #tpu.memory_space<vmem>> -> memref<128x128xf32, #tpu.memory_space<vmem>>
      %dma_start3A_72 = arith.constant 0 : i32
      %dma_start3A_73 = tpu.memref_slice %arg10[%add3A_44, %dma_start3A_72] : memref<10112x128xf32, #tpu.memory_space<vmem_shared>> -> memref<128x128xf32, #tpu.memory_space<vmem_shared>>
      %dma_start3A_74 = arith.constant 0 : i32
      %dma_start3A_75 = arith.constant 0 : i32
      %dma_start3A_76 = tpu.memref_slice %arg9[%run_scoped3A_45, %dma_start3A_74, %dma_start3A_75] : memref<2x128x128xf32, #tpu.memory_space<vmem>> -> memref<1x128x128xf32, #tpu.memory_space<vmem>>
      %dma_start3A_77 = tpu.memref_squeeze %dma_start3A_76 : memref<1x128x128xf32, #tpu.memory_space<vmem>> -> memref<128x128xf32, #tpu.memory_space<vmem>>
      %dma_start3A_78 = arith.constant 0 : i32
      %dma_start3A_79 = tpu.memref_slice %arg10[%add3A_44, %dma_start3A_78] : memref<10112x128xf32, #tpu.memory_space<vmem_shared>> -> memref<128x128xf32, #tpu.memory_space<vmem_shared>>
      tpu.enqueue_dma source(%dma_start3A_79 : memref<128x128xf32, #tpu.memory_space<vmem_shared>>) target(%dma_start3A_77 : memref<128x128xf32, #tpu.memory_space<vmem>>) target_semaphore(%run_scoped3A_67 : memref<!tpu.dma_semaphore, #tpu.memory_space<semaphore_mem>>)
      %dma_wait3A = arith.constant 0 : i32
      %dma_wait3A_80 = arith.constant 0 : i32
      %dma_wait3A_81 = tpu.memref_slice %arg9[%run_scoped3A_45, %dma_wait3A, %dma_wait3A_80] : memref<2x128x128xf32, #tpu.memory_space<vmem>> -> memref<1x128x128xf32, #tpu.memory_space<vmem>>
      %dma_wait3A_82 = tpu.memref_squeeze %dma_wait3A_81 : memref<1x128x128xf32, #tpu.memory_space<vmem>> -> memref<128x128xf32, #tpu.memory_space<vmem>>
      %dma_wait3A_83 = arith.constant 0 : i32
      %dma_wait3A_84 = tpu.memref_slice %arg10[%add3A_44, %dma_wait3A_83] : memref<10112x128xf32, #tpu.memory_space<vmem_shared>> -> memref<128x128xf32, #tpu.memory_space<vmem_shared>>
      %dma_wait3A_85 = arith.constant 0 : i32
      %dma_wait3A_86 = arith.constant 0 : i32
      %dma_wait3A_87 = tpu.memref_slice %arg9[%run_scoped3A_45, %dma_wait3A_85, %dma_wait3A_86] : memref<2x128x128xf32, #tpu.memory_space<vmem>> -> memref<1x128x128xf32, #tpu.memory_space<vmem>>
      %dma_wait3A_88 = tpu.memref_squeeze %dma_wait3A_87 : memref<1x128x128xf32, #tpu.memory_space<vmem>> -> memref<128x128xf32, #tpu.memory_space<vmem>>
      %dma_wait3A_89 = arith.constant 0 : i32
      %dma_wait3A_90 = tpu.memref_slice %arg10[%add3A_44, %dma_wait3A_89] : memref<10112x128xf32, #tpu.memory_space<vmem_shared>> -> memref<128x128xf32, #tpu.memory_space<vmem_shared>>
      tpu.wait_dma2 semaphore(%run_scoped3A_67 : memref<!tpu.dma_semaphore, #tpu.memory_space<semaphore_mem>>) src(%dma_wait3A_90 : memref<128x128xf32, #tpu.memory_space<vmem_shared>>) dst(%dma_wait3A_88 : memref<128x128xf32, #tpu.memory_space<vmem>>)
      tpu.yield
    }) : () -> ()
    %add3A_46 = arith.constant 128 : i32
    %add3A_47 = arith.addi %mul3A_2, %add3A_46 : i32
    %run_scoped3A_48 = arith.constant 1 : i32
    "tpu.region"() ({
      %run_scoped3A_67 = tpu.sem_alloc : memref<!tpu.dma_semaphore, #tpu.memory_space<semaphore_mem>>
      %dma_start3A_68 = arith.constant 0 : i32
      %dma_start3A_69 = arith.constant 0 : i32
      %dma_start3A_70 = tpu.memref_slice %arg9[%run_scoped3A_48, %dma_start3A_68, %dma_start3A_69] : memref<2x128x128xf32, #tpu.memory_space<vmem>> -> memref<1x128x128xf32, #tpu.memory_space<vmem>>
      %dma_start3A_71 = tpu.memref_squeeze %dma_start3A_70 : memref<1x128x128xf32, #tpu.memory_space<vmem>> -> memref<128x128xf32, #tpu.memory_space<vmem>>
      %dma_start3A_72 = arith.constant 0 : i32
      %dma_start3A_73 = tpu.memref_slice %arg6[%arg0, %add3A_47, %dma_start3A_72] : memref<2x10112x128xf32, #tpu.memory_space<hbm>> -> memref<1x128x128xf32, #tpu.memory_space<hbm>>
      %dma_start3A_74 = tpu.memref_squeeze %dma_start3A_73 : memref<1x128x128xf32, #tpu.memory_space<hbm>> -> memref<128x128xf32, #tpu.memory_space<hbm>>
      %dma_start3A_75 = arith.constant 0 : i32
      %dma_start3A_76 = tpu.memref_slice %arg6[%arg0, %add3A_47, %dma_start3A_75] : memref<2x10112x128xf32, #tpu.memory_space<hbm>> -> memref<1x128x128xf32, #tpu.memory_space<hbm>>
      %dma_start3A_77 = tpu.memref_squeeze %dma_start3A_76 : memref<1x128x128xf32, #tpu.memory_space<hbm>> -> memref<128x128xf32, #tpu.memory_space<hbm>>
      %dma_start3A_78 = arith.constant 0 : i32
      %dma_start3A_79 = arith.constant 0 : i32
      %dma_start3A_80 = tpu.memref_slice %arg9[%run_scoped3A_48, %dma_start3A_78, %dma_start3A_79] : memref<2x128x128xf32, #tpu.memory_space<vmem>> -> memref<1x128x128xf32, #tpu.memory_space<vmem>>
      %dma_start3A_81 = tpu.memref_squeeze %dma_start3A_80 : memref<1x128x128xf32, #tpu.memory_space<vmem>> -> memref<128x128xf32, #tpu.memory_space<vmem>>
      tpu.enqueue_dma source(%dma_start3A_81 : memref<128x128xf32, #tpu.memory_space<vmem>>) target(%dma_start3A_77 : memref<128x128xf32, #tpu.memory_space<hbm>>) target_semaphore(%run_scoped3A_67 : memref<!tpu.dma_semaphore, #tpu.memory_space<semaphore_mem>>)
      %dma_wait3A = arith.constant 0 : i32
      %dma_wait3A_82 = arith.constant 0 : i32
      %dma_wait3A_83 = tpu.memref_slice %arg9[%run_scoped3A_48, %dma_wait3A, %dma_wait3A_82] : memref<2x128x128xf32, #tpu.memory_space<vmem>> -> memref<1x128x128xf32, #tpu.memory_space<vmem>>
      %dma_wait3A_84 = tpu.memref_squeeze %dma_wait3A_83 : memref<1x128x128xf32, #tpu.memory_space<vmem>> -> memref<128x128xf32, #tpu.memory_space<vmem>>
      %dma_wait3A_85 = arith.constant 0 : i32
      %dma_wait3A_86 = tpu.memref_slice %arg6[%arg0, %add3A_47, %dma_wait3A_85] : memref<2x10112x128xf32, #tpu.memory_space<hbm>> -> memref<1x128x128xf32, #tpu.memory_space<hbm>>
      %dma_wait3A_87 = tpu.memref_squeeze %dma_wait3A_86 : memref<1x128x128xf32, #tpu.memory_space<hbm>> -> memref<128x128xf32, #tpu.memory_space<hbm>>
      %dma_wait3A_88 = arith.constant 0 : i32
      %dma_wait3A_89 = tpu.memref_slice %arg6[%arg0, %add3A_47, %dma_wait3A_88] : memref<2x10112x128xf32, #tpu.memory_space<hbm>> -> memref<1x128x128xf32, #tpu.memory_space<hbm>>
      %dma_wait3A_90 = tpu.memref_squeeze %dma_wait3A_89 : memref<1x128x128xf32, #tpu.memory_space<hbm>> -> memref<128x128xf32, #tpu.memory_space<hbm>>
      %dma_wait3A_91 = arith.constant 0 : i32
      %dma_wait3A_92 = arith.constant 0 : i32
      %dma_wait3A_93 = tpu.memref_slice %arg9[%run_scoped3A_48, %dma_wait3A_91, %dma_wait3A_92] : memref<2x128x128xf32, #tpu.memory_space<vmem>> -> memref<1x128x128xf32, #tpu.memory_space<vmem>>
      %dma_wait3A_94 = tpu.memref_squeeze %dma_wait3A_93 : memref<1x128x128xf32, #tpu.memory_space<vmem>> -> memref<128x128xf32, #tpu.memory_space<vmem>>
      tpu.wait_dma2 semaphore(%run_scoped3A_67 : memref<!tpu.dma_semaphore, #tpu.memory_space<semaphore_mem>>) src(%dma_wait3A_94 : memref<128x128xf32, #tpu.memory_space<vmem>>) dst(%dma_wait3A_90 : memref<128x128xf32, #tpu.memory_space<hbm>>)
      tpu.yield
    }) : () -> ()
    %add3A_49 = arith.constant 256 : i32
    %add3A_50 = arith.addi %mul3A_2, %add3A_49 : i32
    %run_scoped3A_51 = arith.constant 0 : i32
    "tpu.region"() ({
      %run_scoped3A_67 = tpu.sem_alloc : memref<!tpu.dma_semaphore, #tpu.memory_space<semaphore_mem>>
      %dma_start3A_68 = arith.constant 0 : i32
      %dma_start3A_69 = arith.constant 0 : i32
      %dma_start3A_70 = tpu.memref_slice %arg9[%run_scoped3A_51, %dma_start3A_68, %dma_start3A_69] : memref<2x128x128xf32, #tpu.memory_space<vmem>> -> memref<1x128x128xf32, #tpu.memory_space<vmem>>
      %dma_start3A_71 = tpu.memref_squeeze %dma_start3A_70 : memref<1x128x128xf32, #tpu.memory_space<vmem>> -> memref<128x128xf32, #tpu.memory_space<vmem>>
      %dma_start3A_72 = arith.constant 0 : i32
      %dma_start3A_73 = tpu.memref_slice %arg10[%add3A_50, %dma_start3A_72] : memref<10112x128xf32, #tpu.memory_space<vmem_shared>> -> memref<128x128xf32, #tpu.memory_space<vmem_shared>>
      %dma_start3A_74 = arith.constant 0 : i32
      %dma_start3A_75 = arith.constant 0 : i32
      %dma_start3A_76 = tpu.memref_slice %arg9[%run_scoped3A_51, %dma_start3A_74, %dma_start3A_75] : memref<2x128x128xf32, #tpu.memory_space<vmem>> -> memref<1x128x128xf32, #tpu.memory_space<vmem>>
      %dma_start3A_77 = tpu.memref_squeeze %dma_start3A_76 : memref<1x128x128xf32, #tpu.memory_space<vmem>> -> memref<128x128xf32, #tpu.memory_space<vmem>>
      %dma_start3A_78 = arith.constant 0 : i32
      %dma_start3A_79 = tpu.memref_slice %arg10[%add3A_50, %dma_start3A_78] : memref<10112x128xf32, #tpu.memory_space<vmem_shared>> -> memref<128x128xf32, #tpu.memory_space<vmem_shared>>
      tpu.enqueue_dma source(%dma_start3A_79 : memref<128x128xf32, #tpu.memory_space<vmem_shared>>) target(%dma_start3A_77 : memref<128x128xf32, #tpu.memory_space<vmem>>) target_semaphore(%run_scoped3A_67 : memref<!tpu.dma_semaphore, #tpu.memory_space<semaphore_mem>>)
      %dma_wait3A = arith.constant 0 : i32
      %dma_wait3A_80 = arith.constant 0 : i32
      %dma_wait3A_81 = tpu.memref_slice %arg9[%run_scoped3A_51, %dma_wait3A, %dma_wait3A_80] : memref<2x128x128xf32, #tpu.memory_space<vmem>> -> memref<1x128x128xf32, #tpu.memory_space<vmem>>
      %dma_wait3A_82 = tpu.memref_squeeze %dma_wait3A_81 : memref<1x128x128xf32, #tpu.memory_space<vmem>> -> memref<128x128xf32, #tpu.memory_space<vmem>>
      %dma_wait3A_83 = arith.constant 0 : i32
      %dma_wait3A_84 = tpu.memref_slice %arg10[%add3A_50, %dma_wait3A_83] : memref<10112x128xf32, #tpu.memory_space<vmem_shared>> -> memref<128x128xf32, #tpu.memory_space<vmem_shared>>
      %dma_wait3A_85 = arith.constant 0 : i32
      %dma_wait3A_86 = arith.constant 0 : i32
      %dma_wait3A_87 = tpu.memref_slice %arg9[%run_scoped3A_51, %dma_wait3A_85, %dma_wait3A_86] : memref<2x128x128xf32, #tpu.memory_space<vmem>> -> memref<1x128x128xf32, #tpu.memory_space<vmem>>
      %dma_wait3A_88 = tpu.memref_squeeze %dma_wait3A_87 : memref<1x128x128xf32, #tpu.memory_space<vmem>> -> memref<128x128xf32, #tpu.memory_space<vmem>>
      %dma_wait3A_89 = arith.constant 0 : i32
      %dma_wait3A_90 = tpu.memref_slice %arg10[%add3A_50, %dma_wait3A_89] : memref<10112x128xf32, #tpu.memory_space<vmem_shared>> -> memref<128x128xf32, #tpu.memory_space<vmem_shared>>
      tpu.wait_dma2 semaphore(%run_scoped3A_67 : memref<!tpu.dma_semaphore, #tpu.memory_space<semaphore_mem>>) src(%dma_wait3A_90 : memref<128x128xf32, #tpu.memory_space<vmem_shared>>) dst(%dma_wait3A_88 : memref<128x128xf32, #tpu.memory_space<vmem>>)
      tpu.yield
    }) : () -> ()
    %add3A_52 = arith.constant 256 : i32
    %add3A_53 = arith.addi %mul3A_2, %add3A_52 : i32
    %run_scoped3A_54 = arith.constant 0 : i32
    "tpu.region"() ({
      %run_scoped3A_67 = tpu.sem_alloc : memref<!tpu.dma_semaphore, #tpu.memory_space<semaphore_mem>>
      %dma_start3A_68 = arith.constant 0 : i32
      %dma_start3A_69 = arith.constant 0 : i32
      %dma_start3A_70 = tpu.memref_slice %arg9[%run_scoped3A_54, %dma_start3A_68, %dma_start3A_69] : memref<2x128x128xf32, #tpu.memory_space<vmem>> -> memref<1x128x128xf32, #tpu.memory_space<vmem>>
      %dma_start3A_71 = tpu.memref_squeeze %dma_start3A_70 : memref<1x128x128xf32, #tpu.memory_space<vmem>> -> memref<128x128xf32, #tpu.memory_space<vmem>>
      %dma_start3A_72 = arith.constant 0 : i32
      %dma_start3A_73 = tpu.memref_slice %arg6[%arg0, %add3A_53, %dma_start3A_72] : memref<2x10112x128xf32, #tpu.memory_space<hbm>> -> memref<1x128x128xf32, #tpu.memory_space<hbm>>
      %dma_start3A_74 = tpu.memref_squeeze %dma_start3A_73 : memref<1x128x128xf32, #tpu.memory_space<hbm>> -> memref<128x128xf32, #tpu.memory_space<hbm>>
      %dma_start3A_75 = arith.constant 0 : i32
      %dma_start3A_76 = tpu.memref_slice %arg6[%arg0, %add3A_53, %dma_start3A_75] : memref<2x10112x128xf32, #tpu.memory_space<hbm>> -> memref<1x128x128xf32, #tpu.memory_space<hbm>>
      %dma_start3A_77 = tpu.memref_squeeze %dma_start3A_76 : memref<1x128x128xf32, #tpu.memory_space<hbm>> -> memref<128x128xf32, #tpu.memory_space<hbm>>
      %dma_start3A_78 = arith.constant 0 : i32
      %dma_start3A_79 = arith.constant 0 : i32
      %dma_start3A_80 = tpu.memref_slice %arg9[%run_scoped3A_54, %dma_start3A_78, %dma_start3A_79] : memref<2x128x128xf32, #tpu.memory_space<vmem>> -> memref<1x128x128xf32, #tpu.memory_space<vmem>>
      %dma_start3A_81 = tpu.memref_squeeze %dma_start3A_80 : memref<1x128x128xf32, #tpu.memory_space<vmem>> -> memref<128x128xf32, #tpu.memory_space<vmem>>
      tpu.enqueue_dma source(%dma_start3A_81 : memref<128x128xf32, #tpu.memory_space<vmem>>) target(%dma_start3A_77 : memref<128x128xf32, #tpu.memory_space<hbm>>) target_semaphore(%run_scoped3A_67 : memref<!tpu.dma_semaphore, #tpu.memory_space<semaphore_mem>>)
      %dma_wait3A = arith.constant 0 : i32
      %dma_wait3A_82 = arith.constant 0 : i32
      %dma_wait3A_83 = tpu.memref_slice %arg9[%run_scoped3A_54, %dma_wait3A, %dma_wait3A_82] : memref<2x128x128xf32, #tpu.memory_space<vmem>> -> memref<1x128x128xf32, #tpu.memory_space<vmem>>
      %dma_wait3A_84 = tpu.memref_squeeze %dma_wait3A_83 : memref<1x128x128xf32, #tpu.memory_space<vmem>> -> memref<128x128xf32, #tpu.memory_space<vmem>>
      %dma_wait3A_85 = arith.constant 0 : i32
      %dma_wait3A_86 = tpu.memref_slice %arg6[%arg0, %add3A_53, %dma_wait3A_85] : memref<2x10112x128xf32, #tpu.memory_space<hbm>> -> memref<1x128x128xf32, #tpu.memory_space<hbm>>
      %dma_wait3A_87 = tpu.memref_squeeze %dma_wait3A_86 : memref<1x128x128xf32, #tpu.memory_space<hbm>> -> memref<128x128xf32, #tpu.memory_space<hbm>>
      %dma_wait3A_88 = arith.constant 0 : i32
      %dma_wait3A_89 = tpu.memref_slice %arg6[%arg0, %add3A_53, %dma_wait3A_88] : memref<2x10112x128xf32, #tpu.memory_space<hbm>> -> memref<1x128x128xf32, #tpu.memory_space<hbm>>
      %dma_wait3A_90 = tpu.memref_squeeze %dma_wait3A_89 : memref<1x128x128xf32, #tpu.memory_space<hbm>> -> memref<128x128xf32, #tpu.memory_space<hbm>>
      %dma_wait3A_91 = arith.constant 0 : i32
      %dma_wait3A_92 = arith.constant 0 : i32
      %dma_wait3A_93 = tpu.memref_slice %arg9[%run_scoped3A_54, %dma_wait3A_91, %dma_wait3A_92] : memref<2x128x128xf32, #tpu.memory_space<vmem>> -> memref<1x128x128xf32, #tpu.memory_space<vmem>>
      %dma_wait3A_94 = tpu.memref_squeeze %dma_wait3A_93 : memref<1x128x128xf32, #tpu.memory_space<vmem>> -> memref<128x128xf32, #tpu.memory_space<vmem>>
      tpu.wait_dma2 semaphore(%run_scoped3A_67 : memref<!tpu.dma_semaphore, #tpu.memory_space<semaphore_mem>>) src(%dma_wait3A_94 : memref<128x128xf32, #tpu.memory_space<vmem>>) dst(%dma_wait3A_90 : memref<128x128xf32, #tpu.memory_space<hbm>>)
      tpu.yield
    }) : () -> ()
    %add3A_55 = arith.constant 384 : i32
    %add3A_56 = arith.addi %mul3A_2, %add3A_55 : i32
    %run_scoped3A_57 = arith.constant 1 : i32
    "tpu.region"() ({
      %run_scoped3A_67 = tpu.sem_alloc : memref<!tpu.dma_semaphore, #tpu.memory_space<semaphore_mem>>
      %dma_start3A_68 = arith.constant 0 : i32
      %dma_start3A_69 = arith.constant 0 : i32
      %dma_start3A_70 = tpu.memref_slice %arg9[%run_scoped3A_57, %dma_start3A_68, %dma_start3A_69] : memref<2x128x128xf32, #tpu.memory_space<vmem>> -> memref<1x128x128xf32, #tpu.memory_space<vmem>>
      %dma_start3A_71 = tpu.memref_squeeze %dma_start3A_70 : memref<1x128x128xf32, #tpu.memory_space<vmem>> -> memref<128x128xf32, #tpu.memory_space<vmem>>
      %dma_start3A_72 = arith.constant 0 : i32
      %dma_start3A_73 = tpu.memref_slice %arg10[%add3A_56, %dma_start3A_72] : memref<10112x128xf32, #tpu.memory_space<vmem_shared>> -> memref<128x128xf32, #tpu.memory_space<vmem_shared>>
      %dma_start3A_74 = arith.constant 0 : i32
      %dma_start3A_75 = arith.constant 0 : i32
      %dma_start3A_76 = tpu.memref_slice %arg9[%run_scoped3A_57, %dma_start3A_74, %dma_start3A_75] : memref<2x128x128xf32, #tpu.memory_space<vmem>> -> memref<1x128x128xf32, #tpu.memory_space<vmem>>
      %dma_start3A_77 = tpu.memref_squeeze %dma_start3A_76 : memref<1x128x128xf32, #tpu.memory_space<vmem>> -> memref<128x128xf32, #tpu.memory_space<vmem>>
      %dma_start3A_78 = arith.constant 0 : i32
      %dma_start3A_79 = tpu.memref_slice %arg10[%add3A_56, %dma_start3A_78] : memref<10112x128xf32, #tpu.memory_space<vmem_shared>> -> memref<128x128xf32, #tpu.memory_space<vmem_shared>>
      tpu.enqueue_dma source(%dma_start3A_79 : memref<128x128xf32, #tpu.memory_space<vmem_shared>>) target(%dma_start3A_77 : memref<128x128xf32, #tpu.memory_space<vmem>>) target_semaphore(%run_scoped3A_67 : memref<!tpu.dma_semaphore, #tpu.memory_space<semaphore_mem>>)
      %dma_wait3A = arith.constant 0 : i32
      %dma_wait3A_80 = arith.constant 0 : i32
      %dma_wait3A_81 = tpu.memref_slice %arg9[%run_scoped3A_57, %dma_wait3A, %dma_wait3A_80] : memref<2x128x128xf32, #tpu.memory_space<vmem>> -> memref<1x128x128xf32, #tpu.memory_space<vmem>>
      %dma_wait3A_82 = tpu.memref_squeeze %dma_wait3A_81 : memref<1x128x128xf32, #tpu.memory_space<vmem>> -> memref<128x128xf32, #tpu.memory_space<vmem>>
      %dma_wait3A_83 = arith.constant 0 : i32
      %dma_wait3A_84 = tpu.memref_slice %arg10[%add3A_56, %dma_wait3A_83] : memref<10112x128xf32, #tpu.memory_space<vmem_shared>> -> memref<128x128xf32, #tpu.memory_space<vmem_shared>>
      %dma_wait3A_85 = arith.constant 0 : i32
      %dma_wait3A_86 = arith.constant 0 : i32
      %dma_wait3A_87 = tpu.memref_slice %arg9[%run_scoped3A_57, %dma_wait3A_85, %dma_wait3A_86] : memref<2x128x128xf32, #tpu.memory_space<vmem>> -> memref<1x128x128xf32, #tpu.memory_space<vmem>>
      %dma_wait3A_88 = tpu.memref_squeeze %dma_wait3A_87 : memref<1x128x128xf32, #tpu.memory_space<vmem>> -> memref<128x128xf32, #tpu.memory_space<vmem>>
      %dma_wait3A_89 = arith.constant 0 : i32
      %dma_wait3A_90 = tpu.memref_slice %arg10[%add3A_56, %dma_wait3A_89] : memref<10112x128xf32, #tpu.memory_space<vmem_shared>> -> memref<128x128xf32, #tpu.memory_space<vmem_shared>>
      tpu.wait_dma2 semaphore(%run_scoped3A_67 : memref<!tpu.dma_semaphore, #tpu.memory_space<semaphore_mem>>) src(%dma_wait3A_90 : memref<128x128xf32, #tpu.memory_space<vmem_shared>>) dst(%dma_wait3A_88 : memref<128x128xf32, #tpu.memory_space<vmem>>)
      tpu.yield
    }) : () -> ()
    %add3A_58 = arith.constant 384 : i32
    %add3A_59 = arith.addi %mul3A_2, %add3A_58 : i32
    %run_scoped3A_60 = arith.constant 1 : i32
    "tpu.region"() ({
      %run_scoped3A_67 = tpu.sem_alloc : memref<!tpu.dma_semaphore, #tpu.memory_space<semaphore_mem>>
      %dma_start3A_68 = arith.constant 0 : i32
      %dma_start3A_69 = arith.constant 0 : i32
      %dma_start3A_70 = tpu.memref_slice %arg9[%run_scoped3A_60, %dma_start3A_68, %dma_start3A_69] : memref<2x128x128xf32, #tpu.memory_space<vmem>> -> memref<1x128x128xf32, #tpu.memory_space<vmem>>
      %dma_start3A_71 = tpu.memref_squeeze %dma_start3A_70 : memref<1x128x128xf32, #tpu.memory_space<vmem>> -> memref<128x128xf32, #tpu.memory_space<vmem>>
      %dma_start3A_72 = arith.constant 0 : i32
      %dma_start3A_73 = tpu.memref_slice %arg6[%arg0, %add3A_59, %dma_start3A_72] : memref<2x10112x128xf32, #tpu.memory_space<hbm>> -> memref<1x128x128xf32, #tpu.memory_space<hbm>>
      %dma_start3A_74 = tpu.memref_squeeze %dma_start3A_73 : memref<1x128x128xf32, #tpu.memory_space<hbm>> -> memref<128x128xf32, #tpu.memory_space<hbm>>
      %dma_start3A_75 = arith.constant 0 : i32
      %dma_start3A_76 = tpu.memref_slice %arg6[%arg0, %add3A_59, %dma_start3A_75] : memref<2x10112x128xf32, #tpu.memory_space<hbm>> -> memref<1x128x128xf32, #tpu.memory_space<hbm>>
      %dma_start3A_77 = tpu.memref_squeeze %dma_start3A_76 : memref<1x128x128xf32, #tpu.memory_space<hbm>> -> memref<128x128xf32, #tpu.memory_space<hbm>>
      %dma_start3A_78 = arith.constant 0 : i32
      %dma_start3A_79 = arith.constant 0 : i32
      %dma_start3A_80 = tpu.memref_slice %arg9[%run_scoped3A_60, %dma_start3A_78, %dma_start3A_79] : memref<2x128x128xf32, #tpu.memory_space<vmem>> -> memref<1x128x128xf32, #tpu.memory_space<vmem>>
      %dma_start3A_81 = tpu.memref_squeeze %dma_start3A_80 : memref<1x128x128xf32, #tpu.memory_space<vmem>> -> memref<128x128xf32, #tpu.memory_space<vmem>>
      tpu.enqueue_dma source(%dma_start3A_81 : memref<128x128xf32, #tpu.memory_space<vmem>>) target(%dma_start3A_77 : memref<128x128xf32, #tpu.memory_space<hbm>>) target_semaphore(%run_scoped3A_67 : memref<!tpu.dma_semaphore, #tpu.memory_space<semaphore_mem>>)
      %dma_wait3A = arith.constant 0 : i32
      %dma_wait3A_82 = arith.constant 0 : i32
      %dma_wait3A_83 = tpu.memref_slice %arg9[%run_scoped3A_60, %dma_wait3A, %dma_wait3A_82] : memref<2x128x128xf32, #tpu.memory_space<vmem>> -> memref<1x128x128xf32, #tpu.memory_space<vmem>>
      %dma_wait3A_84 = tpu.memref_squeeze %dma_wait3A_83 : memref<1x128x128xf32, #tpu.memory_space<vmem>> -> memref<128x128xf32, #tpu.memory_space<vmem>>
      %dma_wait3A_85 = arith.constant 0 : i32
      %dma_wait3A_86 = tpu.memref_slice %arg6[%arg0, %add3A_59, %dma_wait3A_85] : memref<2x10112x128xf32, #tpu.memory_space<hbm>> -> memref<1x128x128xf32, #tpu.memory_space<hbm>>
      %dma_wait3A_87 = tpu.memref_squeeze %dma_wait3A_86 : memref<1x128x128xf32, #tpu.memory_space<hbm>> -> memref<128x128xf32, #tpu.memory_space<hbm>>
      %dma_wait3A_88 = arith.constant 0 : i32
      %dma_wait3A_89 = tpu.memref_slice %arg6[%arg0, %add3A_59, %dma_wait3A_88] : memref<2x10112x128xf32, #tpu.memory_space<hbm>> -> memref<1x128x128xf32, #tpu.memory_space<hbm>>
      %dma_wait3A_90 = tpu.memref_squeeze %dma_wait3A_89 : memref<1x128x128xf32, #tpu.memory_space<hbm>> -> memref<128x128xf32, #tpu.memory_space<hbm>>
      %dma_wait3A_91 = arith.constant 0 : i32
      %dma_wait3A_92 = arith.constant 0 : i32
      %dma_wait3A_93 = tpu.memref_slice %arg9[%run_scoped3A_60, %dma_wait3A_91, %dma_wait3A_92] : memref<2x128x128xf32, #tpu.memory_space<vmem>> -> memref<1x128x128xf32, #tpu.memory_space<vmem>>
      %dma_wait3A_94 = tpu.memref_squeeze %dma_wait3A_93 : memref<1x128x128xf32, #tpu.memory_space<vmem>> -> memref<128x128xf32, #tpu.memory_space<vmem>>
      tpu.wait_dma2 semaphore(%run_scoped3A_67 : memref<!tpu.dma_semaphore, #tpu.memory_space<semaphore_mem>>) src(%dma_wait3A_94 : memref<128x128xf32, #tpu.memory_space<vmem>>) dst(%dma_wait3A_90 : memref<128x128xf32, #tpu.memory_space<hbm>>)
      tpu.yield
    }) : () -> ()
    %add3A_61 = arith.constant 512 : i32
    %add3A_62 = arith.addi %mul3A_2, %add3A_61 : i32
    %run_scoped3A_63 = arith.constant 0 : i32
    "tpu.region"() ({
      %run_scoped3A_67 = tpu.sem_alloc : memref<!tpu.dma_semaphore, #tpu.memory_space<semaphore_mem>>
      %dma_start3A_68 = arith.constant 0 : i32
      %dma_start3A_69 = arith.constant 0 : i32
      %dma_start3A_70 = tpu.memref_slice %arg9[%run_scoped3A_63, %dma_start3A_68, %dma_start3A_69] : memref<2x128x128xf32, #tpu.memory_space<vmem>> -> memref<1x120x128xf32, #tpu.memory_space<vmem>>
      %dma_start3A_71 = tpu.memref_squeeze %dma_start3A_70 : memref<1x120x128xf32, #tpu.memory_space<vmem>> -> memref<120x128xf32, #tpu.memory_space<vmem>>
      %dma_start3A_72 = arith.constant 0 : i32
      %dma_start3A_73 = tpu.memref_slice %arg10[%add3A_62, %dma_start3A_72] : memref<10112x128xf32, #tpu.memory_space<vmem_shared>> -> memref<120x128xf32, #tpu.memory_space<vmem_shared>>
      %dma_start3A_74 = arith.constant 0 : i32
      %dma_start3A_75 = arith.constant 0 : i32
      %dma_start3A_76 = tpu.memref_slice %arg9[%run_scoped3A_63, %dma_start3A_74, %dma_start3A_75] : memref<2x128x128xf32, #tpu.memory_space<vmem>> -> memref<1x120x128xf32, #tpu.memory_space<vmem>>
      %dma_start3A_77 = tpu.memref_squeeze %dma_start3A_76 : memref<1x120x128xf32, #tpu.memory_space<vmem>> -> memref<120x128xf32, #tpu.memory_space<vmem>>
      %dma_start3A_78 = arith.constant 0 : i32
      %dma_start3A_79 = tpu.memref_slice %arg10[%add3A_62, %dma_start3A_78] : memref<10112x128xf32, #tpu.memory_space<vmem_shared>> -> memref<120x128xf32, #tpu.memory_space<vmem_shared>>
      tpu.enqueue_dma source(%dma_start3A_79 : memref<120x128xf32, #tpu.memory_space<vmem_shared>>) target(%dma_start3A_77 : memref<120x128xf32, #tpu.memory_space<vmem>>) target_semaphore(%run_scoped3A_67 : memref<!tpu.dma_semaphore, #tpu.memory_space<semaphore_mem>>)
      %dma_wait3A = arith.constant 0 : i32
      %dma_wait3A_80 = arith.constant 0 : i32
      %dma_wait3A_81 = tpu.memref_slice %arg9[%run_scoped3A_63, %dma_wait3A, %dma_wait3A_80] : memref<2x128x128xf32, #tpu.memory_space<vmem>> -> memref<1x120x128xf32, #tpu.memory_space<vmem>>
      %dma_wait3A_82 = tpu.memref_squeeze %dma_wait3A_81 : memref<1x120x128xf32, #tpu.memory_space<vmem>> -> memref<120x128xf32, #tpu.memory_space<vmem>>
      %dma_wait3A_83 = arith.constant 0 : i32
      %dma_wait3A_84 = tpu.memref_slice %arg10[%add3A_62, %dma_wait3A_83] : memref<10112x128xf32, #tpu.memory_space<vmem_shared>> -> memref<120x128xf32, #tpu.memory_space<vmem_shared>>
      %dma_wait3A_85 = arith.constant 0 : i32
      %dma_wait3A_86 = arith.constant 0 : i32
      %dma_wait3A_87 = tpu.memref_slice %arg9[%run_scoped3A_63, %dma_wait3A_85, %dma_wait3A_86] : memref<2x128x128xf32, #tpu.memory_space<vmem>> -> memref<1x120x128xf32, #tpu.memory_space<vmem>>
      %dma_wait3A_88 = tpu.memref_squeeze %dma_wait3A_87 : memref<1x120x128xf32, #tpu.memory_space<vmem>> -> memref<120x128xf32, #tpu.memory_space<vmem>>
      %dma_wait3A_89 = arith.constant 0 : i32
      %dma_wait3A_90 = tpu.memref_slice %arg10[%add3A_62, %dma_wait3A_89] : memref<10112x128xf32, #tpu.memory_space<vmem_shared>> -> memref<120x128xf32, #tpu.memory_space<vmem_shared>>
      tpu.wait_dma2 semaphore(%run_scoped3A_67 : memref<!tpu.dma_semaphore, #tpu.memory_space<semaphore_mem>>) src(%dma_wait3A_90 : memref<120x128xf32, #tpu.memory_space<vmem_shared>>) dst(%dma_wait3A_88 : memref<120x128xf32, #tpu.memory_space<vmem>>)
      tpu.yield
    }) : () -> ()
    %add3A_64 = arith.constant 512 : i32
    %add3A_65 = arith.addi %mul3A_2, %add3A_64 : i32
    %run_scoped3A_66 = arith.constant 0 : i32
    "tpu.region"() ({
      %run_scoped3A_67 = tpu.sem_alloc : memref<!tpu.dma_semaphore, #tpu.memory_space<semaphore_mem>>
      %dma_start3A_68 = arith.constant 0 : i32
      %dma_start3A_69 = arith.constant 0 : i32
      %dma_start3A_70 = tpu.memref_slice %arg9[%run_scoped3A_66, %dma_start3A_68, %dma_start3A_69] : memref<2x128x128xf32, #tpu.memory_space<vmem>> -> memref<1x120x128xf32, #tpu.memory_space<vmem>>
      %dma_start3A_71 = tpu.memref_squeeze %dma_start3A_70 : memref<1x120x128xf32, #tpu.memory_space<vmem>> -> memref<120x128xf32, #tpu.memory_space<vmem>>
      %dma_start3A_72 = arith.constant 0 : i32
      %dma_start3A_73 = tpu.memref_slice %arg6[%arg0, %add3A_65, %dma_start3A_72] : memref<2x10112x128xf32, #tpu.memory_space<hbm>> -> memref<1x120x128xf32, #tpu.memory_space<hbm>>
      %dma_start3A_74 = tpu.memref_squeeze %dma_start3A_73 : memref<1x120x128xf32, #tpu.memory_space<hbm>> -> memref<120x128xf32, #tpu.memory_space<hbm>>
      %dma_start3A_75 = arith.constant 0 : i32
      %dma_start3A_76 = tpu.memref_slice %arg6[%arg0, %add3A_65, %dma_start3A_75] : memref<2x10112x128xf32, #tpu.memory_space<hbm>> -> memref<1x120x128xf32, #tpu.memory_space<hbm>>
      %dma_start3A_77 = tpu.memref_squeeze %dma_start3A_76 : memref<1x120x128xf32, #tpu.memory_space<hbm>> -> memref<120x128xf32, #tpu.memory_space<hbm>>
      %dma_start3A_78 = arith.constant 0 : i32
      %dma_start3A_79 = arith.constant 0 : i32
      %dma_start3A_80 = tpu.memref_slice %arg9[%run_scoped3A_66, %dma_start3A_78, %dma_start3A_79] : memref<2x128x128xf32, #tpu.memory_space<vmem>> -> memref<1x120x128xf32, #tpu.memory_space<vmem>>
      %dma_start3A_81 = tpu.memref_squeeze %dma_start3A_80 : memref<1x120x128xf32, #tpu.memory_space<vmem>> -> memref<120x128xf32, #tpu.memory_space<vmem>>
      tpu.enqueue_dma source(%dma_start3A_81 : memref<120x128xf32, #tpu.memory_space<vmem>>) target(%dma_start3A_77 : memref<120x128xf32, #tpu.memory_space<hbm>>) target_semaphore(%run_scoped3A_67 : memref<!tpu.dma_semaphore, #tpu.memory_space<semaphore_mem>>)
      %dma_wait3A = arith.constant 0 : i32
      %dma_wait3A_82 = arith.constant 0 : i32
      %dma_wait3A_83 = tpu.memref_slice %arg9[%run_scoped3A_66, %dma_wait3A, %dma_wait3A_82] : memref<2x128x128xf32, #tpu.memory_space<vmem>> -> memref<1x120x128xf32, #tpu.memory_space<vmem>>
      %dma_wait3A_84 = tpu.memref_squeeze %dma_wait3A_83 : memref<1x120x128xf32, #tpu.memory_space<vmem>> -> memref<120x128xf32, #tpu.memory_space<vmem>>
      %dma_wait3A_85 = arith.constant 0 : i32
      %dma_wait3A_86 = tpu.memref_slice %arg6[%arg0, %add3A_65, %dma_wait3A_85] : memref<2x10112x128xf32, #tpu.memory_space<hbm>> -> memref<1x120x128xf32, #tpu.memory_space<hbm>>
      %dma_wait3A_87 = tpu.memref_squeeze %dma_wait3A_86 : memref<1x120x128xf32, #tpu.memory_space<hbm>> -> memref<120x128xf32, #tpu.memory_space<hbm>>
      %dma_wait3A_88 = arith.constant 0 : i32
      %dma_wait3A_89 = tpu.memref_slice %arg6[%arg0, %add3A_65, %dma_wait3A_88] : memref<2x10112x128xf32, #tpu.memory_space<hbm>> -> memref<1x120x128xf32, #tpu.memory_space<hbm>>
      %dma_wait3A_90 = tpu.memref_squeeze %dma_wait3A_89 : memref<1x120x128xf32, #tpu.memory_space<hbm>> -> memref<120x128xf32, #tpu.memory_space<hbm>>
      %dma_wait3A_91 = arith.constant 0 : i32
      %dma_wait3A_92 = arith.constant 0 : i32
      %dma_wait3A_93 = tpu.memref_slice %arg9[%run_scoped3A_66, %dma_wait3A_91, %dma_wait3A_92] : memref<2x128x128xf32, #tpu.memory_space<vmem>> -> memref<1x120x128xf32, #tpu.memory_space<vmem>>
      %dma_wait3A_94 = tpu.memref_squeeze %dma_wait3A_93 : memref<1x120x128xf32, #tpu.memory_space<vmem>> -> memref<120x128xf32, #tpu.memory_space<vmem>>
      tpu.wait_dma2 semaphore(%run_scoped3A_67 : memref<!tpu.dma_semaphore, #tpu.memory_space<semaphore_mem>>) src(%dma_wait3A_94 : memref<120x128xf32, #tpu.memory_space<vmem>>) dst(%dma_wait3A_90 : memref<120x128xf32, #tpu.memory_space<hbm>>)
      tpu.yield
    }) : () -> ()
    return
  }
}

module attributes {stable_mosaic.version = 14 : i64} {
  func.func @body(%arg0: i32, %arg1: memref<1000x128xf32, #tpu.memory_space<vmem>>, %arg2: memref<128x128xf32, #tpu.memory_space<vmem>>, %arg3: memref<1000x1xf32, #tpu.memory_space<vmem>>, %arg4: memref<1000x1xf32, #tpu.memory_space<vmem>>, %arg5: memref<1000x128xf32, #tpu.memory_space<vmem>>, %arg6: memref<1000x1xf32, #tpu.memory_space<vmem>>) attributes {dimension_semantics = [#tpu.dimension_semantics<arbitrary>], iteration_bounds = array<i64: 10>, scalar_prefetch = 0 : i64, scratch_operands = 0 : i64, tpu.core_type = #tpu.core_type<tc>, window_params = [{transform_indices = @transform_0, window_bounds = array<i64: 1000, 128>}, {pipeline_mode = #tpu.pipeline_mode<synchronous>, transform_indices = @transform_1, window_bounds = array<i64: 128, 128>}, {transform_indices = @transform_2, window_bounds = array<i64: 1000, 1>}, {transform_indices = @transform_3, window_bounds = array<i64: 1000, 1>}, {transform_indices = @transform_4, window_bounds = array<i64: 1000, 128>}, {transform_indices = @transform_5, window_bounds = array<i64: 1000, 1>}]} {
    %get3A = arith.constant 0 : index
    %get3A_0 = arith.constant 0 : index
    %get3A_1 = vector.load %arg3[%get3A, %get3A_0] : memref<1000x1xf32, #tpu.memory_space<vmem>>, vector<1000x1xf32>
    %get3A_2 = arith.constant 0 : index
    %get3A_3 = arith.constant 0 : index
    %get3A_4 = vector.load %arg4[%get3A_2, %get3A_3] : memref<1000x1xf32, #tpu.memory_space<vmem>>, vector<1000x1xf32>
    %add3A = arith.addf %get3A_1, %get3A_4 : vector<1000x1xf32>
    %add3A_5 = arith.constant 1.000000e+00 : f32
    %add3A_6 = vector.broadcast %add3A_5 : f32 to vector<1000x1xf32>
    %add3A_7 = arith.addf %add3A, %add3A_6 : vector<1000x1xf32>
    %rsqrt3A = math.rsqrt %add3A_7 : vector<1000x1xf32>
    %swap3A = arith.constant 0 : index
    %swap3A_8 = arith.constant 0 : index
    %swap3A_9 = vector.load %arg6[%swap3A, %swap3A_8] : memref<1000x1xf32, #tpu.memory_space<vmem>>, vector<1000x1xf32>
    tpu.vector_store %arg6[%swap3A, %swap3A_8], %rsqrt3A {strides = array<i32>} : memref<1000x1xf32, #tpu.memory_space<vmem>>, vector<1000x1xf32>,
    %get3A_10 = arith.constant 0 : index
    %get3A_11 = arith.constant 0 : index
    %get3A_12 = vector.load %arg1[%get3A_10, %get3A_11] : memref<1000x128xf32, #tpu.memory_space<vmem>>, vector<1000x128xf32>
    %get3A_13 = arith.constant 0 : index
    %get3A_14 = arith.constant 0 : index
    %get3A_15 = vector.load %arg2[%get3A_13, %get3A_14] : memref<128x128xf32, #tpu.memory_space<vmem>>, vector<128x128xf32>
    %dot_general3A = arith.constant dense<0.000000e+00> : vector<1000x128xf32>
    %dot_general3A_16 = tpu.matmul %get3A_12, %get3A_15, %dot_general3A {dimension_numbers = #tpu.dot_dimension_numbers<[1], [0], [0], [1], [0, 0, 1, 1], [], []>, transpose_lhs_hint = false} : vector<1000x128xf32>, vector<128x128xf32>, vector<1000x128xf32> -> vector<1000x128xf32>
    %mul3A = vector.broadcast %rsqrt3A : vector<1000x1xf32> to vector<1000x128xf32>
    %mul3A_17 = arith.mulf %dot_general3A_16, %mul3A : vector<1000x128xf32>
    %swap3A_18 = arith.constant 0 : index
    %swap3A_19 = arith.constant 0 : index
    %swap3A_20 = vector.load %arg5[%swap3A_18, %swap3A_19] : memref<1000x128xf32, #tpu.memory_space<vmem>>, vector<1000x128xf32>
    tpu.vector_store %arg5[%swap3A_18, %swap3A_19], %mul3A_17 {strides = array<i32>} : memref<1000x128xf32, #tpu.memory_space<vmem>>, vector<1000x128xf32>,
    return
  }
  func.func @transform_0(%arg0: i32) -> (i32, i32) {
    %c0_i32 = arith.constant 0 : i32
    %c0_i32_0 = arith.constant 0 : i32
    return %arg0, %c0_i32 : i32, i32
  }
  func.func @transform_1(%arg0: i32) -> (i32, i32) {
    %c0_i32 = arith.constant 0 : i32
    %c0_i32_0 = arith.constant 0 : i32
    %c0_i32_1 = arith.constant 0 : i32
    return %c0_i32, %c0_i32_0 : i32, i32
  }
  func.func @transform_2(%arg0: i32) -> (i32, i32) {
    %c0_i32 = arith.constant 0 : i32
    %c0_i32_0 = arith.constant 0 : i32
    return %arg0, %c0_i32 : i32, i32
  }
  func.func @transform_3(%arg0: i32) -> (i32, i32) {
    %c0_i32 = arith.constant 0 : i32
    %c0_i32_0 = arith.constant 0 : i32
    return %arg0, %c0_i32 : i32, i32
  }
  func.func @transform_4(%arg0: i32) -> (i32, i32) {
    %c0_i32 = arith.constant 0 : i32
    %c0_i32_0 = arith.constant 0 : i32
    return %arg0, %c0_i32 : i32, i32
  }
  func.func @transform_5(%arg0: i32) -> (i32, i32) {
    %c0_i32 = arith.constant 0 : i32
    %c0_i32_0 = arith.constant 0 : i32
    return %arg0, %c0_i32 : i32, i32
  }
}

module attributes {stable_mosaic.version = 14 : i64} {
  func.func @body(%arg0: i32, %arg1: memref<1000x128xf32, #tpu.memory_space<vmem>>, %arg2: memref<1000x128xf32, #tpu.memory_space<vmem>>, %arg3: memref<1000x128xf32, #tpu.memory_space<vmem>>, %arg4: memref<1000x1xf32, #tpu.memory_space<vmem>>, %arg5: memref<128x128xf32, #tpu.memory_space<vmem>>, %arg6: memref<1x128xf32, #tpu.memory_space<vmem>>, %arg7: memref<1000x128xf32, #tpu.memory_space<vmem>>) attributes {dimension_semantics = [#tpu.dimension_semantics<arbitrary>], iteration_bounds = array<i64: 10>, scalar_prefetch = 0 : i64, scratch_operands = 0 : i64, tpu.core_type = #tpu.core_type<tc>, window_params = [{transform_indices = @transform_0, window_bounds = array<i64: 1000, 128>}, {transform_indices = @transform_1, window_bounds = array<i64: 1000, 128>}, {transform_indices = @transform_2, window_bounds = array<i64: 1000, 128>}, {transform_indices = @transform_3, window_bounds = array<i64: 1000, 1>}, {pipeline_mode = #tpu.pipeline_mode<synchronous>, transform_indices = @transform_4, window_bounds = array<i64: 128, 128>}, {pipeline_mode = #tpu.pipeline_mode<synchronous>, transform_indices = @transform_5, window_bounds = array<i64: 1, 128>}, {transform_indices = @transform_6, window_bounds = array<i64: 1000, 128>}]} {
    %get3A = arith.constant 0 : index
    %get3A_0 = arith.constant 0 : index
    %get3A_1 = vector.load %arg4[%get3A, %get3A_0] : memref<1000x1xf32, #tpu.memory_space<vmem>>, vector<1000x1xf32>
    %get3A_2 = arith.constant 0 : index
    %get3A_3 = arith.constant 0 : index
    %get3A_4 = vector.load %arg1[%get3A_2, %get3A_3] : memref<1000x128xf32, #tpu.memory_space<vmem>>, vector<1000x128xf32>
    %get3A_5 = arith.constant 0 : index
    %get3A_6 = arith.constant 0 : index
    %get3A_7 = vector.load %arg2[%get3A_5, %get3A_6] : memref<1000x128xf32, #tpu.memory_space<vmem>>, vector<1000x128xf32>
    %add3A = arith.addf %get3A_4, %get3A_7 : vector<1000x128xf32>
    %get3A_8 = arith.constant 0 : index
    %get3A_9 = arith.constant 0 : index
    %get3A_10 = vector.load %arg3[%get3A_8, %get3A_9] : memref<1000x128xf32, #tpu.memory_space<vmem>>, vector<1000x128xf32>
    %add3A_11 = arith.addf %add3A, %get3A_10 : vector<1000x128xf32>
    %mul3A = vector.broadcast %get3A_1 : vector<1000x1xf32> to vector<1000x128xf32>
    %mul3A_12 = arith.mulf %add3A_11, %mul3A : vector<1000x128xf32>
    %get3A_13 = arith.constant 0 : index
    %get3A_14 = arith.constant 0 : index
    %get3A_15 = vector.load %arg6[%get3A_13, %get3A_14] : memref<1x128xf32, #tpu.memory_space<vmem>>, vector<1x128xf32>
    %add3A_16 = vector.broadcast %get3A_15 : vector<1x128xf32> to vector<1000x128xf32>
    %add3A_17 = arith.addf %mul3A_12, %add3A_16 : vector<1000x128xf32>
    %max3A = arith.constant 0.000000e+00 : f32
    %max3A_18 = vector.broadcast %max3A : f32 to vector<1000x128xf32>
    %max3A_19 = arith.maximumf %add3A_17, %max3A_18 : vector<1000x128xf32>
    %get3A_20 = arith.constant 0 : index
    %get3A_21 = arith.constant 0 : index
    %get3A_22 = vector.load %arg5[%get3A_20, %get3A_21] : memref<128x128xf32, #tpu.memory_space<vmem>>, vector<128x128xf32>
    %dot_general3A = arith.constant dense<0.000000e+00> : vector<1000x128xf32>
    %dot_general3A_23 = tpu.matmul %max3A_19, %get3A_22, %dot_general3A {dimension_numbers = #tpu.dot_dimension_numbers<[1], [0], [0], [1], [0, 0, 1, 1], [], []>, transpose_lhs_hint = false} : vector<1000x128xf32>, vector<128x128xf32>, vector<1000x128xf32> -> vector<1000x128xf32>
    %mul3A_24 = vector.broadcast %get3A_1 : vector<1000x1xf32> to vector<1000x128xf32>
    %mul3A_25 = arith.mulf %dot_general3A_23, %mul3A_24 : vector<1000x128xf32>
    %swap3A = arith.constant 0 : index
    %swap3A_26 = arith.constant 0 : index
    %swap3A_27 = vector.load %arg7[%swap3A, %swap3A_26] : memref<1000x128xf32, #tpu.memory_space<vmem>>, vector<1000x128xf32>
    tpu.vector_store %arg7[%swap3A, %swap3A_26], %mul3A_25 {strides = array<i32>} : memref<1000x128xf32, #tpu.memory_space<vmem>>, vector<1000x128xf32>,
    return
  }
  func.func @transform_0(%arg0: i32) -> (i32, i32) {
    %c0_i32 = arith.constant 0 : i32
    %c0_i32_0 = arith.constant 0 : i32
    return %arg0, %c0_i32 : i32, i32
  }
  func.func @transform_1(%arg0: i32) -> (i32, i32) {
    %c0_i32 = arith.constant 0 : i32
    %c0_i32_0 = arith.constant 0 : i32
    return %arg0, %c0_i32 : i32, i32
  }
  func.func @transform_2(%arg0: i32) -> (i32, i32) {
    %c0_i32 = arith.constant 0 : i32
    %c0_i32_0 = arith.constant 0 : i32
    return %arg0, %c0_i32 : i32, i32
  }
  func.func @transform_3(%arg0: i32) -> (i32, i32) {
    %c0_i32 = arith.constant 0 : i32
    %c0_i32_0 = arith.constant 0 : i32
    return %arg0, %c0_i32 : i32, i32
  }
  func.func @transform_4(%arg0: i32) -> (i32, i32) {
    %c0_i32 = arith.constant 0 : i32
    %c0_i32_0 = arith.constant 0 : i32
    %c0_i32_1 = arith.constant 0 : i32
    return %c0_i32, %c0_i32_0 : i32, i32
  }
  func.func @transform_5(%arg0: i32) -> (i32, i32) {
    %c0_i32 = arith.constant 0 : i32
    %c0_i32_0 = arith.constant 0 : i32
    %c0_i32_1 = arith.constant 0 : i32
    return %c0_i32, %c0_i32_0 : i32, i32
  }
  func.func @transform_6(%arg0: i32) -> (i32, i32) {
    %c0_i32 = arith.constant 0 : i32
    %c0_i32_0 = arith.constant 0 : i32
    return %arg0, %c0_i32 : i32, i32
  }
}

module attributes {stable_mosaic.version = 14 : i64} {
  func.func @body(%arg0: i32, %arg1: memref<1000x128xf32, #tpu.memory_space<vmem>>, %arg2: memref<1000x128xf32, #tpu.memory_space<vmem>>, %arg3: memref<1000x128xf32, #tpu.memory_space<vmem>>, %arg4: memref<1000x1xf32, #tpu.memory_space<vmem>>, %arg5: memref<1x128xf32, #tpu.memory_space<vmem>>, %arg6: memref<1000x128xf32, #tpu.memory_space<vmem>>) attributes {dimension_semantics = [#tpu.dimension_semantics<arbitrary>], iteration_bounds = array<i64: 10>, scalar_prefetch = 0 : i64, scratch_operands = 0 : i64, tpu.core_type = #tpu.core_type<tc>, window_params = [{transform_indices = @transform_0, window_bounds = array<i64: 1000, 128>}, {transform_indices = @transform_1, window_bounds = array<i64: 1000, 128>}, {transform_indices = @transform_2, window_bounds = array<i64: 1000, 128>}, {transform_indices = @transform_3, window_bounds = array<i64: 1000, 1>}, {pipeline_mode = #tpu.pipeline_mode<synchronous>, transform_indices = @transform_4, window_bounds = array<i64: 1, 128>}, {transform_indices = @transform_5, window_bounds = array<i64: 1000, 128>}]} {
    %get3A = arith.constant 0 : index
    %get3A_0 = arith.constant 0 : index
    %get3A_1 = vector.load %arg1[%get3A, %get3A_0] : memref<1000x128xf32, #tpu.memory_space<vmem>>, vector<1000x128xf32>
    %get3A_2 = arith.constant 0 : index
    %get3A_3 = arith.constant 0 : index
    %get3A_4 = vector.load %arg2[%get3A_2, %get3A_3] : memref<1000x128xf32, #tpu.memory_space<vmem>>, vector<1000x128xf32>
    %add3A = arith.addf %get3A_1, %get3A_4 : vector<1000x128xf32>
    %get3A_5 = arith.constant 0 : index
    %get3A_6 = arith.constant 0 : index
    %get3A_7 = vector.load %arg3[%get3A_5, %get3A_6] : memref<1000x128xf32, #tpu.memory_space<vmem>>, vector<1000x128xf32>
    %add3A_8 = arith.addf %add3A, %get3A_7 : vector<1000x128xf32>
    %get3A_9 = arith.constant 0 : index
    %get3A_10 = arith.constant 0 : index
    %get3A_11 = vector.load %arg4[%get3A_9, %get3A_10] : memref<1000x1xf32, #tpu.memory_space<vmem>>, vector<1000x1xf32>
    %mul3A = vector.broadcast %get3A_11 : vector<1000x1xf32> to vector<1000x128xf32>
    %mul3A_12 = arith.mulf %add3A_8, %mul3A : vector<1000x128xf32>
    %get3A_13 = arith.constant 0 : index
    %get3A_14 = arith.constant 0 : index
    %get3A_15 = vector.load %arg5[%get3A_13, %get3A_14] : memref<1x128xf32, #tpu.memory_space<vmem>>, vector<1x128xf32>
    %add3A_16 = vector.broadcast %get3A_15 : vector<1x128xf32> to vector<1000x128xf32>
    %add3A_17 = arith.addf %mul3A_12, %add3A_16 : vector<1000x128xf32>
    %max3A = arith.constant 0.000000e+00 : f32
    %max3A_18 = vector.broadcast %max3A : f32 to vector<1000x128xf32>
    %max3A_19 = arith.maximumf %add3A_17, %max3A_18 : vector<1000x128xf32>
    %swap3A = arith.constant 0 : index
    %swap3A_20 = arith.constant 0 : index
    %swap3A_21 = vector.load %arg6[%swap3A, %swap3A_20] : memref<1000x128xf32, #tpu.memory_space<vmem>>, vector<1000x128xf32>
    tpu.vector_store %arg6[%swap3A, %swap3A_20], %max3A_19 {strides = array<i32>} : memref<1000x128xf32, #tpu.memory_space<vmem>>, vector<1000x128xf32>,
    return
  }
  func.func @transform_0(%arg0: i32) -> (i32, i32) {
    %c0_i32 = arith.constant 0 : i32
    %c0_i32_0 = arith.constant 0 : i32
    return %arg0, %c0_i32 : i32, i32
  }
  func.func @transform_1(%arg0: i32) -> (i32, i32) {
    %c0_i32 = arith.constant 0 : i32
    %c0_i32_0 = arith.constant 0 : i32
    return %arg0, %c0_i32 : i32, i32
  }
  func.func @transform_2(%arg0: i32) -> (i32, i32) {
    %c0_i32 = arith.constant 0 : i32
    %c0_i32_0 = arith.constant 0 : i32
    return %arg0, %c0_i32 : i32, i32
  }
  func.func @transform_3(%arg0: i32) -> (i32, i32) {
    %c0_i32 = arith.constant 0 : i32
    %c0_i32_0 = arith.constant 0 : i32
    return %arg0, %c0_i32 : i32, i32
  }
  func.func @transform_4(%arg0: i32) -> (i32, i32) {
    %c0_i32 = arith.constant 0 : i32
    %c0_i32_0 = arith.constant 0 : i32
    %c0_i32_1 = arith.constant 0 : i32
    return %c0_i32, %c0_i32_0 : i32, i32
  }
  func.func @transform_5(%arg0: i32) -> (i32, i32) {
    %c0_i32 = arith.constant 0 : i32
    %c0_i32_0 = arith.constant 0 : i32
    return %arg0, %c0_i32 : i32, i32
  }
}

</mosaic_0001>

<sc_bundles>
// kernel: kernel.11.cloned.1.call-start
scs
__scs_entry_jumppad:
0x0: {  	(pc) =	sbr.rel $0x88, $3  }
0x1: {  	(tag) =	ssettag $0x0;
	lr =	simm.s32 $0x1  }
0x2: {  	[smem:$0x3F9D] =	sst lr;
	_ =	strace $0xD0000000  }
0x3: {  	_ = 	snop  }
0x4: {  	_ = 	snop  }
0x5: {  	_ = 	snop  }
0x6: {  	_ = 	snop  }
0x7: {  	_ = 	snop  }
__scs_overlays_trampoline_lowered:
0x8: {  	[smem:$0x3FAC] =	sst s0  }
0x9: {  	[smem:$0x3FAD] =	sst s1  }
0xa: {  	[smem:$0x3FAE] =	sst s2  }
0xb: {  	[smem:$0x3FAF] =	sst s3  }
0xc: {  	[smem:$0x3FB0] =	sst s4  }
0xd: {  	[smem:$0x3FB1] =	sst s5  }
0xe: {  	[smem:$0x3FB2] =	sst s6  }
0xf: {  	[smem:$0x3FB3] =	sst s7  }
0x10: {  	[smem:$0x3FB4] =	sst s8  }
0x11: {  	[smem:$0x3FB5] =	sst s9;
	s0 =	simm.s32 @!p0 $0x0  }
0x12: {  	s1 =	sld [smem:$0x3F9B];
	s0 =	simm.s32 @p0 $0x1  }
0x13: {  	[smem:$0x3FB6] =	sst s0;
	s0 =	simm.s32 @!p1 $0x0  }
0x14: {  	s2 =	sld [smem:$0x3F9A];
	s0 =	simm.s32 @p1 $0x1  }
0x15: {  	[smem:$0x3FB7] =	sst s0;
	s0 =	simm.s32 @!p2 $0x0  }
0x16: {  	s3 =	sld [smem:$0x3FDB];
	s0 =	simm.s32 @p2 $0x1  }
0x17: {  	s4 =	simm.s32 $0x1BF5;
	[smem:$0x3FB9] =	sst s0  }
0x18: {  	s0 =	sld [smem:$0x3F9C];
	_ =	swait.ge [sflag:s4], $0x0  }
0x19: {  	s7 =	sld [smem:$0x3F9D]  }
0x1a: {  	s8 =	sadd.s32 $0xFFFFE003, lr  }
0x1b: {  	s9 =	sadd.s32 $0xFFFFFEF7, lr;
	s5 =	simm.s32 $0xFFFFFFFF;
	p2 =	slt.u32 s8, $0xFFFFF086  }
0x1c: {  	p1 =	slt.u32 s9, $0xF7A;
	s5 =	simm.s32 @!p2 $0x0  }
0x1d: {  	s5 =	simm.s32 @p1 $0x1;
	p0 =	seq.s32 s7, s2  }
0x1e: {  	s7 =	smul.u32 @!p0 $0xF7A, s2;
	p2 =	seq.s32 @!p0 s5, $0x0  }
0x1f: {  	s9 =	smul.u32 $0xF7A, s1;
	s8 =	simm.s32 @!p0 $0x1BF5;
	p2 =	por !p2, p0  }
0x20: {  	[sflag:s8] =	ssyncset.s32 @!p0 $0xFFFFF086;
	s6 =	sadd.s32 @!p0 s3, s7;
	s7 =	simm.s32 @!p0 $0x108  }
0x21: {  	s3 =	sadd.s32 s3, s9;
	s6 =	sadd.s32 @!p0 $0x88, s6;
	s7 =	simm.s32 @p2 $0x1082  }
0x22: {  	[simem:s7], [sflag:s8] =	dma.local @!p0 [hbm:s6], $0xF7A  }
0x23: {  	s9 =	sor.u32 $0xD0000000, s2;
	s6 =	simm.s32 $0x108;
	_ =	swait.ge @!p0 [sflag:s8], $0x0  }
0x24: {  	s3 =	sadd.s32 $0x88, s3;
	s6 =	simm.s32 @!p1 $0x1082;
	[sflag:s4] =	ssyncset.s32 $0xFFFFF086  }
0x25: {  	[simem:s6], [sflag:s4] =	dma.local [hbm:s3], $0xF7A  }
0x26: {  	[smem:$0x3F9D] =	sst s1;
	(tag) =	ssettag s2;
	_ =	strace s9  }
0x27: {  	s1 =	sld [smem:$0x3FAD]  }
0x28: {  	s2 =	sld [smem:$0x3FAE]  }
0x29: {  	s4 =	sld [smem:$0x3FB0]  }
0x2a: {  	p0 =	seq.s32 s5, $0x0;
	s5 =	sld [smem:$0x3FB1]  }
0x2b: {  	s6 =	sld [smem:$0x3FB2]  }
0x2c: {  	s7 =	sld [smem:$0x3FB3]  }
0x2d: {  	s3 =	simm.s32 $0x108;
	s8 =	sld [smem:$0x3FB4]  }
0x2e: {  	s3 =	simm.s32 @!p0 $0x1082;
	s9 =	sld [smem:$0x3FB5]  }
0x2f: {  	lr =	sadd.s32 s0, s3;
	s0 =	sld [smem:$0x3FAC]  }
0x30: {  	s3 =	sld [smem:$0x3FAF]  }
0x31: {  	[smem:$0x3FB8] =	sst s10  }
0x32: {  	s10 =	sld [smem:$0x3FB6];
	_ =	sdelay $0x3  }
0x33: {  	p0 =	seq.s32 s10, $0x1;
	s10 =	sld [smem:$0x3FB8];
	_ =	sdelay $0x3  }
0x34: {  	[smem:$0x3FB8] =	sst s10  }
0x35: {  	s10 =	sld [smem:$0x3FB7];
	_ =	sdelay $0x3  }
0x36: {  	p1 =	seq.s32 s10, $0x1;
	s10 =	sld [smem:$0x3FB8];
	_ =	sdelay $0x3  }
0x37: {  	[smem:$0x3FB8] =	sst s10  }
0x38: {  	s10 =	sld [smem:$0x3FB9]  }
0x39: {  	_ = 	snop;
	(pc) =	sbr.ind lr, $3  }
0x3a: {  	_ = 	snop  }
0x3b: {  	_ = 	snop  }
0x3c: {  	p2 =	seq.s32 s10, $0x1;
	s10 =	sld [smem:$0x3FB8]  }
0x3d: {  	_ =	shalt  }
0x3e: {  	_ =	shalt  }
0x3f: {  	_ =	shalt  }
0x40: {  	_ =	shalt  }
0x41: {  	_ =	shalt  }
0x42: {  	_ =	shalt  }
0x43: {  	_ =	shalt  }
0x44: {  	_ =	shalt  }
0x45: {  	_ =	shalt  }
0x46: {  	_ =	shalt  }
0x47: {  	_ =	shalt  }
0x48: {  	_ =	shalt  }
0x49: {  	_ =	shalt  }
0x4a: {  	_ =	shalt  }
0x4b: {  	_ =	shalt  }
0x4c: {  	_ =	shalt  }
0x4d: {  	_ =	shalt  }
0x4e: {  	_ =	shalt  }
0x4f: {  	_ =	shalt  }
0x50: {  	_ =	shalt  }
0x51: {  	_ =	shalt  }
0x52: {  	_ =	shalt  }
0x53: {  	_ =	shalt  }
0x54: {  	_ =	shalt  }
0x55: {  	_ =	shalt  }
0x56: {  	_ =	shalt  }
0x57: {  	_ =	shalt  }
0x58: {  	_ =	shalt  }
0x59: {  	_ =	shalt  }
0x5a: {  	_ =	shalt  }
0x5b: {  	_ =	shalt  }
0x5c: {  	_ =	shalt  }
0x5d: {  	_ =	shalt  }
0x5e: {  	_ =	shalt  }
0x5f: {  	_ =	shalt  }
0x60: {  	_ =	shalt  }
0x61: {  	_ =	shalt  }
0x62: {  	_ =	shalt  }
0x63: {  	_ =	shalt  }
0x64: {  	_ =	shalt  }
0x65: {  	_ =	shalt  }
0x66: {  	_ =	shalt  }
0x67: {  	_ =	shalt  }
0x68: {  	_ =	shalt  }
0x69: {  	_ =	shalt  }
0x6a: {  	_ =	shalt  }
0x6b: {  	_ =	shalt  }
0x6c: {  	_ =	shalt  }
0x6d: {  	_ =	shalt  }
0x6e: {  	_ =	shalt  }
0x6f: {  	_ =	shalt  }
0x70: {  	_ =	shalt  }
0x71: {  	_ =	shalt  }
0x72: {  	_ =	shalt  }
0x73: {  	_ =	shalt  }
0x74: {  	_ =	shalt  }
0x75: {  	_ =	shalt  }
0x76: {  	_ =	shalt  }
0x77: {  	_ =	shalt  }
0x78: {  	_ =	shalt  }
0x79: {  	_ =	shalt  }
0x7a: {  	_ =	shalt  }
0x7b: {  	_ =	shalt  }
0x7c: {  	_ =	shalt  }
0x7d: {  	_ =	shalt  }
0x7e: {  	_ =	shalt  }
0x7f: {  	_ =	shalt  }
0x80: {  	_ =	shalt  }
0x81: {  	_ =	shalt  }
0x82: {  	_ =	shalt  }
0x83: {  	_ =	shalt  }
0x84: {  	_ =	shalt  }
0x85: {  	_ =	shalt  }
0x86: {  	_ =	shalt  }
0x87: {  	_ =	shalt  }
.Lfunc_end0:
.L_simem_size_0:
called_computation.1_lowered:
.L_overlay_start_0:
0x88: {  	s2 =	sld [smem:$0x3FD9]  }
0x89: {  	s3 =	sld [smem:$0x3FFE];
	_ =	sdelay $0x1  }
0x8a: {  	s1 =	srdreg.scid  }
0x8b: {  	s0 =	sand.u32 $0x1, s1  }
0x8c: {  	s17 =	sshll.u32 s0, $0xA;
	s2 =	sadd.s32 s3, s2  }
0x8d: {  	s2 =	sadd.s32 s2, s17  }
0x8e: {  	[smem:$0x3FC4] =	sst s2  }
0x8f: {  	_ = 	snop  }
0x90: {  	s2 =	sld [smem:$0x3FD0];
	(tm) =	ssettm $0x1  }
0x91: {  	s18 =	sld [smem:$0x3FFB];
	_ =	sdelay $0x3  }
0x92: {  	_ =	strace s18  }
0x93: {  	s3 =	sld [smem:$0x3FFC];
	_ =	sdelay $0x3  }
0x94: {  	_ =	strace s3  }
0x95: {  	s3 =	sld [smem:$0x3FFD];
	_ =	sdelay $0x3  }
0x96: {  	_ =	strace s3  }
0x97: {  	_ =	strace $0x8FFFFFFF  }
0x98: {  	s19 =	sld [smem:$0x3FDB];
	_ =	sdelay $0x1  }
0x99: {  	s4 =	simm.s32 $_scs_section_size  }
0x9a: {  	s5 =	simm.s32 $_size__tile_overlayer_lowered;
	s6 =	simm.s32 $_tile_overlayer_lowered  }
0x9b: {  	s22 =	simm.s32 $0x1BFF;
	s21 =	sshll.u32 s6, $0x1;
	s3 =	sadd.s32 s4, s19  }
0x9c: {  	s7 =	simm.s32 $0x0;
	s20 =	sshll.u32 s5, $0x1;
	s5 =	sadd.s32 s21, s3  }
0x9d: {  	[timem:s7], [sflag:s22] =	dma.local [hbm:s5], s20  }
0x9e: {  	_ =	swait.ge [sflag:s22], s20  }
0x9f: {  	s4 =	ssub.s32 $0x0, s20;
	[sflag:s22] =	ssyncset.done $0x0  }
0xa0: {  	[sflag:s22] =	ssyncadd.s32 s4;
	_ =	sdelay $0x1  }
0xa1: {  	s23 =	simm.s32 $0x1B8B  }
0xa2: {  	_ =	swait.ge [sflag:s23], $0x1  }
0xa3: {  	[sflag:s23] =	ssyncset.done $0x0  }
0xa4: {  	s25 =	simm.s32 $0x1B8E;
	s24 =	sld [smem:$0x3FFE];
	[sflag:s23] =	ssyncadd.s32 $0xFFFFFFFF  }
0xa5: {  	s26 =	simm.s32 $execute0_lowered;
	[smem:$0x3FD2] =	sst s25  }
0xa6: {  	s5 =	sshll.u32 s26, $0x1;
	_ =	strace $0x80000049;
	[dreg:$0x1] =	wrdreg $0xFFFFFFFF  }
0xa7: {  	s28 =	simm.s32 $_size_execute0_lowered;
	s3 =	sadd.s32 s3, s5;
	[dreg:$0x0] =	wrdreg $0x0  }
0xa8: {  	s5 =	sshll.u32 s28, $0x1;
	[dreg:$0x2] =	wrdreg s3  }
0xa9: {  	[dreg:$0x3] =	wrdreg s5  }
0xaa: {  	[dreg:$0x4] =	wrdreg $0xC0  }
0xab: {  	_ =	task [dreg:s7], $0x5FFFF  }
0xac: {  	[dreg:$0x1] =	wrdreg $0xFFFFFFFF  }
0xad: {  	[dreg:$0x0] =	wrdreg $0x60  }
0xae: {  	[dreg:$0x2] =	wrdreg s2  }
0xaf: {  	[dreg:$0x3] =	wrdreg s24  }
0xb0: {  	[dreg:$0x4] =	wrdreg $0x90000  }
0xb1: {  	[dreg:$0x5] =	wrdreg $0x9  }
0xb2: {  	_ =	task.clear_ibuf [dreg:s7], $0x6FFFF;
	_ =	strace $0x90000049  }
0xb3: {  	s29 =	simm.s32 $0x9;
	_ =	strace $0x8000004B  }
0xb4: {  	_ =	swait.ge [sflag:s29], $0x1  }
0xb5: {  	[sflag:s29] =	ssyncadd.s32 $0xFFFFFFFF  }
0xb6: {  	_ =	strace $0x9000004B  }
0xb7: {  	_ =	sfence  }
0xb8: {  	s30 =	sld [smem:$0x0];
	_ =	sdelay $0x2  }
0xb9: {  	s31 =	sshll.u32 s1, $0xD;
	s1 =	sshrl.u32 s1, $0x2  }
0xba: {  	s3 =	sand.u32 $0x4000, s31;
	s1 =	sadd.s32 s1, s30  }
0xbb: {  	s0 =	sor.u32 s3, s0;
	s1 =	sshll.u32 s1, $0x11  }
0xbc: {  	s0 =	sor.u32 s1, s0  }
0xbd: {  	s0 =	sadd.s32 $0x8F2B, s0  }
0xbe: {  	[sflag:s0] =	ssyncadd.remote.s32 $0x1  }
0xbf: {  	_ =	sfence.sel $0xFFFF  }
0xc0: {  	[dreg:$0x0] =	wrdreg $0xFFFFFFFF;
	(pc) =	sbr.abs _section_cstart, $3  }
0xc1: {  	[dreg:$0x1] =	wrdreg $0xFFFFFFFF  }
0xc2: {  	_ =	task.clear_ibuf [dreg:s7], $0x2FFFF;
	_ =	strace $0x9FFFFFFF  }
0xc3: {  	(tm) =	ssettm $0x7FFFFFFF  }
tec
execute0_lowered:
.L_overlay_start_1:
0x0: {  	(tag) =	ssettag $0x1  }
0x1: {  	s1 =	rddreg [dreg:$0x0]  }
0x2: {  	s0 =	rddreg [dreg:$0x1]  }
0x3: {  	s2 =	rddreg [dreg:$0x2]  }
0x4: {  	s3 =	simm.s32 $0x0;
	s6 =	srdreg.scid;
	s23 =	stileid.u32  }
0x5: {  	s28 =	simm.s32 $0x2;
	s29 =	simm.s32 $0x0;
	[smem:$0x7FF] =	sst s3  }
0x6: {  	s4 =	sadd.s32 $0xD200, s0;
	s19 =	sadd.s32 $0x3200, s0;
	s5 =	sadd.s32 $0x3E400, s0  }
0x7: {  	s13 =	sand.u32 $0x1, s6;
	s0 =	sadd.s32 $0x3EC00, s0;
	s7 =	smul.u32 $0x4F000, s23  }
0x8: {  	s14 =	smul.u32 $0x13C00, s23;
	_ =	strace $0x8000004A;
	[dreg:$0x4] =	wrdreg s5  }
0x9: {  	s6 =	ssub.s32 $0x2, s13;
	s9 =	sshll.u32 s13, $0x4;
	s21 =	smul.u32 $0x13C000, s13  }
0xa: {  	s22 =	smul.u32 $0x28000, s13;
	s8 =	sshrl.u32 s6, $0x1;
	s9 =	sor.u32 s23, s9  }
0xb: {  	s24 =	sshrl.u32 s7, $0x2;
	s15 =	sadd.s32 $0x4000, s14;
	s16 =	sadd.s32 $0x8000, s14  }
0xc: {  	s17 =	sadd.s32 $0xC000, s14;
	s20 =	sadd.s32 $0x10000, s14;
	s23 =	smul.u32 $0x2800, s23  }
0xd: {  	s18 =	ssub.s32 s6, s8;
	s6 =	sadd.s32 s24, s2;
	s7 =	sadd.s32 s15, s2  }
0xe: {  	s8 =	sadd.s32 s16, s2;
	s11 =	smul.u32 $0x2800, s9;
	s9 =	sadd.s32 s17, s2  }
0xf: {  	s10 =	sadd.s32 s20, s2;
	s14 =	sadd.s32 s14, s21;
	s15 =	sadd.s32 s21, s15  }
0x10: {  	s16 =	sadd.s32 s21, s16;
	s26 =	sadd.s32 s21, s17;
	s20 =	sadd.s32 s21, s20  }
0x11: {  	s21 =	simm.s32 $0x1000;
	s24 =	simm.s32 $0x80;
	s14 =	sshrl.u32 s14, $0x3  }
0x12: {  	s15 =	sshrl.u32 s15, $0x3;
	s25 =	sshrl.u32 s16, $0x3;
	s30 =	sadd.s32 s23, s22  }
0x13: {  	s16 =	sshrl.u32 s26, $0x3;
	s20 =	sshrl.u32 s20, $0x3;
	s18 =	smax.u32 s18, $0x1  }
0x14: {  	s22 =	simm.s32 $0x5;
	s26 =	simm.s32 $0x1;
	s12 =	sshrl.u32 s11, $0x3  }
0x15: {  	s13 =	sadd.s32 s0, s14;
	s14 =	sadd.s32 s0, s15;
	s15 =	sadd.s32 s0, s25  }
0x16: {  	s17 =	sor.u32 $0x400, s30;
	s16 =	sadd.s32 s0, s16;
	s25 =	simm.s32 $0x5000  }
0x17: {  	s11 =	sadd.s32 s4, s12;
	s12 =	sadd.s32 s19, s12;
	s31 =	sshrl.u32 s17, $0x3  }
0x18: {  	s17 =	sadd.s32 s0, s20;
	s19 =	sadd.s32 s31, s19;
	s20 =	sadd.s32 s31, s4  }
.LBB2_1:
0x19: {  	s0 =	rddreg [dreg:$0x4]  }
0x1a: {  	[tilespmem:s21], [sflag:$0x5] =	stream.linear.gather [hbm4b:s0+s3], $0x4000, $0x38;
	[tilespmem:$0x1CC00] =	vst v63  }
0x1b: {  	_ =	swait.ge [sflag:s22], $0x4000  }
0x1c: {  	[sflag:s22] =	ssyncset.done $0x0  }
0x1d: {  	[sflag:s22] =	ssyncadd.s32 $0xFFFFC000  }
0x1e: {  	[spmem:s6] =	stream.linear.scatter [tilespmem:s21], [sflag:$0x5], $0x4000, $0x38;
	[tilespmem:$0x1CC00] =	vst v63  }
0x1f: {  	_ =	swait.ge [sflag:s22], $0x4000  }
0x20: {  	[sflag:s22] =	ssyncset.done $0x0  }
0x21: {  	[sflag:s22] =	ssyncadd.s32 $0xFFFFC000  }
0x22: {  	[spmem:s7] =	stream.linear.scatter [tilespmem:s21], [sflag:$0x5], $0x4000, $0x38;
	[tilespmem:$0x1CC00] =	vst v63  }
0x23: {  	_ =	swait.ge [sflag:s22], $0x4000  }
0x24: {  	[sflag:s22] =	ssyncset.done $0x0  }
0x25: {  	[sflag:s22] =	ssyncadd.s32 $0xFFFFC000  }
0x26: {  	[spmem:s8] =	stream.linear.scatter [tilespmem:s21], [sflag:$0x5], $0x4000, $0x38;
	[tilespmem:$0x1CC00] =	vst v63  }
0x27: {  	_ =	swait.ge [sflag:s22], $0x4000  }
0x28: {  	[sflag:s22] =	ssyncset.done $0x0  }
0x29: {  	[sflag:s22] =	ssyncadd.s32 $0xFFFFC000  }
0x2a: {  	[spmem:s9] =	stream.linear.scatter [tilespmem:s21], [sflag:$0x5], $0x4000, $0x38;
	[tilespmem:$0x1CC00] =	vst v63  }
0x2b: {  	_ =	swait.ge [sflag:s22], $0x4000  }
0x2c: {  	[sflag:s22] =	ssyncset.done $0x0  }
0x2d: {  	[sflag:s22] =	ssyncadd.s32 $0xFFFFC000  }
0x2e: {  	[spmem:s10] =	stream.linear.scatter [tilespmem:s21], [sflag:$0x5], $0x3C00, $0x38;
	[tilespmem:$0x1CC00] =	vst v63  }
0x2f: {  	_ =	swait.ge [sflag:s22], $0x3C00  }
0x30: {  	[sflag:s22] =	ssyncset.done $0x0  }
0x31: {  	[sflag:s22] =	ssyncadd.s32 $0xFFFFC400  }
0x32: {  	[tilespmem:s3], [sflag:$0x5] =	stream.linear.gather [hbm4b:s11+s3], $0x400, $0x38;
	[tilespmem:$0x1CC00] =	vst v63  }
0x33: {  	_ =	swait.ge [sflag:s22], $0x400  }
0x34: {  	[sflag:s22] =	ssyncset.done $0x0  }
0x35: {  	s23 =	simm.s32 $0x800;
	[sflag:s22] =	ssyncadd.s32 $0xFFFFFC00  }
0x36: {  	[tilespmem:s23], [sflag:$0x5] =	stream.linear.gather [hbm4b:s12+s3], $0x400, $0x38;
	[tilespmem:$0x1CC00] =	vst v63  }
0x37: {  	_ =	swait.ge [sflag:s22], $0x400  }
0x38: {  	[sflag:s22] =	ssyncset.done $0x0  }
0x39: {  	s30 =	smov.u32 s20;
	[sflag:s22] =	ssyncadd.s32 $0xFFFFFC00  }
0x3a: {  	s31 =	smov.u32 s19;
	s0 =	simm.s32 $0x0;
	[bflag:$0x0] =	sbarrier.arrive $0xFFFF  }
0x3b: {  	[tilespmem:s21], [sflag:$0x1] =	stream.indirect.gather [hbm4b:s1+s24], $0x80, s3, s24, $0xb8;
	[tilespmem:$0x1CC00] =	vst v63  }
.LBB2_2:
0x3c: {  	p0 =	seq.s32 s0, $0x2400  }
0x3d: {  	s4 =	sand.u32 @!p0 $0x400, s0  }
0x3e: {  	s5 =	simm.s32 @!p0 $0x0;
	s23 =	sxor.u32 @!p0 $0x400, s4  }
0x3f: {  	[tilespmem:s23], [sflag:$0x3] =	stream.linear.gather @!p0 [hbm4b:s30+s5], $0x400, $0x38;
	[tilespmem:$0x1CC00] =	vst v63  }
0x40: {  	s23 =	sxor.u32 @!p0 $0xC00, s4;
	s4 =	simm.s32 @p0 $0x400  }
0x41: {  	[tilespmem:s23], [sflag:$0x4] =	stream.linear.gather @!p0 [hbm4b:s31+s5], $0x400, $0x38;
	[tilespmem:$0x1CC00] =	vst v63  }
0x42: {  	s23 =	sor.u32 $0x80, s4  }
0x43: {  	[tilespmem:s25], [sflag:$0x2] =	stream.indirect.gather [hbm4b:s1+s24], $0x80, s23, s24, $0xb8;
	[tilespmem:$0x1CC00] =	vst v63  }
0x44: {  	_ =	swait.ge [sflag:s26], $0x4000  }
0x45: {  	[sflag:s26] =	ssyncset.done $0x0  }
0x46: {  	s23 =	sor.u32 $0x800, s4;
	[sflag:s26] =	ssyncadd.s32 $0xFFFFC000  }
0x47: {  	[spmem:s2] =	stream.indirect.scatter.add.f32 [tilespmem:s21], [sflag:$0x5], $0x80, s23, s24, $0xb8;
	[tilespmem:$0x1CC00] =	vst v63  }
0x48: {  	_ =	swait.ge [sflag:s22], $0x4000  }
0x49: {  	[sflag:s22] =	ssyncset.done $0x0  }
0x4a: {  	s23 =	sor.u32 $0x100, s4;
	[sflag:s22] =	ssyncadd.s32 $0xFFFFC000  }
0x4b: {  	[tilespmem:s21], [sflag:$0x1] =	stream.indirect.gather [hbm4b:s1+s24], $0x80, s23, s24, $0xb8;
	[tilespmem:$0x1CC00] =	vst v63  }
0x4c: {  	_ =	swait.ge [sflag:s28], $0x4000  }
0x4d: {  	[sflag:s28] =	ssyncset.done $0x0  }
0x4e: {  	s23 =	sor.u32 $0x880, s4;
	[sflag:s28] =	ssyncadd.s32 $0xFFFFC000  }
0x4f: {  	[spmem:s2] =	stream.indirect.scatter.add.f32 [tilespmem:s25], [sflag:$0x5], $0x80, s23, s24, $0xb8;
	[tilespmem:$0x1CC00] =	vst v63  }
0x50: {  	_ =	swait.ge [sflag:s22], $0x4000  }
0x51: {  	[sflag:s22] =	ssyncset.done $0x0  }
0x52: {  	s23 =	sor.u32 $0x180, s4;
	[sflag:s22] =	ssyncadd.s32 $0xFFFFC000  }
0x53: {  	[tilespmem:s25], [sflag:$0x2] =	stream.indirect.gather [hbm4b:s1+s24], $0x80, s23, s24, $0xb8;
	[tilespmem:$0x1CC00] =	vst v63  }
0x54: {  	_ =	swait.ge [sflag:s26], $0x4000  }
0x55: {  	[sflag:s26] =	ssyncset.done $0x0  }
0x56: {  	s23 =	sor.u32 $0x900, s4;
	[sflag:s26] =	ssyncadd.s32 $0xFFFFC000  }
0x57: {  	[spmem:s2] =	stream.indirect.scatter.add.f32 [tilespmem:s21], [sflag:$0x5], $0x80, s23, s24, $0xb8;
	[tilespmem:$0x1CC00] =	vst v63  }
0x58: {  	_ =	swait.ge [sflag:s22], $0x4000  }
0x59: {  	[sflag:s22] =	ssyncset.done $0x0  }
0x5a: {  	s23 =	sor.u32 $0x200, s4;
	[sflag:s22] =	ssyncadd.s32 $0xFFFFC000  }
0x5b: {  	[tilespmem:s21], [sflag:$0x1] =	stream.indirect.gather [hbm4b:s1+s24], $0x80, s23, s24, $0xb8;
	[tilespmem:$0x1CC00] =	vst v63  }
0x5c: {  	_ =	swait.ge [sflag:s28], $0x4000  }
0x5d: {  	[sflag:s28] =	ssyncset.done $0x0  }
0x5e: {  	s23 =	sor.u32 $0x980, s4;
	[sflag:s28] =	ssyncadd.s32 $0xFFFFC000  }
0x5f: {  	[spmem:s2] =	stream.indirect.scatter.add.f32 [tilespmem:s25], [sflag:$0x5], $0x80, s23, s24, $0xb8;
	[tilespmem:$0x1CC00] =	vst v63  }
0x60: {  	_ =	swait.ge [sflag:s22], $0x4000  }
0x61: {  	[sflag:s22] =	ssyncset.done $0x0  }
0x62: {  	s23 =	sor.u32 $0x280, s4;
	[sflag:s22] =	ssyncadd.s32 $0xFFFFC000  }
0x63: {  	[tilespmem:s25], [sflag:$0x2] =	stream.indirect.gather [hbm4b:s1+s24], $0x80, s23, s24, $0xb8;
	[tilespmem:$0x1CC00] =	vst v63  }
0x64: {  	_ =	swait.ge [sflag:s26], $0x4000  }
0x65: {  	[sflag:s26] =	ssyncset.done $0x0  }
0x66: {  	s23 =	sor.u32 $0xA00, s4;
	[sflag:s26] =	ssyncadd.s32 $0xFFFFC000  }
0x67: {  	[spmem:s2] =	stream.indirect.scatter.add.f32 [tilespmem:s21], [sflag:$0x5], $0x80, s23, s24, $0xb8;
	[tilespmem:$0x1CC00] =	vst v63  }
0x68: {  	_ =	swait.ge [sflag:s22], $0x4000  }
0x69: {  	[sflag:s22] =	ssyncset.done $0x0  }
0x6a: {  	s23 =	sor.u32 $0x300, s4;
	[sflag:s22] =	ssyncadd.s32 $0xFFFFC000  }
0x6b: {  	[tilespmem:s21], [sflag:$0x1] =	stream.indirect.gather [hbm4b:s1+s24], $0x80, s23, s24, $0xb8;
	[tilespmem:$0x1CC00] =	vst v63  }
0x6c: {  	_ =	swait.ge [sflag:s28], $0x4000  }
0x6d: {  	[sflag:s28] =	ssyncset.done $0x0  }
0x6e: {  	s23 =	sor.u32 $0xA80, s4;
	[sflag:s28] =	ssyncadd.s32 $0xFFFFC000  }
0x6f: {  	[spmem:s2] =	stream.indirect.scatter.add.f32 [tilespmem:s25], [sflag:$0x5], $0x80, s23, s24, $0xb8;
	[tilespmem:$0x1CC00] =	vst v63  }
0x70: {  	_ =	swait.ge [sflag:s22], $0x4000  }
0x71: {  	[sflag:s22] =	ssyncset.done $0x0  }
0x72: {  	s23 =	sor.u32 $0x380, s4;
	[sflag:s22] =	ssyncadd.s32 $0xFFFFC000  }
0x73: {  	[tilespmem:s25], [sflag:$0x2] =	stream.indirect.gather [hbm4b:s1+s24], $0x80, s23, s24, $0xb8;
	[tilespmem:$0x1CC00] =	vst v63  }
0x74: {  	_ =	swait.ge [sflag:s26], $0x4000  }
0x75: {  	[sflag:s26] =	ssyncset.done $0x0  }
0x76: {  	s23 =	sor.u32 $0xB00, s4;
	[sflag:s26] =	ssyncadd.s32 $0xFFFFC000  }
0x77: {  	[spmem:s2] =	stream.indirect.scatter.add.f32 [tilespmem:s21], [sflag:$0x5], $0x80, s23, s24, $0xb8;
	[tilespmem:$0x1CC00] =	vst v63  }
0x78: {  	_ =	swait.ge [sflag:s22], $0x4000  }
0x79: {  	[sflag:s22] =	ssyncset.done $0x0  }
0x7a: {  	[sflag:s22] =	ssyncadd.s32 $0xFFFFC000  }
0x7b: {  	_ =	swait.ge [sflag:s28], $0x4000  }
0x7c: {  	[sflag:s28] =	ssyncset.done $0x0  }
0x7d: {  	s23 =	sor.u32 $0xB80, s4;
	[sflag:s28] =	ssyncadd.s32 $0xFFFFC000  }
0x7e: {  	[spmem:s2] =	stream.indirect.scatter.add.f32 [tilespmem:s25], [sflag:$0x5], $0x80, s23, s24, $0xb8;
	[tilespmem:$0x1CC00] =	vst v63  }
0x7f: {  	_ =	swait.ge [sflag:s22], $0x4000  }
0x80: {  	[sflag:s22] =	ssyncset.done $0x0  }
0x81: {  	s0 =	sadd.s32 @!p0 $0x400, s0;
	s5 =	simm.s32 @!p0 $0x3;
	[sflag:s22] =	ssyncadd.s32 $0xFFFFC000  }
0x82: {  	p1 =	sne.s32 @!p0 s0, $0x2800;
	_ =	swait.ge @!p0 [sflag:s5], $0x400  }
0x83: {  	p1 =	por p0, !p1;
	[sflag:s5] =	ssyncset.done @!p0 $0x0  }
.Ltmp0:
0x84: {  	[sflag:s5] =	ssyncadd.s32 @!p0 $0xFFFFFC00;
	s5 =	simm.s32 @!p0 $0x4;
	(pc) =	sbr.rel @!p1 .LBB2_2-.Ltmp0, $4  }
0x85: {  	s30 =	sadd.s32 @!p0 $0x80, s30;
	_ =	swait.ge @!p0 [sflag:s5], $0x400  }
0x86: {  	s31 =	sadd.s32 @!p0 $0x80, s31;
	s4 =	ssub.s32 @!p0 $0x400, s4;
	[sflag:s5] =	ssyncset.done @!p0 $0x0  }
0x87: {  	s23 =	simm.s32 @!p0 $0x1000;
	[sflag:s5] =	ssyncadd.s32 @!p0 $0xFFFFFC00;
	s5 =	simm.s32 @!p0 $0x80  }
0x88: {  	[tilespmem:s23], [sflag:$0x1] =	stream.indirect.gather @!p0 [hbm4b:s1+s5], $0x80, s4, s5, $0xb8;
	[tilespmem:$0x1CC00] =	vst v63  }
0x89: {  	[bflag:$0x0] =	sbarrier.arrive $0xFFFF  }
0x8a: {  	[tilespmem:s21], [sflag:$0x5] =	stream.linear.gather [spmem:s6], $0x4000, $0x38;
	[tilespmem:$0x1CC00] =	vst v63  }
0x8b: {  	_ =	swait.ge [sflag:s22], $0x4000  }
0x8c: {  	[sflag:s22] =	ssyncset.done $0x0  }
0x8d: {  	[sflag:s22] =	ssyncadd.s32 $0xFFFFC000  }
0x8e: {  	[hbm4b:s13+s3] =	stream.linear.scatter [tilespmem:s21], [sflag:$0x5], $0x4000, $0x38;
	[tilespmem:$0x1CC00] =	vst v63  }
0x8f: {  	_ =	swait.ge [sflag:s22], $0x4000  }
0x90: {  	[sflag:s22] =	ssyncset.done $0x0  }
0x91: {  	[sflag:s22] =	ssyncadd.s32 $0xFFFFC000  }
0x92: {  	[tilespmem:s25], [sflag:$0x5] =	stream.linear.gather [spmem:s7], $0x4000, $0x38;
	[tilespmem:$0x1CC00] =	vst v63  }
0x93: {  	_ =	swait.ge [sflag:s22], $0x4000  }
0x94: {  	[sflag:s22] =	ssyncset.done $0x0  }
0x95: {  	[sflag:s22] =	ssyncadd.s32 $0xFFFFC000  }
0x96: {  	[hbm4b:s14+s3] =	stream.linear.scatter [tilespmem:s25], [sflag:$0x5], $0x4000, $0x38;
	[tilespmem:$0x1CC00] =	vst v63  }
0x97: {  	_ =	swait.ge [sflag:s22], $0x4000  }
0x98: {  	[sflag:s22] =	ssyncset.done $0x0  }
0x99: {  	[sflag:s22] =	ssyncadd.s32 $0xFFFFC000  }
0x9a: {  	[tilespmem:s21], [sflag:$0x5] =	stream.linear.gather [spmem:s8], $0x4000, $0x38;
	[tilespmem:$0x1CC00] =	vst v63  }
0x9b: {  	_ =	swait.ge [sflag:s22], $0x4000  }
0x9c: {  	[sflag:s22] =	ssyncset.done $0x0  }
0x9d: {  	[sflag:s22] =	ssyncadd.s32 $0xFFFFC000  }
0x9e: {  	[hbm4b:s15+s3] =	stream.linear.scatter [tilespmem:s21], [sflag:$0x5], $0x4000, $0x38;
	[tilespmem:$0x1CC00] =	vst v63  }
0x9f: {  	_ =	swait.ge [sflag:s22], $0x4000  }
0xa0: {  	[sflag:s22] =	ssyncset.done $0x0  }
0xa1: {  	[sflag:s22] =	ssyncadd.s32 $0xFFFFC000  }
0xa2: {  	[tilespmem:s25], [sflag:$0x5] =	stream.linear.gather [spmem:s9], $0x4000, $0x38;
	[tilespmem:$0x1CC00] =	vst v63  }
0xa3: {  	_ =	swait.ge [sflag:s22], $0x4000  }
0xa4: {  	[sflag:s22] =	ssyncset.done $0x0  }
0xa5: {  	[sflag:s22] =	ssyncadd.s32 $0xFFFFC000  }
0xa6: {  	[hbm4b:s16+s3] =	stream.linear.scatter [tilespmem:s25], [sflag:$0x5], $0x4000, $0x38;
	[tilespmem:$0x1CC00] =	vst v63  }
0xa7: {  	_ =	swait.ge [sflag:s22], $0x4000  }
0xa8: {  	[sflag:s22] =	ssyncset.done $0x0  }
0xa9: {  	[sflag:s22] =	ssyncadd.s32 $0xFFFFC000  }
0xaa: {  	[tilespmem:s21], [sflag:$0x5] =	stream.linear.gather [spmem:s10], $0x3C00, $0x38;
	[tilespmem:$0x1CC00] =	vst v63  }
0xab: {  	s29 =	sadd.s32 $0x1, s29;
	_ =	swait.ge [sflag:s22], $0x3C00  }
0xac: {  	p0 =	sne.s32 s29, s18;
	[sflag:s22] =	ssyncset.done $0x0  }
.Ltmp1:
0xad: {  	[sflag:s22] =	ssyncadd.s32 $0xFFFFC400;
	(pc) =	sbr.rel @p0 .LBB2_1-.Ltmp1, $4  }
0xae: {  	[hbm4b:s17+s3] =	stream.linear.scatter [tilespmem:s21], [sflag:$0x5], $0x3C00, $0x38;
	[tilespmem:$0x1CC00] =	vst v63  }
0xaf: {  	_ =	swait.ge [sflag:s22], $0x3C00  }
0xb0: {  	[sflag:s22] =	ssyncset.done $0x0  }
0xb1: {  	[sflag:s22] =	ssyncadd.s32 $0xFFFFC400  }
0xb2: {  	_ =	sfence.sel $0x180000  }
0xb3: {  	[bflag:$0x0] =	sbarrier.arrive $0xFFFF  }
0xb4: {  	_ =	strace $0x9000004A  }
0xb5: {  	s0 =	stileid.u32;
	[bflag:$0x2] =	sbarrier.arrive $0xFFFF  }
0xb6: {  	p0 =	sne.s32 s0, $0x0;
	s0 =	rddreg [dreg:$0x3]  }
0xb7: {  	s0 =	sadd.s32 @!p0 $0x100000, s0  }
0xb8: {  	[sflag:s0] =	ssyncadd.tile.s32 @!p0 $0x1;
	_ =	shalt  }
.Lfunc_end2:
_tile_overlayer_lowered:
.L_overlay_start_2:
0xb9: {  	(tag) =	ssettag $0x2  }
0xba: {  	s0 =	rddreg [dreg:$0x0];
	s2 =	stileid.u32  }
0xbb: {  	s1 =	rddreg [dreg:$0x1];
	p0 =	sne.s32 s2, $0x0  }
0xbc: {  	s3 =	rddreg [dreg:$0x2];
	[bflag:$0x3] =	sbarrier.arrive $0xFFFF;
	s2 =	simm.s32 @!p0 $0x1C05  }
0xbd: {  	[timem:s3], [sflag:s2] =	dma.local @!p0 [hbm:s0], s1  }
0xbe: {  	s0 =	simm.s32 @!p0 $0x5  }
0xbf: {  	_ =	swait.ge @!p0 [sflag:s0], s1  }
0xc0: {  	s1 =	ssub.s32 @!p0 $0x0, s1;
	[sflag:s0] =	ssyncset.done @!p0 $0x0  }
0xc1: {  	[sflag:s0] =	ssyncadd.s32 @!p0 s1  }
0xc2: {  	[bflag:$0x3] =	sbarrier.arrive $0xFFFF  }
0xc3: {  	_ =	shalt  }

// kernel: kernel.14.cloned.1.call-start
scs
__scs_entry_jumppad:
0x0: {  	(pc) =	sbr.rel $0x88, $3  }
0x1: {  	(tag) =	ssettag $0x0;
	lr =	simm.s32 $0x1  }
0x2: {  	[smem:$0x3F9D] =	sst lr;
	_ =	strace $0xD0000000  }
0x3: {  	_ = 	snop  }
0x4: {  	_ = 	snop  }
0x5: {  	_ = 	snop  }
0x6: {  	_ = 	snop  }
0x7: {  	_ = 	snop  }
__scs_overlays_trampoline_lowered:
0x8: {  	[smem:$0x3FAC] =	sst s0  }
0x9: {  	[smem:$0x3FAD] =	sst s1  }
0xa: {  	[smem:$0x3FAE] =	sst s2  }
0xb: {  	[smem:$0x3FAF] =	sst s3  }
0xc: {  	[smem:$0x3FB0] =	sst s4  }
0xd: {  	[smem:$0x3FB1] =	sst s5  }
0xe: {  	[smem:$0x3FB2] =	sst s6  }
0xf: {  	[smem:$0x3FB3] =	sst s7  }
0x10: {  	[smem:$0x3FB4] =	sst s8  }
0x11: {  	[smem:$0x3FB5] =	sst s9;
	s0 =	simm.s32 @!p0 $0x0  }
0x12: {  	s1 =	sld [smem:$0x3F9B];
	s0 =	simm.s32 @p0 $0x1  }
0x13: {  	[smem:$0x3FB6] =	sst s0;
	s0 =	simm.s32 @!p1 $0x0  }
0x14: {  	s2 =	sld [smem:$0x3F9A];
	s0 =	simm.s32 @p1 $0x1  }
0x15: {  	[smem:$0x3FB7] =	sst s0;
	s0 =	simm.s32 @!p2 $0x0  }
0x16: {  	s3 =	sld [smem:$0x3FDB];
	s0 =	simm.s32 @p2 $0x1  }
0x17: {  	s4 =	simm.s32 $0x1BF5;
	[smem:$0x3FB9] =	sst s0  }
0x18: {  	s0 =	sld [smem:$0x3F9C];
	_ =	swait.ge [sflag:s4], $0x0  }
0x19: {  	s7 =	sld [smem:$0x3F9D]  }
0x1a: {  	s8 =	sadd.s32 $0xFFFFE003, lr  }
0x1b: {  	s9 =	sadd.s32 $0xFFFFFEF7, lr;
	s5 =	simm.s32 $0xFFFFFFFF;
	p2 =	slt.u32 s8, $0xFFFFF086  }
0x1c: {  	p1 =	slt.u32 s9, $0xF7A;
	s5 =	simm.s32 @!p2 $0x0  }
0x1d: {  	s5 =	simm.s32 @p1 $0x1;
	p0 =	seq.s32 s7, s2  }
0x1e: {  	s7 =	smul.u32 @!p0 $0xF7A, s2;
	p2 =	seq.s32 @!p0 s5, $0x0  }
0x1f: {  	s9 =	smul.u32 $0xF7A, s1;
	s8 =	simm.s32 @!p0 $0x1BF5;
	p2 =	por !p2, p0  }
0x20: {  	[sflag:s8] =	ssyncset.s32 @!p0 $0xFFFFF086;
	s6 =	sadd.s32 @!p0 s3, s7;
	s7 =	simm.s32 @!p0 $0x108  }
0x21: {  	s3 =	sadd.s32 s3, s9;
	s6 =	sadd.s32 @!p0 $0x88, s6;
	s7 =	simm.s32 @p2 $0x1082  }
0x22: {  	[simem:s7], [sflag:s8] =	dma.local @!p0 [hbm:s6], $0xF7A  }
0x23: {  	s9 =	sor.u32 $0xD0000000, s2;
	s6 =	simm.s32 $0x108;
	_ =	swait.ge @!p0 [sflag:s8], $0x0  }
0x24: {  	s3 =	sadd.s32 $0x88, s3;
	s6 =	simm.s32 @!p1 $0x1082;
	[sflag:s4] =	ssyncset.s32 $0xFFFFF086  }
0x25: {  	[simem:s6], [sflag:s4] =	dma.local [hbm:s3], $0xF7A  }
0x26: {  	[smem:$0x3F9D] =	sst s1;
	(tag) =	ssettag s2;
	_ =	strace s9  }
0x27: {  	s1 =	sld [smem:$0x3FAD]  }
0x28: {  	s2 =	sld [smem:$0x3FAE]  }
0x29: {  	s4 =	sld [smem:$0x3FB0]  }
0x2a: {  	p0 =	seq.s32 s5, $0x0;
	s5 =	sld [smem:$0x3FB1]  }
0x2b: {  	s6 =	sld [smem:$0x3FB2]  }
0x2c: {  	s7 =	sld [smem:$0x3FB3]  }
0x2d: {  	s3 =	simm.s32 $0x108;
	s8 =	sld [smem:$0x3FB4]  }
0x2e: {  	s3 =	simm.s32 @!p0 $0x1082;
	s9 =	sld [smem:$0x3FB5]  }
0x2f: {  	lr =	sadd.s32 s0, s3;
	s0 =	sld [smem:$0x3FAC]  }
0x30: {  	s3 =	sld [smem:$0x3FAF]  }
0x31: {  	[smem:$0x3FB8] =	sst s10  }
0x32: {  	s10 =	sld [smem:$0x3FB6];
	_ =	sdelay $0x3  }
0x33: {  	p0 =	seq.s32 s10, $0x1;
	s10 =	sld [smem:$0x3FB8];
	_ =	sdelay $0x3  }
0x34: {  	[smem:$0x3FB8] =	sst s10  }
0x35: {  	s10 =	sld [smem:$0x3FB7];
	_ =	sdelay $0x3  }
0x36: {  	p1 =	seq.s32 s10, $0x1;
	s10 =	sld [smem:$0x3FB8];
	_ =	sdelay $0x3  }
0x37: {  	[smem:$0x3FB8] =	sst s10  }
0x38: {  	s10 =	sld [smem:$0x3FB9]  }
0x39: {  	_ = 	snop;
	(pc) =	sbr.ind lr, $3  }
0x3a: {  	_ = 	snop  }
0x3b: {  	_ = 	snop  }
0x3c: {  	p2 =	seq.s32 s10, $0x1;
	s10 =	sld [smem:$0x3FB8]  }
0x3d: {  	_ =	shalt  }
0x3e: {  	_ =	shalt  }
0x3f: {  	_ =	shalt  }
0x40: {  	_ =	shalt  }
0x41: {  	_ =	shalt  }
0x42: {  	_ =	shalt  }
0x43: {  	_ =	shalt  }
0x44: {  	_ =	shalt  }
0x45: {  	_ =	shalt  }
0x46: {  	_ =	shalt  }
0x47: {  	_ =	shalt  }
0x48: {  	_ =	shalt  }
0x49: {  	_ =	shalt  }
0x4a: {  	_ =	shalt  }
0x4b: {  	_ =	shalt  }
0x4c: {  	_ =	shalt  }
0x4d: {  	_ =	shalt  }
0x4e: {  	_ =	shalt  }
0x4f: {  	_ =	shalt  }
0x50: {  	_ =	shalt  }
0x51: {  	_ =	shalt  }
0x52: {  	_ =	shalt  }
0x53: {  	_ =	shalt  }
0x54: {  	_ =	shalt  }
0x55: {  	_ =	shalt  }
0x56: {  	_ =	shalt  }
0x57: {  	_ =	shalt  }
0x58: {  	_ =	shalt  }
0x59: {  	_ =	shalt  }
0x5a: {  	_ =	shalt  }
0x5b: {  	_ =	shalt  }
0x5c: {  	_ =	shalt  }
0x5d: {  	_ =	shalt  }
0x5e: {  	_ =	shalt  }
0x5f: {  	_ =	shalt  }
0x60: {  	_ =	shalt  }
0x61: {  	_ =	shalt  }
0x62: {  	_ =	shalt  }
0x63: {  	_ =	shalt  }
0x64: {  	_ =	shalt  }
0x65: {  	_ =	shalt  }
0x66: {  	_ =	shalt  }
0x67: {  	_ =	shalt  }
0x68: {  	_ =	shalt  }
0x69: {  	_ =	shalt  }
0x6a: {  	_ =	shalt  }
0x6b: {  	_ =	shalt  }
0x6c: {  	_ =	shalt  }
0x6d: {  	_ =	shalt  }
0x6e: {  	_ =	shalt  }
0x6f: {  	_ =	shalt  }
0x70: {  	_ =	shalt  }
0x71: {  	_ =	shalt  }
0x72: {  	_ =	shalt  }
0x73: {  	_ =	shalt  }
0x74: {  	_ =	shalt  }
0x75: {  	_ =	shalt  }
0x76: {  	_ =	shalt  }
0x77: {  	_ =	shalt  }
0x78: {  	_ =	shalt  }
0x79: {  	_ =	shalt  }
0x7a: {  	_ =	shalt  }
0x7b: {  	_ =	shalt  }
0x7c: {  	_ =	shalt  }
0x7d: {  	_ =	shalt  }
0x7e: {  	_ =	shalt  }
0x7f: {  	_ =	shalt  }
0x80: {  	_ =	shalt  }
0x81: {  	_ =	shalt  }
0x82: {  	_ =	shalt  }
0x83: {  	_ =	shalt  }
0x84: {  	_ =	shalt  }
0x85: {  	_ =	shalt  }
0x86: {  	_ =	shalt  }
0x87: {  	_ =	shalt  }
.Lfunc_end0:
.L_simem_size_0:
called_computation.2_lowered:
.L_overlay_start_0:
0x88: {  	s2 =	sld [smem:$0x3FD9]  }
0x89: {  	s3 =	sld [smem:$0x3FFE];
	_ =	sdelay $0x1  }
0x8a: {  	s1 =	srdreg.scid  }
0x8b: {  	s0 =	sand.u32 $0x1, s1  }
0x8c: {  	s17 =	sshll.u32 s0, $0xA;
	s2 =	sadd.s32 s3, s2  }
0x8d: {  	s2 =	sadd.s32 s2, s17  }
0x8e: {  	[smem:$0x3FC4] =	sst s2  }
0x8f: {  	_ = 	snop  }
0x90: {  	s2 =	sld [smem:$0x3FD0];
	(tm) =	ssettm $0x1  }
0x91: {  	s18 =	sld [smem:$0x3FFB];
	_ =	sdelay $0x3  }
0x92: {  	_ =	strace s18  }
0x93: {  	s3 =	sld [smem:$0x3FFC];
	_ =	sdelay $0x3  }
0x94: {  	_ =	strace s3  }
0x95: {  	s3 =	sld [smem:$0x3FFD];
	_ =	sdelay $0x3  }
0x96: {  	_ =	strace s3  }
0x97: {  	_ =	strace $0x8FFFFFFF  }
0x98: {  	s19 =	sld [smem:$0x3FDB];
	_ =	sdelay $0x1  }
0x99: {  	s4 =	simm.s32 $_scs_section_size  }
0x9a: {  	s5 =	simm.s32 $_size__tile_overlayer_lowered;
	s6 =	simm.s32 $_tile_overlayer_lowered  }
0x9b: {  	s22 =	simm.s32 $0x1BFF;
	s21 =	sshll.u32 s6, $0x1;
	s3 =	sadd.s32 s4, s19  }
0x9c: {  	s7 =	simm.s32 $0x0;
	s20 =	sshll.u32 s5, $0x1;
	s5 =	sadd.s32 s21, s3  }
0x9d: {  	[timem:s7], [sflag:s22] =	dma.local [hbm:s5], s20  }
0x9e: {  	_ =	swait.ge [sflag:s22], s20  }
0x9f: {  	s4 =	ssub.s32 $0x0, s20;
	[sflag:s22] =	ssyncset.done $0x0  }
0xa0: {  	[sflag:s22] =	ssyncadd.s32 s4;
	_ =	sdelay $0x1  }
0xa1: {  	s23 =	simm.s32 $0x1B8B  }
0xa2: {  	_ =	swait.ge [sflag:s23], $0x1  }
0xa3: {  	[sflag:s23] =	ssyncset.done $0x0  }
0xa4: {  	s25 =	simm.s32 $0x1B8E;
	s24 =	sld [smem:$0x3FFE];
	[sflag:s23] =	ssyncadd.s32 $0xFFFFFFFF  }
0xa5: {  	s26 =	simm.s32 $execute0_lowered;
	[smem:$0x3FD2] =	sst s25  }
0xa6: {  	s5 =	sshll.u32 s26, $0x1;
	_ =	strace $0x8000004C;
	[dreg:$0x1] =	wrdreg $0xFFFFFFFF  }
0xa7: {  	s28 =	simm.s32 $_size_execute0_lowered;
	s3 =	sadd.s32 s3, s5;
	[dreg:$0x0] =	wrdreg $0x0  }
0xa8: {  	s5 =	sshll.u32 s28, $0x1;
	[dreg:$0x2] =	wrdreg s3  }
0xa9: {  	[dreg:$0x3] =	wrdreg s5  }
0xaa: {  	[dreg:$0x4] =	wrdreg $0xC0  }
0xab: {  	_ =	task [dreg:s7], $0x5FFFF  }
0xac: {  	[dreg:$0x1] =	wrdreg $0xFFFFFFFF  }
0xad: {  	[dreg:$0x0] =	wrdreg $0x60  }
0xae: {  	[dreg:$0x2] =	wrdreg s2  }
0xaf: {  	[dreg:$0x3] =	wrdreg s24  }
0xb0: {  	[dreg:$0x4] =	wrdreg $0x90000  }
0xb1: {  	[dreg:$0x5] =	wrdreg $0x9  }
0xb2: {  	_ =	task.clear_ibuf [dreg:s7], $0x6FFFF;
	_ =	strace $0x9000004C  }
0xb3: {  	s29 =	simm.s32 $0x9;
	_ =	strace $0x8000004E  }
0xb4: {  	_ =	swait.ge [sflag:s29], $0x1  }
0xb5: {  	[sflag:s29] =	ssyncadd.s32 $0xFFFFFFFF  }
0xb6: {  	_ =	strace $0x9000004E  }
0xb7: {  	_ =	sfence  }
0xb8: {  	s30 =	sld [smem:$0x0];
	_ =	sdelay $0x2  }
0xb9: {  	s31 =	sshll.u32 s1, $0xD;
	s1 =	sshrl.u32 s1, $0x2  }
0xba: {  	s3 =	sand.u32 $0x4000, s31;
	s1 =	sadd.s32 s1, s30  }
0xbb: {  	s0 =	sor.u32 s3, s0;
	s1 =	sshll.u32 s1, $0x11  }
0xbc: {  	s0 =	sor.u32 s1, s0  }
0xbd: {  	s0 =	sadd.s32 $0x8F2B, s0  }
0xbe: {  	[sflag:s0] =	ssyncadd.remote.s32 $0x1  }
0xbf: {  	_ =	sfence.sel $0xFFFF  }
0xc0: {  	[dreg:$0x0] =	wrdreg $0xFFFFFFFF;
	(pc) =	sbr.abs _section_cstart, $3  }
0xc1: {  	[dreg:$0x1] =	wrdreg $0xFFFFFFFF  }
0xc2: {  	_ =	task.clear_ibuf [dreg:s7], $0x2FFFF;
	_ =	strace $0x9FFFFFFF  }
0xc3: {  	(tm) =	ssettm $0x7FFFFFFF  }
tec
execute0_lowered:
.L_overlay_start_1:
0x0: {  	(tag) =	ssettag $0x1  }
0x1: {  	s1 =	rddreg [dreg:$0x0]  }
0x2: {  	s0 =	rddreg [dreg:$0x1]  }
0x3: {  	s2 =	rddreg [dreg:$0x2]  }
0x4: {  	s3 =	simm.s32 $0x0;
	s6 =	srdreg.scid;
	s23 =	stileid.u32  }
0x5: {  	s28 =	simm.s32 $0x2;
	s29 =	simm.s32 $0x0;
	[smem:$0x7FF] =	sst s3  }
0x6: {  	s4 =	sadd.s32 $0xD200, s0;
	s19 =	sadd.s32 $0x3200, s0;
	s5 =	sadd.s32 $0x3E400, s0  }
0x7: {  	s13 =	sand.u32 $0x1, s6;
	s0 =	sadd.s32 $0x3EC00, s0;
	s7 =	smul.u32 $0x4F000, s23  }
0x8: {  	s14 =	smul.u32 $0x13C00, s23;
	_ =	strace $0x8000004D;
	[dreg:$0x4] =	wrdreg s5  }
0x9: {  	s6 =	ssub.s32 $0x2, s13;
	s9 =	sshll.u32 s13, $0x4;
	s21 =	smul.u32 $0x13C000, s13  }
0xa: {  	s22 =	smul.u32 $0x28000, s13;
	s8 =	sshrl.u32 s6, $0x1;
	s9 =	sor.u32 s23, s9  }
0xb: {  	s24 =	sshrl.u32 s7, $0x2;
	s15 =	sadd.s32 $0x4000, s14;
	s16 =	sadd.s32 $0x8000, s14  }
0xc: {  	s17 =	sadd.s32 $0xC000, s14;
	s20 =	sadd.s32 $0x10000, s14;
	s23 =	smul.u32 $0x2800, s23  }
0xd: {  	s18 =	ssub.s32 s6, s8;
	s6 =	sadd.s32 s24, s2;
	s7 =	sadd.s32 s15, s2  }
0xe: {  	s8 =	sadd.s32 s16, s2;
	s11 =	smul.u32 $0x2800, s9;
	s9 =	sadd.s32 s17, s2  }
0xf: {  	s10 =	sadd.s32 s20, s2;
	s14 =	sadd.s32 s14, s21;
	s15 =	sadd.s32 s21, s15  }
0x10: {  	s16 =	sadd.s32 s21, s16;
	s26 =	sadd.s32 s21, s17;
	s20 =	sadd.s32 s21, s20  }
0x11: {  	s21 =	simm.s32 $0x1000;
	s24 =	simm.s32 $0x80;
	s14 =	sshrl.u32 s14, $0x3  }
0x12: {  	s15 =	sshrl.u32 s15, $0x3;
	s25 =	sshrl.u32 s16, $0x3;
	s30 =	sadd.s32 s23, s22  }
0x13: {  	s16 =	sshrl.u32 s26, $0x3;
	s20 =	sshrl.u32 s20, $0x3;
	s18 =	smax.u32 s18, $0x1  }
0x14: {  	s22 =	simm.s32 $0x5;
	s26 =	simm.s32 $0x1;
	s12 =	sshrl.u32 s11, $0x3  }
0x15: {  	s13 =	sadd.s32 s0, s14;
	s14 =	sadd.s32 s0, s15;
	s15 =	sadd.s32 s0, s25  }
0x16: {  	s17 =	sor.u32 $0x400, s30;
	s16 =	sadd.s32 s0, s16;
	s25 =	simm.s32 $0x5000  }
0x17: {  	s11 =	sadd.s32 s4, s12;
	s12 =	sadd.s32 s19, s12;
	s31 =	sshrl.u32 s17, $0x3  }
0x18: {  	s17 =	sadd.s32 s0, s20;
	s19 =	sadd.s32 s31, s19;
	s20 =	sadd.s32 s31, s4  }
.LBB2_1:
0x19: {  	s0 =	rddreg [dreg:$0x4]  }
0x1a: {  	[tilespmem:s21], [sflag:$0x5] =	stream.linear.gather [hbm4b:s0+s3], $0x4000, $0x38;
	[tilespmem:$0x1CC00] =	vst v63  }
0x1b: {  	_ =	swait.ge [sflag:s22], $0x4000  }
0x1c: {  	[sflag:s22] =	ssyncset.done $0x0  }
0x1d: {  	[sflag:s22] =	ssyncadd.s32 $0xFFFFC000  }
0x1e: {  	[spmem:s6] =	stream.linear.scatter [tilespmem:s21], [sflag:$0x5], $0x4000, $0x38;
	[tilespmem:$0x1CC00] =	vst v63  }
0x1f: {  	_ =	swait.ge [sflag:s22], $0x4000  }
0x20: {  	[sflag:s22] =	ssyncset.done $0x0  }
0x21: {  	[sflag:s22] =	ssyncadd.s32 $0xFFFFC000  }
0x22: {  	[spmem:s7] =	stream.linear.scatter [tilespmem:s21], [sflag:$0x5], $0x4000, $0x38;
	[tilespmem:$0x1CC00] =	vst v63  }
0x23: {  	_ =	swait.ge [sflag:s22], $0x4000  }
0x24: {  	[sflag:s22] =	ssyncset.done $0x0  }
0x25: {  	[sflag:s22] =	ssyncadd.s32 $0xFFFFC000  }
0x26: {  	[spmem:s8] =	stream.linear.scatter [tilespmem:s21], [sflag:$0x5], $0x4000, $0x38;
	[tilespmem:$0x1CC00] =	vst v63  }
0x27: {  	_ =	swait.ge [sflag:s22], $0x4000  }
0x28: {  	[sflag:s22] =	ssyncset.done $0x0  }
0x29: {  	[sflag:s22] =	ssyncadd.s32 $0xFFFFC000  }
0x2a: {  	[spmem:s9] =	stream.linear.scatter [tilespmem:s21], [sflag:$0x5], $0x4000, $0x38;
	[tilespmem:$0x1CC00] =	vst v63  }
0x2b: {  	_ =	swait.ge [sflag:s22], $0x4000  }
0x2c: {  	[sflag:s22] =	ssyncset.done $0x0  }
0x2d: {  	[sflag:s22] =	ssyncadd.s32 $0xFFFFC000  }
0x2e: {  	[spmem:s10] =	stream.linear.scatter [tilespmem:s21], [sflag:$0x5], $0x3C00, $0x38;
	[tilespmem:$0x1CC00] =	vst v63  }
0x2f: {  	_ =	swait.ge [sflag:s22], $0x3C00  }
0x30: {  	[sflag:s22] =	ssyncset.done $0x0  }
0x31: {  	[sflag:s22] =	ssyncadd.s32 $0xFFFFC400  }
0x32: {  	[tilespmem:s3], [sflag:$0x5] =	stream.linear.gather [hbm4b:s11+s3], $0x400, $0x38;
	[tilespmem:$0x1CC00] =	vst v63  }
0x33: {  	_ =	swait.ge [sflag:s22], $0x400  }
0x34: {  	[sflag:s22] =	ssyncset.done $0x0  }
0x35: {  	s23 =	simm.s32 $0x800;
	[sflag:s22] =	ssyncadd.s32 $0xFFFFFC00  }
0x36: {  	[tilespmem:s23], [sflag:$0x5] =	stream.linear.gather [hbm4b:s12+s3], $0x400, $0x38;
	[tilespmem:$0x1CC00] =	vst v63  }
0x37: {  	_ =	swait.ge [sflag:s22], $0x400  }
0x38: {  	[sflag:s22] =	ssyncset.done $0x0  }
0x39: {  	s30 =	smov.u32 s20;
	[sflag:s22] =	ssyncadd.s32 $0xFFFFFC00  }
0x3a: {  	s31 =	smov.u32 s19;
	s0 =	simm.s32 $0x0;
	[bflag:$0x0] =	sbarrier.arrive $0xFFFF  }
0x3b: {  	[tilespmem:s21], [sflag:$0x1] =	stream.indirect.gather [hbm4b:s1+s24], $0x80, s3, s24, $0xb8;
	[tilespmem:$0x1CC00] =	vst v63  }
.LBB2_2:
0x3c: {  	p0 =	seq.s32 s0, $0x2400  }
0x3d: {  	s4 =	sand.u32 @!p0 $0x400, s0  }
0x3e: {  	s5 =	simm.s32 @!p0 $0x0;
	s23 =	sxor.u32 @!p0 $0x400, s4  }
0x3f: {  	[tilespmem:s23], [sflag:$0x3] =	stream.linear.gather @!p0 [hbm4b:s30+s5], $0x400, $0x38;
	[tilespmem:$0x1CC00] =	vst v63  }
0x40: {  	s23 =	sxor.u32 @!p0 $0xC00, s4;
	s4 =	simm.s32 @p0 $0x400  }
0x41: {  	[tilespmem:s23], [sflag:$0x4] =	stream.linear.gather @!p0 [hbm4b:s31+s5], $0x400, $0x38;
	[tilespmem:$0x1CC00] =	vst v63  }
0x42: {  	s23 =	sor.u32 $0x80, s4  }
0x43: {  	[tilespmem:s25], [sflag:$0x2] =	stream.indirect.gather [hbm4b:s1+s24], $0x80, s23, s24, $0xb8;
	[tilespmem:$0x1CC00] =	vst v63  }
0x44: {  	_ =	swait.ge [sflag:s26], $0x4000  }
0x45: {  	[sflag:s26] =	ssyncset.done $0x0  }
0x46: {  	s23 =	sor.u32 $0x800, s4;
	[sflag:s26] =	ssyncadd.s32 $0xFFFFC000  }
0x47: {  	[spmem:s2] =	stream.indirect.scatter.add.f32 [tilespmem:s21], [sflag:$0x5], $0x80, s23, s24, $0xb8;
	[tilespmem:$0x1CC00] =	vst v63  }
0x48: {  	_ =	swait.ge [sflag:s22], $0x4000  }
0x49: {  	[sflag:s22] =	ssyncset.done $0x0  }
0x4a: {  	s23 =	sor.u32 $0x100, s4;
	[sflag:s22] =	ssyncadd.s32 $0xFFFFC000  }
0x4b: {  	[tilespmem:s21], [sflag:$0x1] =	stream.indirect.gather [hbm4b:s1+s24], $0x80, s23, s24, $0xb8;
	[tilespmem:$0x1CC00] =	vst v63  }
0x4c: {  	_ =	swait.ge [sflag:s28], $0x4000  }
0x4d: {  	[sflag:s28] =	ssyncset.done $0x0  }
0x4e: {  	s23 =	sor.u32 $0x880, s4;
	[sflag:s28] =	ssyncadd.s32 $0xFFFFC000  }
0x4f: {  	[spmem:s2] =	stream.indirect.scatter.add.f32 [tilespmem:s25], [sflag:$0x5], $0x80, s23, s24, $0xb8;
	[tilespmem:$0x1CC00] =	vst v63  }
0x50: {  	_ =	swait.ge [sflag:s22], $0x4000  }
0x51: {  	[sflag:s22] =	ssyncset.done $0x0  }
0x52: {  	s23 =	sor.u32 $0x180, s4;
	[sflag:s22] =	ssyncadd.s32 $0xFFFFC000  }
0x53: {  	[tilespmem:s25], [sflag:$0x2] =	stream.indirect.gather [hbm4b:s1+s24], $0x80, s23, s24, $0xb8;
	[tilespmem:$0x1CC00] =	vst v63  }
0x54: {  	_ =	swait.ge [sflag:s26], $0x4000  }
0x55: {  	[sflag:s26] =	ssyncset.done $0x0  }
0x56: {  	s23 =	sor.u32 $0x900, s4;
	[sflag:s26] =	ssyncadd.s32 $0xFFFFC000  }
0x57: {  	[spmem:s2] =	stream.indirect.scatter.add.f32 [tilespmem:s21], [sflag:$0x5], $0x80, s23, s24, $0xb8;
	[tilespmem:$0x1CC00] =	vst v63  }
0x58: {  	_ =	swait.ge [sflag:s22], $0x4000  }
0x59: {  	[sflag:s22] =	ssyncset.done $0x0  }
0x5a: {  	s23 =	sor.u32 $0x200, s4;
	[sflag:s22] =	ssyncadd.s32 $0xFFFFC000  }
0x5b: {  	[tilespmem:s21], [sflag:$0x1] =	stream.indirect.gather [hbm4b:s1+s24], $0x80, s23, s24, $0xb8;
	[tilespmem:$0x1CC00] =	vst v63  }
0x5c: {  	_ =	swait.ge [sflag:s28], $0x4000  }
0x5d: {  	[sflag:s28] =	ssyncset.done $0x0  }
0x5e: {  	s23 =	sor.u32 $0x980, s4;
	[sflag:s28] =	ssyncadd.s32 $0xFFFFC000  }
0x5f: {  	[spmem:s2] =	stream.indirect.scatter.add.f32 [tilespmem:s25], [sflag:$0x5], $0x80, s23, s24, $0xb8;
	[tilespmem:$0x1CC00] =	vst v63  }
0x60: {  	_ =	swait.ge [sflag:s22], $0x4000  }
0x61: {  	[sflag:s22] =	ssyncset.done $0x0  }
0x62: {  	s23 =	sor.u32 $0x280, s4;
	[sflag:s22] =	ssyncadd.s32 $0xFFFFC000  }
0x63: {  	[tilespmem:s25], [sflag:$0x2] =	stream.indirect.gather [hbm4b:s1+s24], $0x80, s23, s24, $0xb8;
	[tilespmem:$0x1CC00] =	vst v63  }
0x64: {  	_ =	swait.ge [sflag:s26], $0x4000  }
0x65: {  	[sflag:s26] =	ssyncset.done $0x0  }
0x66: {  	s23 =	sor.u32 $0xA00, s4;
	[sflag:s26] =	ssyncadd.s32 $0xFFFFC000  }
0x67: {  	[spmem:s2] =	stream.indirect.scatter.add.f32 [tilespmem:s21], [sflag:$0x5], $0x80, s23, s24, $0xb8;
	[tilespmem:$0x1CC00] =	vst v63  }
0x68: {  	_ =	swait.ge [sflag:s22], $0x4000  }
0x69: {  	[sflag:s22] =	ssyncset.done $0x0  }
0x6a: {  	s23 =	sor.u32 $0x300, s4;
	[sflag:s22] =	ssyncadd.s32 $0xFFFFC000  }
0x6b: {  	[tilespmem:s21], [sflag:$0x1] =	stream.indirect.gather [hbm4b:s1+s24], $0x80, s23, s24, $0xb8;
	[tilespmem:$0x1CC00] =	vst v63  }
0x6c: {  	_ =	swait.ge [sflag:s28], $0x4000  }
0x6d: {  	[sflag:s28] =	ssyncset.done $0x0  }
0x6e: {  	s23 =	sor.u32 $0xA80, s4;
	[sflag:s28] =	ssyncadd.s32 $0xFFFFC000  }
0x6f: {  	[spmem:s2] =	stream.indirect.scatter.add.f32 [tilespmem:s25], [sflag:$0x5], $0x80, s23, s24, $0xb8;
	[tilespmem:$0x1CC00] =	vst v63  }
0x70: {  	_ =	swait.ge [sflag:s22], $0x4000  }
0x71: {  	[sflag:s22] =	ssyncset.done $0x0  }
0x72: {  	s23 =	sor.u32 $0x380, s4;
	[sflag:s22] =	ssyncadd.s32 $0xFFFFC000  }
0x73: {  	[tilespmem:s25], [sflag:$0x2] =	stream.indirect.gather [hbm4b:s1+s24], $0x80, s23, s24, $0xb8;
	[tilespmem:$0x1CC00] =	vst v63  }
0x74: {  	_ =	swait.ge [sflag:s26], $0x4000  }
0x75: {  	[sflag:s26] =	ssyncset.done $0x0  }
0x76: {  	s23 =	sor.u32 $0xB00, s4;
	[sflag:s26] =	ssyncadd.s32 $0xFFFFC000  }
0x77: {  	[spmem:s2] =	stream.indirect.scatter.add.f32 [tilespmem:s21], [sflag:$0x5], $0x80, s23, s24, $0xb8;
	[tilespmem:$0x1CC00] =	vst v63  }
0x78: {  	_ =	swait.ge [sflag:s22], $0x4000  }
0x79: {  	[sflag:s22] =	ssyncset.done $0x0  }
0x7a: {  	[sflag:s22] =	ssyncadd.s32 $0xFFFFC000  }
0x7b: {  	_ =	swait.ge [sflag:s28], $0x4000  }
0x7c: {  	[sflag:s28] =	ssyncset.done $0x0  }
0x7d: {  	s23 =	sor.u32 $0xB80, s4;
	[sflag:s28] =	ssyncadd.s32 $0xFFFFC000  }
0x7e: {  	[spmem:s2] =	stream.indirect.scatter.add.f32 [tilespmem:s25], [sflag:$0x5], $0x80, s23, s24, $0xb8;
	[tilespmem:$0x1CC00] =	vst v63  }
0x7f: {  	_ =	swait.ge [sflag:s22], $0x4000  }
0x80: {  	[sflag:s22] =	ssyncset.done $0x0  }
0x81: {  	s0 =	sadd.s32 @!p0 $0x400, s0;
	s5 =	simm.s32 @!p0 $0x3;
	[sflag:s22] =	ssyncadd.s32 $0xFFFFC000  }
0x82: {  	p1 =	sne.s32 @!p0 s0, $0x2800;
	_ =	swait.ge @!p0 [sflag:s5], $0x400  }
0x83: {  	p1 =	por p0, !p1;
	[sflag:s5] =	ssyncset.done @!p0 $0x0  }
.Ltmp0:
0x84: {  	[sflag:s5] =	ssyncadd.s32 @!p0 $0xFFFFFC00;
	s5 =	simm.s32 @!p0 $0x4;
	(pc) =	sbr.rel @!p1 .LBB2_2-.Ltmp0, $4  }
0x85: {  	s30 =	sadd.s32 @!p0 $0x80, s30;
	_ =	swait.ge @!p0 [sflag:s5], $0x400  }
0x86: {  	s31 =	sadd.s32 @!p0 $0x80, s31;
	s4 =	ssub.s32 @!p0 $0x400, s4;
	[sflag:s5] =	ssyncset.done @!p0 $0x0  }
0x87: {  	s23 =	simm.s32 @!p0 $0x1000;
	[sflag:s5] =	ssyncadd.s32 @!p0 $0xFFFFFC00;
	s5 =	simm.s32 @!p0 $0x80  }
0x88: {  	[tilespmem:s23], [sflag:$0x1] =	stream.indirect.gather @!p0 [hbm4b:s1+s5], $0x80, s4, s5, $0xb8;
	[tilespmem:$0x1CC00] =	vst v63  }
0x89: {  	[bflag:$0x0] =	sbarrier.arrive $0xFFFF  }
0x8a: {  	[tilespmem:s21], [sflag:$0x5] =	stream.linear.gather [spmem:s6], $0x4000, $0x38;
	[tilespmem:$0x1CC00] =	vst v63  }
0x8b: {  	_ =	swait.ge [sflag:s22], $0x4000  }
0x8c: {  	[sflag:s22] =	ssyncset.done $0x0  }
0x8d: {  	[sflag:s22] =	ssyncadd.s32 $0xFFFFC000  }
0x8e: {  	[hbm4b:s13+s3] =	stream.linear.scatter [tilespmem:s21], [sflag:$0x5], $0x4000, $0x38;
	[tilespmem:$0x1CC00] =	vst v63  }
0x8f: {  	_ =	swait.ge [sflag:s22], $0x4000  }
0x90: {  	[sflag:s22] =	ssyncset.done $0x0  }
0x91: {  	[sflag:s22] =	ssyncadd.s32 $0xFFFFC000  }
0x92: {  	[tilespmem:s25], [sflag:$0x5] =	stream.linear.gather [spmem:s7], $0x4000, $0x38;
	[tilespmem:$0x1CC00] =	vst v63  }
0x93: {  	_ =	swait.ge [sflag:s22], $0x4000  }
0x94: {  	[sflag:s22] =	ssyncset.done $0x0  }
0x95: {  	[sflag:s22] =	ssyncadd.s32 $0xFFFFC000  }
0x96: {  	[hbm4b:s14+s3] =	stream.linear.scatter [tilespmem:s25], [sflag:$0x5], $0x4000, $0x38;
	[tilespmem:$0x1CC00] =	vst v63  }
0x97: {  	_ =	swait.ge [sflag:s22], $0x4000  }
0x98: {  	[sflag:s22] =	ssyncset.done $0x0  }
0x99: {  	[sflag:s22] =	ssyncadd.s32 $0xFFFFC000  }
0x9a: {  	[tilespmem:s21], [sflag:$0x5] =	stream.linear.gather [spmem:s8], $0x4000, $0x38;
	[tilespmem:$0x1CC00] =	vst v63  }
0x9b: {  	_ =	swait.ge [sflag:s22], $0x4000  }
0x9c: {  	[sflag:s22] =	ssyncset.done $0x0  }
0x9d: {  	[sflag:s22] =	ssyncadd.s32 $0xFFFFC000  }
0x9e: {  	[hbm4b:s15+s3] =	stream.linear.scatter [tilespmem:s21], [sflag:$0x5], $0x4000, $0x38;
	[tilespmem:$0x1CC00] =	vst v63  }
0x9f: {  	_ =	swait.ge [sflag:s22], $0x4000  }
0xa0: {  	[sflag:s22] =	ssyncset.done $0x0  }
0xa1: {  	[sflag:s22] =	ssyncadd.s32 $0xFFFFC000  }
0xa2: {  	[tilespmem:s25], [sflag:$0x5] =	stream.linear.gather [spmem:s9], $0x4000, $0x38;
	[tilespmem:$0x1CC00] =	vst v63  }
0xa3: {  	_ =	swait.ge [sflag:s22], $0x4000  }
0xa4: {  	[sflag:s22] =	ssyncset.done $0x0  }
0xa5: {  	[sflag:s22] =	ssyncadd.s32 $0xFFFFC000  }
0xa6: {  	[hbm4b:s16+s3] =	stream.linear.scatter [tilespmem:s25], [sflag:$0x5], $0x4000, $0x38;
	[tilespmem:$0x1CC00] =	vst v63  }
0xa7: {  	_ =	swait.ge [sflag:s22], $0x4000  }
0xa8: {  	[sflag:s22] =	ssyncset.done $0x0  }
0xa9: {  	[sflag:s22] =	ssyncadd.s32 $0xFFFFC000  }
0xaa: {  	[tilespmem:s21], [sflag:$0x5] =	stream.linear.gather [spmem:s10], $0x3C00, $0x38;
	[tilespmem:$0x1CC00] =	vst v63  }
0xab: {  	s29 =	sadd.s32 $0x1, s29;
	_ =	swait.ge [sflag:s22], $0x3C00  }
0xac: {  	p0 =	sne.s32 s29, s18;
	[sflag:s22] =	ssyncset.done $0x0  }
.Ltmp1:
0xad: {  	[sflag:s22] =	ssyncadd.s32 $0xFFFFC400;
	(pc) =	sbr.rel @p0 .LBB2_1-.Ltmp1, $4  }
0xae: {  	[hbm4b:s17+s3] =	stream.linear.scatter [tilespmem:s21], [sflag:$0x5], $0x3C00, $0x38;
	[tilespmem:$0x1CC00] =	vst v63  }
0xaf: {  	_ =	swait.ge [sflag:s22], $0x3C00  }
0xb0: {  	[sflag:s22] =	ssyncset.done $0x0  }
0xb1: {  	[sflag:s22] =	ssyncadd.s32 $0xFFFFC400  }
0xb2: {  	_ =	sfence.sel $0x180000  }
0xb3: {  	[bflag:$0x0] =	sbarrier.arrive $0xFFFF  }
0xb4: {  	_ =	strace $0x9000004D  }
0xb5: {  	s0 =	stileid.u32;
	[bflag:$0x2] =	sbarrier.arrive $0xFFFF  }
0xb6: {  	p0 =	sne.s32 s0, $0x0;
	s0 =	rddreg [dreg:$0x3]  }
0xb7: {  	s0 =	sadd.s32 @!p0 $0x100000, s0  }
0xb8: {  	[sflag:s0] =	ssyncadd.tile.s32 @!p0 $0x1;
	_ =	shalt  }
.Lfunc_end2:
_tile_overlayer_lowered:
.L_overlay_start_2:
0xb9: {  	(tag) =	ssettag $0x2  }
0xba: {  	s0 =	rddreg [dreg:$0x0];
	s2 =	stileid.u32  }
0xbb: {  	s1 =	rddreg [dreg:$0x1];
	p0 =	sne.s32 s2, $0x0  }
0xbc: {  	s3 =	rddreg [dreg:$0x2];
	[bflag:$0x3] =	sbarrier.arrive $0xFFFF;
	s2 =	simm.s32 @!p0 $0x1C05  }
0xbd: {  	[timem:s3], [sflag:s2] =	dma.local @!p0 [hbm:s0], s1  }
0xbe: {  	s0 =	simm.s32 @!p0 $0x5  }
0xbf: {  	_ =	swait.ge @!p0 [sflag:s0], s1  }
0xc0: {  	s1 =	ssub.s32 @!p0 $0x0, s1;
	[sflag:s0] =	ssyncset.done @!p0 $0x0  }
0xc1: {  	[sflag:s0] =	ssyncadd.s32 @!p0 s1  }
0xc2: {  	[bflag:$0x3] =	sbarrier.arrive $0xFFFF  }
0xc3: {  	_ =	shalt  }

// kernel: kernel.8.cloned.1.call-start
scs
__scs_entry_jumppad:
0x0: {  	(pc) =	sbr.rel $0x88, $3  }
0x1: {  	(tag) =	ssettag $0x0;
	lr =	simm.s32 $0x1  }
0x2: {  	[smem:$0x3F9D] =	sst lr;
	_ =	strace $0xD0000000  }
0x3: {  	_ = 	snop  }
0x4: {  	_ = 	snop  }
0x5: {  	_ = 	snop  }
0x6: {  	_ = 	snop  }
0x7: {  	_ = 	snop  }
__scs_overlays_trampoline_lowered:
0x8: {  	[smem:$0x3FAC] =	sst s0  }
0x9: {  	[smem:$0x3FAD] =	sst s1  }
0xa: {  	[smem:$0x3FAE] =	sst s2  }
0xb: {  	[smem:$0x3FAF] =	sst s3  }
0xc: {  	[smem:$0x3FB0] =	sst s4  }
0xd: {  	[smem:$0x3FB1] =	sst s5  }
0xe: {  	[smem:$0x3FB2] =	sst s6  }
0xf: {  	[smem:$0x3FB3] =	sst s7  }
0x10: {  	[smem:$0x3FB4] =	sst s8  }
0x11: {  	[smem:$0x3FB5] =	sst s9;
	s0 =	simm.s32 @!p0 $0x0  }
0x12: {  	s1 =	sld [smem:$0x3F9B];
	s0 =	simm.s32 @p0 $0x1  }
0x13: {  	[smem:$0x3FB6] =	sst s0;
	s0 =	simm.s32 @!p1 $0x0  }
0x14: {  	s2 =	sld [smem:$0x3F9A];
	s0 =	simm.s32 @p1 $0x1  }
0x15: {  	[smem:$0x3FB7] =	sst s0;
	s0 =	simm.s32 @!p2 $0x0  }
0x16: {  	s3 =	sld [smem:$0x3FDB];
	s0 =	simm.s32 @p2 $0x1  }
0x17: {  	s4 =	simm.s32 $0x1BF5;
	[smem:$0x3FB9] =	sst s0  }
0x18: {  	s0 =	sld [smem:$0x3F9C];
	_ =	swait.ge [sflag:s4], $0x0  }
0x19: {  	s7 =	sld [smem:$0x3F9D]  }
0x1a: {  	s8 =	sadd.s32 $0xFFFFE003, lr  }
0x1b: {  	s9 =	sadd.s32 $0xFFFFFEF7, lr;
	s5 =	simm.s32 $0xFFFFFFFF;
	p2 =	slt.u32 s8, $0xFFFFF086  }
0x1c: {  	p1 =	slt.u32 s9, $0xF7A;
	s5 =	simm.s32 @!p2 $0x0  }
0x1d: {  	s5 =	simm.s32 @p1 $0x1;
	p0 =	seq.s32 s7, s2  }
0x1e: {  	s7 =	smul.u32 @!p0 $0xF7A, s2;
	p2 =	seq.s32 @!p0 s5, $0x0  }
0x1f: {  	s9 =	smul.u32 $0xF7A, s1;
	s8 =	simm.s32 @!p0 $0x1BF5;
	p2 =	por !p2, p0  }
0x20: {  	[sflag:s8] =	ssyncset.s32 @!p0 $0xFFFFF086;
	s6 =	sadd.s32 @!p0 s3, s7;
	s7 =	simm.s32 @!p0 $0x108  }
0x21: {  	s3 =	sadd.s32 s3, s9;
	s6 =	sadd.s32 @!p0 $0x88, s6;
	s7 =	simm.s32 @p2 $0x1082  }
0x22: {  	[simem:s7], [sflag:s8] =	dma.local @!p0 [hbm:s6], $0xF7A  }
0x23: {  	s9 =	sor.u32 $0xD0000000, s2;
	s6 =	simm.s32 $0x108;
	_ =	swait.ge @!p0 [sflag:s8], $0x0  }
0x24: {  	s3 =	sadd.s32 $0x88, s3;
	s6 =	simm.s32 @!p1 $0x1082;
	[sflag:s4] =	ssyncset.s32 $0xFFFFF086  }
0x25: {  	[simem:s6], [sflag:s4] =	dma.local [hbm:s3], $0xF7A  }
0x26: {  	[smem:$0x3F9D] =	sst s1;
	(tag) =	ssettag s2;
	_ =	strace s9  }
0x27: {  	s1 =	sld [smem:$0x3FAD]  }
0x28: {  	s2 =	sld [smem:$0x3FAE]  }
0x29: {  	s4 =	sld [smem:$0x3FB0]  }
0x2a: {  	p0 =	seq.s32 s5, $0x0;
	s5 =	sld [smem:$0x3FB1]  }
0x2b: {  	s6 =	sld [smem:$0x3FB2]  }
0x2c: {  	s7 =	sld [smem:$0x3FB3]  }
0x2d: {  	s3 =	simm.s32 $0x108;
	s8 =	sld [smem:$0x3FB4]  }
0x2e: {  	s3 =	simm.s32 @!p0 $0x1082;
	s9 =	sld [smem:$0x3FB5]  }
0x2f: {  	lr =	sadd.s32 s0, s3;
	s0 =	sld [smem:$0x3FAC]  }
0x30: {  	s3 =	sld [smem:$0x3FAF]  }
0x31: {  	[smem:$0x3FB8] =	sst s10  }
0x32: {  	s10 =	sld [smem:$0x3FB6];
	_ =	sdelay $0x3  }
0x33: {  	p0 =	seq.s32 s10, $0x1;
	s10 =	sld [smem:$0x3FB8];
	_ =	sdelay $0x3  }
0x34: {  	[smem:$0x3FB8] =	sst s10  }
0x35: {  	s10 =	sld [smem:$0x3FB7];
	_ =	sdelay $0x3  }
0x36: {  	p1 =	seq.s32 s10, $0x1;
	s10 =	sld [smem:$0x3FB8];
	_ =	sdelay $0x3  }
0x37: {  	[smem:$0x3FB8] =	sst s10  }
0x38: {  	s10 =	sld [smem:$0x3FB9]  }
0x39: {  	_ = 	snop;
	(pc) =	sbr.ind lr, $3  }
0x3a: {  	_ = 	snop  }
0x3b: {  	_ = 	snop  }
0x3c: {  	p2 =	seq.s32 s10, $0x1;
	s10 =	sld [smem:$0x3FB8]  }
0x3d: {  	_ =	shalt  }
0x3e: {  	_ =	shalt  }
0x3f: {  	_ =	shalt  }
0x40: {  	_ =	shalt  }
0x41: {  	_ =	shalt  }
0x42: {  	_ =	shalt  }
0x43: {  	_ =	shalt  }
0x44: {  	_ =	shalt  }
0x45: {  	_ =	shalt  }
0x46: {  	_ =	shalt  }
0x47: {  	_ =	shalt  }
0x48: {  	_ =	shalt  }
0x49: {  	_ =	shalt  }
0x4a: {  	_ =	shalt  }
0x4b: {  	_ =	shalt  }
0x4c: {  	_ =	shalt  }
0x4d: {  	_ =	shalt  }
0x4e: {  	_ =	shalt  }
0x4f: {  	_ =	shalt  }
0x50: {  	_ =	shalt  }
0x51: {  	_ =	shalt  }
0x52: {  	_ =	shalt  }
0x53: {  	_ =	shalt  }
0x54: {  	_ =	shalt  }
0x55: {  	_ =	shalt  }
0x56: {  	_ =	shalt  }
0x57: {  	_ =	shalt  }
0x58: {  	_ =	shalt  }
0x59: {  	_ =	shalt  }
0x5a: {  	_ =	shalt  }
0x5b: {  	_ =	shalt  }
0x5c: {  	_ =	shalt  }
0x5d: {  	_ =	shalt  }
0x5e: {  	_ =	shalt  }
0x5f: {  	_ =	shalt  }
0x60: {  	_ =	shalt  }
0x61: {  	_ =	shalt  }
0x62: {  	_ =	shalt  }
0x63: {  	_ =	shalt  }
0x64: {  	_ =	shalt  }
0x65: {  	_ =	shalt  }
0x66: {  	_ =	shalt  }
0x67: {  	_ =	shalt  }
0x68: {  	_ =	shalt  }
0x69: {  	_ =	shalt  }
0x6a: {  	_ =	shalt  }
0x6b: {  	_ =	shalt  }
0x6c: {  	_ =	shalt  }
0x6d: {  	_ =	shalt  }
0x6e: {  	_ =	shalt  }
0x6f: {  	_ =	shalt  }
0x70: {  	_ =	shalt  }
0x71: {  	_ =	shalt  }
0x72: {  	_ =	shalt  }
0x73: {  	_ =	shalt  }
0x74: {  	_ =	shalt  }
0x75: {  	_ =	shalt  }
0x76: {  	_ =	shalt  }
0x77: {  	_ =	shalt  }
0x78: {  	_ =	shalt  }
0x79: {  	_ =	shalt  }
0x7a: {  	_ =	shalt  }
0x7b: {  	_ =	shalt  }
0x7c: {  	_ =	shalt  }
0x7d: {  	_ =	shalt  }
0x7e: {  	_ =	shalt  }
0x7f: {  	_ =	shalt  }
0x80: {  	_ =	shalt  }
0x81: {  	_ =	shalt  }
0x82: {  	_ =	shalt  }
0x83: {  	_ =	shalt  }
0x84: {  	_ =	shalt  }
0x85: {  	_ =	shalt  }
0x86: {  	_ =	shalt  }
0x87: {  	_ =	shalt  }
.Lfunc_end0:
.L_simem_size_0:
called_computation_lowered:
.L_overlay_start_0:
0x88: {  	s2 =	sld [smem:$0x3FD9]  }
0x89: {  	s3 =	sld [smem:$0x3FFE];
	_ =	sdelay $0x1  }
0x8a: {  	s1 =	srdreg.scid  }
0x8b: {  	s0 =	sand.u32 $0x1, s1  }
0x8c: {  	s17 =	sshll.u32 s0, $0xA;
	s2 =	sadd.s32 s3, s2  }
0x8d: {  	s2 =	sadd.s32 s2, s17  }
0x8e: {  	[smem:$0x3FC4] =	sst s2  }
0x8f: {  	_ = 	snop  }
0x90: {  	s2 =	sld [smem:$0x3FD0];
	(tm) =	ssettm $0x1  }
0x91: {  	s18 =	sld [smem:$0x3FFB];
	_ =	sdelay $0x3  }
0x92: {  	_ =	strace s18  }
0x93: {  	s3 =	sld [smem:$0x3FFC];
	_ =	sdelay $0x3  }
0x94: {  	_ =	strace s3  }
0x95: {  	s3 =	sld [smem:$0x3FFD];
	_ =	sdelay $0x3  }
0x96: {  	_ =	strace s3  }
0x97: {  	_ =	strace $0x8FFFFFFF  }
0x98: {  	s19 =	sld [smem:$0x3FDB];
	_ =	sdelay $0x1  }
0x99: {  	s4 =	simm.s32 $_scs_section_size  }
0x9a: {  	s5 =	simm.s32 $_size__tile_overlayer_lowered;
	s6 =	simm.s32 $_tile_overlayer_lowered  }
0x9b: {  	s22 =	simm.s32 $0x1BFF;
	s21 =	sshll.u32 s6, $0x1;
	s3 =	sadd.s32 s4, s19  }
0x9c: {  	s7 =	simm.s32 $0x0;
	s20 =	sshll.u32 s5, $0x1;
	s5 =	sadd.s32 s21, s3  }
0x9d: {  	[timem:s7], [sflag:s22] =	dma.local [hbm:s5], s20  }
0x9e: {  	_ =	swait.ge [sflag:s22], s20  }
0x9f: {  	s4 =	ssub.s32 $0x0, s20;
	[sflag:s22] =	ssyncset.done $0x0  }
0xa0: {  	[sflag:s22] =	ssyncadd.s32 s4;
	_ =	sdelay $0x1  }
0xa1: {  	s23 =	simm.s32 $0x1B8B  }
0xa2: {  	_ =	swait.ge [sflag:s23], $0x1  }
0xa3: {  	[sflag:s23] =	ssyncset.done $0x0  }
0xa4: {  	s25 =	simm.s32 $0x1B8E;
	s24 =	sld [smem:$0x3FFE];
	[sflag:s23] =	ssyncadd.s32 $0xFFFFFFFF  }
0xa5: {  	s26 =	simm.s32 $execute0_lowered;
	[smem:$0x3FD2] =	sst s25  }
0xa6: {  	s5 =	sshll.u32 s26, $0x1;
	_ =	strace $0x80000046;
	[dreg:$0x1] =	wrdreg $0xFFFFFFFF  }
0xa7: {  	s28 =	simm.s32 $_size_execute0_lowered;
	s3 =	sadd.s32 s3, s5;
	[dreg:$0x0] =	wrdreg $0x0  }
0xa8: {  	s5 =	sshll.u32 s28, $0x1;
	[dreg:$0x2] =	wrdreg s3  }
0xa9: {  	[dreg:$0x3] =	wrdreg s5  }
0xaa: {  	[dreg:$0x4] =	wrdreg $0xC0  }
0xab: {  	_ =	task [dreg:s7], $0x5FFFF  }
0xac: {  	[dreg:$0x1] =	wrdreg $0xFFFFFFFF  }
0xad: {  	[dreg:$0x0] =	wrdreg $0x60  }
0xae: {  	[dreg:$0x2] =	wrdreg s24  }
0xaf: {  	[dreg:$0x3] =	wrdreg s2  }
0xb0: {  	[dreg:$0x4] =	wrdreg $0x2B000  }
0xb1: {  	[dreg:$0x5] =	wrdreg $0x9  }
0xb2: {  	_ =	task.clear_ibuf [dreg:s7], $0x6FFFF;
	_ =	strace $0x90000046  }
0xb3: {  	s29 =	simm.s32 $0x9;
	_ =	strace $0x80000048  }
0xb4: {  	_ =	swait.ge [sflag:s29], $0x1  }
0xb5: {  	[sflag:s29] =	ssyncadd.s32 $0xFFFFFFFF  }
0xb6: {  	_ =	strace $0x90000048  }
0xb7: {  	_ =	sfence  }
0xb8: {  	s30 =	sld [smem:$0x0];
	_ =	sdelay $0x2  }
0xb9: {  	s31 =	sshll.u32 s1, $0xD;
	s1 =	sshrl.u32 s1, $0x2  }
0xba: {  	s3 =	sand.u32 $0x4000, s31;
	s1 =	sadd.s32 s1, s30  }
0xbb: {  	s0 =	sor.u32 s3, s0;
	s1 =	sshll.u32 s1, $0x11  }
0xbc: {  	s0 =	sor.u32 s1, s0  }
0xbd: {  	s0 =	sadd.s32 $0x8F2B, s0  }
0xbe: {  	[sflag:s0] =	ssyncadd.remote.s32 $0x1  }
0xbf: {  	_ =	sfence.sel $0xFFFF  }
0xc0: {  	[dreg:$0x0] =	wrdreg $0xFFFFFFFF;
	(pc) =	sbr.abs _section_cstart, $3  }
0xc1: {  	[dreg:$0x1] =	wrdreg $0xFFFFFFFF  }
0xc2: {  	_ =	task.clear_ibuf [dreg:s7], $0x2FFFF;
	_ =	strace $0x9FFFFFFF  }
0xc3: {  	(tm) =	ssettm $0x7FFFFFFF  }
tec
execute0_lowered:
.L_overlay_start_1:
0x0: {  	(tag) =	ssettag $0x1  }
0x1: {  	s5 =	rddreg [dreg:$0x0]  }
0x2: {  	s8 =	rddreg [dreg:$0x1]  }
0x3: {  	s0 =	srdreg.scid;
	s2 =	rddreg [dreg:$0x2];
	s3 =	simm.s32 $0x0  }
0x4: {  	s12 =	simm.s32 $0x2800;
	s4 =	sand.u32 $0x1, s0;
	s0 =	stileid.u32  }
0x5: {  	s13 =	simm.s32 $0x80;
	s14 =	simm.s32 $0x0;
	s7 =	smul.u32 $0x278, s0  }
0x6: {  	[smem:$0x7FF] =	sst s3;
	s1 =	sshll.u32 s4, $0x4;
	s9 =	smul.u32 $0x2780, s4  }
0x7: {  	s31 =	ssub.s32 $0x2, s4;
	s4 =	sadd.s32 $0x17400, s5;
	s1 =	sor.u32 s0, s1  }
0x8: {  	s11 =	sshrl.u32 s31, $0x1;
	s6 =	smul.u32 $0x500, s1;
	s1 =	rddreg [dreg:$0x3]  }
0x9: {  	_ =	strace $0x80000047;
	s9 =	sadd.s32 s7, s9;
	s11 =	ssub.s32 s31, s11  }
0xa: {  	s9 =	sshrl.u32 s9, $0x3;
	s10 =	sadd.s32 s6, s5;
	s5 =	sadd.s32 $0x17200, s5  }
0xb: {  	s6 =	sadd.s32 s7, s2;
	s8 =	sadd.s32 s8, s9;
	s9 =	smax.u32 s11, $0x1  }
0xc: {  	s11 =	simm.s32 $0x1;
	s7 =	sadd.s32 $0x3200, s10;
	s10 =	simm.s32 $0x2880  }
.LBB2_1:
0xd: {  	[tilespmem:s10], [sflag:$0x1] =	stream.linear.gather [hbm4b:s4+s3], $0x280, $0x38;
	[tilespmem:$0x2D78] =	vst v63  }
0xe: {  	_ =	swait.ge [sflag:s11], $0x280  }
0xf: {  	[sflag:s11] =	ssyncset.done $0x0  }
0x10: {  	[sflag:s11] =	ssyncadd.s32 $0xFFFFFD80  }
0x11: {  	[spmem:s6] =	stream.linear.scatter [tilespmem:s10], [sflag:$0x1], $0x278, $0x38;
	[tilespmem:$0x2D78] =	vst v63  }
0x12: {  	_ =	swait.ge [sflag:s11], $0x278  }
0x13: {  	[sflag:s11] =	ssyncset.done $0x0  }
0x14: {  	[sflag:s11] =	ssyncadd.s32 $0xFFFFFD88  }
0x15: {  	[tilespmem:s12], [sflag:$0x1] =	stream.linear.gather [hbm4b:s5+s3], $0x80, $0x38;
	[tilespmem:$0x2D78] =	vst v63  }
0x16: {  	_ =	swait.ge [sflag:s11], $0x80  }
0x17: {  	[sflag:s11] =	ssyncset.done $0x0  }
0x18: {  	[sflag:s11] =	ssyncadd.s32 $0xFFFFFF80  }
0x19: {  	[tilespmem:s3], [sflag:$0x1] =	stream.linear.gather [hbm4b:s7+s3], $0x2800, $0x38;
	[tilespmem:$0x2D78] =	vst v63  }
0x1a: {  	_ =	swait.ge [sflag:s11], $0x2800  }
0x1b: {  	[sflag:s11] =	ssyncset.done $0x0  }
0x1c: {  	[sflag:s11] =	ssyncadd.s32 $0xFFFFD800  }
0x1d: {  	s15 =	simm.s32 $0x0;
	[bflag:$0x0] =	sbarrier.arrive $0xFFFF  }
0x1e: {  	[spmem:s2] =	stream.indirect.scatter.add.f32 [tilespmem:s12], [sflag:$0x1], $0x1, s15, s13, $0xb8;
	[tilespmem:$0x2D78] =	vst v63  }
0x1f: {  	_ =	swait.ge [sflag:s11], $0x80  }
0x20: {  	s15 =	simm.s32 $0x200;
	[sflag:s11] =	ssyncset.done $0x0  }
.LBB2_2:
0x21: {  	s16 =	sshra.s32 s15, $0x2;
	[sflag:s11] =	ssyncadd.s32 $0xFFFFFF80;
	p0 =	sne.s32 s15, $0x9E00  }
0x22: {  	[spmem:s2] =	stream.indirect.scatter.add.f32 [tilespmem:s12], [sflag:$0x1], $0x1, s16, s13, $0xb8;
	[tilespmem:$0x2D78] =	vst v63  }
.Ltmp0:
0x23: {  	_ = 	snop;
	(pc) =	sbr.rel @p0 .LBB2_2-.Ltmp0, $4  }
0x24: {  	_ = 	snop  }
0x25: {  	s15 =	sadd.s32 $0x200, s15  }
0x26: {  	_ =	swait.ge [sflag:s11], $0x80  }
0x27: {  	[sflag:s11] =	ssyncset.done $0x0  }
0x28: {  	[sflag:s11] =	ssyncadd.s32 $0xFFFFFF80  }
0x29: {  	[bflag:$0x0] =	sbarrier.arrive $0xFFFF  }
0x2a: {  	[tilespmem:s10], [sflag:$0x1] =	stream.linear.gather [spmem:s6], $0x278, $0x38;
	[tilespmem:$0x2D78] =	vst v63  }
0x2b: {  	s14 =	sadd.s32 $0x1, s14;
	_ =	swait.ge [sflag:s11], $0x278  }
0x2c: {  	p0 =	sne.s32 s14, s9;
	[sflag:s11] =	ssyncset.done $0x0  }
.Ltmp1:
0x2d: {  	[sflag:s11] =	ssyncadd.s32 $0xFFFFFD88;
	(pc) =	sbr.rel @p0 .LBB2_1-.Ltmp1, $4  }
0x2e: {  	[hbm4b:s8+s3] =	stream.linear.scatter [tilespmem:s10], [sflag:$0x1], $0x278, $0x38;
	[tilespmem:$0x2D78] =	vst v63  }
0x2f: {  	_ =	swait.ge [sflag:s11], $0x278  }
0x30: {  	[sflag:s11] =	ssyncset.done $0x0  }
0x31: {  	[sflag:s11] =	ssyncadd.s32 $0xFFFFFD88  }
0x32: {  	_ =	sfence.sel $0x180000  }
0x33: {  	[bflag:$0x0] =	sbarrier.arrive $0xFFFF  }
0x34: {  	p0 =	sne.s32 s0, $0x0;
	_ =	strace $0x90000047  }
0x35: {  	s0 =	sadd.s32 @!p0 $0x100000, s1;
	[bflag:$0x2] =	sbarrier.arrive $0xFFFF  }
0x36: {  	[sflag:s0] =	ssyncadd.tile.s32 @!p0 $0x1;
	_ =	shalt  }
.Lfunc_end2:
_tile_overlayer_lowered:
.L_overlay_start_2:
0x37: {  	(tag) =	ssettag $0x2  }
0x38: {  	s0 =	rddreg [dreg:$0x0];
	s2 =	stileid.u32  }
0x39: {  	s1 =	rddreg [dreg:$0x1];
	p0 =	sne.s32 s2, $0x0  }
0x3a: {  	s3 =	rddreg [dreg:$0x2];
	[bflag:$0x3] =	sbarrier.arrive $0xFFFF;
	s2 =	simm.s32 @!p0 $0x1C01  }
0x3b: {  	[timem:s3], [sflag:s2] =	dma.local @!p0 [hbm:s0], s1  }
0x3c: {  	s0 =	simm.s32 @!p0 $0x1  }
0x3d: {  	_ =	swait.ge @!p0 [sflag:s0], s1  }
0x3e: {  	s1 =	ssub.s32 @!p0 $0x0, s1;
	[sflag:s0] =	ssyncset.done @!p0 $0x0  }
0x3f: {  	[sflag:s0] =	ssyncadd.s32 @!p0 s1  }
0x40: {  	[bflag:$0x3] =	sbarrier.arrive $0xFFFF  }
0x41: {  	_ =	shalt  }

</sc_bundles>
